<compile_context>
chip_gen: v7x
topology: tpu7x:2x2x1
jax: 0.10.2.dev20260603
libtpu: 0.0.44.dev20260713+nightly
codegen_flags: <defaults>
</compile_context>

<pallas_src>
import functools

import jax
import jax.numpy as jnp
from jax import lax
from jax.experimental import pallas as pl
from jax.experimental.pallas import tpu as pltpu
from jax.experimental.pallas import tpu_sc as plsc



def _proj_body(tblT_ref, w_ref, bias_ref, out_ref):
    r = lax.dot_general(
        w_ref[...], tblT_ref[...],
        (((1,), (0,)), ((), ())),
        preferred_element_type=jnp.float32,
    )
    out_ref[...] = r[0] + bias_ref[0, 0]


def _project_table(tableT, w_scaled, bias_scaled, blk=65536):
    D, V = tableT.shape
    grid = pl.cdiv(V, blk)
    return pl.pallas_call(
        _proj_body,
        grid=(grid,),
        in_specs=[
            pl.BlockSpec((D, blk), lambda i: (0, i)),
            pl.BlockSpec((1, D), lambda i: (0, 0)),
            pl.BlockSpec(memory_space=pltpu.SMEM),
        ],
        out_specs=pl.BlockSpec((blk,), lambda i: (i,)),
        out_shape=jax.ShapeDtypeStruct((V,), jnp.float32),
    )(tableT, w_scaled, bias_scaled)



def _make_sc_gather(V, S, B, NC, NS, C):
    NW = NC * NS
    per_w = B // NW
    n_chunks = per_w // C
    n_full = S // 16
    tail = S - n_full * 16

    mesh = plsc.VectorSubcoreMesh(core_axis_name="c", subcore_axis_name="s")

    @functools.partial(
        pl.kernel,
        mesh=mesh,
        compiler_params=pltpu.CompilerParams(needs_layout_passes=False),
        out_type=jax.ShapeDtypeStruct((B,), jnp.float32),
        scratch_types=[
            pltpu.VMEM((C, S), jnp.int32),
            pltpu.VMEM((S * C,), jnp.int32),
            pltpu.VMEM((S * C,), jnp.int32),
            pltpu.VMEM((S * C,), jnp.float32),
            pltpu.VMEM((S * C,), jnp.float32),
            pltpu.VMEM((C,), jnp.float32),
            pltpu.VMEM_SHARED((V,), jnp.float32),
            pltpu.SemaphoreType.DMA,
            pltpu.SemaphoreType.DMA,
            pltpu.SemaphoreType.DMA,
            pltpu.SemaphoreType.DMA,
        ],
    )
    def sc_gather(v_hbm, xf_hbm, out_hbm, idx2d_v, idx0_v, idx1_v,
                  vals0_v, vals1_v, outb_v, v_sh, ssem0, ssem1, gsem0, gsem1):
        sid = lax.axis_index("s")
        wid = sid * NC + lax.axis_index("c")
        idxs = (idx0_v, idx1_v)
        vals = (vals0_v, vals1_v)
        ssems = (ssem0, ssem1)
        gsems = (gsem0, gsem1)

        lane = lax.iota(jnp.int32, 16)

        def stage_start(ci, buf):
            row0 = (wid * n_chunks + ci) * C
            return pltpu.async_copy(
                xf_hbm.at[pl.ds(row0, C), :], idx2d_v, ssems[buf])

        def relayout(buf):
            def row(j, carry, _dst=idxs[buf]):
                jv = jnp.zeros((16,), jnp.int32) + j
                for k in range(S // 16):
                    sv = k * 16 + lane
                    _dst[pl.ds(j * S + k * 16, 16)] = plsc.load_gather(
                        idx2d_v, [jv, sv])
                if S % 16:
                    sv = (S - 16) + lane
                    _dst[pl.ds(j * S + S - 16, 16)] = plsc.load_gather(
                        idx2d_v, [jv, sv])
                return carry

            lax.fori_loop(0, C, row, 0)

        def gather_start(buf):
            return pltpu.async_copy(
                v_sh.at[idxs[buf]], vals[buf], gsems[buf])

        s_first = stage_start(0, 0)

        @pl.when(sid == 0)
        def _copy_v():
            pltpu.sync_copy(v_hbm, v_sh)

        s_first.wait()
        relayout(0)
        plsc.subcore_barrier()

        g_cur = gather_start(0)
        s_next = stage_start(1, 1) if n_chunks > 1 else None
        tail_keep = lane >= (16 - tail)
        last_lane = jnp.full((16,), 15, jnp.int32)

        for ci in range(n_chunks):
            buf = ci % 2
            nbuf = 1 - buf
            if ci + 1 < n_chunks:
                s_next.wait()
                relayout(nbuf)
                g_next = gather_start(nbuf)
                if ci + 2 < n_chunks:
                    s_next = stage_start(ci + 2, nbuf)
            g_cur.wait()

            def group_body(g, carry, _vr=vals[buf]):
                off0 = (g * 16 + lane) * S

                def s_body(si, accs):
                    s4 = si * 8
                    return tuple(
                        accs[u] + plsc.load_gather(_vr, [off0 + (s4 + u)])
                        for u in range(8)
                    )

                accs = lax.fori_loop(
                    0, S // 8, s_body,
                    tuple(jnp.zeros((16,), jnp.float32) for _ in range(8)))
                res = ((accs[0] + accs[1]) + (accs[2] + accs[3])) + (
                    (accs[4] + accs[5]) + (accs[6] + accs[7]))
                outb_v[pl.ds(g * 16, 16)] = 1.0 / (1.0 + jnp.exp(-res))
                return carry

            lax.fori_loop(0, C // 16, group_body, 0)

            base = (wid * n_chunks + ci) * C
            pltpu.sync_copy(outb_v, out_hbm.at[pl.ds(base, C)])
            if ci + 1 < n_chunks:
                g_cur = g_next

    return sc_gather



def kernel(x, table, W, b):
    B, S = x.shape
    V, D = table.shape

    xf = x.astype(jnp.int32)

    info = plsc.get_sparse_core_info()
    NC, NS = info.num_cores, info.num_subcores

    w_scaled = (W * (1.0 / S)).astype(jnp.float32)
    bias_scaled = (b * (1.0 / S)).reshape(1, 1).astype(jnp.float32)

    tT = jnp.swapaxes(table, 0, 1)
    v = _project_table(tT, w_scaled, bias_scaled)

    sc_gather = _make_sc_gather(V, S, B, NC, NS, C=64)
    return sc_gather(v, xf)

# --- scband reference (transcript-rebuilt; emitter-appended) ---
"""Pipeline reference for scband-nbow-48241072669072 (READ-ONLY COPY).

The authoritative reference and input builder live on the scoring server;
editing this copy changes nothing except your own understanding.
"""

import jax, jax.numpy as jnp
import numpy as np

VOCAB = 1000000
EMBED_DIM = 32
BATCH = 16384
SEQ = 200

def setup_inputs(seed: int = 0) -> dict:
    key = jax.random.key(seed)
    k1, k2, k3, k4 = jax.random.split(key, 4)
    x = jax.random.randint(k1, (BATCH, SEQ), 0, VOCAB, dtype=jnp.int64 if jax.config.jax_enable_x64 else jnp.int32)
    table = jax.random.normal(k2, (VOCAB, EMBED_DIM), dtype=jnp.float32) * 0.02
    W = jax.random.normal(k3, (1, EMBED_DIM), dtype=jnp.float32) * (1.0 / np.sqrt(EMBED_DIM))
    b = jax.random.normal(k4, (1,), dtype=jnp.float32) * 0.01
    return {"x": x, "table": table, "W": W, "b": b}

def reference(x, table, W, b):
    # embedding lookup: [B, S, D]
    emb = jnp.take(table, x, axis=0)
    # dropout is identity at inference (p=0.3 in train only)
    pooled = jnp.mean(emb, axis=1)  # [B, D]
    logits = pooled @ W.T + b       # [B, 1]
    out = jax.nn.sigmoid(logits)
    return jnp.squeeze(out, axis=-1)  # [B]

if __name__ == "__main__":
    import jax
    _d = setup_inputs()
    print(jax.jit(kernel)(*tuple(_d.values())))

</pallas_src>

<mosaic_0001>
#map = affine_map<(d0, d1) -> (0)>
#map1 = affine_map<(d0, d1) -> (0, 0)>
module attributes {stable_mosaic.version = 14 : i64} {
  func.func @sc_gather(%arg0: i32, %arg1: i32, %arg2: memref<1000000xf32, #tpu.memory_space<hbm>>, %arg3: memref<16384x200xi32, #tpu.memory_space<hbm>>, %arg4: memref<16384xf32, #tpu.memory_space<hbm>>, %arg5: memref<64x200xi32, #tpu.memory_space<vmem>>, %arg6: memref<12800xi32, #tpu.memory_space<vmem>>, %arg7: memref<12800xi32, #tpu.memory_space<vmem>>, %arg8: memref<12800xf32, #tpu.memory_space<vmem>>, %arg9: memref<12800xf32, #tpu.memory_space<vmem>>, %arg10: memref<64xf32, #tpu.memory_space<vmem>>, %arg11: memref<1000000xf32, #tpu.memory_space<vmem_shared>>, %arg12: memref<!tpu.dma_semaphore, #tpu.memory_space<semaphore_mem>>, %arg13: memref<!tpu.dma_semaphore, #tpu.memory_space<semaphore_mem>>, %arg14: memref<!tpu.dma_semaphore, #tpu.memory_space<semaphore_mem>>, %arg15: memref<!tpu.dma_semaphore, #tpu.memory_space<semaphore_mem>>) attributes {dimension_semantics = [#tpu.dimension_semantics<core_parallel>, #tpu.dimension_semantics<subcore_parallel>], iteration_bounds = array<i64: 2, 16>, scalar_prefetch = 0 : i64, scratch_operands = 11 : i64, tpu.core_type = #tpu.core_type<sc_vector_subcore>, window_params = [{transform_indices = #map}, {transform_indices = #map1}, {transform_indices = #map}]} {
    %mul3A = arith.constant 2 : i32
    %mul3A_0 = arith.muli %arg1, %mul3A : i32
    %add3A = arith.addi %mul3A_0, %arg0 : i32
    %iota3A = tpu.iota {dimensions = array<i32: 0>} : vector<16xi32>
    %mul3A_1 = arith.constant 8 : i32
    %mul3A_2 = arith.muli %add3A, %mul3A_1 : i32
    %add3A_3 = arith.constant 0 : i32
    %add3A_4 = arith.addi %mul3A_2, %add3A_3 : i32
    %mul3A_5 = arith.constant 64 : i32
    %mul3A_6 = arith.muli %add3A_4, %mul3A_5 : i32
    %dma_start3A = arith.constant 0 : i32
    %dma_start3A_7 = tpu.memref_slice %arg3[%mul3A_6, %dma_start3A] : memref<16384x200xi32, #tpu.memory_space<hbm>> -> memref<64x200xi32, #tpu.memory_space<hbm>>
    %dma_start3A_8 = arith.constant 0 : i32
    %dma_start3A_9 = tpu.memref_slice %arg3[%mul3A_6, %dma_start3A_8] : memref<16384x200xi32, #tpu.memory_space<hbm>> -> memref<64x200xi32, #tpu.memory_space<hbm>>
    tpu.enqueue_dma source(%dma_start3A_9 : memref<64x200xi32, #tpu.memory_space<hbm>>) target(%arg5 : memref<64x200xi32, #tpu.memory_space<vmem>>) target_semaphore(%arg12 : memref<!tpu.dma_semaphore, #tpu.memory_space<semaphore_mem>>)
    %eq3A = arith.constant 0 : i32
    %eq3A_10 = arith.cmpi eq, %arg1, %eq3A : i32
    %convert_element_type3A = arith.extui %eq3A_10 : i1 to i32
    %cond3A = arith.constant 0 : i32
    %cond3A_11 = arith.cmpi ne, %convert_element_type3A, %cond3A : i32
    scf.if %cond3A_11 {
      "tpu.region"() ({
        %run_scoped3A = tpu.sem_alloc : memref<!tpu.dma_semaphore, #tpu.memory_space<semaphore_mem>>
        tpu.enqueue_dma source(%arg2 : memref<1000000xf32, #tpu.memory_space<hbm>>) target(%arg11 : memref<1000000xf32, #tpu.memory_space<vmem_shared>>) target_semaphore(%run_scoped3A : memref<!tpu.dma_semaphore, #tpu.memory_space<semaphore_mem>>)
        tpu.wait_dma2 semaphore(%run_scoped3A : memref<!tpu.dma_semaphore, #tpu.memory_space<semaphore_mem>>) src(%arg2 : memref<1000000xf32, #tpu.memory_space<hbm>>) dst(%arg11 : memref<1000000xf32, #tpu.memory_space<vmem_shared>>)
        tpu.yield
      }) : () -> ()
    } else {
    }
    %dma_wait3A = arith.constant 0 : i32
    %dma_wait3A_12 = tpu.memref_slice %arg3[%mul3A_6, %dma_wait3A] : memref<16384x200xi32, #tpu.memory_space<hbm>> -> memref<64x200xi32, #tpu.memory_space<hbm>>
    %dma_wait3A_13 = arith.constant 0 : i32
    %dma_wait3A_14 = tpu.memref_slice %arg3[%mul3A_6, %dma_wait3A_13] : memref<16384x200xi32, #tpu.memory_space<hbm>> -> memref<64x200xi32, #tpu.memory_space<hbm>>
    tpu.wait_dma2 semaphore(%arg12 : memref<!tpu.dma_semaphore, #tpu.memory_space<semaphore_mem>>) src(%dma_wait3A_14 : memref<64x200xi32, #tpu.memory_space<hbm>>) dst(%arg5 : memref<64x200xi32, #tpu.memory_space<vmem>>)
    %scan3A = arith.constant 0 : i32
    %scan3A_15 = arith.constant 0 : i32
    %scan3A_16 = arith.constant 64 : i32
    %scan3A_17 = arith.addi %scan3A_15, %scan3A_16 : i32
    %scan3A_18 = arith.constant 1 : i32
    scf.for %scan3A_291 = %scan3A_15 to %scan3A_17 step %scan3A_18  : i32 {
      %broadcast_in_dim3A_292 = arith.constant 0 : i32
      %broadcast_in_dim3A_293 = vector.broadcast %broadcast_in_dim3A_292 : i32 to vector<16xi32>
      %add3A_294 = vector.broadcast %scan3A_291 : i32 to vector<16xi32>
      %add3A_295 = arith.addi %broadcast_in_dim3A_293, %add3A_294 : vector<16xi32>
      %add3A_296 = arith.constant 0 : i32
      %add3A_297 = vector.broadcast %add3A_296 : i32 to vector<16xi32>
      %add3A_298 = arith.addi %add3A_297, %iota3A : vector<16xi32>
      %gather3A = tpu.vector_load_idx %arg5[%add3A_295, %add3A_298] : memref<64x200xi32, #tpu.memory_space<vmem>>[vector<16xi32>, vector<16xi32>], vector<16xi32>,
      %mul3A_299 = arith.constant 200 : i32
      %mul3A_300 = arith.muli %scan3A_291, %mul3A_299 : i32
      %add3A_301 = arith.constant 0 : i32
      %add3A_302 = arith.addi %mul3A_300, %add3A_301 : i32
      %swap3A = arith.index_cast %add3A_302 : i32 to index
      %swap3A_303 = tpu.vector_load %arg6[%swap3A] {strides = array<i32>} : memref<12800xi32, #tpu.memory_space<vmem>>, vector<16xi32>,
      tpu.vector_store %arg6[%swap3A], %gather3A {strides = array<i32>} : memref<12800xi32, #tpu.memory_space<vmem>>, vector<16xi32>,
      %add3A_304 = arith.constant 16 : i32
      %add3A_305 = vector.broadcast %add3A_304 : i32 to vector<16xi32>
      %add3A_306 = arith.addi %add3A_305, %iota3A : vector<16xi32>
      %gather3A_307 = tpu.vector_load_idx %arg5[%add3A_295, %add3A_306] : memref<64x200xi32, #tpu.memory_space<vmem>>[vector<16xi32>, vector<16xi32>], vector<16xi32>,
      %mul3A_308 = arith.constant 200 : i32
      %mul3A_309 = arith.muli %scan3A_291, %mul3A_308 : i32
      %add3A_310 = arith.constant 16 : i32
      %add3A_311 = arith.addi %mul3A_309, %add3A_310 : i32
      %swap3A_312 = arith.index_cast %add3A_311 : i32 to index
      %swap3A_313 = tpu.vector_load %arg6[%swap3A_312] {strides = array<i32>} : memref<12800xi32, #tpu.memory_space<vmem>>, vector<16xi32>,
      tpu.vector_store %arg6[%swap3A_312], %gather3A_307 {strides = array<i32>} : memref<12800xi32, #tpu.memory_space<vmem>>, vector<16xi32>,
      %add3A_314 = arith.constant 32 : i32
      %add3A_315 = vector.broadcast %add3A_314 : i32 to vector<16xi32>
      %add3A_316 = arith.addi %add3A_315, %iota3A : vector<16xi32>
      %gather3A_317 = tpu.vector_load_idx %arg5[%add3A_295, %add3A_316] : memref<64x200xi32, #tpu.memory_space<vmem>>[vector<16xi32>, vector<16xi32>], vector<16xi32>,
      %mul3A_318 = arith.constant 200 : i32
      %mul3A_319 = arith.muli %scan3A_291, %mul3A_318 : i32
      %add3A_320 = arith.constant 32 : i32
      %add3A_321 = arith.addi %mul3A_319, %add3A_320 : i32
      %swap3A_322 = arith.index_cast %add3A_321 : i32 to index
      %swap3A_323 = tpu.vector_load %arg6[%swap3A_322] {strides = array<i32>} : memref<12800xi32, #tpu.memory_space<vmem>>, vector<16xi32>,
      tpu.vector_store %arg6[%swap3A_322], %gather3A_317 {strides = array<i32>} : memref<12800xi32, #tpu.memory_space<vmem>>, vector<16xi32>,
      %add3A_324 = arith.constant 48 : i32
      %add3A_325 = vector.broadcast %add3A_324 : i32 to vector<16xi32>
      %add3A_326 = arith.addi %add3A_325, %iota3A : vector<16xi32>
      %gather3A_327 = tpu.vector_load_idx %arg5[%add3A_295, %add3A_326] : memref<64x200xi32, #tpu.memory_space<vmem>>[vector<16xi32>, vector<16xi32>], vector<16xi32>,
      %mul3A_328 = arith.constant 200 : i32
      %mul3A_329 = arith.muli %scan3A_291, %mul3A_328 : i32
      %add3A_330 = arith.constant 48 : i32
      %add3A_331 = arith.addi %mul3A_329, %add3A_330 : i32
      %swap3A_332 = arith.index_cast %add3A_331 : i32 to index
      %swap3A_333 = tpu.vector_load %arg6[%swap3A_332] {strides = array<i32>} : memref<12800xi32, #tpu.memory_space<vmem>>, vector<16xi32>,
      tpu.vector_store %arg6[%swap3A_332], %gather3A_327 {strides = array<i32>} : memref<12800xi32, #tpu.memory_space<vmem>>, vector<16xi32>,
      %add3A_334 = arith.constant 64 : i32
      %add3A_335 = vector.broadcast %add3A_334 : i32 to vector<16xi32>
      %add3A_336 = arith.addi %add3A_335, %iota3A : vector<16xi32>
      %gather3A_337 = tpu.vector_load_idx %arg5[%add3A_295, %add3A_336] : memref<64x200xi32, #tpu.memory_space<vmem>>[vector<16xi32>, vector<16xi32>], vector<16xi32>,
      %mul3A_338 = arith.constant 200 : i32
      %mul3A_339 = arith.muli %scan3A_291, %mul3A_338 : i32
      %add3A_340 = arith.constant 64 : i32
      %add3A_341 = arith.addi %mul3A_339, %add3A_340 : i32
      %swap3A_342 = arith.index_cast %add3A_341 : i32 to index
      %swap3A_343 = tpu.vector_load %arg6[%swap3A_342] {strides = array<i32>} : memref<12800xi32, #tpu.memory_space<vmem>>, vector<16xi32>,
      tpu.vector_store %arg6[%swap3A_342], %gather3A_337 {strides = array<i32>} : memref<12800xi32, #tpu.memory_space<vmem>>, vector<16xi32>,
      %add3A_344 = arith.constant 80 : i32
      %add3A_345 = vector.broadcast %add3A_344 : i32 to vector<16xi32>
      %add3A_346 = arith.addi %add3A_345, %iota3A : vector<16xi32>
      %gather3A_347 = tpu.vector_load_idx %arg5[%add3A_295, %add3A_346] : memref<64x200xi32, #tpu.memory_space<vmem>>[vector<16xi32>, vector<16xi32>], vector<16xi32>,
      %mul3A_348 = arith.constant 200 : i32
      %mul3A_349 = arith.muli %scan3A_291, %mul3A_348 : i32
      %add3A_350 = arith.constant 80 : i32
      %add3A_351 = arith.addi %mul3A_349, %add3A_350 : i32
      %swap3A_352 = arith.index_cast %add3A_351 : i32 to index
      %swap3A_353 = tpu.vector_load %arg6[%swap3A_352] {strides = array<i32>} : memref<12800xi32, #tpu.memory_space<vmem>>, vector<16xi32>,
      tpu.vector_store %arg6[%swap3A_352], %gather3A_347 {strides = array<i32>} : memref<12800xi32, #tpu.memory_space<vmem>>, vector<16xi32>,
      %add3A_354 = arith.constant 96 : i32
      %add3A_355 = vector.broadcast %add3A_354 : i32 to vector<16xi32>
      %add3A_356 = arith.addi %add3A_355, %iota3A : vector<16xi32>
      %gather3A_357 = tpu.vector_load_idx %arg5[%add3A_295, %add3A_356] : memref<64x200xi32, #tpu.memory_space<vmem>>[vector<16xi32>, vector<16xi32>], vector<16xi32>,
      %mul3A_358 = arith.constant 200 : i32
      %mul3A_359 = arith.muli %scan3A_291, %mul3A_358 : i32
      %add3A_360 = arith.constant 96 : i32
      %add3A_361 = arith.addi %mul3A_359, %add3A_360 : i32
      %swap3A_362 = arith.index_cast %add3A_361 : i32 to index
      %swap3A_363 = tpu.vector_load %arg6[%swap3A_362] {strides = array<i32>} : memref<12800xi32, #tpu.memory_space<vmem>>, vector<16xi32>,
      tpu.vector_store %arg6[%swap3A_362], %gather3A_357 {strides = array<i32>} : memref<12800xi32, #tpu.memory_space<vmem>>, vector<16xi32>,
      %add3A_364 = arith.constant 112 : i32
      %add3A_365 = vector.broadcast %add3A_364 : i32 to vector<16xi32>
      %add3A_366 = arith.addi %add3A_365, %iota3A : vector<16xi32>
      %gather3A_367 = tpu.vector_load_idx %arg5[%add3A_295, %add3A_366] : memref<64x200xi32, #tpu.memory_space<vmem>>[vector<16xi32>, vector<16xi32>], vector<16xi32>,
      %mul3A_368 = arith.constant 200 : i32
      %mul3A_369 = arith.muli %scan3A_291, %mul3A_368 : i32
      %add3A_370 = arith.constant 112 : i32
      %add3A_371 = arith.addi %mul3A_369, %add3A_370 : i32
      %swap3A_372 = arith.index_cast %add3A_371 : i32 to index
      %swap3A_373 = tpu.vector_load %arg6[%swap3A_372] {strides = array<i32>} : memref<12800xi32, #tpu.memory_space<vmem>>, vector<16xi32>,
      tpu.vector_store %arg6[%swap3A_372], %gather3A_367 {strides = array<i32>} : memref<12800xi32, #tpu.memory_space<vmem>>, vector<16xi32>,
      %add3A_374 = arith.constant 128 : i32
      %add3A_375 = vector.broadcast %add3A_374 : i32 to vector<16xi32>
      %add3A_376 = arith.addi %add3A_375, %iota3A : vector<16xi32>
      %gather3A_377 = tpu.vector_load_idx %arg5[%add3A_295, %add3A_376] : memref<64x200xi32, #tpu.memory_space<vmem>>[vector<16xi32>, vector<16xi32>], vector<16xi32>,
      %mul3A_378 = arith.constant 200 : i32
      %mul3A_379 = arith.muli %scan3A_291, %mul3A_378 : i32
      %add3A_380 = arith.constant 128 : i32
      %add3A_381 = arith.addi %mul3A_379, %add3A_380 : i32
      %swap3A_382 = arith.index_cast %add3A_381 : i32 to index
      %swap3A_383 = tpu.vector_load %arg6[%swap3A_382] {strides = array<i32>} : memref<12800xi32, #tpu.memory_space<vmem>>, vector<16xi32>,
      tpu.vector_store %arg6[%swap3A_382], %gather3A_377 {strides = array<i32>} : memref<12800xi32, #tpu.memory_space<vmem>>, vector<16xi32>,
      %add3A_384 = arith.constant 144 : i32
      %add3A_385 = vector.broadcast %add3A_384 : i32 to vector<16xi32>
      %add3A_386 = arith.addi %add3A_385, %iota3A : vector<16xi32>
      %gather3A_387 = tpu.vector_load_idx %arg5[%add3A_295, %add3A_386] : memref<64x200xi32, #tpu.memory_space<vmem>>[vector<16xi32>, vector<16xi32>], vector<16xi32>,
      %mul3A_388 = arith.constant 200 : i32
      %mul3A_389 = arith.muli %scan3A_291, %mul3A_388 : i32
      %add3A_390 = arith.constant 144 : i32
      %add3A_391 = arith.addi %mul3A_389, %add3A_390 : i32
      %swap3A_392 = arith.index_cast %add3A_391 : i32 to index
      %swap3A_393 = tpu.vector_load %arg6[%swap3A_392] {strides = array<i32>} : memref<12800xi32, #tpu.memory_space<vmem>>, vector<16xi32>,
      tpu.vector_store %arg6[%swap3A_392], %gather3A_387 {strides = array<i32>} : memref<12800xi32, #tpu.memory_space<vmem>>, vector<16xi32>,
      %add3A_394 = arith.constant 160 : i32
      %add3A_395 = vector.broadcast %add3A_394 : i32 to vector<16xi32>
      %add3A_396 = arith.addi %add3A_395, %iota3A : vector<16xi32>
      %gather3A_397 = tpu.vector_load_idx %arg5[%add3A_295, %add3A_396] : memref<64x200xi32, #tpu.memory_space<vmem>>[vector<16xi32>, vector<16xi32>], vector<16xi32>,
      %mul3A_398 = arith.constant 200 : i32
      %mul3A_399 = arith.muli %scan3A_291, %mul3A_398 : i32
      %add3A_400 = arith.constant 160 : i32
      %add3A_401 = arith.addi %mul3A_399, %add3A_400 : i32
      %swap3A_402 = arith.index_cast %add3A_401 : i32 to index
      %swap3A_403 = tpu.vector_load %arg6[%swap3A_402] {strides = array<i32>} : memref<12800xi32, #tpu.memory_space<vmem>>, vector<16xi32>,
      tpu.vector_store %arg6[%swap3A_402], %gather3A_397 {strides = array<i32>} : memref<12800xi32, #tpu.memory_space<vmem>>, vector<16xi32>,
      %add3A_404 = arith.constant 176 : i32
      %add3A_405 = vector.broadcast %add3A_404 : i32 to vector<16xi32>
      %add3A_406 = arith.addi %add3A_405, %iota3A : vector<16xi32>
      %gather3A_407 = tpu.vector_load_idx %arg5[%add3A_295, %add3A_406] : memref<64x200xi32, #tpu.memory_space<vmem>>[vector<16xi32>, vector<16xi32>], vector<16xi32>,
      %mul3A_408 = arith.constant 200 : i32
      %mul3A_409 = arith.muli %scan3A_291, %mul3A_408 : i32
      %add3A_410 = arith.constant 176 : i32
      %add3A_411 = arith.addi %mul3A_409, %add3A_410 : i32
      %swap3A_412 = arith.index_cast %add3A_411 : i32 to index
      %swap3A_413 = tpu.vector_load %arg6[%swap3A_412] {strides = array<i32>} : memref<12800xi32, #tpu.memory_space<vmem>>, vector<16xi32>,
      tpu.vector_store %arg6[%swap3A_412], %gather3A_407 {strides = array<i32>} : memref<12800xi32, #tpu.memory_space<vmem>>, vector<16xi32>,
      %add3A_414 = arith.constant 184 : i32
      %add3A_415 = vector.broadcast %add3A_414 : i32 to vector<16xi32>
      %add3A_416 = arith.addi %add3A_415, %iota3A : vector<16xi32>
      %gather3A_417 = tpu.vector_load_idx %arg5[%add3A_295, %add3A_416] : memref<64x200xi32, #tpu.memory_space<vmem>>[vector<16xi32>, vector<16xi32>], vector<16xi32>,
      %mul3A_418 = arith.constant 200 : i32
      %mul3A_419 = arith.muli %scan3A_291, %mul3A_418 : i32
      %add3A_420 = arith.constant 200 : i32
      %add3A_421 = arith.addi %mul3A_419, %add3A_420 : i32
      %sub3A = arith.constant 16 : i32
      %sub3A_422 = arith.subi %add3A_421, %sub3A : i32
      %swap3A_423 = arith.index_cast %sub3A_422 : i32 to index
      %swap3A_424 = tpu.vector_load %arg6[%swap3A_423] {strides = array<i32>} : memref<12800xi32, #tpu.memory_space<vmem>>, vector<16xi32>,
      tpu.vector_store %arg6[%swap3A_423], %gather3A_417 {strides = array<i32>} : memref<12800xi32, #tpu.memory_space<vmem>>, vector<16xi32>,
    }
    %scan3A_19 = arith.constant 64 : i32
    %barrier3A = arith.constant 0 : index
    tpu.barrier barrier_id(%barrier3A)
    %dma_start3A_20 = arith.constant 0 : i32
    %dma_start3A_21 = tpu.memref_slice %arg11[%dma_start3A_20] : memref<1000000xf32, #tpu.memory_space<vmem_shared>> -> memref<1000000xf32, #tpu.memory_space<vmem_shared>>
    tpu.enqueue_indirect_dma source(%dma_start3A_21 : memref<1000000xf32, #tpu.memory_space<vmem_shared>>) target(%arg8 : memref<12800xf32, #tpu.memory_space<vmem>>) offsets(%arg6 : memref<12800xi32, #tpu.memory_space<vmem>>) semaphore(%arg14 : memref<!tpu.dma_semaphore, #tpu.memory_space<semaphore_mem>>)
    %mul3A_22 = arith.constant 8 : i32
    %mul3A_23 = arith.muli %add3A, %mul3A_22 : i32
    %add3A_24 = arith.constant 1 : i32
    %add3A_25 = arith.addi %mul3A_23, %add3A_24 : i32
    %mul3A_26 = arith.constant 64 : i32
    %mul3A_27 = arith.muli %add3A_25, %mul3A_26 : i32
    %dma_start3A_28 = arith.constant 0 : i32
    %dma_start3A_29 = tpu.memref_slice %arg3[%mul3A_27, %dma_start3A_28] : memref<16384x200xi32, #tpu.memory_space<hbm>> -> memref<64x200xi32, #tpu.memory_space<hbm>>
    %dma_start3A_30 = arith.constant 0 : i32
    %dma_start3A_31 = tpu.memref_slice %arg3[%mul3A_27, %dma_start3A_30] : memref<16384x200xi32, #tpu.memory_space<hbm>> -> memref<64x200xi32, #tpu.memory_space<hbm>>
    tpu.enqueue_dma source(%dma_start3A_31 : memref<64x200xi32, #tpu.memory_space<hbm>>) target(%arg5 : memref<64x200xi32, #tpu.memory_space<vmem>>) target_semaphore(%arg13 : memref<!tpu.dma_semaphore, #tpu.memory_space<semaphore_mem>>)
    %ge3A = arith.constant 8 : i32
    %ge3A_32 = vector.broadcast %ge3A : i32 to vector<16xi32>
    %ge3A_33 = arith.cmpi sge, %iota3A, %ge3A_32 : vector<16xi32>
    %broadcast_in_dim3A = arith.constant 15 : i32
    %broadcast_in_dim3A_34 = vector.broadcast %broadcast_in_dim3A : i32 to vector<16xi32>
    %dma_wait3A_35 = arith.constant 0 : i32
    %dma_wait3A_36 = tpu.memref_slice %arg3[%mul3A_27, %dma_wait3A_35] : memref<16384x200xi32, #tpu.memory_space<hbm>> -> memref<64x200xi32, #tpu.memory_space<hbm>>
    %dma_wait3A_37 = arith.constant 0 : i32
    %dma_wait3A_38 = tpu.memref_slice %arg3[%mul3A_27, %dma_wait3A_37] : memref<16384x200xi32, #tpu.memory_space<hbm>> -> memref<64x200xi32, #tpu.memory_space<hbm>>
    tpu.wait_dma2 semaphore(%arg13 : memref<!tpu.dma_semaphore, #tpu.memory_space<semaphore_mem>>) src(%dma_wait3A_38 : memref<64x200xi32, #tpu.memory_space<hbm>>) dst(%arg5 : memref<64x200xi32, #tpu.memory_space<vmem>>)
    %scan3A_39 = arith.constant 0 : i32
    %scan3A_40 = arith.constant 0 : i32
    %scan3A_41 = arith.constant 64 : i32
    %scan3A_42 = arith.addi %scan3A_40, %scan3A_41 : i32
    %scan3A_43 = arith.constant 1 : i32
    scf.for %scan3A_291 = %scan3A_40 to %scan3A_42 step %scan3A_43  : i32 {
      %broadcast_in_dim3A_292 = arith.constant 0 : i32
      %broadcast_in_dim3A_293 = vector.broadcast %broadcast_in_dim3A_292 : i32 to vector<16xi32>
      %add3A_294 = vector.broadcast %scan3A_291 : i32 to vector<16xi32>
      %add3A_295 = arith.addi %broadcast_in_dim3A_293, %add3A_294 : vector<16xi32>
      %add3A_296 = arith.constant 0 : i32
      %add3A_297 = vector.broadcast %add3A_296 : i32 to vector<16xi32>
      %add3A_298 = arith.addi %add3A_297, %iota3A : vector<16xi32>
      %gather3A = tpu.vector_load_idx %arg5[%add3A_295, %add3A_298] : memref<64x200xi32, #tpu.memory_space<vmem>>[vector<16xi32>, vector<16xi32>], vector<16xi32>,
      %mul3A_299 = arith.constant 200 : i32
      %mul3A_300 = arith.muli %scan3A_291, %mul3A_299 : i32
      %add3A_301 = arith.constant 0 : i32
      %add3A_302 = arith.addi %mul3A_300, %add3A_301 : i32
      %swap3A = arith.index_cast %add3A_302 : i32 to index
      %swap3A_303 = tpu.vector_load %arg7[%swap3A] {strides = array<i32>} : memref<12800xi32, #tpu.memory_space<vmem>>, vector<16xi32>,
      tpu.vector_store %arg7[%swap3A], %gather3A {strides = array<i32>} : memref<12800xi32, #tpu.memory_space<vmem>>, vector<16xi32>,
      %add3A_304 = arith.constant 16 : i32
      %add3A_305 = vector.broadcast %add3A_304 : i32 to vector<16xi32>
      %add3A_306 = arith.addi %add3A_305, %iota3A : vector<16xi32>
      %gather3A_307 = tpu.vector_load_idx %arg5[%add3A_295, %add3A_306] : memref<64x200xi32, #tpu.memory_space<vmem>>[vector<16xi32>, vector<16xi32>], vector<16xi32>,
      %mul3A_308 = arith.constant 200 : i32
      %mul3A_309 = arith.muli %scan3A_291, %mul3A_308 : i32
      %add3A_310 = arith.constant 16 : i32
      %add3A_311 = arith.addi %mul3A_309, %add3A_310 : i32
      %swap3A_312 = arith.index_cast %add3A_311 : i32 to index
      %swap3A_313 = tpu.vector_load %arg7[%swap3A_312] {strides = array<i32>} : memref<12800xi32, #tpu.memory_space<vmem>>, vector<16xi32>,
      tpu.vector_store %arg7[%swap3A_312], %gather3A_307 {strides = array<i32>} : memref<12800xi32, #tpu.memory_space<vmem>>, vector<16xi32>,
      %add3A_314 = arith.constant 32 : i32
      %add3A_315 = vector.broadcast %add3A_314 : i32 to vector<16xi32>
      %add3A_316 = arith.addi %add3A_315, %iota3A : vector<16xi32>
      %gather3A_317 = tpu.vector_load_idx %arg5[%add3A_295, %add3A_316] : memref<64x200xi32, #tpu.memory_space<vmem>>[vector<16xi32>, vector<16xi32>], vector<16xi32>,
      %mul3A_318 = arith.constant 200 : i32
      %mul3A_319 = arith.muli %scan3A_291, %mul3A_318 : i32
      %add3A_320 = arith.constant 32 : i32
      %add3A_321 = arith.addi %mul3A_319, %add3A_320 : i32
      %swap3A_322 = arith.index_cast %add3A_321 : i32 to index
      %swap3A_323 = tpu.vector_load %arg7[%swap3A_322] {strides = array<i32>} : memref<12800xi32, #tpu.memory_space<vmem>>, vector<16xi32>,
      tpu.vector_store %arg7[%swap3A_322], %gather3A_317 {strides = array<i32>} : memref<12800xi32, #tpu.memory_space<vmem>>, vector<16xi32>,
      %add3A_324 = arith.constant 48 : i32
      %add3A_325 = vector.broadcast %add3A_324 : i32 to vector<16xi32>
      %add3A_326 = arith.addi %add3A_325, %iota3A : vector<16xi32>
      %gather3A_327 = tpu.vector_load_idx %arg5[%add3A_295, %add3A_326] : memref<64x200xi32, #tpu.memory_space<vmem>>[vector<16xi32>, vector<16xi32>], vector<16xi32>,
      %mul3A_328 = arith.constant 200 : i32
      %mul3A_329 = arith.muli %scan3A_291, %mul3A_328 : i32
      %add3A_330 = arith.constant 48 : i32
      %add3A_331 = arith.addi %mul3A_329, %add3A_330 : i32
      %swap3A_332 = arith.index_cast %add3A_331 : i32 to index
      %swap3A_333 = tpu.vector_load %arg7[%swap3A_332] {strides = array<i32>} : memref<12800xi32, #tpu.memory_space<vmem>>, vector<16xi32>,
      tpu.vector_store %arg7[%swap3A_332], %gather3A_327 {strides = array<i32>} : memref<12800xi32, #tpu.memory_space<vmem>>, vector<16xi32>,
      %add3A_334 = arith.constant 64 : i32
      %add3A_335 = vector.broadcast %add3A_334 : i32 to vector<16xi32>
      %add3A_336 = arith.addi %add3A_335, %iota3A : vector<16xi32>
      %gather3A_337 = tpu.vector_load_idx %arg5[%add3A_295, %add3A_336] : memref<64x200xi32, #tpu.memory_space<vmem>>[vector<16xi32>, vector<16xi32>], vector<16xi32>,
      %mul3A_338 = arith.constant 200 : i32
      %mul3A_339 = arith.muli %scan3A_291, %mul3A_338 : i32
      %add3A_340 = arith.constant 64 : i32
      %add3A_341 = arith.addi %mul3A_339, %add3A_340 : i32
      %swap3A_342 = arith.index_cast %add3A_341 : i32 to index
      %swap3A_343 = tpu.vector_load %arg7[%swap3A_342] {strides = array<i32>} : memref<12800xi32, #tpu.memory_space<vmem>>, vector<16xi32>,
      tpu.vector_store %arg7[%swap3A_342], %gather3A_337 {strides = array<i32>} : memref<12800xi32, #tpu.memory_space<vmem>>, vector<16xi32>,
      %add3A_344 = arith.constant 80 : i32
      %add3A_345 = vector.broadcast %add3A_344 : i32 to vector<16xi32>
      %add3A_346 = arith.addi %add3A_345, %iota3A : vector<16xi32>
      %gather3A_347 = tpu.vector_load_idx %arg5[%add3A_295, %add3A_346] : memref<64x200xi32, #tpu.memory_space<vmem>>[vector<16xi32>, vector<16xi32>], vector<16xi32>,
      %mul3A_348 = arith.constant 200 : i32
      %mul3A_349 = arith.muli %scan3A_291, %mul3A_348 : i32
      %add3A_350 = arith.constant 80 : i32
      %add3A_351 = arith.addi %mul3A_349, %add3A_350 : i32
      %swap3A_352 = arith.index_cast %add3A_351 : i32 to index
      %swap3A_353 = tpu.vector_load %arg7[%swap3A_352] {strides = array<i32>} : memref<12800xi32, #tpu.memory_space<vmem>>, vector<16xi32>,
      tpu.vector_store %arg7[%swap3A_352], %gather3A_347 {strides = array<i32>} : memref<12800xi32, #tpu.memory_space<vmem>>, vector<16xi32>,
      %add3A_354 = arith.constant 96 : i32
      %add3A_355 = vector.broadcast %add3A_354 : i32 to vector<16xi32>
      %add3A_356 = arith.addi %add3A_355, %iota3A : vector<16xi32>
      %gather3A_357 = tpu.vector_load_idx %arg5[%add3A_295, %add3A_356] : memref<64x200xi32, #tpu.memory_space<vmem>>[vector<16xi32>, vector<16xi32>], vector<16xi32>,
      %mul3A_358 = arith.constant 200 : i32
      %mul3A_359 = arith.muli %scan3A_291, %mul3A_358 : i32
      %add3A_360 = arith.constant 96 : i32
      %add3A_361 = arith.addi %mul3A_359, %add3A_360 : i32
      %swap3A_362 = arith.index_cast %add3A_361 : i32 to index
      %swap3A_363 = tpu.vector_load %arg7[%swap3A_362] {strides = array<i32>} : memref<12800xi32, #tpu.memory_space<vmem>>, vector<16xi32>,
      tpu.vector_store %arg7[%swap3A_362], %gather3A_357 {strides = array<i32>} : memref<12800xi32, #tpu.memory_space<vmem>>, vector<16xi32>,
      %add3A_364 = arith.constant 112 : i32
      %add3A_365 = vector.broadcast %add3A_364 : i32 to vector<16xi32>
      %add3A_366 = arith.addi %add3A_365, %iota3A : vector<16xi32>
      %gather3A_367 = tpu.vector_load_idx %arg5[%add3A_295, %add3A_366] : memref<64x200xi32, #tpu.memory_space<vmem>>[vector<16xi32>, vector<16xi32>], vector<16xi32>,
      %mul3A_368 = arith.constant 200 : i32
      %mul3A_369 = arith.muli %scan3A_291, %mul3A_368 : i32
      %add3A_370 = arith.constant 112 : i32
      %add3A_371 = arith.addi %mul3A_369, %add3A_370 : i32
      %swap3A_372 = arith.index_cast %add3A_371 : i32 to index
      %swap3A_373 = tpu.vector_load %arg7[%swap3A_372] {strides = array<i32>} : memref<12800xi32, #tpu.memory_space<vmem>>, vector<16xi32>,
      tpu.vector_store %arg7[%swap3A_372], %gather3A_367 {strides = array<i32>} : memref<12800xi32, #tpu.memory_space<vmem>>, vector<16xi32>,
      %add3A_374 = arith.constant 128 : i32
      %add3A_375 = vector.broadcast %add3A_374 : i32 to vector<16xi32>
      %add3A_376 = arith.addi %add3A_375, %iota3A : vector<16xi32>
      %gather3A_377 = tpu.vector_load_idx %arg5[%add3A_295, %add3A_376] : memref<64x200xi32, #tpu.memory_space<vmem>>[vector<16xi32>, vector<16xi32>], vector<16xi32>,
      %mul3A_378 = arith.constant 200 : i32
      %mul3A_379 = arith.muli %scan3A_291, %mul3A_378 : i32
      %add3A_380 = arith.constant 128 : i32
      %add3A_381 = arith.addi %mul3A_379, %add3A_380 : i32
      %swap3A_382 = arith.index_cast %add3A_381 : i32 to index
      %swap3A_383 = tpu.vector_load %arg7[%swap3A_382] {strides = array<i32>} : memref<12800xi32, #tpu.memory_space<vmem>>, vector<16xi32>,
      tpu.vector_store %arg7[%swap3A_382], %gather3A_377 {strides = array<i32>} : memref<12800xi32, #tpu.memory_space<vmem>>, vector<16xi32>,
      %add3A_384 = arith.constant 144 : i32
      %add3A_385 = vector.broadcast %add3A_384 : i32 to vector<16xi32>
      %add3A_386 = arith.addi %add3A_385, %iota3A : vector<16xi32>
      %gather3A_387 = tpu.vector_load_idx %arg5[%add3A_295, %add3A_386] : memref<64x200xi32, #tpu.memory_space<vmem>>[vector<16xi32>, vector<16xi32>], vector<16xi32>,
      %mul3A_388 = arith.constant 200 : i32
      %mul3A_389 = arith.muli %scan3A_291, %mul3A_388 : i32
      %add3A_390 = arith.constant 144 : i32
      %add3A_391 = arith.addi %mul3A_389, %add3A_390 : i32
      %swap3A_392 = arith.index_cast %add3A_391 : i32 to index
      %swap3A_393 = tpu.vector_load %arg7[%swap3A_392] {strides = array<i32>} : memref<12800xi32, #tpu.memory_space<vmem>>, vector<16xi32>,
      tpu.vector_store %arg7[%swap3A_392], %gather3A_387 {strides = array<i32>} : memref<12800xi32, #tpu.memory_space<vmem>>, vector<16xi32>,
      %add3A_394 = arith.constant 160 : i32
      %add3A_395 = vector.broadcast %add3A_394 : i32 to vector<16xi32>
      %add3A_396 = arith.addi %add3A_395, %iota3A : vector<16xi32>
      %gather3A_397 = tpu.vector_load_idx %arg5[%add3A_295, %add3A_396] : memref<64x200xi32, #tpu.memory_space<vmem>>[vector<16xi32>, vector<16xi32>], vector<16xi32>,
      %mul3A_398 = arith.constant 200 : i32
      %mul3A_399 = arith.muli %scan3A_291, %mul3A_398 : i32
      %add3A_400 = arith.constant 160 : i32
      %add3A_401 = arith.addi %mul3A_399, %add3A_400 : i32
      %swap3A_402 = arith.index_cast %add3A_401 : i32 to index
      %swap3A_403 = tpu.vector_load %arg7[%swap3A_402] {strides = array<i32>} : memref<12800xi32, #tpu.memory_space<vmem>>, vector<16xi32>,
      tpu.vector_store %arg7[%swap3A_402], %gather3A_397 {strides = array<i32>} : memref<12800xi32, #tpu.memory_space<vmem>>, vector<16xi32>,
      %add3A_404 = arith.constant 176 : i32
      %add3A_405 = vector.broadcast %add3A_404 : i32 to vector<16xi32>
      %add3A_406 = arith.addi %add3A_405, %iota3A : vector<16xi32>
      %gather3A_407 = tpu.vector_load_idx %arg5[%add3A_295, %add3A_406] : memref<64x200xi32, #tpu.memory_space<vmem>>[vector<16xi32>, vector<16xi32>], vector<16xi32>,
      %mul3A_408 = arith.constant 200 : i32
      %mul3A_409 = arith.muli %scan3A_291, %mul3A_408 : i32
      %add3A_410 = arith.constant 176 : i32
      %add3A_411 = arith.addi %mul3A_409, %add3A_410 : i32
      %swap3A_412 = arith.index_cast %add3A_411 : i32 to index
      %swap3A_413 = tpu.vector_load %arg7[%swap3A_412] {strides = array<i32>} : memref<12800xi32, #tpu.memory_space<vmem>>, vector<16xi32>,
      tpu.vector_store %arg7[%swap3A_412], %gather3A_407 {strides = array<i32>} : memref<12800xi32, #tpu.memory_space<vmem>>, vector<16xi32>,
      %add3A_414 = arith.constant 184 : i32
      %add3A_415 = vector.broadcast %add3A_414 : i32 to vector<16xi32>
      %add3A_416 = arith.addi %add3A_415, %iota3A : vector<16xi32>
      %gather3A_417 = tpu.vector_load_idx %arg5[%add3A_295, %add3A_416] : memref<64x200xi32, #tpu.memory_space<vmem>>[vector<16xi32>, vector<16xi32>], vector<16xi32>,
      %mul3A_418 = arith.constant 200 : i32
      %mul3A_419 = arith.muli %scan3A_291, %mul3A_418 : i32
      %add3A_420 = arith.constant 200 : i32
      %add3A_421 = arith.addi %mul3A_419, %add3A_420 : i32
      %sub3A = arith.constant 16 : i32
      %sub3A_422 = arith.subi %add3A_421, %sub3A : i32
      %swap3A_423 = arith.index_cast %sub3A_422 : i32 to index
      %swap3A_424 = tpu.vector_load %arg7[%swap3A_423] {strides = array<i32>} : memref<12800xi32, #tpu.memory_space<vmem>>, vector<16xi32>,
      tpu.vector_store %arg7[%swap3A_423], %gather3A_417 {strides = array<i32>} : memref<12800xi32, #tpu.memory_space<vmem>>, vector<16xi32>,
    }
    %scan3A_44 = arith.constant 64 : i32
    %dma_start3A_45 = arith.constant 0 : i32
    %dma_start3A_46 = tpu.memref_slice %arg11[%dma_start3A_45] : memref<1000000xf32, #tpu.memory_space<vmem_shared>> -> memref<1000000xf32, #tpu.memory_space<vmem_shared>>
    tpu.enqueue_indirect_dma source(%dma_start3A_46 : memref<1000000xf32, #tpu.memory_space<vmem_shared>>) target(%arg9 : memref<12800xf32, #tpu.memory_space<vmem>>) offsets(%arg7 : memref<12800xi32, #tpu.memory_space<vmem>>) semaphore(%arg15 : memref<!tpu.dma_semaphore, #tpu.memory_space<semaphore_mem>>)
    %mul3A_47 = arith.constant 8 : i32
    %mul3A_48 = arith.muli %add3A, %mul3A_47 : i32
    %add3A_49 = arith.constant 2 : i32
    %add3A_50 = arith.addi %mul3A_48, %add3A_49 : i32
    %mul3A_51 = arith.constant 64 : i32
    %mul3A_52 = arith.muli %add3A_50, %mul3A_51 : i32
    %dma_start3A_53 = arith.constant 0 : i32
    %dma_start3A_54 = tpu.memref_slice %arg3[%mul3A_52, %dma_start3A_53] : memref<16384x200xi32, #tpu.memory_space<hbm>> -> memref<64x200xi32, #tpu.memory_space<hbm>>
    %dma_start3A_55 = arith.constant 0 : i32
    %dma_start3A_56 = tpu.memref_slice %arg3[%mul3A_52, %dma_start3A_55] : memref<16384x200xi32, #tpu.memory_space<hbm>> -> memref<64x200xi32, #tpu.memory_space<hbm>>
    tpu.enqueue_dma source(%dma_start3A_56 : memref<64x200xi32, #tpu.memory_space<hbm>>) target(%arg5 : memref<64x200xi32, #tpu.memory_space<vmem>>) target_semaphore(%arg13 : memref<!tpu.dma_semaphore, #tpu.memory_space<semaphore_mem>>)
    %dma_wait3A_57 = arith.constant 0 : i32
    %dma_wait3A_58 = tpu.memref_slice %arg11[%dma_wait3A_57] : memref<1000000xf32, #tpu.memory_space<vmem_shared>> -> memref<1000000xf32, #tpu.memory_space<vmem_shared>>
    tpu.wait_indirect_dma semaphore(%arg14 : memref<!tpu.dma_semaphore, #tpu.memory_space<semaphore_mem>>) src(%dma_wait3A_58 : memref<1000000xf32, #tpu.memory_space<vmem_shared>>) dst(%arg8 : memref<12800xf32, #tpu.memory_space<vmem>>)
    %scan3A_59 = arith.constant 0 : i32
    %scan3A_60 = arith.constant 0 : i32
    %scan3A_61 = arith.constant 4 : i32
    %scan3A_62 = arith.addi %scan3A_60, %scan3A_61 : i32
    %scan3A_63 = arith.constant 1 : i32
    scf.for %scan3A_291 = %scan3A_60 to %scan3A_62 step %scan3A_63  : i32 {
      %mul3A_292 = arith.constant 16 : i32
      %mul3A_293 = arith.muli %scan3A_291, %mul3A_292 : i32
      %add3A_294 = vector.broadcast %mul3A_293 : i32 to vector<16xi32>
      %add3A_295 = arith.addi %add3A_294, %iota3A : vector<16xi32>
      %mul3A_296 = arith.constant 200 : i32
      %mul3A_297 = vector.broadcast %mul3A_296 : i32 to vector<16xi32>
      %mul3A_298 = arith.muli %add3A_295, %mul3A_297 : vector<16xi32>
      %broadcast_in_dim3A_299 = arith.constant 0.000000e+00 : f32
      %broadcast_in_dim3A_300 = vector.broadcast %broadcast_in_dim3A_299 : f32 to vector<16xf32>
      %broadcast_in_dim3A_301 = arith.constant 0.000000e+00 : f32
      %broadcast_in_dim3A_302 = vector.broadcast %broadcast_in_dim3A_301 : f32 to vector<16xf32>
      %broadcast_in_dim3A_303 = arith.constant 0.000000e+00 : f32
      %broadcast_in_dim3A_304 = vector.broadcast %broadcast_in_dim3A_303 : f32 to vector<16xf32>
      %broadcast_in_dim3A_305 = arith.constant 0.000000e+00 : f32
      %broadcast_in_dim3A_306 = vector.broadcast %broadcast_in_dim3A_305 : f32 to vector<16xf32>
      %broadcast_in_dim3A_307 = arith.constant 0.000000e+00 : f32
      %broadcast_in_dim3A_308 = vector.broadcast %broadcast_in_dim3A_307 : f32 to vector<16xf32>
      %broadcast_in_dim3A_309 = arith.constant 0.000000e+00 : f32
      %broadcast_in_dim3A_310 = vector.broadcast %broadcast_in_dim3A_309 : f32 to vector<16xf32>
      %broadcast_in_dim3A_311 = arith.constant 0.000000e+00 : f32
      %broadcast_in_dim3A_312 = vector.broadcast %broadcast_in_dim3A_311 : f32 to vector<16xf32>
      %broadcast_in_dim3A_313 = arith.constant 0.000000e+00 : f32
      %broadcast_in_dim3A_314 = vector.broadcast %broadcast_in_dim3A_313 : f32 to vector<16xf32>
      %scan3A_315 = arith.constant 0 : i32
      %scan3A_316 = arith.constant 25 : i32
      %scan3A_317 = arith.addi %scan3A_315, %scan3A_316 : i32
      %scan3A_318 = arith.constant 1 : i32
      %scan3A_319:8 = scf.for %scan3A_338 = %scan3A_315 to %scan3A_317 step %scan3A_318 iter_args(%scan3A_339 = %broadcast_in_dim3A_300, %scan3A_340 = %broadcast_in_dim3A_302, %scan3A_341 = %broadcast_in_dim3A_304, %scan3A_342 = %broadcast_in_dim3A_306, %scan3A_343 = %broadcast_in_dim3A_308, %scan3A_344 = %broadcast_in_dim3A_310, %scan3A_345 = %broadcast_in_dim3A_312, %scan3A_346 = %broadcast_in_dim3A_314) -> (vector<16xf32>, vector<16xf32>, vector<16xf32>, vector<16xf32>, vector<16xf32>, vector<16xf32>, vector<16xf32>, vector<16xf32>)  : i32 {
        %mul3A_347 = arith.constant 8 : i32
        %mul3A_348 = arith.muli %scan3A_338, %mul3A_347 : i32
        %add3A_349 = arith.constant 0 : i32
        %add3A_350 = arith.addi %mul3A_348, %add3A_349 : i32
        %add3A_351 = vector.broadcast %add3A_350 : i32 to vector<16xi32>
        %add3A_352 = arith.addi %mul3A_298, %add3A_351 : vector<16xi32>
        %gather3A = tpu.vector_load_idx %arg8[%add3A_352] : memref<12800xf32, #tpu.memory_space<vmem>>[vector<16xi32>], vector<16xf32>,
        %add3A_353 = arith.addf %scan3A_339, %gather3A : vector<16xf32>
        %add3A_354 = arith.constant 1 : i32
        %add3A_355 = arith.addi %mul3A_348, %add3A_354 : i32
        %add3A_356 = vector.broadcast %add3A_355 : i32 to vector<16xi32>
        %add3A_357 = arith.addi %mul3A_298, %add3A_356 : vector<16xi32>
        %gather3A_358 = tpu.vector_load_idx %arg8[%add3A_357] : memref<12800xf32, #tpu.memory_space<vmem>>[vector<16xi32>], vector<16xf32>,
        %add3A_359 = arith.addf %scan3A_340, %gather3A_358 : vector<16xf32>
        %add3A_360 = arith.constant 2 : i32
        %add3A_361 = arith.addi %mul3A_348, %add3A_360 : i32
        %add3A_362 = vector.broadcast %add3A_361 : i32 to vector<16xi32>
        %add3A_363 = arith.addi %mul3A_298, %add3A_362 : vector<16xi32>
        %gather3A_364 = tpu.vector_load_idx %arg8[%add3A_363] : memref<12800xf32, #tpu.memory_space<vmem>>[vector<16xi32>], vector<16xf32>,
        %add3A_365 = arith.addf %scan3A_341, %gather3A_364 : vector<16xf32>
        %add3A_366 = arith.constant 3 : i32
        %add3A_367 = arith.addi %mul3A_348, %add3A_366 : i32
        %add3A_368 = vector.broadcast %add3A_367 : i32 to vector<16xi32>
        %add3A_369 = arith.addi %mul3A_298, %add3A_368 : vector<16xi32>
        %gather3A_370 = tpu.vector_load_idx %arg8[%add3A_369] : memref<12800xf32, #tpu.memory_space<vmem>>[vector<16xi32>], vector<16xf32>,
        %add3A_371 = arith.addf %scan3A_342, %gather3A_370 : vector<16xf32>
        %add3A_372 = arith.constant 4 : i32
        %add3A_373 = arith.addi %mul3A_348, %add3A_372 : i32
        %add3A_374 = vector.broadcast %add3A_373 : i32 to vector<16xi32>
        %add3A_375 = arith.addi %mul3A_298, %add3A_374 : vector<16xi32>
        %gather3A_376 = tpu.vector_load_idx %arg8[%add3A_375] : memref<12800xf32, #tpu.memory_space<vmem>>[vector<16xi32>], vector<16xf32>,
        %add3A_377 = arith.addf %scan3A_343, %gather3A_376 : vector<16xf32>
        %add3A_378 = arith.constant 5 : i32
        %add3A_379 = arith.addi %mul3A_348, %add3A_378 : i32
        %add3A_380 = vector.broadcast %add3A_379 : i32 to vector<16xi32>
        %add3A_381 = arith.addi %mul3A_298, %add3A_380 : vector<16xi32>
        %gather3A_382 = tpu.vector_load_idx %arg8[%add3A_381] : memref<12800xf32, #tpu.memory_space<vmem>>[vector<16xi32>], vector<16xf32>,
        %add3A_383 = arith.addf %scan3A_344, %gather3A_382 : vector<16xf32>
        %add3A_384 = arith.constant 6 : i32
        %add3A_385 = arith.addi %mul3A_348, %add3A_384 : i32
        %add3A_386 = vector.broadcast %add3A_385 : i32 to vector<16xi32>
        %add3A_387 = arith.addi %mul3A_298, %add3A_386 : vector<16xi32>
        %gather3A_388 = tpu.vector_load_idx %arg8[%add3A_387] : memref<12800xf32, #tpu.memory_space<vmem>>[vector<16xi32>], vector<16xf32>,
        %add3A_389 = arith.addf %scan3A_345, %gather3A_388 : vector<16xf32>
        %add3A_390 = arith.constant 7 : i32
        %add3A_391 = arith.addi %mul3A_348, %add3A_390 : i32
        %add3A_392 = vector.broadcast %add3A_391 : i32 to vector<16xi32>
        %add3A_393 = arith.addi %mul3A_298, %add3A_392 : vector<16xi32>
        %gather3A_394 = tpu.vector_load_idx %arg8[%add3A_393] : memref<12800xf32, #tpu.memory_space<vmem>>[vector<16xi32>], vector<16xf32>,
        %add3A_395 = arith.addf %scan3A_346, %gather3A_394 : vector<16xf32>
        scf.yield %add3A_353, %add3A_359, %add3A_365, %add3A_371, %add3A_377, %add3A_383, %add3A_389, %add3A_395 : vector<16xf32>, vector<16xf32>, vector<16xf32>, vector<16xf32>, vector<16xf32>, vector<16xf32>, vector<16xf32>, vector<16xf32>
      }
      %scan3A_320 = arith.constant 25 : i32
      %add3A_321 = arith.addf %scan3A_319#0, %scan3A_319#1 : vector<16xf32>
      %add3A_322 = arith.addf %scan3A_319#2, %scan3A_319#3 : vector<16xf32>
      %add3A_323 = arith.addf %add3A_321, %add3A_322 : vector<16xf32>
      %add3A_324 = arith.addf %scan3A_319#4, %scan3A_319#5 : vector<16xf32>
      %add3A_325 = arith.addf %scan3A_319#6, %scan3A_319#7 : vector<16xf32>
      %add3A_326 = arith.addf %add3A_324, %add3A_325 : vector<16xf32>
      %add3A_327 = arith.addf %add3A_323, %add3A_326 : vector<16xf32>
      %neg3A = arith.constant 0.000000e+00 : f32
      %neg3A_328 = vector.broadcast %neg3A : f32 to vector<16xf32>
      %neg3A_329 = arith.subf %neg3A_328, %add3A_327 : vector<16xf32>
      %exp3A = math.exp %neg3A_329 : vector<16xf32>
      %add3A_330 = arith.constant 1.000000e+00 : f32
      %add3A_331 = vector.broadcast %add3A_330 : f32 to vector<16xf32>
      %add3A_332 = arith.addf %add3A_331, %exp3A : vector<16xf32>
      %div3A = arith.constant 1.000000e+00 : f32
      %div3A_333 = vector.broadcast %div3A : f32 to vector<16xf32>
      %div3A_334 = arith.divf %div3A_333, %add3A_332 : vector<16xf32>
      %mul3A_335 = arith.constant 16 : i32
      %mul3A_336 = arith.muli %scan3A_291, %mul3A_335 : i32
      %swap3A = arith.index_cast %mul3A_336 : i32 to index
      %swap3A_337 = tpu.vector_load %arg10[%swap3A] {strides = array<i32>} : memref<64xf32, #tpu.memory_space<vmem>>, vector<16xf32>,
      tpu.vector_store %arg10[%swap3A], %div3A_334 {strides = array<i32>} : memref<64xf32, #tpu.memory_space<vmem>>, vector<16xf32>,
    }
    %scan3A_64 = arith.constant 4 : i32
    %mul3A_65 = arith.constant 8 : i32
    %mul3A_66 = arith.muli %add3A, %mul3A_65 : i32
    %add3A_67 = arith.constant 0 : i32
    %add3A_68 = arith.addi %mul3A_66, %add3A_67 : i32
    %mul3A_69 = arith.constant 64 : i32
    %mul3A_70 = arith.muli %add3A_68, %mul3A_69 : i32
    "tpu.region"() ({
      %run_scoped3A = tpu.sem_alloc : memref<!tpu.dma_semaphore, #tpu.memory_space<semaphore_mem>>
      %dma_start3A_291 = tpu.memref_slice %arg4[%mul3A_70] : memref<16384xf32, #tpu.memory_space<hbm>> -> memref<64xf32, #tpu.memory_space<hbm>>
      %dma_start3A_292 = tpu.memref_slice %arg4[%mul3A_70] : memref<16384xf32, #tpu.memory_space<hbm>> -> memref<64xf32, #tpu.memory_space<hbm>>
      tpu.enqueue_dma source(%arg10 : memref<64xf32, #tpu.memory_space<vmem>>) target(%dma_start3A_292 : memref<64xf32, #tpu.memory_space<hbm>>) target_semaphore(%run_scoped3A : memref<!tpu.dma_semaphore, #tpu.memory_space<semaphore_mem>>)
      %dma_wait3A_293 = tpu.memref_slice %arg4[%mul3A_70] : memref<16384xf32, #tpu.memory_space<hbm>> -> memref<64xf32, #tpu.memory_space<hbm>>
      %dma_wait3A_294 = tpu.memref_slice %arg4[%mul3A_70] : memref<16384xf32, #tpu.memory_space<hbm>> -> memref<64xf32, #tpu.memory_space<hbm>>
      tpu.wait_dma2 semaphore(%run_scoped3A : memref<!tpu.dma_semaphore, #tpu.memory_space<semaphore_mem>>) src(%arg10 : memref<64xf32, #tpu.memory_space<vmem>>) dst(%dma_wait3A_294 : memref<64xf32, #tpu.memory_space<hbm>>)
      tpu.yield
    }) : () -> ()
    %dma_wait3A_71 = arith.constant 0 : i32
    %dma_wait3A_72 = tpu.memref_slice %arg3[%mul3A_52, %dma_wait3A_71] : memref<16384x200xi32, #tpu.memory_space<hbm>> -> memref<64x200xi32, #tpu.memory_space<hbm>>
    %dma_wait3A_73 = arith.constant 0 : i32
    %dma_wait3A_74 = tpu.memref_slice %arg3[%mul3A_52, %dma_wait3A_73] : memref<16384x200xi32, #tpu.memory_space<hbm>> -> memref<64x200xi32, #tpu.memory_space<hbm>>
    tpu.wait_dma2 semaphore(%arg13 : memref<!tpu.dma_semaphore, #tpu.memory_space<semaphore_mem>>) src(%dma_wait3A_74 : memref<64x200xi32, #tpu.memory_space<hbm>>) dst(%arg5 : memref<64x200xi32, #tpu.memory_space<vmem>>)
    %scan3A_75 = arith.constant 0 : i32
    %scan3A_76 = arith.constant 0 : i32
    %scan3A_77 = arith.constant 64 : i32
    %scan3A_78 = arith.addi %scan3A_76, %scan3A_77 : i32
    %scan3A_79 = arith.constant 1 : i32
    scf.for %scan3A_291 = %scan3A_76 to %scan3A_78 step %scan3A_79  : i32 {
      %broadcast_in_dim3A_292 = arith.constant 0 : i32
      %broadcast_in_dim3A_293 = vector.broadcast %broadcast_in_dim3A_292 : i32 to vector<16xi32>
      %add3A_294 = vector.broadcast %scan3A_291 : i32 to vector<16xi32>
      %add3A_295 = arith.addi %broadcast_in_dim3A_293, %add3A_294 : vector<16xi32>
      %add3A_296 = arith.constant 0 : i32
      %add3A_297 = vector.broadcast %add3A_296 : i32 to vector<16xi32>
      %add3A_298 = arith.addi %add3A_297, %iota3A : vector<16xi32>
      %gather3A = tpu.vector_load_idx %arg5[%add3A_295, %add3A_298] : memref<64x200xi32, #tpu.memory_space<vmem>>[vector<16xi32>, vector<16xi32>], vector<16xi32>,
      %mul3A_299 = arith.constant 200 : i32
      %mul3A_300 = arith.muli %scan3A_291, %mul3A_299 : i32
      %add3A_301 = arith.constant 0 : i32
      %add3A_302 = arith.addi %mul3A_300, %add3A_301 : i32
      %swap3A = arith.index_cast %add3A_302 : i32 to index
      %swap3A_303 = tpu.vector_load %arg6[%swap3A] {strides = array<i32>} : memref<12800xi32, #tpu.memory_space<vmem>>, vector<16xi32>,
      tpu.vector_store %arg6[%swap3A], %gather3A {strides = array<i32>} : memref<12800xi32, #tpu.memory_space<vmem>>, vector<16xi32>,
      %add3A_304 = arith.constant 16 : i32
      %add3A_305 = vector.broadcast %add3A_304 : i32 to vector<16xi32>
      %add3A_306 = arith.addi %add3A_305, %iota3A : vector<16xi32>
      %gather3A_307 = tpu.vector_load_idx %arg5[%add3A_295, %add3A_306] : memref<64x200xi32, #tpu.memory_space<vmem>>[vector<16xi32>, vector<16xi32>], vector<16xi32>,
      %mul3A_308 = arith.constant 200 : i32
      %mul3A_309 = arith.muli %scan3A_291, %mul3A_308 : i32
      %add3A_310 = arith.constant 16 : i32
      %add3A_311 = arith.addi %mul3A_309, %add3A_310 : i32
      %swap3A_312 = arith.index_cast %add3A_311 : i32 to index
      %swap3A_313 = tpu.vector_load %arg6[%swap3A_312] {strides = array<i32>} : memref<12800xi32, #tpu.memory_space<vmem>>, vector<16xi32>,
      tpu.vector_store %arg6[%swap3A_312], %gather3A_307 {strides = array<i32>} : memref<12800xi32, #tpu.memory_space<vmem>>, vector<16xi32>,
      %add3A_314 = arith.constant 32 : i32
      %add3A_315 = vector.broadcast %add3A_314 : i32 to vector<16xi32>
      %add3A_316 = arith.addi %add3A_315, %iota3A : vector<16xi32>
      %gather3A_317 = tpu.vector_load_idx %arg5[%add3A_295, %add3A_316] : memref<64x200xi32, #tpu.memory_space<vmem>>[vector<16xi32>, vector<16xi32>], vector<16xi32>,
      %mul3A_318 = arith.constant 200 : i32
      %mul3A_319 = arith.muli %scan3A_291, %mul3A_318 : i32
      %add3A_320 = arith.constant 32 : i32
      %add3A_321 = arith.addi %mul3A_319, %add3A_320 : i32
      %swap3A_322 = arith.index_cast %add3A_321 : i32 to index
      %swap3A_323 = tpu.vector_load %arg6[%swap3A_322] {strides = array<i32>} : memref<12800xi32, #tpu.memory_space<vmem>>, vector<16xi32>,
      tpu.vector_store %arg6[%swap3A_322], %gather3A_317 {strides = array<i32>} : memref<12800xi32, #tpu.memory_space<vmem>>, vector<16xi32>,
      %add3A_324 = arith.constant 48 : i32
      %add3A_325 = vector.broadcast %add3A_324 : i32 to vector<16xi32>
      %add3A_326 = arith.addi %add3A_325, %iota3A : vector<16xi32>
      %gather3A_327 = tpu.vector_load_idx %arg5[%add3A_295, %add3A_326] : memref<64x200xi32, #tpu.memory_space<vmem>>[vector<16xi32>, vector<16xi32>], vector<16xi32>,
      %mul3A_328 = arith.constant 200 : i32
      %mul3A_329 = arith.muli %scan3A_291, %mul3A_328 : i32
      %add3A_330 = arith.constant 48 : i32
      %add3A_331 = arith.addi %mul3A_329, %add3A_330 : i32
      %swap3A_332 = arith.index_cast %add3A_331 : i32 to index
      %swap3A_333 = tpu.vector_load %arg6[%swap3A_332] {strides = array<i32>} : memref<12800xi32, #tpu.memory_space<vmem>>, vector<16xi32>,
      tpu.vector_store %arg6[%swap3A_332], %gather3A_327 {strides = array<i32>} : memref<12800xi32, #tpu.memory_space<vmem>>, vector<16xi32>,
      %add3A_334 = arith.constant 64 : i32
      %add3A_335 = vector.broadcast %add3A_334 : i32 to vector<16xi32>
      %add3A_336 = arith.addi %add3A_335, %iota3A : vector<16xi32>
      %gather3A_337 = tpu.vector_load_idx %arg5[%add3A_295, %add3A_336] : memref<64x200xi32, #tpu.memory_space<vmem>>[vector<16xi32>, vector<16xi32>], vector<16xi32>,
      %mul3A_338 = arith.constant 200 : i32
      %mul3A_339 = arith.muli %scan3A_291, %mul3A_338 : i32
      %add3A_340 = arith.constant 64 : i32
      %add3A_341 = arith.addi %mul3A_339, %add3A_340 : i32
      %swap3A_342 = arith.index_cast %add3A_341 : i32 to index
      %swap3A_343 = tpu.vector_load %arg6[%swap3A_342] {strides = array<i32>} : memref<12800xi32, #tpu.memory_space<vmem>>, vector<16xi32>,
      tpu.vector_store %arg6[%swap3A_342], %gather3A_337 {strides = array<i32>} : memref<12800xi32, #tpu.memory_space<vmem>>, vector<16xi32>,
      %add3A_344 = arith.constant 80 : i32
      %add3A_345 = vector.broadcast %add3A_344 : i32 to vector<16xi32>
      %add3A_346 = arith.addi %add3A_345, %iota3A : vector<16xi32>
      %gather3A_347 = tpu.vector_load_idx %arg5[%add3A_295, %add3A_346] : memref<64x200xi32, #tpu.memory_space<vmem>>[vector<16xi32>, vector<16xi32>], vector<16xi32>,
      %mul3A_348 = arith.constant 200 : i32
      %mul3A_349 = arith.muli %scan3A_291, %mul3A_348 : i32
      %add3A_350 = arith.constant 80 : i32
      %add3A_351 = arith.addi %mul3A_349, %add3A_350 : i32
      %swap3A_352 = arith.index_cast %add3A_351 : i32 to index
      %swap3A_353 = tpu.vector_load %arg6[%swap3A_352] {strides = array<i32>} : memref<12800xi32, #tpu.memory_space<vmem>>, vector<16xi32>,
      tpu.vector_store %arg6[%swap3A_352], %gather3A_347 {strides = array<i32>} : memref<12800xi32, #tpu.memory_space<vmem>>, vector<16xi32>,
      %add3A_354 = arith.constant 96 : i32
      %add3A_355 = vector.broadcast %add3A_354 : i32 to vector<16xi32>
      %add3A_356 = arith.addi %add3A_355, %iota3A : vector<16xi32>
      %gather3A_357 = tpu.vector_load_idx %arg5[%add3A_295, %add3A_356] : memref<64x200xi32, #tpu.memory_space<vmem>>[vector<16xi32>, vector<16xi32>], vector<16xi32>,
      %mul3A_358 = arith.constant 200 : i32
      %mul3A_359 = arith.muli %scan3A_291, %mul3A_358 : i32
      %add3A_360 = arith.constant 96 : i32
      %add3A_361 = arith.addi %mul3A_359, %add3A_360 : i32
      %swap3A_362 = arith.index_cast %add3A_361 : i32 to index
      %swap3A_363 = tpu.vector_load %arg6[%swap3A_362] {strides = array<i32>} : memref<12800xi32, #tpu.memory_space<vmem>>, vector<16xi32>,
      tpu.vector_store %arg6[%swap3A_362], %gather3A_357 {strides = array<i32>} : memref<12800xi32, #tpu.memory_space<vmem>>, vector<16xi32>,
      %add3A_364 = arith.constant 112 : i32
      %add3A_365 = vector.broadcast %add3A_364 : i32 to vector<16xi32>
      %add3A_366 = arith.addi %add3A_365, %iota3A : vector<16xi32>
      %gather3A_367 = tpu.vector_load_idx %arg5[%add3A_295, %add3A_366] : memref<64x200xi32, #tpu.memory_space<vmem>>[vector<16xi32>, vector<16xi32>], vector<16xi32>,
      %mul3A_368 = arith.constant 200 : i32
      %mul3A_369 = arith.muli %scan3A_291, %mul3A_368 : i32
      %add3A_370 = arith.constant 112 : i32
      %add3A_371 = arith.addi %mul3A_369, %add3A_370 : i32
      %swap3A_372 = arith.index_cast %add3A_371 : i32 to index
      %swap3A_373 = tpu.vector_load %arg6[%swap3A_372] {strides = array<i32>} : memref<12800xi32, #tpu.memory_space<vmem>>, vector<16xi32>,
      tpu.vector_store %arg6[%swap3A_372], %gather3A_367 {strides = array<i32>} : memref<12800xi32, #tpu.memory_space<vmem>>, vector<16xi32>,
      %add3A_374 = arith.constant 128 : i32
      %add3A_375 = vector.broadcast %add3A_374 : i32 to vector<16xi32>
      %add3A_376 = arith.addi %add3A_375, %iota3A : vector<16xi32>
      %gather3A_377 = tpu.vector_load_idx %arg5[%add3A_295, %add3A_376] : memref<64x200xi32, #tpu.memory_space<vmem>>[vector<16xi32>, vector<16xi32>], vector<16xi32>,
      %mul3A_378 = arith.constant 200 : i32
      %mul3A_379 = arith.muli %scan3A_291, %mul3A_378 : i32
      %add3A_380 = arith.constant 128 : i32
      %add3A_381 = arith.addi %mul3A_379, %add3A_380 : i32
      %swap3A_382 = arith.index_cast %add3A_381 : i32 to index
      %swap3A_383 = tpu.vector_load %arg6[%swap3A_382] {strides = array<i32>} : memref<12800xi32, #tpu.memory_space<vmem>>, vector<16xi32>,
      tpu.vector_store %arg6[%swap3A_382], %gather3A_377 {strides = array<i32>} : memref<12800xi32, #tpu.memory_space<vmem>>, vector<16xi32>,
      %add3A_384 = arith.constant 144 : i32
      %add3A_385 = vector.broadcast %add3A_384 : i32 to vector<16xi32>
      %add3A_386 = arith.addi %add3A_385, %iota3A : vector<16xi32>
      %gather3A_387 = tpu.vector_load_idx %arg5[%add3A_295, %add3A_386] : memref<64x200xi32, #tpu.memory_space<vmem>>[vector<16xi32>, vector<16xi32>], vector<16xi32>,
      %mul3A_388 = arith.constant 200 : i32
      %mul3A_389 = arith.muli %scan3A_291, %mul3A_388 : i32
      %add3A_390 = arith.constant 144 : i32
      %add3A_391 = arith.addi %mul3A_389, %add3A_390 : i32
      %swap3A_392 = arith.index_cast %add3A_391 : i32 to index
      %swap3A_393 = tpu.vector_load %arg6[%swap3A_392] {strides = array<i32>} : memref<12800xi32, #tpu.memory_space<vmem>>, vector<16xi32>,
      tpu.vector_store %arg6[%swap3A_392], %gather3A_387 {strides = array<i32>} : memref<12800xi32, #tpu.memory_space<vmem>>, vector<16xi32>,
      %add3A_394 = arith.constant 160 : i32
      %add3A_395 = vector.broadcast %add3A_394 : i32 to vector<16xi32>
      %add3A_396 = arith.addi %add3A_395, %iota3A : vector<16xi32>
      %gather3A_397 = tpu.vector_load_idx %arg5[%add3A_295, %add3A_396] : memref<64x200xi32, #tpu.memory_space<vmem>>[vector<16xi32>, vector<16xi32>], vector<16xi32>,
      %mul3A_398 = arith.constant 200 : i32
      %mul3A_399 = arith.muli %scan3A_291, %mul3A_398 : i32
      %add3A_400 = arith.constant 160 : i32
      %add3A_401 = arith.addi %mul3A_399, %add3A_400 : i32
      %swap3A_402 = arith.index_cast %add3A_401 : i32 to index
      %swap3A_403 = tpu.vector_load %arg6[%swap3A_402] {strides = array<i32>} : memref<12800xi32, #tpu.memory_space<vmem>>, vector<16xi32>,
      tpu.vector_store %arg6[%swap3A_402], %gather3A_397 {strides = array<i32>} : memref<12800xi32, #tpu.memory_space<vmem>>, vector<16xi32>,
      %add3A_404 = arith.constant 176 : i32
      %add3A_405 = vector.broadcast %add3A_404 : i32 to vector<16xi32>
      %add3A_406 = arith.addi %add3A_405, %iota3A : vector<16xi32>
      %gather3A_407 = tpu.vector_load_idx %arg5[%add3A_295, %add3A_406] : memref<64x200xi32, #tpu.memory_space<vmem>>[vector<16xi32>, vector<16xi32>], vector<16xi32>,
      %mul3A_408 = arith.constant 200 : i32
      %mul3A_409 = arith.muli %scan3A_291, %mul3A_408 : i32
      %add3A_410 = arith.constant 176 : i32
      %add3A_411 = arith.addi %mul3A_409, %add3A_410 : i32
      %swap3A_412 = arith.index_cast %add3A_411 : i32 to index
      %swap3A_413 = tpu.vector_load %arg6[%swap3A_412] {strides = array<i32>} : memref<12800xi32, #tpu.memory_space<vmem>>, vector<16xi32>,
      tpu.vector_store %arg6[%swap3A_412], %gather3A_407 {strides = array<i32>} : memref<12800xi32, #tpu.memory_space<vmem>>, vector<16xi32>,
      %add3A_414 = arith.constant 184 : i32
      %add3A_415 = vector.broadcast %add3A_414 : i32 to vector<16xi32>
      %add3A_416 = arith.addi %add3A_415, %iota3A : vector<16xi32>
      %gather3A_417 = tpu.vector_load_idx %arg5[%add3A_295, %add3A_416] : memref<64x200xi32, #tpu.memory_space<vmem>>[vector<16xi32>, vector<16xi32>], vector<16xi32>,
      %mul3A_418 = arith.constant 200 : i32
      %mul3A_419 = arith.muli %scan3A_291, %mul3A_418 : i32
      %add3A_420 = arith.constant 200 : i32
      %add3A_421 = arith.addi %mul3A_419, %add3A_420 : i32
      %sub3A = arith.constant 16 : i32
      %sub3A_422 = arith.subi %add3A_421, %sub3A : i32
      %swap3A_423 = arith.index_cast %sub3A_422 : i32 to index
      %swap3A_424 = tpu.vector_load %arg6[%swap3A_423] {strides = array<i32>} : memref<12800xi32, #tpu.memory_space<vmem>>, vector<16xi32>,
      tpu.vector_store %arg6[%swap3A_423], %gather3A_417 {strides = array<i32>} : memref<12800xi32, #tpu.memory_space<vmem>>, vector<16xi32>,
    }
    %scan3A_80 = arith.constant 64 : i32
    %dma_start3A_81 = arith.constant 0 : i32
    %dma_start3A_82 = tpu.memref_slice %arg11[%dma_start3A_81] : memref<1000000xf32, #tpu.memory_space<vmem_shared>> -> memref<1000000xf32, #tpu.memory_space<vmem_shared>>
    tpu.enqueue_indirect_dma source(%dma_start3A_82 : memref<1000000xf32, #tpu.memory_space<vmem_shared>>) target(%arg8 : memref<12800xf32, #tpu.memory_space<vmem>>) offsets(%arg6 : memref<12800xi32, #tpu.memory_space<vmem>>) semaphore(%arg14 : memref<!tpu.dma_semaphore, #tpu.memory_space<semaphore_mem>>)
    %mul3A_83 = arith.constant 8 : i32
    %mul3A_84 = arith.muli %add3A, %mul3A_83 : i32
    %add3A_85 = arith.constant 3 : i32
    %add3A_86 = arith.addi %mul3A_84, %add3A_85 : i32
    %mul3A_87 = arith.constant 64 : i32
    %mul3A_88 = arith.muli %add3A_86, %mul3A_87 : i32
    %dma_start3A_89 = arith.constant 0 : i32
    %dma_start3A_90 = tpu.memref_slice %arg3[%mul3A_88, %dma_start3A_89] : memref<16384x200xi32, #tpu.memory_space<hbm>> -> memref<64x200xi32, #tpu.memory_space<hbm>>
    %dma_start3A_91 = arith.constant 0 : i32
    %dma_start3A_92 = tpu.memref_slice %arg3[%mul3A_88, %dma_start3A_91] : memref<16384x200xi32, #tpu.memory_space<hbm>> -> memref<64x200xi32, #tpu.memory_space<hbm>>
    tpu.enqueue_dma source(%dma_start3A_92 : memref<64x200xi32, #tpu.memory_space<hbm>>) target(%arg5 : memref<64x200xi32, #tpu.memory_space<vmem>>) target_semaphore(%arg12 : memref<!tpu.dma_semaphore, #tpu.memory_space<semaphore_mem>>)
    %dma_wait3A_93 = arith.constant 0 : i32
    %dma_wait3A_94 = tpu.memref_slice %arg11[%dma_wait3A_93] : memref<1000000xf32, #tpu.memory_space<vmem_shared>> -> memref<1000000xf32, #tpu.memory_space<vmem_shared>>
    tpu.wait_indirect_dma semaphore(%arg15 : memref<!tpu.dma_semaphore, #tpu.memory_space<semaphore_mem>>) src(%dma_wait3A_94 : memref<1000000xf32, #tpu.memory_space<vmem_shared>>) dst(%arg9 : memref<12800xf32, #tpu.memory_space<vmem>>)
    %scan3A_95 = arith.constant 0 : i32
    %scan3A_96 = arith.constant 0 : i32
    %scan3A_97 = arith.constant 4 : i32
    %scan3A_98 = arith.addi %scan3A_96, %scan3A_97 : i32
    %scan3A_99 = arith.constant 1 : i32
    scf.for %scan3A_291 = %scan3A_96 to %scan3A_98 step %scan3A_99  : i32 {
      %mul3A_292 = arith.constant 16 : i32
      %mul3A_293 = arith.muli %scan3A_291, %mul3A_292 : i32
      %add3A_294 = vector.broadcast %mul3A_293 : i32 to vector<16xi32>
      %add3A_295 = arith.addi %add3A_294, %iota3A : vector<16xi32>
      %mul3A_296 = arith.constant 200 : i32
      %mul3A_297 = vector.broadcast %mul3A_296 : i32 to vector<16xi32>
      %mul3A_298 = arith.muli %add3A_295, %mul3A_297 : vector<16xi32>
      %broadcast_in_dim3A_299 = arith.constant 0.000000e+00 : f32
      %broadcast_in_dim3A_300 = vector.broadcast %broadcast_in_dim3A_299 : f32 to vector<16xf32>
      %broadcast_in_dim3A_301 = arith.constant 0.000000e+00 : f32
      %broadcast_in_dim3A_302 = vector.broadcast %broadcast_in_dim3A_301 : f32 to vector<16xf32>
      %broadcast_in_dim3A_303 = arith.constant 0.000000e+00 : f32
      %broadcast_in_dim3A_304 = vector.broadcast %broadcast_in_dim3A_303 : f32 to vector<16xf32>
      %broadcast_in_dim3A_305 = arith.constant 0.000000e+00 : f32
      %broadcast_in_dim3A_306 = vector.broadcast %broadcast_in_dim3A_305 : f32 to vector<16xf32>
      %broadcast_in_dim3A_307 = arith.constant 0.000000e+00 : f32
      %broadcast_in_dim3A_308 = vector.broadcast %broadcast_in_dim3A_307 : f32 to vector<16xf32>
      %broadcast_in_dim3A_309 = arith.constant 0.000000e+00 : f32
      %broadcast_in_dim3A_310 = vector.broadcast %broadcast_in_dim3A_309 : f32 to vector<16xf32>
      %broadcast_in_dim3A_311 = arith.constant 0.000000e+00 : f32
      %broadcast_in_dim3A_312 = vector.broadcast %broadcast_in_dim3A_311 : f32 to vector<16xf32>
      %broadcast_in_dim3A_313 = arith.constant 0.000000e+00 : f32
      %broadcast_in_dim3A_314 = vector.broadcast %broadcast_in_dim3A_313 : f32 to vector<16xf32>
      %scan3A_315 = arith.constant 0 : i32
      %scan3A_316 = arith.constant 25 : i32
      %scan3A_317 = arith.addi %scan3A_315, %scan3A_316 : i32
      %scan3A_318 = arith.constant 1 : i32
      %scan3A_319:8 = scf.for %scan3A_338 = %scan3A_315 to %scan3A_317 step %scan3A_318 iter_args(%scan3A_339 = %broadcast_in_dim3A_300, %scan3A_340 = %broadcast_in_dim3A_302, %scan3A_341 = %broadcast_in_dim3A_304, %scan3A_342 = %broadcast_in_dim3A_306, %scan3A_343 = %broadcast_in_dim3A_308, %scan3A_344 = %broadcast_in_dim3A_310, %scan3A_345 = %broadcast_in_dim3A_312, %scan3A_346 = %broadcast_in_dim3A_314) -> (vector<16xf32>, vector<16xf32>, vector<16xf32>, vector<16xf32>, vector<16xf32>, vector<16xf32>, vector<16xf32>, vector<16xf32>)  : i32 {
        %mul3A_347 = arith.constant 8 : i32
        %mul3A_348 = arith.muli %scan3A_338, %mul3A_347 : i32
        %add3A_349 = arith.constant 0 : i32
        %add3A_350 = arith.addi %mul3A_348, %add3A_349 : i32
        %add3A_351 = vector.broadcast %add3A_350 : i32 to vector<16xi32>
        %add3A_352 = arith.addi %mul3A_298, %add3A_351 : vector<16xi32>
        %gather3A = tpu.vector_load_idx %arg9[%add3A_352] : memref<12800xf32, #tpu.memory_space<vmem>>[vector<16xi32>], vector<16xf32>,
        %add3A_353 = arith.addf %scan3A_339, %gather3A : vector<16xf32>
        %add3A_354 = arith.constant 1 : i32
        %add3A_355 = arith.addi %mul3A_348, %add3A_354 : i32
        %add3A_356 = vector.broadcast %add3A_355 : i32 to vector<16xi32>
        %add3A_357 = arith.addi %mul3A_298, %add3A_356 : vector<16xi32>
        %gather3A_358 = tpu.vector_load_idx %arg9[%add3A_357] : memref<12800xf32, #tpu.memory_space<vmem>>[vector<16xi32>], vector<16xf32>,
        %add3A_359 = arith.addf %scan3A_340, %gather3A_358 : vector<16xf32>
        %add3A_360 = arith.constant 2 : i32
        %add3A_361 = arith.addi %mul3A_348, %add3A_360 : i32
        %add3A_362 = vector.broadcast %add3A_361 : i32 to vector<16xi32>
        %add3A_363 = arith.addi %mul3A_298, %add3A_362 : vector<16xi32>
        %gather3A_364 = tpu.vector_load_idx %arg9[%add3A_363] : memref<12800xf32, #tpu.memory_space<vmem>>[vector<16xi32>], vector<16xf32>,
        %add3A_365 = arith.addf %scan3A_341, %gather3A_364 : vector<16xf32>
        %add3A_366 = arith.constant 3 : i32
        %add3A_367 = arith.addi %mul3A_348, %add3A_366 : i32
        %add3A_368 = vector.broadcast %add3A_367 : i32 to vector<16xi32>
        %add3A_369 = arith.addi %mul3A_298, %add3A_368 : vector<16xi32>
        %gather3A_370 = tpu.vector_load_idx %arg9[%add3A_369] : memref<12800xf32, #tpu.memory_space<vmem>>[vector<16xi32>], vector<16xf32>,
        %add3A_371 = arith.addf %scan3A_342, %gather3A_370 : vector<16xf32>
        %add3A_372 = arith.constant 4 : i32
        %add3A_373 = arith.addi %mul3A_348, %add3A_372 : i32
        %add3A_374 = vector.broadcast %add3A_373 : i32 to vector<16xi32>
        %add3A_375 = arith.addi %mul3A_298, %add3A_374 : vector<16xi32>
        %gather3A_376 = tpu.vector_load_idx %arg9[%add3A_375] : memref<12800xf32, #tpu.memory_space<vmem>>[vector<16xi32>], vector<16xf32>,
        %add3A_377 = arith.addf %scan3A_343, %gather3A_376 : vector<16xf32>
        %add3A_378 = arith.constant 5 : i32
        %add3A_379 = arith.addi %mul3A_348, %add3A_378 : i32
        %add3A_380 = vector.broadcast %add3A_379 : i32 to vector<16xi32>
        %add3A_381 = arith.addi %mul3A_298, %add3A_380 : vector<16xi32>
        %gather3A_382 = tpu.vector_load_idx %arg9[%add3A_381] : memref<12800xf32, #tpu.memory_space<vmem>>[vector<16xi32>], vector<16xf32>,
        %add3A_383 = arith.addf %scan3A_344, %gather3A_382 : vector<16xf32>
        %add3A_384 = arith.constant 6 : i32
        %add3A_385 = arith.addi %mul3A_348, %add3A_384 : i32
        %add3A_386 = vector.broadcast %add3A_385 : i32 to vector<16xi32>
        %add3A_387 = arith.addi %mul3A_298, %add3A_386 : vector<16xi32>
        %gather3A_388 = tpu.vector_load_idx %arg9[%add3A_387] : memref<12800xf32, #tpu.memory_space<vmem>>[vector<16xi32>], vector<16xf32>,
        %add3A_389 = arith.addf %scan3A_345, %gather3A_388 : vector<16xf32>
        %add3A_390 = arith.constant 7 : i32
        %add3A_391 = arith.addi %mul3A_348, %add3A_390 : i32
        %add3A_392 = vector.broadcast %add3A_391 : i32 to vector<16xi32>
        %add3A_393 = arith.addi %mul3A_298, %add3A_392 : vector<16xi32>
        %gather3A_394 = tpu.vector_load_idx %arg9[%add3A_393] : memref<12800xf32, #tpu.memory_space<vmem>>[vector<16xi32>], vector<16xf32>,
        %add3A_395 = arith.addf %scan3A_346, %gather3A_394 : vector<16xf32>
        scf.yield %add3A_353, %add3A_359, %add3A_365, %add3A_371, %add3A_377, %add3A_383, %add3A_389, %add3A_395 : vector<16xf32>, vector<16xf32>, vector<16xf32>, vector<16xf32>, vector<16xf32>, vector<16xf32>, vector<16xf32>, vector<16xf32>
      }
      %scan3A_320 = arith.constant 25 : i32
      %add3A_321 = arith.addf %scan3A_319#0, %scan3A_319#1 : vector<16xf32>
      %add3A_322 = arith.addf %scan3A_319#2, %scan3A_319#3 : vector<16xf32>
      %add3A_323 = arith.addf %add3A_321, %add3A_322 : vector<16xf32>
      %add3A_324 = arith.addf %scan3A_319#4, %scan3A_319#5 : vector<16xf32>
      %add3A_325 = arith.addf %scan3A_319#6, %scan3A_319#7 : vector<16xf32>
      %add3A_326 = arith.addf %add3A_324, %add3A_325 : vector<16xf32>
      %add3A_327 = arith.addf %add3A_323, %add3A_326 : vector<16xf32>
      %neg3A = arith.constant 0.000000e+00 : f32
      %neg3A_328 = vector.broadcast %neg3A : f32 to vector<16xf32>
      %neg3A_329 = arith.subf %neg3A_328, %add3A_327 : vector<16xf32>
      %exp3A = math.exp %neg3A_329 : vector<16xf32>
      %add3A_330 = arith.constant 1.000000e+00 : f32
      %add3A_331 = vector.broadcast %add3A_330 : f32 to vector<16xf32>
      %add3A_332 = arith.addf %add3A_331, %exp3A : vector<16xf32>
      %div3A = arith.constant 1.000000e+00 : f32
      %div3A_333 = vector.broadcast %div3A : f32 to vector<16xf32>
      %div3A_334 = arith.divf %div3A_333, %add3A_332 : vector<16xf32>
      %mul3A_335 = arith.constant 16 : i32
      %mul3A_336 = arith.muli %scan3A_291, %mul3A_335 : i32
      %swap3A = arith.index_cast %mul3A_336 : i32 to index
      %swap3A_337 = tpu.vector_load %arg10[%swap3A] {strides = array<i32>} : memref<64xf32, #tpu.memory_space<vmem>>, vector<16xf32>,
      tpu.vector_store %arg10[%swap3A], %div3A_334 {strides = array<i32>} : memref<64xf32, #tpu.memory_space<vmem>>, vector<16xf32>,
    }
    %scan3A_100 = arith.constant 4 : i32
    %mul3A_101 = arith.constant 8 : i32
    %mul3A_102 = arith.muli %add3A, %mul3A_101 : i32
    %add3A_103 = arith.constant 1 : i32
    %add3A_104 = arith.addi %mul3A_102, %add3A_103 : i32
    %mul3A_105 = arith.constant 64 : i32
    %mul3A_106 = arith.muli %add3A_104, %mul3A_105 : i32
    "tpu.region"() ({
      %run_scoped3A = tpu.sem_alloc : memref<!tpu.dma_semaphore, #tpu.memory_space<semaphore_mem>>
      %dma_start3A_291 = tpu.memref_slice %arg4[%mul3A_106] : memref<16384xf32, #tpu.memory_space<hbm>> -> memref<64xf32, #tpu.memory_space<hbm>>
      %dma_start3A_292 = tpu.memref_slice %arg4[%mul3A_106] : memref<16384xf32, #tpu.memory_space<hbm>> -> memref<64xf32, #tpu.memory_space<hbm>>
      tpu.enqueue_dma source(%arg10 : memref<64xf32, #tpu.memory_space<vmem>>) target(%dma_start3A_292 : memref<64xf32, #tpu.memory_space<hbm>>) target_semaphore(%run_scoped3A : memref<!tpu.dma_semaphore, #tpu.memory_space<semaphore_mem>>)
      %dma_wait3A_293 = tpu.memref_slice %arg4[%mul3A_106] : memref<16384xf32, #tpu.memory_space<hbm>> -> memref<64xf32, #tpu.memory_space<hbm>>
      %dma_wait3A_294 = tpu.memref_slice %arg4[%mul3A_106] : memref<16384xf32, #tpu.memory_space<hbm>> -> memref<64xf32, #tpu.memory_space<hbm>>
      tpu.wait_dma2 semaphore(%run_scoped3A : memref<!tpu.dma_semaphore, #tpu.memory_space<semaphore_mem>>) src(%arg10 : memref<64xf32, #tpu.memory_space<vmem>>) dst(%dma_wait3A_294 : memref<64xf32, #tpu.memory_space<hbm>>)
      tpu.yield
    }) : () -> ()
    %dma_wait3A_107 = arith.constant 0 : i32
    %dma_wait3A_108 = tpu.memref_slice %arg3[%mul3A_88, %dma_wait3A_107] : memref<16384x200xi32, #tpu.memory_space<hbm>> -> memref<64x200xi32, #tpu.memory_space<hbm>>
    %dma_wait3A_109 = arith.constant 0 : i32
    %dma_wait3A_110 = tpu.memref_slice %arg3[%mul3A_88, %dma_wait3A_109] : memref<16384x200xi32, #tpu.memory_space<hbm>> -> memref<64x200xi32, #tpu.memory_space<hbm>>
    tpu.wait_dma2 semaphore(%arg12 : memref<!tpu.dma_semaphore, #tpu.memory_space<semaphore_mem>>) src(%dma_wait3A_110 : memref<64x200xi32, #tpu.memory_space<hbm>>) dst(%arg5 : memref<64x200xi32, #tpu.memory_space<vmem>>)
    %scan3A_111 = arith.constant 0 : i32
    %scan3A_112 = arith.constant 0 : i32
    %scan3A_113 = arith.constant 64 : i32
    %scan3A_114 = arith.addi %scan3A_112, %scan3A_113 : i32
    %scan3A_115 = arith.constant 1 : i32
    scf.for %scan3A_291 = %scan3A_112 to %scan3A_114 step %scan3A_115  : i32 {
      %broadcast_in_dim3A_292 = arith.constant 0 : i32
      %broadcast_in_dim3A_293 = vector.broadcast %broadcast_in_dim3A_292 : i32 to vector<16xi32>
      %add3A_294 = vector.broadcast %scan3A_291 : i32 to vector<16xi32>
      %add3A_295 = arith.addi %broadcast_in_dim3A_293, %add3A_294 : vector<16xi32>
      %add3A_296 = arith.constant 0 : i32
      %add3A_297 = vector.broadcast %add3A_296 : i32 to vector<16xi32>
      %add3A_298 = arith.addi %add3A_297, %iota3A : vector<16xi32>
      %gather3A = tpu.vector_load_idx %arg5[%add3A_295, %add3A_298] : memref<64x200xi32, #tpu.memory_space<vmem>>[vector<16xi32>, vector<16xi32>], vector<16xi32>,
      %mul3A_299 = arith.constant 200 : i32
      %mul3A_300 = arith.muli %scan3A_291, %mul3A_299 : i32
      %add3A_301 = arith.constant 0 : i32
      %add3A_302 = arith.addi %mul3A_300, %add3A_301 : i32
      %swap3A = arith.index_cast %add3A_302 : i32 to index
      %swap3A_303 = tpu.vector_load %arg7[%swap3A] {strides = array<i32>} : memref<12800xi32, #tpu.memory_space<vmem>>, vector<16xi32>,
      tpu.vector_store %arg7[%swap3A], %gather3A {strides = array<i32>} : memref<12800xi32, #tpu.memory_space<vmem>>, vector<16xi32>,
      %add3A_304 = arith.constant 16 : i32
      %add3A_305 = vector.broadcast %add3A_304 : i32 to vector<16xi32>
      %add3A_306 = arith.addi %add3A_305, %iota3A : vector<16xi32>
      %gather3A_307 = tpu.vector_load_idx %arg5[%add3A_295, %add3A_306] : memref<64x200xi32, #tpu.memory_space<vmem>>[vector<16xi32>, vector<16xi32>], vector<16xi32>,
      %mul3A_308 = arith.constant 200 : i32
      %mul3A_309 = arith.muli %scan3A_291, %mul3A_308 : i32
      %add3A_310 = arith.constant 16 : i32
      %add3A_311 = arith.addi %mul3A_309, %add3A_310 : i32
      %swap3A_312 = arith.index_cast %add3A_311 : i32 to index
      %swap3A_313 = tpu.vector_load %arg7[%swap3A_312] {strides = array<i32>} : memref<12800xi32, #tpu.memory_space<vmem>>, vector<16xi32>,
      tpu.vector_store %arg7[%swap3A_312], %gather3A_307 {strides = array<i32>} : memref<12800xi32, #tpu.memory_space<vmem>>, vector<16xi32>,
      %add3A_314 = arith.constant 32 : i32
      %add3A_315 = vector.broadcast %add3A_314 : i32 to vector<16xi32>
      %add3A_316 = arith.addi %add3A_315, %iota3A : vector<16xi32>
      %gather3A_317 = tpu.vector_load_idx %arg5[%add3A_295, %add3A_316] : memref<64x200xi32, #tpu.memory_space<vmem>>[vector<16xi32>, vector<16xi32>], vector<16xi32>,
      %mul3A_318 = arith.constant 200 : i32
      %mul3A_319 = arith.muli %scan3A_291, %mul3A_318 : i32
      %add3A_320 = arith.constant 32 : i32
      %add3A_321 = arith.addi %mul3A_319, %add3A_320 : i32
      %swap3A_322 = arith.index_cast %add3A_321 : i32 to index
      %swap3A_323 = tpu.vector_load %arg7[%swap3A_322] {strides = array<i32>} : memref<12800xi32, #tpu.memory_space<vmem>>, vector<16xi32>,
      tpu.vector_store %arg7[%swap3A_322], %gather3A_317 {strides = array<i32>} : memref<12800xi32, #tpu.memory_space<vmem>>, vector<16xi32>,
      %add3A_324 = arith.constant 48 : i32
      %add3A_325 = vector.broadcast %add3A_324 : i32 to vector<16xi32>
      %add3A_326 = arith.addi %add3A_325, %iota3A : vector<16xi32>
      %gather3A_327 = tpu.vector_load_idx %arg5[%add3A_295, %add3A_326] : memref<64x200xi32, #tpu.memory_space<vmem>>[vector<16xi32>, vector<16xi32>], vector<16xi32>,
      %mul3A_328 = arith.constant 200 : i32
      %mul3A_329 = arith.muli %scan3A_291, %mul3A_328 : i32
      %add3A_330 = arith.constant 48 : i32
      %add3A_331 = arith.addi %mul3A_329, %add3A_330 : i32
      %swap3A_332 = arith.index_cast %add3A_331 : i32 to index
      %swap3A_333 = tpu.vector_load %arg7[%swap3A_332] {strides = array<i32>} : memref<12800xi32, #tpu.memory_space<vmem>>, vector<16xi32>,
      tpu.vector_store %arg7[%swap3A_332], %gather3A_327 {strides = array<i32>} : memref<12800xi32, #tpu.memory_space<vmem>>, vector<16xi32>,
      %add3A_334 = arith.constant 64 : i32
      %add3A_335 = vector.broadcast %add3A_334 : i32 to vector<16xi32>
      %add3A_336 = arith.addi %add3A_335, %iota3A : vector<16xi32>
      %gather3A_337 = tpu.vector_load_idx %arg5[%add3A_295, %add3A_336] : memref<64x200xi32, #tpu.memory_space<vmem>>[vector<16xi32>, vector<16xi32>], vector<16xi32>,
      %mul3A_338 = arith.constant 200 : i32
      %mul3A_339 = arith.muli %scan3A_291, %mul3A_338 : i32
      %add3A_340 = arith.constant 64 : i32
      %add3A_341 = arith.addi %mul3A_339, %add3A_340 : i32
      %swap3A_342 = arith.index_cast %add3A_341 : i32 to index
      %swap3A_343 = tpu.vector_load %arg7[%swap3A_342] {strides = array<i32>} : memref<12800xi32, #tpu.memory_space<vmem>>, vector<16xi32>,
      tpu.vector_store %arg7[%swap3A_342], %gather3A_337 {strides = array<i32>} : memref<12800xi32, #tpu.memory_space<vmem>>, vector<16xi32>,
      %add3A_344 = arith.constant 80 : i32
      %add3A_345 = vector.broadcast %add3A_344 : i32 to vector<16xi32>
      %add3A_346 = arith.addi %add3A_345, %iota3A : vector<16xi32>
      %gather3A_347 = tpu.vector_load_idx %arg5[%add3A_295, %add3A_346] : memref<64x200xi32, #tpu.memory_space<vmem>>[vector<16xi32>, vector<16xi32>], vector<16xi32>,
      %mul3A_348 = arith.constant 200 : i32
      %mul3A_349 = arith.muli %scan3A_291, %mul3A_348 : i32
      %add3A_350 = arith.constant 80 : i32
      %add3A_351 = arith.addi %mul3A_349, %add3A_350 : i32
      %swap3A_352 = arith.index_cast %add3A_351 : i32 to index
      %swap3A_353 = tpu.vector_load %arg7[%swap3A_352] {strides = array<i32>} : memref<12800xi32, #tpu.memory_space<vmem>>, vector<16xi32>,
      tpu.vector_store %arg7[%swap3A_352], %gather3A_347 {strides = array<i32>} : memref<12800xi32, #tpu.memory_space<vmem>>, vector<16xi32>,
      %add3A_354 = arith.constant 96 : i32
      %add3A_355 = vector.broadcast %add3A_354 : i32 to vector<16xi32>
      %add3A_356 = arith.addi %add3A_355, %iota3A : vector<16xi32>
      %gather3A_357 = tpu.vector_load_idx %arg5[%add3A_295, %add3A_356] : memref<64x200xi32, #tpu.memory_space<vmem>>[vector<16xi32>, vector<16xi32>], vector<16xi32>,
      %mul3A_358 = arith.constant 200 : i32
      %mul3A_359 = arith.muli %scan3A_291, %mul3A_358 : i32
      %add3A_360 = arith.constant 96 : i32
      %add3A_361 = arith.addi %mul3A_359, %add3A_360 : i32
      %swap3A_362 = arith.index_cast %add3A_361 : i32 to index
      %swap3A_363 = tpu.vector_load %arg7[%swap3A_362] {strides = array<i32>} : memref<12800xi32, #tpu.memory_space<vmem>>, vector<16xi32>,
      tpu.vector_store %arg7[%swap3A_362], %gather3A_357 {strides = array<i32>} : memref<12800xi32, #tpu.memory_space<vmem>>, vector<16xi32>,
      %add3A_364 = arith.constant 112 : i32
      %add3A_365 = vector.broadcast %add3A_364 : i32 to vector<16xi32>
      %add3A_366 = arith.addi %add3A_365, %iota3A : vector<16xi32>
      %gather3A_367 = tpu.vector_load_idx %arg5[%add3A_295, %add3A_366] : memref<64x200xi32, #tpu.memory_space<vmem>>[vector<16xi32>, vector<16xi32>], vector<16xi32>,
      %mul3A_368 = arith.constant 200 : i32
      %mul3A_369 = arith.muli %scan3A_291, %mul3A_368 : i32
      %add3A_370 = arith.constant 112 : i32
      %add3A_371 = arith.addi %mul3A_369, %add3A_370 : i32
      %swap3A_372 = arith.index_cast %add3A_371 : i32 to index
      %swap3A_373 = tpu.vector_load %arg7[%swap3A_372] {strides = array<i32>} : memref<12800xi32, #tpu.memory_space<vmem>>, vector<16xi32>,
      tpu.vector_store %arg7[%swap3A_372], %gather3A_367 {strides = array<i32>} : memref<12800xi32, #tpu.memory_space<vmem>>, vector<16xi32>,
      %add3A_374 = arith.constant 128 : i32
      %add3A_375 = vector.broadcast %add3A_374 : i32 to vector<16xi32>
      %add3A_376 = arith.addi %add3A_375, %iota3A : vector<16xi32>
      %gather3A_377 = tpu.vector_load_idx %arg5[%add3A_295, %add3A_376] : memref<64x200xi32, #tpu.memory_space<vmem>>[vector<16xi32>, vector<16xi32>], vector<16xi32>,
      %mul3A_378 = arith.constant 200 : i32
      %mul3A_379 = arith.muli %scan3A_291, %mul3A_378 : i32
      %add3A_380 = arith.constant 128 : i32
      %add3A_381 = arith.addi %mul3A_379, %add3A_380 : i32
      %swap3A_382 = arith.index_cast %add3A_381 : i32 to index
      %swap3A_383 = tpu.vector_load %arg7[%swap3A_382] {strides = array<i32>} : memref<12800xi32, #tpu.memory_space<vmem>>, vector<16xi32>,
      tpu.vector_store %arg7[%swap3A_382], %gather3A_377 {strides = array<i32>} : memref<12800xi32, #tpu.memory_space<vmem>>, vector<16xi32>,
      %add3A_384 = arith.constant 144 : i32
      %add3A_385 = vector.broadcast %add3A_384 : i32 to vector<16xi32>
      %add3A_386 = arith.addi %add3A_385, %iota3A : vector<16xi32>
      %gather3A_387 = tpu.vector_load_idx %arg5[%add3A_295, %add3A_386] : memref<64x200xi32, #tpu.memory_space<vmem>>[vector<16xi32>, vector<16xi32>], vector<16xi32>,
      %mul3A_388 = arith.constant 200 : i32
      %mul3A_389 = arith.muli %scan3A_291, %mul3A_388 : i32
      %add3A_390 = arith.constant 144 : i32
      %add3A_391 = arith.addi %mul3A_389, %add3A_390 : i32
      %swap3A_392 = arith.index_cast %add3A_391 : i32 to index
      %swap3A_393 = tpu.vector_load %arg7[%swap3A_392] {strides = array<i32>} : memref<12800xi32, #tpu.memory_space<vmem>>, vector<16xi32>,
      tpu.vector_store %arg7[%swap3A_392], %gather3A_387 {strides = array<i32>} : memref<12800xi32, #tpu.memory_space<vmem>>, vector<16xi32>,
      %add3A_394 = arith.constant 160 : i32
      %add3A_395 = vector.broadcast %add3A_394 : i32 to vector<16xi32>
      %add3A_396 = arith.addi %add3A_395, %iota3A : vector<16xi32>
      %gather3A_397 = tpu.vector_load_idx %arg5[%add3A_295, %add3A_396] : memref<64x200xi32, #tpu.memory_space<vmem>>[vector<16xi32>, vector<16xi32>], vector<16xi32>,
      %mul3A_398 = arith.constant 200 : i32
      %mul3A_399 = arith.muli %scan3A_291, %mul3A_398 : i32
      %add3A_400 = arith.constant 160 : i32
      %add3A_401 = arith.addi %mul3A_399, %add3A_400 : i32
      %swap3A_402 = arith.index_cast %add3A_401 : i32 to index
      %swap3A_403 = tpu.vector_load %arg7[%swap3A_402] {strides = array<i32>} : memref<12800xi32, #tpu.memory_space<vmem>>, vector<16xi32>,
      tpu.vector_store %arg7[%swap3A_402], %gather3A_397 {strides = array<i32>} : memref<12800xi32, #tpu.memory_space<vmem>>, vector<16xi32>,
      %add3A_404 = arith.constant 176 : i32
      %add3A_405 = vector.broadcast %add3A_404 : i32 to vector<16xi32>
      %add3A_406 = arith.addi %add3A_405, %iota3A : vector<16xi32>
      %gather3A_407 = tpu.vector_load_idx %arg5[%add3A_295, %add3A_406] : memref<64x200xi32, #tpu.memory_space<vmem>>[vector<16xi32>, vector<16xi32>], vector<16xi32>,
      %mul3A_408 = arith.constant 200 : i32
      %mul3A_409 = arith.muli %scan3A_291, %mul3A_408 : i32
      %add3A_410 = arith.constant 176 : i32
      %add3A_411 = arith.addi %mul3A_409, %add3A_410 : i32
      %swap3A_412 = arith.index_cast %add3A_411 : i32 to index
      %swap3A_413 = tpu.vector_load %arg7[%swap3A_412] {strides = array<i32>} : memref<12800xi32, #tpu.memory_space<vmem>>, vector<16xi32>,
      tpu.vector_store %arg7[%swap3A_412], %gather3A_407 {strides = array<i32>} : memref<12800xi32, #tpu.memory_space<vmem>>, vector<16xi32>,
      %add3A_414 = arith.constant 184 : i32
      %add3A_415 = vector.broadcast %add3A_414 : i32 to vector<16xi32>
      %add3A_416 = arith.addi %add3A_415, %iota3A : vector<16xi32>
      %gather3A_417 = tpu.vector_load_idx %arg5[%add3A_295, %add3A_416] : memref<64x200xi32, #tpu.memory_space<vmem>>[vector<16xi32>, vector<16xi32>], vector<16xi32>,
      %mul3A_418 = arith.constant 200 : i32
      %mul3A_419 = arith.muli %scan3A_291, %mul3A_418 : i32
      %add3A_420 = arith.constant 200 : i32
      %add3A_421 = arith.addi %mul3A_419, %add3A_420 : i32
      %sub3A = arith.constant 16 : i32
      %sub3A_422 = arith.subi %add3A_421, %sub3A : i32
      %swap3A_423 = arith.index_cast %sub3A_422 : i32 to index
      %swap3A_424 = tpu.vector_load %arg7[%swap3A_423] {strides = array<i32>} : memref<12800xi32, #tpu.memory_space<vmem>>, vector<16xi32>,
      tpu.vector_store %arg7[%swap3A_423], %gather3A_417 {strides = array<i32>} : memref<12800xi32, #tpu.memory_space<vmem>>, vector<16xi32>,
    }
    %scan3A_116 = arith.constant 64 : i32
    %dma_start3A_117 = arith.constant 0 : i32
    %dma_start3A_118 = tpu.memref_slice %arg11[%dma_start3A_117] : memref<1000000xf32, #tpu.memory_space<vmem_shared>> -> memref<1000000xf32, #tpu.memory_space<vmem_shared>>
    tpu.enqueue_indirect_dma source(%dma_start3A_118 : memref<1000000xf32, #tpu.memory_space<vmem_shared>>) target(%arg9 : memref<12800xf32, #tpu.memory_space<vmem>>) offsets(%arg7 : memref<12800xi32, #tpu.memory_space<vmem>>) semaphore(%arg15 : memref<!tpu.dma_semaphore, #tpu.memory_space<semaphore_mem>>)
    %mul3A_119 = arith.constant 8 : i32
    %mul3A_120 = arith.muli %add3A, %mul3A_119 : i32
    %add3A_121 = arith.constant 4 : i32
    %add3A_122 = arith.addi %mul3A_120, %add3A_121 : i32
    %mul3A_123 = arith.constant 64 : i32
    %mul3A_124 = arith.muli %add3A_122, %mul3A_123 : i32
    %dma_start3A_125 = arith.constant 0 : i32
    %dma_start3A_126 = tpu.memref_slice %arg3[%mul3A_124, %dma_start3A_125] : memref<16384x200xi32, #tpu.memory_space<hbm>> -> memref<64x200xi32, #tpu.memory_space<hbm>>
    %dma_start3A_127 = arith.constant 0 : i32
    %dma_start3A_128 = tpu.memref_slice %arg3[%mul3A_124, %dma_start3A_127] : memref<16384x200xi32, #tpu.memory_space<hbm>> -> memref<64x200xi32, #tpu.memory_space<hbm>>
    tpu.enqueue_dma source(%dma_start3A_128 : memref<64x200xi32, #tpu.memory_space<hbm>>) target(%arg5 : memref<64x200xi32, #tpu.memory_space<vmem>>) target_semaphore(%arg13 : memref<!tpu.dma_semaphore, #tpu.memory_space<semaphore_mem>>)
    %dma_wait3A_129 = arith.constant 0 : i32
    %dma_wait3A_130 = tpu.memref_slice %arg11[%dma_wait3A_129] : memref<1000000xf32, #tpu.memory_space<vmem_shared>> -> memref<1000000xf32, #tpu.memory_space<vmem_shared>>
    tpu.wait_indirect_dma semaphore(%arg14 : memref<!tpu.dma_semaphore, #tpu.memory_space<semaphore_mem>>) src(%dma_wait3A_130 : memref<1000000xf32, #tpu.memory_space<vmem_shared>>) dst(%arg8 : memref<12800xf32, #tpu.memory_space<vmem>>)
    %scan3A_131 = arith.constant 0 : i32
    %scan3A_132 = arith.constant 0 : i32
    %scan3A_133 = arith.constant 4 : i32
    %scan3A_134 = arith.addi %scan3A_132, %scan3A_133 : i32
    %scan3A_135 = arith.constant 1 : i32
    scf.for %scan3A_291 = %scan3A_132 to %scan3A_134 step %scan3A_135  : i32 {
      %mul3A_292 = arith.constant 16 : i32
      %mul3A_293 = arith.muli %scan3A_291, %mul3A_292 : i32
      %add3A_294 = vector.broadcast %mul3A_293 : i32 to vector<16xi32>
      %add3A_295 = arith.addi %add3A_294, %iota3A : vector<16xi32>
      %mul3A_296 = arith.constant 200 : i32
      %mul3A_297 = vector.broadcast %mul3A_296 : i32 to vector<16xi32>
      %mul3A_298 = arith.muli %add3A_295, %mul3A_297 : vector<16xi32>
      %broadcast_in_dim3A_299 = arith.constant 0.000000e+00 : f32
      %broadcast_in_dim3A_300 = vector.broadcast %broadcast_in_dim3A_299 : f32 to vector<16xf32>
      %broadcast_in_dim3A_301 = arith.constant 0.000000e+00 : f32
      %broadcast_in_dim3A_302 = vector.broadcast %broadcast_in_dim3A_301 : f32 to vector<16xf32>
      %broadcast_in_dim3A_303 = arith.constant 0.000000e+00 : f32
      %broadcast_in_dim3A_304 = vector.broadcast %broadcast_in_dim3A_303 : f32 to vector<16xf32>
      %broadcast_in_dim3A_305 = arith.constant 0.000000e+00 : f32
      %broadcast_in_dim3A_306 = vector.broadcast %broadcast_in_dim3A_305 : f32 to vector<16xf32>
      %broadcast_in_dim3A_307 = arith.constant 0.000000e+00 : f32
      %broadcast_in_dim3A_308 = vector.broadcast %broadcast_in_dim3A_307 : f32 to vector<16xf32>
      %broadcast_in_dim3A_309 = arith.constant 0.000000e+00 : f32
      %broadcast_in_dim3A_310 = vector.broadcast %broadcast_in_dim3A_309 : f32 to vector<16xf32>
      %broadcast_in_dim3A_311 = arith.constant 0.000000e+00 : f32
      %broadcast_in_dim3A_312 = vector.broadcast %broadcast_in_dim3A_311 : f32 to vector<16xf32>
      %broadcast_in_dim3A_313 = arith.constant 0.000000e+00 : f32
      %broadcast_in_dim3A_314 = vector.broadcast %broadcast_in_dim3A_313 : f32 to vector<16xf32>
      %scan3A_315 = arith.constant 0 : i32
      %scan3A_316 = arith.constant 25 : i32
      %scan3A_317 = arith.addi %scan3A_315, %scan3A_316 : i32
      %scan3A_318 = arith.constant 1 : i32
      %scan3A_319:8 = scf.for %scan3A_338 = %scan3A_315 to %scan3A_317 step %scan3A_318 iter_args(%scan3A_339 = %broadcast_in_dim3A_300, %scan3A_340 = %broadcast_in_dim3A_302, %scan3A_341 = %broadcast_in_dim3A_304, %scan3A_342 = %broadcast_in_dim3A_306, %scan3A_343 = %broadcast_in_dim3A_308, %scan3A_344 = %broadcast_in_dim3A_310, %scan3A_345 = %broadcast_in_dim3A_312, %scan3A_346 = %broadcast_in_dim3A_314) -> (vector<16xf32>, vector<16xf32>, vector<16xf32>, vector<16xf32>, vector<16xf32>, vector<16xf32>, vector<16xf32>, vector<16xf32>)  : i32 {
        %mul3A_347 = arith.constant 8 : i32
        %mul3A_348 = arith.muli %scan3A_338, %mul3A_347 : i32
        %add3A_349 = arith.constant 0 : i32
        %add3A_350 = arith.addi %mul3A_348, %add3A_349 : i32
        %add3A_351 = vector.broadcast %add3A_350 : i32 to vector<16xi32>
        %add3A_352 = arith.addi %mul3A_298, %add3A_351 : vector<16xi32>
        %gather3A = tpu.vector_load_idx %arg8[%add3A_352] : memref<12800xf32, #tpu.memory_space<vmem>>[vector<16xi32>], vector<16xf32>,
        %add3A_353 = arith.addf %scan3A_339, %gather3A : vector<16xf32>
        %add3A_354 = arith.constant 1 : i32
        %add3A_355 = arith.addi %mul3A_348, %add3A_354 : i32
        %add3A_356 = vector.broadcast %add3A_355 : i32 to vector<16xi32>
        %add3A_357 = arith.addi %mul3A_298, %add3A_356 : vector<16xi32>
        %gather3A_358 = tpu.vector_load_idx %arg8[%add3A_357] : memref<12800xf32, #tpu.memory_space<vmem>>[vector<16xi32>], vector<16xf32>,
        %add3A_359 = arith.addf %scan3A_340, %gather3A_358 : vector<16xf32>
        %add3A_360 = arith.constant 2 : i32
        %add3A_361 = arith.addi %mul3A_348, %add3A_360 : i32
        %add3A_362 = vector.broadcast %add3A_361 : i32 to vector<16xi32>
        %add3A_363 = arith.addi %mul3A_298, %add3A_362 : vector<16xi32>
        %gather3A_364 = tpu.vector_load_idx %arg8[%add3A_363] : memref<12800xf32, #tpu.memory_space<vmem>>[vector<16xi32>], vector<16xf32>,
        %add3A_365 = arith.addf %scan3A_341, %gather3A_364 : vector<16xf32>
        %add3A_366 = arith.constant 3 : i32
        %add3A_367 = arith.addi %mul3A_348, %add3A_366 : i32
        %add3A_368 = vector.broadcast %add3A_367 : i32 to vector<16xi32>
        %add3A_369 = arith.addi %mul3A_298, %add3A_368 : vector<16xi32>
        %gather3A_370 = tpu.vector_load_idx %arg8[%add3A_369] : memref<12800xf32, #tpu.memory_space<vmem>>[vector<16xi32>], vector<16xf32>,
        %add3A_371 = arith.addf %scan3A_342, %gather3A_370 : vector<16xf32>
        %add3A_372 = arith.constant 4 : i32
        %add3A_373 = arith.addi %mul3A_348, %add3A_372 : i32
        %add3A_374 = vector.broadcast %add3A_373 : i32 to vector<16xi32>
        %add3A_375 = arith.addi %mul3A_298, %add3A_374 : vector<16xi32>
        %gather3A_376 = tpu.vector_load_idx %arg8[%add3A_375] : memref<12800xf32, #tpu.memory_space<vmem>>[vector<16xi32>], vector<16xf32>,
        %add3A_377 = arith.addf %scan3A_343, %gather3A_376 : vector<16xf32>
        %add3A_378 = arith.constant 5 : i32
        %add3A_379 = arith.addi %mul3A_348, %add3A_378 : i32
        %add3A_380 = vector.broadcast %add3A_379 : i32 to vector<16xi32>
        %add3A_381 = arith.addi %mul3A_298, %add3A_380 : vector<16xi32>
        %gather3A_382 = tpu.vector_load_idx %arg8[%add3A_381] : memref<12800xf32, #tpu.memory_space<vmem>>[vector<16xi32>], vector<16xf32>,
        %add3A_383 = arith.addf %scan3A_344, %gather3A_382 : vector<16xf32>
        %add3A_384 = arith.constant 6 : i32
        %add3A_385 = arith.addi %mul3A_348, %add3A_384 : i32
        %add3A_386 = vector.broadcast %add3A_385 : i32 to vector<16xi32>
        %add3A_387 = arith.addi %mul3A_298, %add3A_386 : vector<16xi32>
        %gather3A_388 = tpu.vector_load_idx %arg8[%add3A_387] : memref<12800xf32, #tpu.memory_space<vmem>>[vector<16xi32>], vector<16xf32>,
        %add3A_389 = arith.addf %scan3A_345, %gather3A_388 : vector<16xf32>
        %add3A_390 = arith.constant 7 : i32
        %add3A_391 = arith.addi %mul3A_348, %add3A_390 : i32
        %add3A_392 = vector.broadcast %add3A_391 : i32 to vector<16xi32>
        %add3A_393 = arith.addi %mul3A_298, %add3A_392 : vector<16xi32>
        %gather3A_394 = tpu.vector_load_idx %arg8[%add3A_393] : memref<12800xf32, #tpu.memory_space<vmem>>[vector<16xi32>], vector<16xf32>,
        %add3A_395 = arith.addf %scan3A_346, %gather3A_394 : vector<16xf32>
        scf.yield %add3A_353, %add3A_359, %add3A_365, %add3A_371, %add3A_377, %add3A_383, %add3A_389, %add3A_395 : vector<16xf32>, vector<16xf32>, vector<16xf32>, vector<16xf32>, vector<16xf32>, vector<16xf32>, vector<16xf32>, vector<16xf32>
      }
      %scan3A_320 = arith.constant 25 : i32
      %add3A_321 = arith.addf %scan3A_319#0, %scan3A_319#1 : vector<16xf32>
      %add3A_322 = arith.addf %scan3A_319#2, %scan3A_319#3 : vector<16xf32>
      %add3A_323 = arith.addf %add3A_321, %add3A_322 : vector<16xf32>
      %add3A_324 = arith.addf %scan3A_319#4, %scan3A_319#5 : vector<16xf32>
      %add3A_325 = arith.addf %scan3A_319#6, %scan3A_319#7 : vector<16xf32>
      %add3A_326 = arith.addf %add3A_324, %add3A_325 : vector<16xf32>
      %add3A_327 = arith.addf %add3A_323, %add3A_326 : vector<16xf32>
      %neg3A = arith.constant 0.000000e+00 : f32
      %neg3A_328 = vector.broadcast %neg3A : f32 to vector<16xf32>
      %neg3A_329 = arith.subf %neg3A_328, %add3A_327 : vector<16xf32>
      %exp3A = math.exp %neg3A_329 : vector<16xf32>
      %add3A_330 = arith.constant 1.000000e+00 : f32
      %add3A_331 = vector.broadcast %add3A_330 : f32 to vector<16xf32>
      %add3A_332 = arith.addf %add3A_331, %exp3A : vector<16xf32>
      %div3A = arith.constant 1.000000e+00 : f32
      %div3A_333 = vector.broadcast %div3A : f32 to vector<16xf32>
      %div3A_334 = arith.divf %div3A_333, %add3A_332 : vector<16xf32>
      %mul3A_335 = arith.constant 16 : i32
      %mul3A_336 = arith.muli %scan3A_291, %mul3A_335 : i32
      %swap3A = arith.index_cast %mul3A_336 : i32 to index
      %swap3A_337 = tpu.vector_load %arg10[%swap3A] {strides = array<i32>} : memref<64xf32, #tpu.memory_space<vmem>>, vector<16xf32>,
      tpu.vector_store %arg10[%swap3A], %div3A_334 {strides = array<i32>} : memref<64xf32, #tpu.memory_space<vmem>>, vector<16xf32>,
    }
    %scan3A_136 = arith.constant 4 : i32
    %mul3A_137 = arith.constant 8 : i32
    %mul3A_138 = arith.muli %add3A, %mul3A_137 : i32
    %add3A_139 = arith.constant 2 : i32
    %add3A_140 = arith.addi %mul3A_138, %add3A_139 : i32
    %mul3A_141 = arith.constant 64 : i32
    %mul3A_142 = arith.muli %add3A_140, %mul3A_141 : i32
    "tpu.region"() ({
      %run_scoped3A = tpu.sem_alloc : memref<!tpu.dma_semaphore, #tpu.memory_space<semaphore_mem>>
      %dma_start3A_291 = tpu.memref_slice %arg4[%mul3A_142] : memref<16384xf32, #tpu.memory_space<hbm>> -> memref<64xf32, #tpu.memory_space<hbm>>
      %dma_start3A_292 = tpu.memref_slice %arg4[%mul3A_142] : memref<16384xf32, #tpu.memory_space<hbm>> -> memref<64xf32, #tpu.memory_space<hbm>>
      tpu.enqueue_dma source(%arg10 : memref<64xf32, #tpu.memory_space<vmem>>) target(%dma_start3A_292 : memref<64xf32, #tpu.memory_space<hbm>>) target_semaphore(%run_scoped3A : memref<!tpu.dma_semaphore, #tpu.memory_space<semaphore_mem>>)
      %dma_wait3A_293 = tpu.memref_slice %arg4[%mul3A_142] : memref<16384xf32, #tpu.memory_space<hbm>> -> memref<64xf32, #tpu.memory_space<hbm>>
      %dma_wait3A_294 = tpu.memref_slice %arg4[%mul3A_142] : memref<16384xf32, #tpu.memory_space<hbm>> -> memref<64xf32, #tpu.memory_space<hbm>>
      tpu.wait_dma2 semaphore(%run_scoped3A : memref<!tpu.dma_semaphore, #tpu.memory_space<semaphore_mem>>) src(%arg10 : memref<64xf32, #tpu.memory_space<vmem>>) dst(%dma_wait3A_294 : memref<64xf32, #tpu.memory_space<hbm>>)
      tpu.yield
    }) : () -> ()
    %dma_wait3A_143 = arith.constant 0 : i32
    %dma_wait3A_144 = tpu.memref_slice %arg3[%mul3A_124, %dma_wait3A_143] : memref<16384x200xi32, #tpu.memory_space<hbm>> -> memref<64x200xi32, #tpu.memory_space<hbm>>
    %dma_wait3A_145 = arith.constant 0 : i32
    %dma_wait3A_146 = tpu.memref_slice %arg3[%mul3A_124, %dma_wait3A_145] : memref<16384x200xi32, #tpu.memory_space<hbm>> -> memref<64x200xi32, #tpu.memory_space<hbm>>
    tpu.wait_dma2 semaphore(%arg13 : memref<!tpu.dma_semaphore, #tpu.memory_space<semaphore_mem>>) src(%dma_wait3A_146 : memref<64x200xi32, #tpu.memory_space<hbm>>) dst(%arg5 : memref<64x200xi32, #tpu.memory_space<vmem>>)
    %scan3A_147 = arith.constant 0 : i32
    %scan3A_148 = arith.constant 0 : i32
    %scan3A_149 = arith.constant 64 : i32
    %scan3A_150 = arith.addi %scan3A_148, %scan3A_149 : i32
    %scan3A_151 = arith.constant 1 : i32
    scf.for %scan3A_291 = %scan3A_148 to %scan3A_150 step %scan3A_151  : i32 {
      %broadcast_in_dim3A_292 = arith.constant 0 : i32
      %broadcast_in_dim3A_293 = vector.broadcast %broadcast_in_dim3A_292 : i32 to vector<16xi32>
      %add3A_294 = vector.broadcast %scan3A_291 : i32 to vector<16xi32>
      %add3A_295 = arith.addi %broadcast_in_dim3A_293, %add3A_294 : vector<16xi32>
      %add3A_296 = arith.constant 0 : i32
      %add3A_297 = vector.broadcast %add3A_296 : i32 to vector<16xi32>
      %add3A_298 = arith.addi %add3A_297, %iota3A : vector<16xi32>
      %gather3A = tpu.vector_load_idx %arg5[%add3A_295, %add3A_298] : memref<64x200xi32, #tpu.memory_space<vmem>>[vector<16xi32>, vector<16xi32>], vector<16xi32>,
      %mul3A_299 = arith.constant 200 : i32
      %mul3A_300 = arith.muli %scan3A_291, %mul3A_299 : i32
      %add3A_301 = arith.constant 0 : i32
      %add3A_302 = arith.addi %mul3A_300, %add3A_301 : i32
      %swap3A = arith.index_cast %add3A_302 : i32 to index
      %swap3A_303 = tpu.vector_load %arg6[%swap3A] {strides = array<i32>} : memref<12800xi32, #tpu.memory_space<vmem>>, vector<16xi32>,
      tpu.vector_store %arg6[%swap3A], %gather3A {strides = array<i32>} : memref<12800xi32, #tpu.memory_space<vmem>>, vector<16xi32>,
      %add3A_304 = arith.constant 16 : i32
      %add3A_305 = vector.broadcast %add3A_304 : i32 to vector<16xi32>
      %add3A_306 = arith.addi %add3A_305, %iota3A : vector<16xi32>
      %gather3A_307 = tpu.vector_load_idx %arg5[%add3A_295, %add3A_306] : memref<64x200xi32, #tpu.memory_space<vmem>>[vector<16xi32>, vector<16xi32>], vector<16xi32>,
      %mul3A_308 = arith.constant 200 : i32
      %mul3A_309 = arith.muli %scan3A_291, %mul3A_308 : i32
      %add3A_310 = arith.constant 16 : i32
      %add3A_311 = arith.addi %mul3A_309, %add3A_310 : i32
      %swap3A_312 = arith.index_cast %add3A_311 : i32 to index
      %swap3A_313 = tpu.vector_load %arg6[%swap3A_312] {strides = array<i32>} : memref<12800xi32, #tpu.memory_space<vmem>>, vector<16xi32>,
      tpu.vector_store %arg6[%swap3A_312], %gather3A_307 {strides = array<i32>} : memref<12800xi32, #tpu.memory_space<vmem>>, vector<16xi32>,
      %add3A_314 = arith.constant 32 : i32
      %add3A_315 = vector.broadcast %add3A_314 : i32 to vector<16xi32>
      %add3A_316 = arith.addi %add3A_315, %iota3A : vector<16xi32>
      %gather3A_317 = tpu.vector_load_idx %arg5[%add3A_295, %add3A_316] : memref<64x200xi32, #tpu.memory_space<vmem>>[vector<16xi32>, vector<16xi32>], vector<16xi32>,
      %mul3A_318 = arith.constant 200 : i32
      %mul3A_319 = arith.muli %scan3A_291, %mul3A_318 : i32
      %add3A_320 = arith.constant 32 : i32
      %add3A_321 = arith.addi %mul3A_319, %add3A_320 : i32
      %swap3A_322 = arith.index_cast %add3A_321 : i32 to index
      %swap3A_323 = tpu.vector_load %arg6[%swap3A_322] {strides = array<i32>} : memref<12800xi32, #tpu.memory_space<vmem>>, vector<16xi32>,
      tpu.vector_store %arg6[%swap3A_322], %gather3A_317 {strides = array<i32>} : memref<12800xi32, #tpu.memory_space<vmem>>, vector<16xi32>,
      %add3A_324 = arith.constant 48 : i32
      %add3A_325 = vector.broadcast %add3A_324 : i32 to vector<16xi32>
      %add3A_326 = arith.addi %add3A_325, %iota3A : vector<16xi32>
      %gather3A_327 = tpu.vector_load_idx %arg5[%add3A_295, %add3A_326] : memref<64x200xi32, #tpu.memory_space<vmem>>[vector<16xi32>, vector<16xi32>], vector<16xi32>,
      %mul3A_328 = arith.constant 200 : i32
      %mul3A_329 = arith.muli %scan3A_291, %mul3A_328 : i32
      %add3A_330 = arith.constant 48 : i32
      %add3A_331 = arith.addi %mul3A_329, %add3A_330 : i32
      %swap3A_332 = arith.index_cast %add3A_331 : i32 to index
      %swap3A_333 = tpu.vector_load %arg6[%swap3A_332] {strides = array<i32>} : memref<12800xi32, #tpu.memory_space<vmem>>, vector<16xi32>,
      tpu.vector_store %arg6[%swap3A_332], %gather3A_327 {strides = array<i32>} : memref<12800xi32, #tpu.memory_space<vmem>>, vector<16xi32>,
      %add3A_334 = arith.constant 64 : i32
      %add3A_335 = vector.broadcast %add3A_334 : i32 to vector<16xi32>
      %add3A_336 = arith.addi %add3A_335, %iota3A : vector<16xi32>
      %gather3A_337 = tpu.vector_load_idx %arg5[%add3A_295, %add3A_336] : memref<64x200xi32, #tpu.memory_space<vmem>>[vector<16xi32>, vector<16xi32>], vector<16xi32>,
      %mul3A_338 = arith.constant 200 : i32
      %mul3A_339 = arith.muli %scan3A_291, %mul3A_338 : i32
      %add3A_340 = arith.constant 64 : i32
      %add3A_341 = arith.addi %mul3A_339, %add3A_340 : i32
      %swap3A_342 = arith.index_cast %add3A_341 : i32 to index
      %swap3A_343 = tpu.vector_load %arg6[%swap3A_342] {strides = array<i32>} : memref<12800xi32, #tpu.memory_space<vmem>>, vector<16xi32>,
      tpu.vector_store %arg6[%swap3A_342], %gather3A_337 {strides = array<i32>} : memref<12800xi32, #tpu.memory_space<vmem>>, vector<16xi32>,
      %add3A_344 = arith.constant 80 : i32
      %add3A_345 = vector.broadcast %add3A_344 : i32 to vector<16xi32>
      %add3A_346 = arith.addi %add3A_345, %iota3A : vector<16xi32>
      %gather3A_347 = tpu.vector_load_idx %arg5[%add3A_295, %add3A_346] : memref<64x200xi32, #tpu.memory_space<vmem>>[vector<16xi32>, vector<16xi32>], vector<16xi32>,
      %mul3A_348 = arith.constant 200 : i32
      %mul3A_349 = arith.muli %scan3A_291, %mul3A_348 : i32
      %add3A_350 = arith.constant 80 : i32
      %add3A_351 = arith.addi %mul3A_349, %add3A_350 : i32
      %swap3A_352 = arith.index_cast %add3A_351 : i32 to index
      %swap3A_353 = tpu.vector_load %arg6[%swap3A_352] {strides = array<i32>} : memref<12800xi32, #tpu.memory_space<vmem>>, vector<16xi32>,
      tpu.vector_store %arg6[%swap3A_352], %gather3A_347 {strides = array<i32>} : memref<12800xi32, #tpu.memory_space<vmem>>, vector<16xi32>,
      %add3A_354 = arith.constant 96 : i32
      %add3A_355 = vector.broadcast %add3A_354 : i32 to vector<16xi32>
      %add3A_356 = arith.addi %add3A_355, %iota3A : vector<16xi32>
      %gather3A_357 = tpu.vector_load_idx %arg5[%add3A_295, %add3A_356] : memref<64x200xi32, #tpu.memory_space<vmem>>[vector<16xi32>, vector<16xi32>], vector<16xi32>,
      %mul3A_358 = arith.constant 200 : i32
      %mul3A_359 = arith.muli %scan3A_291, %mul3A_358 : i32
      %add3A_360 = arith.constant 96 : i32
      %add3A_361 = arith.addi %mul3A_359, %add3A_360 : i32
      %swap3A_362 = arith.index_cast %add3A_361 : i32 to index
      %swap3A_363 = tpu.vector_load %arg6[%swap3A_362] {strides = array<i32>} : memref<12800xi32, #tpu.memory_space<vmem>>, vector<16xi32>,
      tpu.vector_store %arg6[%swap3A_362], %gather3A_357 {strides = array<i32>} : memref<12800xi32, #tpu.memory_space<vmem>>, vector<16xi32>,
      %add3A_364 = arith.constant 112 : i32
      %add3A_365 = vector.broadcast %add3A_364 : i32 to vector<16xi32>
      %add3A_366 = arith.addi %add3A_365, %iota3A : vector<16xi32>
      %gather3A_367 = tpu.vector_load_idx %arg5[%add3A_295, %add3A_366] : memref<64x200xi32, #tpu.memory_space<vmem>>[vector<16xi32>, vector<16xi32>], vector<16xi32>,
      %mul3A_368 = arith.constant 200 : i32
      %mul3A_369 = arith.muli %scan3A_291, %mul3A_368 : i32
      %add3A_370 = arith.constant 112 : i32
      %add3A_371 = arith.addi %mul3A_369, %add3A_370 : i32
      %swap3A_372 = arith.index_cast %add3A_371 : i32 to index
      %swap3A_373 = tpu.vector_load %arg6[%swap3A_372] {strides = array<i32>} : memref<12800xi32, #tpu.memory_space<vmem>>, vector<16xi32>,
      tpu.vector_store %arg6[%swap3A_372], %gather3A_367 {strides = array<i32>} : memref<12800xi32, #tpu.memory_space<vmem>>, vector<16xi32>,
      %add3A_374 = arith.constant 128 : i32
      %add3A_375 = vector.broadcast %add3A_374 : i32 to vector<16xi32>
      %add3A_376 = arith.addi %add3A_375, %iota3A : vector<16xi32>
      %gather3A_377 = tpu.vector_load_idx %arg5[%add3A_295, %add3A_376] : memref<64x200xi32, #tpu.memory_space<vmem>>[vector<16xi32>, vector<16xi32>], vector<16xi32>,
      %mul3A_378 = arith.constant 200 : i32
      %mul3A_379 = arith.muli %scan3A_291, %mul3A_378 : i32
      %add3A_380 = arith.constant 128 : i32
      %add3A_381 = arith.addi %mul3A_379, %add3A_380 : i32
      %swap3A_382 = arith.index_cast %add3A_381 : i32 to index
      %swap3A_383 = tpu.vector_load %arg6[%swap3A_382] {strides = array<i32>} : memref<12800xi32, #tpu.memory_space<vmem>>, vector<16xi32>,
      tpu.vector_store %arg6[%swap3A_382], %gather3A_377 {strides = array<i32>} : memref<12800xi32, #tpu.memory_space<vmem>>, vector<16xi32>,
      %add3A_384 = arith.constant 144 : i32
      %add3A_385 = vector.broadcast %add3A_384 : i32 to vector<16xi32>
      %add3A_386 = arith.addi %add3A_385, %iota3A : vector<16xi32>
      %gather3A_387 = tpu.vector_load_idx %arg5[%add3A_295, %add3A_386] : memref<64x200xi32, #tpu.memory_space<vmem>>[vector<16xi32>, vector<16xi32>], vector<16xi32>,
      %mul3A_388 = arith.constant 200 : i32
      %mul3A_389 = arith.muli %scan3A_291, %mul3A_388 : i32
      %add3A_390 = arith.constant 144 : i32
      %add3A_391 = arith.addi %mul3A_389, %add3A_390 : i32
      %swap3A_392 = arith.index_cast %add3A_391 : i32 to index
      %swap3A_393 = tpu.vector_load %arg6[%swap3A_392] {strides = array<i32>} : memref<12800xi32, #tpu.memory_space<vmem>>, vector<16xi32>,
      tpu.vector_store %arg6[%swap3A_392], %gather3A_387 {strides = array<i32>} : memref<12800xi32, #tpu.memory_space<vmem>>, vector<16xi32>,
      %add3A_394 = arith.constant 160 : i32
      %add3A_395 = vector.broadcast %add3A_394 : i32 to vector<16xi32>
      %add3A_396 = arith.addi %add3A_395, %iota3A : vector<16xi32>
      %gather3A_397 = tpu.vector_load_idx %arg5[%add3A_295, %add3A_396] : memref<64x200xi32, #tpu.memory_space<vmem>>[vector<16xi32>, vector<16xi32>], vector<16xi32>,
      %mul3A_398 = arith.constant 200 : i32
      %mul3A_399 = arith.muli %scan3A_291, %mul3A_398 : i32
      %add3A_400 = arith.constant 160 : i32
      %add3A_401 = arith.addi %mul3A_399, %add3A_400 : i32
      %swap3A_402 = arith.index_cast %add3A_401 : i32 to index
      %swap3A_403 = tpu.vector_load %arg6[%swap3A_402] {strides = array<i32>} : memref<12800xi32, #tpu.memory_space<vmem>>, vector<16xi32>,
      tpu.vector_store %arg6[%swap3A_402], %gather3A_397 {strides = array<i32>} : memref<12800xi32, #tpu.memory_space<vmem>>, vector<16xi32>,
      %add3A_404 = arith.constant 176 : i32
      %add3A_405 = vector.broadcast %add3A_404 : i32 to vector<16xi32>
      %add3A_406 = arith.addi %add3A_405, %iota3A : vector<16xi32>
      %gather3A_407 = tpu.vector_load_idx %arg5[%add3A_295, %add3A_406] : memref<64x200xi32, #tpu.memory_space<vmem>>[vector<16xi32>, vector<16xi32>], vector<16xi32>,
      %mul3A_408 = arith.constant 200 : i32
      %mul3A_409 = arith.muli %scan3A_291, %mul3A_408 : i32
      %add3A_410 = arith.constant 176 : i32
      %add3A_411 = arith.addi %mul3A_409, %add3A_410 : i32
      %swap3A_412 = arith.index_cast %add3A_411 : i32 to index
      %swap3A_413 = tpu.vector_load %arg6[%swap3A_412] {strides = array<i32>} : memref<12800xi32, #tpu.memory_space<vmem>>, vector<16xi32>,
      tpu.vector_store %arg6[%swap3A_412], %gather3A_407 {strides = array<i32>} : memref<12800xi32, #tpu.memory_space<vmem>>, vector<16xi32>,
      %add3A_414 = arith.constant 184 : i32
      %add3A_415 = vector.broadcast %add3A_414 : i32 to vector<16xi32>
      %add3A_416 = arith.addi %add3A_415, %iota3A : vector<16xi32>
      %gather3A_417 = tpu.vector_load_idx %arg5[%add3A_295, %add3A_416] : memref<64x200xi32, #tpu.memory_space<vmem>>[vector<16xi32>, vector<16xi32>], vector<16xi32>,
      %mul3A_418 = arith.constant 200 : i32
      %mul3A_419 = arith.muli %scan3A_291, %mul3A_418 : i32
      %add3A_420 = arith.constant 200 : i32
      %add3A_421 = arith.addi %mul3A_419, %add3A_420 : i32
      %sub3A = arith.constant 16 : i32
      %sub3A_422 = arith.subi %add3A_421, %sub3A : i32
      %swap3A_423 = arith.index_cast %sub3A_422 : i32 to index
      %swap3A_424 = tpu.vector_load %arg6[%swap3A_423] {strides = array<i32>} : memref<12800xi32, #tpu.memory_space<vmem>>, vector<16xi32>,
      tpu.vector_store %arg6[%swap3A_423], %gather3A_417 {strides = array<i32>} : memref<12800xi32, #tpu.memory_space<vmem>>, vector<16xi32>,
    }
    %scan3A_152 = arith.constant 64 : i32
    %dma_start3A_153 = arith.constant 0 : i32
    %dma_start3A_154 = tpu.memref_slice %arg11[%dma_start3A_153] : memref<1000000xf32, #tpu.memory_space<vmem_shared>> -> memref<1000000xf32, #tpu.memory_space<vmem_shared>>
    tpu.enqueue_indirect_dma source(%dma_start3A_154 : memref<1000000xf32, #tpu.memory_space<vmem_shared>>) target(%arg8 : memref<12800xf32, #tpu.memory_space<vmem>>) offsets(%arg6 : memref<12800xi32, #tpu.memory_space<vmem>>) semaphore(%arg14 : memref<!tpu.dma_semaphore, #tpu.memory_space<semaphore_mem>>)
    %mul3A_155 = arith.constant 8 : i32
    %mul3A_156 = arith.muli %add3A, %mul3A_155 : i32
    %add3A_157 = arith.constant 5 : i32
    %add3A_158 = arith.addi %mul3A_156, %add3A_157 : i32
    %mul3A_159 = arith.constant 64 : i32
    %mul3A_160 = arith.muli %add3A_158, %mul3A_159 : i32
    %dma_start3A_161 = arith.constant 0 : i32
    %dma_start3A_162 = tpu.memref_slice %arg3[%mul3A_160, %dma_start3A_161] : memref<16384x200xi32, #tpu.memory_space<hbm>> -> memref<64x200xi32, #tpu.memory_space<hbm>>
    %dma_start3A_163 = arith.constant 0 : i32
    %dma_start3A_164 = tpu.memref_slice %arg3[%mul3A_160, %dma_start3A_163] : memref<16384x200xi32, #tpu.memory_space<hbm>> -> memref<64x200xi32, #tpu.memory_space<hbm>>
    tpu.enqueue_dma source(%dma_start3A_164 : memref<64x200xi32, #tpu.memory_space<hbm>>) target(%arg5 : memref<64x200xi32, #tpu.memory_space<vmem>>) target_semaphore(%arg12 : memref<!tpu.dma_semaphore, #tpu.memory_space<semaphore_mem>>)
    %dma_wait3A_165 = arith.constant 0 : i32
    %dma_wait3A_166 = tpu.memref_slice %arg11[%dma_wait3A_165] : memref<1000000xf32, #tpu.memory_space<vmem_shared>> -> memref<1000000xf32, #tpu.memory_space<vmem_shared>>
    tpu.wait_indirect_dma semaphore(%arg15 : memref<!tpu.dma_semaphore, #tpu.memory_space<semaphore_mem>>) src(%dma_wait3A_166 : memref<1000000xf32, #tpu.memory_space<vmem_shared>>) dst(%arg9 : memref<12800xf32, #tpu.memory_space<vmem>>)
    %scan3A_167 = arith.constant 0 : i32
    %scan3A_168 = arith.constant 0 : i32
    %scan3A_169 = arith.constant 4 : i32
    %scan3A_170 = arith.addi %scan3A_168, %scan3A_169 : i32
    %scan3A_171 = arith.constant 1 : i32
    scf.for %scan3A_291 = %scan3A_168 to %scan3A_170 step %scan3A_171  : i32 {
      %mul3A_292 = arith.constant 16 : i32
      %mul3A_293 = arith.muli %scan3A_291, %mul3A_292 : i32
      %add3A_294 = vector.broadcast %mul3A_293 : i32 to vector<16xi32>
      %add3A_295 = arith.addi %add3A_294, %iota3A : vector<16xi32>
      %mul3A_296 = arith.constant 200 : i32
      %mul3A_297 = vector.broadcast %mul3A_296 : i32 to vector<16xi32>
      %mul3A_298 = arith.muli %add3A_295, %mul3A_297 : vector<16xi32>
      %broadcast_in_dim3A_299 = arith.constant 0.000000e+00 : f32
      %broadcast_in_dim3A_300 = vector.broadcast %broadcast_in_dim3A_299 : f32 to vector<16xf32>
      %broadcast_in_dim3A_301 = arith.constant 0.000000e+00 : f32
      %broadcast_in_dim3A_302 = vector.broadcast %broadcast_in_dim3A_301 : f32 to vector<16xf32>
      %broadcast_in_dim3A_303 = arith.constant 0.000000e+00 : f32
      %broadcast_in_dim3A_304 = vector.broadcast %broadcast_in_dim3A_303 : f32 to vector<16xf32>
      %broadcast_in_dim3A_305 = arith.constant 0.000000e+00 : f32
      %broadcast_in_dim3A_306 = vector.broadcast %broadcast_in_dim3A_305 : f32 to vector<16xf32>
      %broadcast_in_dim3A_307 = arith.constant 0.000000e+00 : f32
      %broadcast_in_dim3A_308 = vector.broadcast %broadcast_in_dim3A_307 : f32 to vector<16xf32>
      %broadcast_in_dim3A_309 = arith.constant 0.000000e+00 : f32
      %broadcast_in_dim3A_310 = vector.broadcast %broadcast_in_dim3A_309 : f32 to vector<16xf32>
      %broadcast_in_dim3A_311 = arith.constant 0.000000e+00 : f32
      %broadcast_in_dim3A_312 = vector.broadcast %broadcast_in_dim3A_311 : f32 to vector<16xf32>
      %broadcast_in_dim3A_313 = arith.constant 0.000000e+00 : f32
      %broadcast_in_dim3A_314 = vector.broadcast %broadcast_in_dim3A_313 : f32 to vector<16xf32>
      %scan3A_315 = arith.constant 0 : i32
      %scan3A_316 = arith.constant 25 : i32
      %scan3A_317 = arith.addi %scan3A_315, %scan3A_316 : i32
      %scan3A_318 = arith.constant 1 : i32
      %scan3A_319:8 = scf.for %scan3A_338 = %scan3A_315 to %scan3A_317 step %scan3A_318 iter_args(%scan3A_339 = %broadcast_in_dim3A_300, %scan3A_340 = %broadcast_in_dim3A_302, %scan3A_341 = %broadcast_in_dim3A_304, %scan3A_342 = %broadcast_in_dim3A_306, %scan3A_343 = %broadcast_in_dim3A_308, %scan3A_344 = %broadcast_in_dim3A_310, %scan3A_345 = %broadcast_in_dim3A_312, %scan3A_346 = %broadcast_in_dim3A_314) -> (vector<16xf32>, vector<16xf32>, vector<16xf32>, vector<16xf32>, vector<16xf32>, vector<16xf32>, vector<16xf32>, vector<16xf32>)  : i32 {
        %mul3A_347 = arith.constant 8 : i32
        %mul3A_348 = arith.muli %scan3A_338, %mul3A_347 : i32
        %add3A_349 = arith.constant 0 : i32
        %add3A_350 = arith.addi %mul3A_348, %add3A_349 : i32
        %add3A_351 = vector.broadcast %add3A_350 : i32 to vector<16xi32>
        %add3A_352 = arith.addi %mul3A_298, %add3A_351 : vector<16xi32>
        %gather3A = tpu.vector_load_idx %arg9[%add3A_352] : memref<12800xf32, #tpu.memory_space<vmem>>[vector<16xi32>], vector<16xf32>,
        %add3A_353 = arith.addf %scan3A_339, %gather3A : vector<16xf32>
        %add3A_354 = arith.constant 1 : i32
        %add3A_355 = arith.addi %mul3A_348, %add3A_354 : i32
        %add3A_356 = vector.broadcast %add3A_355 : i32 to vector<16xi32>
        %add3A_357 = arith.addi %mul3A_298, %add3A_356 : vector<16xi32>
        %gather3A_358 = tpu.vector_load_idx %arg9[%add3A_357] : memref<12800xf32, #tpu.memory_space<vmem>>[vector<16xi32>], vector<16xf32>,
        %add3A_359 = arith.addf %scan3A_340, %gather3A_358 : vector<16xf32>
        %add3A_360 = arith.constant 2 : i32
        %add3A_361 = arith.addi %mul3A_348, %add3A_360 : i32
        %add3A_362 = vector.broadcast %add3A_361 : i32 to vector<16xi32>
        %add3A_363 = arith.addi %mul3A_298, %add3A_362 : vector<16xi32>
        %gather3A_364 = tpu.vector_load_idx %arg9[%add3A_363] : memref<12800xf32, #tpu.memory_space<vmem>>[vector<16xi32>], vector<16xf32>,
        %add3A_365 = arith.addf %scan3A_341, %gather3A_364 : vector<16xf32>
        %add3A_366 = arith.constant 3 : i32
        %add3A_367 = arith.addi %mul3A_348, %add3A_366 : i32
        %add3A_368 = vector.broadcast %add3A_367 : i32 to vector<16xi32>
        %add3A_369 = arith.addi %mul3A_298, %add3A_368 : vector<16xi32>
        %gather3A_370 = tpu.vector_load_idx %arg9[%add3A_369] : memref<12800xf32, #tpu.memory_space<vmem>>[vector<16xi32>], vector<16xf32>,
        %add3A_371 = arith.addf %scan3A_342, %gather3A_370 : vector<16xf32>
        %add3A_372 = arith.constant 4 : i32
        %add3A_373 = arith.addi %mul3A_348, %add3A_372 : i32
        %add3A_374 = vector.broadcast %add3A_373 : i32 to vector<16xi32>
        %add3A_375 = arith.addi %mul3A_298, %add3A_374 : vector<16xi32>
        %gather3A_376 = tpu.vector_load_idx %arg9[%add3A_375] : memref<12800xf32, #tpu.memory_space<vmem>>[vector<16xi32>], vector<16xf32>,
        %add3A_377 = arith.addf %scan3A_343, %gather3A_376 : vector<16xf32>
        %add3A_378 = arith.constant 5 : i32
        %add3A_379 = arith.addi %mul3A_348, %add3A_378 : i32
        %add3A_380 = vector.broadcast %add3A_379 : i32 to vector<16xi32>
        %add3A_381 = arith.addi %mul3A_298, %add3A_380 : vector<16xi32>
        %gather3A_382 = tpu.vector_load_idx %arg9[%add3A_381] : memref<12800xf32, #tpu.memory_space<vmem>>[vector<16xi32>], vector<16xf32>,
        %add3A_383 = arith.addf %scan3A_344, %gather3A_382 : vector<16xf32>
        %add3A_384 = arith.constant 6 : i32
        %add3A_385 = arith.addi %mul3A_348, %add3A_384 : i32
        %add3A_386 = vector.broadcast %add3A_385 : i32 to vector<16xi32>
        %add3A_387 = arith.addi %mul3A_298, %add3A_386 : vector<16xi32>
        %gather3A_388 = tpu.vector_load_idx %arg9[%add3A_387] : memref<12800xf32, #tpu.memory_space<vmem>>[vector<16xi32>], vector<16xf32>,
        %add3A_389 = arith.addf %scan3A_345, %gather3A_388 : vector<16xf32>
        %add3A_390 = arith.constant 7 : i32
        %add3A_391 = arith.addi %mul3A_348, %add3A_390 : i32
        %add3A_392 = vector.broadcast %add3A_391 : i32 to vector<16xi32>
        %add3A_393 = arith.addi %mul3A_298, %add3A_392 : vector<16xi32>
        %gather3A_394 = tpu.vector_load_idx %arg9[%add3A_393] : memref<12800xf32, #tpu.memory_space<vmem>>[vector<16xi32>], vector<16xf32>,
        %add3A_395 = arith.addf %scan3A_346, %gather3A_394 : vector<16xf32>
        scf.yield %add3A_353, %add3A_359, %add3A_365, %add3A_371, %add3A_377, %add3A_383, %add3A_389, %add3A_395 : vector<16xf32>, vector<16xf32>, vector<16xf32>, vector<16xf32>, vector<16xf32>, vector<16xf32>, vector<16xf32>, vector<16xf32>
      }
      %scan3A_320 = arith.constant 25 : i32
      %add3A_321 = arith.addf %scan3A_319#0, %scan3A_319#1 : vector<16xf32>
      %add3A_322 = arith.addf %scan3A_319#2, %scan3A_319#3 : vector<16xf32>
      %add3A_323 = arith.addf %add3A_321, %add3A_322 : vector<16xf32>
      %add3A_324 = arith.addf %scan3A_319#4, %scan3A_319#5 : vector<16xf32>
      %add3A_325 = arith.addf %scan3A_319#6, %scan3A_319#7 : vector<16xf32>
      %add3A_326 = arith.addf %add3A_324, %add3A_325 : vector<16xf32>
      %add3A_327 = arith.addf %add3A_323, %add3A_326 : vector<16xf32>
      %neg3A = arith.constant 0.000000e+00 : f32
      %neg3A_328 = vector.broadcast %neg3A : f32 to vector<16xf32>
      %neg3A_329 = arith.subf %neg3A_328, %add3A_327 : vector<16xf32>
      %exp3A = math.exp %neg3A_329 : vector<16xf32>
      %add3A_330 = arith.constant 1.000000e+00 : f32
      %add3A_331 = vector.broadcast %add3A_330 : f32 to vector<16xf32>
      %add3A_332 = arith.addf %add3A_331, %exp3A : vector<16xf32>
      %div3A = arith.constant 1.000000e+00 : f32
      %div3A_333 = vector.broadcast %div3A : f32 to vector<16xf32>
      %div3A_334 = arith.divf %div3A_333, %add3A_332 : vector<16xf32>
      %mul3A_335 = arith.constant 16 : i32
      %mul3A_336 = arith.muli %scan3A_291, %mul3A_335 : i32
      %swap3A = arith.index_cast %mul3A_336 : i32 to index
      %swap3A_337 = tpu.vector_load %arg10[%swap3A] {strides = array<i32>} : memref<64xf32, #tpu.memory_space<vmem>>, vector<16xf32>,
      tpu.vector_store %arg10[%swap3A], %div3A_334 {strides = array<i32>} : memref<64xf32, #tpu.memory_space<vmem>>, vector<16xf32>,
    }
    %scan3A_172 = arith.constant 4 : i32
    %mul3A_173 = arith.constant 8 : i32
    %mul3A_174 = arith.muli %add3A, %mul3A_173 : i32
    %add3A_175 = arith.constant 3 : i32
    %add3A_176 = arith.addi %mul3A_174, %add3A_175 : i32
    %mul3A_177 = arith.constant 64 : i32
    %mul3A_178 = arith.muli %add3A_176, %mul3A_177 : i32
    "tpu.region"() ({
      %run_scoped3A = tpu.sem_alloc : memref<!tpu.dma_semaphore, #tpu.memory_space<semaphore_mem>>
      %dma_start3A_291 = tpu.memref_slice %arg4[%mul3A_178] : memref<16384xf32, #tpu.memory_space<hbm>> -> memref<64xf32, #tpu.memory_space<hbm>>
      %dma_start3A_292 = tpu.memref_slice %arg4[%mul3A_178] : memref<16384xf32, #tpu.memory_space<hbm>> -> memref<64xf32, #tpu.memory_space<hbm>>
      tpu.enqueue_dma source(%arg10 : memref<64xf32, #tpu.memory_space<vmem>>) target(%dma_start3A_292 : memref<64xf32, #tpu.memory_space<hbm>>) target_semaphore(%run_scoped3A : memref<!tpu.dma_semaphore, #tpu.memory_space<semaphore_mem>>)
      %dma_wait3A_293 = tpu.memref_slice %arg4[%mul3A_178] : memref<16384xf32, #tpu.memory_space<hbm>> -> memref<64xf32, #tpu.memory_space<hbm>>
      %dma_wait3A_294 = tpu.memref_slice %arg4[%mul3A_178] : memref<16384xf32, #tpu.memory_space<hbm>> -> memref<64xf32, #tpu.memory_space<hbm>>
      tpu.wait_dma2 semaphore(%run_scoped3A : memref<!tpu.dma_semaphore, #tpu.memory_space<semaphore_mem>>) src(%arg10 : memref<64xf32, #tpu.memory_space<vmem>>) dst(%dma_wait3A_294 : memref<64xf32, #tpu.memory_space<hbm>>)
      tpu.yield
    }) : () -> ()
    %dma_wait3A_179 = arith.constant 0 : i32
    %dma_wait3A_180 = tpu.memref_slice %arg3[%mul3A_160, %dma_wait3A_179] : memref<16384x200xi32, #tpu.memory_space<hbm>> -> memref<64x200xi32, #tpu.memory_space<hbm>>
    %dma_wait3A_181 = arith.constant 0 : i32
    %dma_wait3A_182 = tpu.memref_slice %arg3[%mul3A_160, %dma_wait3A_181] : memref<16384x200xi32, #tpu.memory_space<hbm>> -> memref<64x200xi32, #tpu.memory_space<hbm>>
    tpu.wait_dma2 semaphore(%arg12 : memref<!tpu.dma_semaphore, #tpu.memory_space<semaphore_mem>>) src(%dma_wait3A_182 : memref<64x200xi32, #tpu.memory_space<hbm>>) dst(%arg5 : memref<64x200xi32, #tpu.memory_space<vmem>>)
    %scan3A_183 = arith.constant 0 : i32
    %scan3A_184 = arith.constant 0 : i32
    %scan3A_185 = arith.constant 64 : i32
    %scan3A_186 = arith.addi %scan3A_184, %scan3A_185 : i32
    %scan3A_187 = arith.constant 1 : i32
    scf.for %scan3A_291 = %scan3A_184 to %scan3A_186 step %scan3A_187  : i32 {
      %broadcast_in_dim3A_292 = arith.constant 0 : i32
      %broadcast_in_dim3A_293 = vector.broadcast %broadcast_in_dim3A_292 : i32 to vector<16xi32>
      %add3A_294 = vector.broadcast %scan3A_291 : i32 to vector<16xi32>
      %add3A_295 = arith.addi %broadcast_in_dim3A_293, %add3A_294 : vector<16xi32>
      %add3A_296 = arith.constant 0 : i32
      %add3A_297 = vector.broadcast %add3A_296 : i32 to vector<16xi32>
      %add3A_298 = arith.addi %add3A_297, %iota3A : vector<16xi32>
      %gather3A = tpu.vector_load_idx %arg5[%add3A_295, %add3A_298] : memref<64x200xi32, #tpu.memory_space<vmem>>[vector<16xi32>, vector<16xi32>], vector<16xi32>,
      %mul3A_299 = arith.constant 200 : i32
      %mul3A_300 = arith.muli %scan3A_291, %mul3A_299 : i32
      %add3A_301 = arith.constant 0 : i32
      %add3A_302 = arith.addi %mul3A_300, %add3A_301 : i32
      %swap3A = arith.index_cast %add3A_302 : i32 to index
      %swap3A_303 = tpu.vector_load %arg7[%swap3A] {strides = array<i32>} : memref<12800xi32, #tpu.memory_space<vmem>>, vector<16xi32>,
      tpu.vector_store %arg7[%swap3A], %gather3A {strides = array<i32>} : memref<12800xi32, #tpu.memory_space<vmem>>, vector<16xi32>,
      %add3A_304 = arith.constant 16 : i32
      %add3A_305 = vector.broadcast %add3A_304 : i32 to vector<16xi32>
      %add3A_306 = arith.addi %add3A_305, %iota3A : vector<16xi32>
      %gather3A_307 = tpu.vector_load_idx %arg5[%add3A_295, %add3A_306] : memref<64x200xi32, #tpu.memory_space<vmem>>[vector<16xi32>, vector<16xi32>], vector<16xi32>,
      %mul3A_308 = arith.constant 200 : i32
      %mul3A_309 = arith.muli %scan3A_291, %mul3A_308 : i32
      %add3A_310 = arith.constant 16 : i32
      %add3A_311 = arith.addi %mul3A_309, %add3A_310 : i32
      %swap3A_312 = arith.index_cast %add3A_311 : i32 to index
      %swap3A_313 = tpu.vector_load %arg7[%swap3A_312] {strides = array<i32>} : memref<12800xi32, #tpu.memory_space<vmem>>, vector<16xi32>,
      tpu.vector_store %arg7[%swap3A_312], %gather3A_307 {strides = array<i32>} : memref<12800xi32, #tpu.memory_space<vmem>>, vector<16xi32>,
      %add3A_314 = arith.constant 32 : i32
      %add3A_315 = vector.broadcast %add3A_314 : i32 to vector<16xi32>
      %add3A_316 = arith.addi %add3A_315, %iota3A : vector<16xi32>
      %gather3A_317 = tpu.vector_load_idx %arg5[%add3A_295, %add3A_316] : memref<64x200xi32, #tpu.memory_space<vmem>>[vector<16xi32>, vector<16xi32>], vector<16xi32>,
      %mul3A_318 = arith.constant 200 : i32
      %mul3A_319 = arith.muli %scan3A_291, %mul3A_318 : i32
      %add3A_320 = arith.constant 32 : i32
      %add3A_321 = arith.addi %mul3A_319, %add3A_320 : i32
      %swap3A_322 = arith.index_cast %add3A_321 : i32 to index
      %swap3A_323 = tpu.vector_load %arg7[%swap3A_322] {strides = array<i32>} : memref<12800xi32, #tpu.memory_space<vmem>>, vector<16xi32>,
      tpu.vector_store %arg7[%swap3A_322], %gather3A_317 {strides = array<i32>} : memref<12800xi32, #tpu.memory_space<vmem>>, vector<16xi32>,
      %add3A_324 = arith.constant 48 : i32
      %add3A_325 = vector.broadcast %add3A_324 : i32 to vector<16xi32>
      %add3A_326 = arith.addi %add3A_325, %iota3A : vector<16xi32>
      %gather3A_327 = tpu.vector_load_idx %arg5[%add3A_295, %add3A_326] : memref<64x200xi32, #tpu.memory_space<vmem>>[vector<16xi32>, vector<16xi32>], vector<16xi32>,
      %mul3A_328 = arith.constant 200 : i32
      %mul3A_329 = arith.muli %scan3A_291, %mul3A_328 : i32
      %add3A_330 = arith.constant 48 : i32
      %add3A_331 = arith.addi %mul3A_329, %add3A_330 : i32
      %swap3A_332 = arith.index_cast %add3A_331 : i32 to index
      %swap3A_333 = tpu.vector_load %arg7[%swap3A_332] {strides = array<i32>} : memref<12800xi32, #tpu.memory_space<vmem>>, vector<16xi32>,
      tpu.vector_store %arg7[%swap3A_332], %gather3A_327 {strides = array<i32>} : memref<12800xi32, #tpu.memory_space<vmem>>, vector<16xi32>,
      %add3A_334 = arith.constant 64 : i32
      %add3A_335 = vector.broadcast %add3A_334 : i32 to vector<16xi32>
      %add3A_336 = arith.addi %add3A_335, %iota3A : vector<16xi32>
      %gather3A_337 = tpu.vector_load_idx %arg5[%add3A_295, %add3A_336] : memref<64x200xi32, #tpu.memory_space<vmem>>[vector<16xi32>, vector<16xi32>], vector<16xi32>,
      %mul3A_338 = arith.constant 200 : i32
      %mul3A_339 = arith.muli %scan3A_291, %mul3A_338 : i32
      %add3A_340 = arith.constant 64 : i32
      %add3A_341 = arith.addi %mul3A_339, %add3A_340 : i32
      %swap3A_342 = arith.index_cast %add3A_341 : i32 to index
      %swap3A_343 = tpu.vector_load %arg7[%swap3A_342] {strides = array<i32>} : memref<12800xi32, #tpu.memory_space<vmem>>, vector<16xi32>,
      tpu.vector_store %arg7[%swap3A_342], %gather3A_337 {strides = array<i32>} : memref<12800xi32, #tpu.memory_space<vmem>>, vector<16xi32>,
      %add3A_344 = arith.constant 80 : i32
      %add3A_345 = vector.broadcast %add3A_344 : i32 to vector<16xi32>
      %add3A_346 = arith.addi %add3A_345, %iota3A : vector<16xi32>
      %gather3A_347 = tpu.vector_load_idx %arg5[%add3A_295, %add3A_346] : memref<64x200xi32, #tpu.memory_space<vmem>>[vector<16xi32>, vector<16xi32>], vector<16xi32>,
      %mul3A_348 = arith.constant 200 : i32
      %mul3A_349 = arith.muli %scan3A_291, %mul3A_348 : i32
      %add3A_350 = arith.constant 80 : i32
      %add3A_351 = arith.addi %mul3A_349, %add3A_350 : i32
      %swap3A_352 = arith.index_cast %add3A_351 : i32 to index
      %swap3A_353 = tpu.vector_load %arg7[%swap3A_352] {strides = array<i32>} : memref<12800xi32, #tpu.memory_space<vmem>>, vector<16xi32>,
      tpu.vector_store %arg7[%swap3A_352], %gather3A_347 {strides = array<i32>} : memref<12800xi32, #tpu.memory_space<vmem>>, vector<16xi32>,
      %add3A_354 = arith.constant 96 : i32
      %add3A_355 = vector.broadcast %add3A_354 : i32 to vector<16xi32>
      %add3A_356 = arith.addi %add3A_355, %iota3A : vector<16xi32>
      %gather3A_357 = tpu.vector_load_idx %arg5[%add3A_295, %add3A_356] : memref<64x200xi32, #tpu.memory_space<vmem>>[vector<16xi32>, vector<16xi32>], vector<16xi32>,
      %mul3A_358 = arith.constant 200 : i32
      %mul3A_359 = arith.muli %scan3A_291, %mul3A_358 : i32
      %add3A_360 = arith.constant 96 : i32
      %add3A_361 = arith.addi %mul3A_359, %add3A_360 : i32
      %swap3A_362 = arith.index_cast %add3A_361 : i32 to index
      %swap3A_363 = tpu.vector_load %arg7[%swap3A_362] {strides = array<i32>} : memref<12800xi32, #tpu.memory_space<vmem>>, vector<16xi32>,
      tpu.vector_store %arg7[%swap3A_362], %gather3A_357 {strides = array<i32>} : memref<12800xi32, #tpu.memory_space<vmem>>, vector<16xi32>,
      %add3A_364 = arith.constant 112 : i32
      %add3A_365 = vector.broadcast %add3A_364 : i32 to vector<16xi32>
      %add3A_366 = arith.addi %add3A_365, %iota3A : vector<16xi32>
      %gather3A_367 = tpu.vector_load_idx %arg5[%add3A_295, %add3A_366] : memref<64x200xi32, #tpu.memory_space<vmem>>[vector<16xi32>, vector<16xi32>], vector<16xi32>,
      %mul3A_368 = arith.constant 200 : i32
      %mul3A_369 = arith.muli %scan3A_291, %mul3A_368 : i32
      %add3A_370 = arith.constant 112 : i32
      %add3A_371 = arith.addi %mul3A_369, %add3A_370 : i32
      %swap3A_372 = arith.index_cast %add3A_371 : i32 to index
      %swap3A_373 = tpu.vector_load %arg7[%swap3A_372] {strides = array<i32>} : memref<12800xi32, #tpu.memory_space<vmem>>, vector<16xi32>,
      tpu.vector_store %arg7[%swap3A_372], %gather3A_367 {strides = array<i32>} : memref<12800xi32, #tpu.memory_space<vmem>>, vector<16xi32>,
      %add3A_374 = arith.constant 128 : i32
      %add3A_375 = vector.broadcast %add3A_374 : i32 to vector<16xi32>
      %add3A_376 = arith.addi %add3A_375, %iota3A : vector<16xi32>
      %gather3A_377 = tpu.vector_load_idx %arg5[%add3A_295, %add3A_376] : memref<64x200xi32, #tpu.memory_space<vmem>>[vector<16xi32>, vector<16xi32>], vector<16xi32>,
      %mul3A_378 = arith.constant 200 : i32
      %mul3A_379 = arith.muli %scan3A_291, %mul3A_378 : i32
      %add3A_380 = arith.constant 128 : i32
      %add3A_381 = arith.addi %mul3A_379, %add3A_380 : i32
      %swap3A_382 = arith.index_cast %add3A_381 : i32 to index
      %swap3A_383 = tpu.vector_load %arg7[%swap3A_382] {strides = array<i32>} : memref<12800xi32, #tpu.memory_space<vmem>>, vector<16xi32>,
      tpu.vector_store %arg7[%swap3A_382], %gather3A_377 {strides = array<i32>} : memref<12800xi32, #tpu.memory_space<vmem>>, vector<16xi32>,
      %add3A_384 = arith.constant 144 : i32
      %add3A_385 = vector.broadcast %add3A_384 : i32 to vector<16xi32>
      %add3A_386 = arith.addi %add3A_385, %iota3A : vector<16xi32>
      %gather3A_387 = tpu.vector_load_idx %arg5[%add3A_295, %add3A_386] : memref<64x200xi32, #tpu.memory_space<vmem>>[vector<16xi32>, vector<16xi32>], vector<16xi32>,
      %mul3A_388 = arith.constant 200 : i32
      %mul3A_389 = arith.muli %scan3A_291, %mul3A_388 : i32
      %add3A_390 = arith.constant 144 : i32
      %add3A_391 = arith.addi %mul3A_389, %add3A_390 : i32
      %swap3A_392 = arith.index_cast %add3A_391 : i32 to index
      %swap3A_393 = tpu.vector_load %arg7[%swap3A_392] {strides = array<i32>} : memref<12800xi32, #tpu.memory_space<vmem>>, vector<16xi32>,
      tpu.vector_store %arg7[%swap3A_392], %gather3A_387 {strides = array<i32>} : memref<12800xi32, #tpu.memory_space<vmem>>, vector<16xi32>,
      %add3A_394 = arith.constant 160 : i32
      %add3A_395 = vector.broadcast %add3A_394 : i32 to vector<16xi32>
      %add3A_396 = arith.addi %add3A_395, %iota3A : vector<16xi32>
      %gather3A_397 = tpu.vector_load_idx %arg5[%add3A_295, %add3A_396] : memref<64x200xi32, #tpu.memory_space<vmem>>[vector<16xi32>, vector<16xi32>], vector<16xi32>,
      %mul3A_398 = arith.constant 200 : i32
      %mul3A_399 = arith.muli %scan3A_291, %mul3A_398 : i32
      %add3A_400 = arith.constant 160 : i32
      %add3A_401 = arith.addi %mul3A_399, %add3A_400 : i32
      %swap3A_402 = arith.index_cast %add3A_401 : i32 to index
      %swap3A_403 = tpu.vector_load %arg7[%swap3A_402] {strides = array<i32>} : memref<12800xi32, #tpu.memory_space<vmem>>, vector<16xi32>,
      tpu.vector_store %arg7[%swap3A_402], %gather3A_397 {strides = array<i32>} : memref<12800xi32, #tpu.memory_space<vmem>>, vector<16xi32>,
      %add3A_404 = arith.constant 176 : i32
      %add3A_405 = vector.broadcast %add3A_404 : i32 to vector<16xi32>
      %add3A_406 = arith.addi %add3A_405, %iota3A : vector<16xi32>
      %gather3A_407 = tpu.vector_load_idx %arg5[%add3A_295, %add3A_406] : memref<64x200xi32, #tpu.memory_space<vmem>>[vector<16xi32>, vector<16xi32>], vector<16xi32>,
      %mul3A_408 = arith.constant 200 : i32
      %mul3A_409 = arith.muli %scan3A_291, %mul3A_408 : i32
      %add3A_410 = arith.constant 176 : i32
      %add3A_411 = arith.addi %mul3A_409, %add3A_410 : i32
      %swap3A_412 = arith.index_cast %add3A_411 : i32 to index
      %swap3A_413 = tpu.vector_load %arg7[%swap3A_412] {strides = array<i32>} : memref<12800xi32, #tpu.memory_space<vmem>>, vector<16xi32>,
      tpu.vector_store %arg7[%swap3A_412], %gather3A_407 {strides = array<i32>} : memref<12800xi32, #tpu.memory_space<vmem>>, vector<16xi32>,
      %add3A_414 = arith.constant 184 : i32
      %add3A_415 = vector.broadcast %add3A_414 : i32 to vector<16xi32>
      %add3A_416 = arith.addi %add3A_415, %iota3A : vector<16xi32>
      %gather3A_417 = tpu.vector_load_idx %arg5[%add3A_295, %add3A_416] : memref<64x200xi32, #tpu.memory_space<vmem>>[vector<16xi32>, vector<16xi32>], vector<16xi32>,
      %mul3A_418 = arith.constant 200 : i32
      %mul3A_419 = arith.muli %scan3A_291, %mul3A_418 : i32
      %add3A_420 = arith.constant 200 : i32
      %add3A_421 = arith.addi %mul3A_419, %add3A_420 : i32
      %sub3A = arith.constant 16 : i32
      %sub3A_422 = arith.subi %add3A_421, %sub3A : i32
      %swap3A_423 = arith.index_cast %sub3A_422 : i32 to index
      %swap3A_424 = tpu.vector_load %arg7[%swap3A_423] {strides = array<i32>} : memref<12800xi32, #tpu.memory_space<vmem>>, vector<16xi32>,
      tpu.vector_store %arg7[%swap3A_423], %gather3A_417 {strides = array<i32>} : memref<12800xi32, #tpu.memory_space<vmem>>, vector<16xi32>,
    }
    %scan3A_188 = arith.constant 64 : i32
    %dma_start3A_189 = arith.constant 0 : i32
    %dma_start3A_190 = tpu.memref_slice %arg11[%dma_start3A_189] : memref<1000000xf32, #tpu.memory_space<vmem_shared>> -> memref<1000000xf32, #tpu.memory_space<vmem_shared>>
    tpu.enqueue_indirect_dma source(%dma_start3A_190 : memref<1000000xf32, #tpu.memory_space<vmem_shared>>) target(%arg9 : memref<12800xf32, #tpu.memory_space<vmem>>) offsets(%arg7 : memref<12800xi32, #tpu.memory_space<vmem>>) semaphore(%arg15 : memref<!tpu.dma_semaphore, #tpu.memory_space<semaphore_mem>>)
    %mul3A_191 = arith.constant 8 : i32
    %mul3A_192 = arith.muli %add3A, %mul3A_191 : i32
    %add3A_193 = arith.constant 6 : i32
    %add3A_194 = arith.addi %mul3A_192, %add3A_193 : i32
    %mul3A_195 = arith.constant 64 : i32
    %mul3A_196 = arith.muli %add3A_194, %mul3A_195 : i32
    %dma_start3A_197 = arith.constant 0 : i32
    %dma_start3A_198 = tpu.memref_slice %arg3[%mul3A_196, %dma_start3A_197] : memref<16384x200xi32, #tpu.memory_space<hbm>> -> memref<64x200xi32, #tpu.memory_space<hbm>>
    %dma_start3A_199 = arith.constant 0 : i32
    %dma_start3A_200 = tpu.memref_slice %arg3[%mul3A_196, %dma_start3A_199] : memref<16384x200xi32, #tpu.memory_space<hbm>> -> memref<64x200xi32, #tpu.memory_space<hbm>>
    tpu.enqueue_dma source(%dma_start3A_200 : memref<64x200xi32, #tpu.memory_space<hbm>>) target(%arg5 : memref<64x200xi32, #tpu.memory_space<vmem>>) target_semaphore(%arg13 : memref<!tpu.dma_semaphore, #tpu.memory_space<semaphore_mem>>)
    %dma_wait3A_201 = arith.constant 0 : i32
    %dma_wait3A_202 = tpu.memref_slice %arg11[%dma_wait3A_201] : memref<1000000xf32, #tpu.memory_space<vmem_shared>> -> memref<1000000xf32, #tpu.memory_space<vmem_shared>>
    tpu.wait_indirect_dma semaphore(%arg14 : memref<!tpu.dma_semaphore, #tpu.memory_space<semaphore_mem>>) src(%dma_wait3A_202 : memref<1000000xf32, #tpu.memory_space<vmem_shared>>) dst(%arg8 : memref<12800xf32, #tpu.memory_space<vmem>>)
    %scan3A_203 = arith.constant 0 : i32
    %scan3A_204 = arith.constant 0 : i32
    %scan3A_205 = arith.constant 4 : i32
    %scan3A_206 = arith.addi %scan3A_204, %scan3A_205 : i32
    %scan3A_207 = arith.constant 1 : i32
    scf.for %scan3A_291 = %scan3A_204 to %scan3A_206 step %scan3A_207  : i32 {
      %mul3A_292 = arith.constant 16 : i32
      %mul3A_293 = arith.muli %scan3A_291, %mul3A_292 : i32
      %add3A_294 = vector.broadcast %mul3A_293 : i32 to vector<16xi32>
      %add3A_295 = arith.addi %add3A_294, %iota3A : vector<16xi32>
      %mul3A_296 = arith.constant 200 : i32
      %mul3A_297 = vector.broadcast %mul3A_296 : i32 to vector<16xi32>
      %mul3A_298 = arith.muli %add3A_295, %mul3A_297 : vector<16xi32>
      %broadcast_in_dim3A_299 = arith.constant 0.000000e+00 : f32
      %broadcast_in_dim3A_300 = vector.broadcast %broadcast_in_dim3A_299 : f32 to vector<16xf32>
      %broadcast_in_dim3A_301 = arith.constant 0.000000e+00 : f32
      %broadcast_in_dim3A_302 = vector.broadcast %broadcast_in_dim3A_301 : f32 to vector<16xf32>
      %broadcast_in_dim3A_303 = arith.constant 0.000000e+00 : f32
      %broadcast_in_dim3A_304 = vector.broadcast %broadcast_in_dim3A_303 : f32 to vector<16xf32>
      %broadcast_in_dim3A_305 = arith.constant 0.000000e+00 : f32
      %broadcast_in_dim3A_306 = vector.broadcast %broadcast_in_dim3A_305 : f32 to vector<16xf32>
      %broadcast_in_dim3A_307 = arith.constant 0.000000e+00 : f32
      %broadcast_in_dim3A_308 = vector.broadcast %broadcast_in_dim3A_307 : f32 to vector<16xf32>
      %broadcast_in_dim3A_309 = arith.constant 0.000000e+00 : f32
      %broadcast_in_dim3A_310 = vector.broadcast %broadcast_in_dim3A_309 : f32 to vector<16xf32>
      %broadcast_in_dim3A_311 = arith.constant 0.000000e+00 : f32
      %broadcast_in_dim3A_312 = vector.broadcast %broadcast_in_dim3A_311 : f32 to vector<16xf32>
      %broadcast_in_dim3A_313 = arith.constant 0.000000e+00 : f32
      %broadcast_in_dim3A_314 = vector.broadcast %broadcast_in_dim3A_313 : f32 to vector<16xf32>
      %scan3A_315 = arith.constant 0 : i32
      %scan3A_316 = arith.constant 25 : i32
      %scan3A_317 = arith.addi %scan3A_315, %scan3A_316 : i32
      %scan3A_318 = arith.constant 1 : i32
      %scan3A_319:8 = scf.for %scan3A_338 = %scan3A_315 to %scan3A_317 step %scan3A_318 iter_args(%scan3A_339 = %broadcast_in_dim3A_300, %scan3A_340 = %broadcast_in_dim3A_302, %scan3A_341 = %broadcast_in_dim3A_304, %scan3A_342 = %broadcast_in_dim3A_306, %scan3A_343 = %broadcast_in_dim3A_308, %scan3A_344 = %broadcast_in_dim3A_310, %scan3A_345 = %broadcast_in_dim3A_312, %scan3A_346 = %broadcast_in_dim3A_314) -> (vector<16xf32>, vector<16xf32>, vector<16xf32>, vector<16xf32>, vector<16xf32>, vector<16xf32>, vector<16xf32>, vector<16xf32>)  : i32 {
        %mul3A_347 = arith.constant 8 : i32
        %mul3A_348 = arith.muli %scan3A_338, %mul3A_347 : i32
        %add3A_349 = arith.constant 0 : i32
        %add3A_350 = arith.addi %mul3A_348, %add3A_349 : i32
        %add3A_351 = vector.broadcast %add3A_350 : i32 to vector<16xi32>
        %add3A_352 = arith.addi %mul3A_298, %add3A_351 : vector<16xi32>
        %gather3A = tpu.vector_load_idx %arg8[%add3A_352] : memref<12800xf32, #tpu.memory_space<vmem>>[vector<16xi32>], vector<16xf32>,
        %add3A_353 = arith.addf %scan3A_339, %gather3A : vector<16xf32>
        %add3A_354 = arith.constant 1 : i32
        %add3A_355 = arith.addi %mul3A_348, %add3A_354 : i32
        %add3A_356 = vector.broadcast %add3A_355 : i32 to vector<16xi32>
        %add3A_357 = arith.addi %mul3A_298, %add3A_356 : vector<16xi32>
        %gather3A_358 = tpu.vector_load_idx %arg8[%add3A_357] : memref<12800xf32, #tpu.memory_space<vmem>>[vector<16xi32>], vector<16xf32>,
        %add3A_359 = arith.addf %scan3A_340, %gather3A_358 : vector<16xf32>
        %add3A_360 = arith.constant 2 : i32
        %add3A_361 = arith.addi %mul3A_348, %add3A_360 : i32
        %add3A_362 = vector.broadcast %add3A_361 : i32 to vector<16xi32>
        %add3A_363 = arith.addi %mul3A_298, %add3A_362 : vector<16xi32>
        %gather3A_364 = tpu.vector_load_idx %arg8[%add3A_363] : memref<12800xf32, #tpu.memory_space<vmem>>[vector<16xi32>], vector<16xf32>,
        %add3A_365 = arith.addf %scan3A_341, %gather3A_364 : vector<16xf32>
        %add3A_366 = arith.constant 3 : i32
        %add3A_367 = arith.addi %mul3A_348, %add3A_366 : i32
        %add3A_368 = vector.broadcast %add3A_367 : i32 to vector<16xi32>
        %add3A_369 = arith.addi %mul3A_298, %add3A_368 : vector<16xi32>
        %gather3A_370 = tpu.vector_load_idx %arg8[%add3A_369] : memref<12800xf32, #tpu.memory_space<vmem>>[vector<16xi32>], vector<16xf32>,
        %add3A_371 = arith.addf %scan3A_342, %gather3A_370 : vector<16xf32>
        %add3A_372 = arith.constant 4 : i32
        %add3A_373 = arith.addi %mul3A_348, %add3A_372 : i32
        %add3A_374 = vector.broadcast %add3A_373 : i32 to vector<16xi32>
        %add3A_375 = arith.addi %mul3A_298, %add3A_374 : vector<16xi32>
        %gather3A_376 = tpu.vector_load_idx %arg8[%add3A_375] : memref<12800xf32, #tpu.memory_space<vmem>>[vector<16xi32>], vector<16xf32>,
        %add3A_377 = arith.addf %scan3A_343, %gather3A_376 : vector<16xf32>
        %add3A_378 = arith.constant 5 : i32
        %add3A_379 = arith.addi %mul3A_348, %add3A_378 : i32
        %add3A_380 = vector.broadcast %add3A_379 : i32 to vector<16xi32>
        %add3A_381 = arith.addi %mul3A_298, %add3A_380 : vector<16xi32>
        %gather3A_382 = tpu.vector_load_idx %arg8[%add3A_381] : memref<12800xf32, #tpu.memory_space<vmem>>[vector<16xi32>], vector<16xf32>,
        %add3A_383 = arith.addf %scan3A_344, %gather3A_382 : vector<16xf32>
        %add3A_384 = arith.constant 6 : i32
        %add3A_385 = arith.addi %mul3A_348, %add3A_384 : i32
        %add3A_386 = vector.broadcast %add3A_385 : i32 to vector<16xi32>
        %add3A_387 = arith.addi %mul3A_298, %add3A_386 : vector<16xi32>
        %gather3A_388 = tpu.vector_load_idx %arg8[%add3A_387] : memref<12800xf32, #tpu.memory_space<vmem>>[vector<16xi32>], vector<16xf32>,
        %add3A_389 = arith.addf %scan3A_345, %gather3A_388 : vector<16xf32>
        %add3A_390 = arith.constant 7 : i32
        %add3A_391 = arith.addi %mul3A_348, %add3A_390 : i32
        %add3A_392 = vector.broadcast %add3A_391 : i32 to vector<16xi32>
        %add3A_393 = arith.addi %mul3A_298, %add3A_392 : vector<16xi32>
        %gather3A_394 = tpu.vector_load_idx %arg8[%add3A_393] : memref<12800xf32, #tpu.memory_space<vmem>>[vector<16xi32>], vector<16xf32>,
        %add3A_395 = arith.addf %scan3A_346, %gather3A_394 : vector<16xf32>
        scf.yield %add3A_353, %add3A_359, %add3A_365, %add3A_371, %add3A_377, %add3A_383, %add3A_389, %add3A_395 : vector<16xf32>, vector<16xf32>, vector<16xf32>, vector<16xf32>, vector<16xf32>, vector<16xf32>, vector<16xf32>, vector<16xf32>
      }
      %scan3A_320 = arith.constant 25 : i32
      %add3A_321 = arith.addf %scan3A_319#0, %scan3A_319#1 : vector<16xf32>
      %add3A_322 = arith.addf %scan3A_319#2, %scan3A_319#3 : vector<16xf32>
      %add3A_323 = arith.addf %add3A_321, %add3A_322 : vector<16xf32>
      %add3A_324 = arith.addf %scan3A_319#4, %scan3A_319#5 : vector<16xf32>
      %add3A_325 = arith.addf %scan3A_319#6, %scan3A_319#7 : vector<16xf32>
      %add3A_326 = arith.addf %add3A_324, %add3A_325 : vector<16xf32>
      %add3A_327 = arith.addf %add3A_323, %add3A_326 : vector<16xf32>
      %neg3A = arith.constant 0.000000e+00 : f32
      %neg3A_328 = vector.broadcast %neg3A : f32 to vector<16xf32>
      %neg3A_329 = arith.subf %neg3A_328, %add3A_327 : vector<16xf32>
      %exp3A = math.exp %neg3A_329 : vector<16xf32>
      %add3A_330 = arith.constant 1.000000e+00 : f32
      %add3A_331 = vector.broadcast %add3A_330 : f32 to vector<16xf32>
      %add3A_332 = arith.addf %add3A_331, %exp3A : vector<16xf32>
      %div3A = arith.constant 1.000000e+00 : f32
      %div3A_333 = vector.broadcast %div3A : f32 to vector<16xf32>
      %div3A_334 = arith.divf %div3A_333, %add3A_332 : vector<16xf32>
      %mul3A_335 = arith.constant 16 : i32
      %mul3A_336 = arith.muli %scan3A_291, %mul3A_335 : i32
      %swap3A = arith.index_cast %mul3A_336 : i32 to index
      %swap3A_337 = tpu.vector_load %arg10[%swap3A] {strides = array<i32>} : memref<64xf32, #tpu.memory_space<vmem>>, vector<16xf32>,
      tpu.vector_store %arg10[%swap3A], %div3A_334 {strides = array<i32>} : memref<64xf32, #tpu.memory_space<vmem>>, vector<16xf32>,
    }
    %scan3A_208 = arith.constant 4 : i32
    %mul3A_209 = arith.constant 8 : i32
    %mul3A_210 = arith.muli %add3A, %mul3A_209 : i32
    %add3A_211 = arith.constant 4 : i32
    %add3A_212 = arith.addi %mul3A_210, %add3A_211 : i32
    %mul3A_213 = arith.constant 64 : i32
    %mul3A_214 = arith.muli %add3A_212, %mul3A_213 : i32
    "tpu.region"() ({
      %run_scoped3A = tpu.sem_alloc : memref<!tpu.dma_semaphore, #tpu.memory_space<semaphore_mem>>
      %dma_start3A_291 = tpu.memref_slice %arg4[%mul3A_214] : memref<16384xf32, #tpu.memory_space<hbm>> -> memref<64xf32, #tpu.memory_space<hbm>>
      %dma_start3A_292 = tpu.memref_slice %arg4[%mul3A_214] : memref<16384xf32, #tpu.memory_space<hbm>> -> memref<64xf32, #tpu.memory_space<hbm>>
      tpu.enqueue_dma source(%arg10 : memref<64xf32, #tpu.memory_space<vmem>>) target(%dma_start3A_292 : memref<64xf32, #tpu.memory_space<hbm>>) target_semaphore(%run_scoped3A : memref<!tpu.dma_semaphore, #tpu.memory_space<semaphore_mem>>)
      %dma_wait3A_293 = tpu.memref_slice %arg4[%mul3A_214] : memref<16384xf32, #tpu.memory_space<hbm>> -> memref<64xf32, #tpu.memory_space<hbm>>
      %dma_wait3A_294 = tpu.memref_slice %arg4[%mul3A_214] : memref<16384xf32, #tpu.memory_space<hbm>> -> memref<64xf32, #tpu.memory_space<hbm>>
      tpu.wait_dma2 semaphore(%run_scoped3A : memref<!tpu.dma_semaphore, #tpu.memory_space<semaphore_mem>>) src(%arg10 : memref<64xf32, #tpu.memory_space<vmem>>) dst(%dma_wait3A_294 : memref<64xf32, #tpu.memory_space<hbm>>)
      tpu.yield
    }) : () -> ()
    %dma_wait3A_215 = arith.constant 0 : i32
    %dma_wait3A_216 = tpu.memref_slice %arg3[%mul3A_196, %dma_wait3A_215] : memref<16384x200xi32, #tpu.memory_space<hbm>> -> memref<64x200xi32, #tpu.memory_space<hbm>>
    %dma_wait3A_217 = arith.constant 0 : i32
    %dma_wait3A_218 = tpu.memref_slice %arg3[%mul3A_196, %dma_wait3A_217] : memref<16384x200xi32, #tpu.memory_space<hbm>> -> memref<64x200xi32, #tpu.memory_space<hbm>>
    tpu.wait_dma2 semaphore(%arg13 : memref<!tpu.dma_semaphore, #tpu.memory_space<semaphore_mem>>) src(%dma_wait3A_218 : memref<64x200xi32, #tpu.memory_space<hbm>>) dst(%arg5 : memref<64x200xi32, #tpu.memory_space<vmem>>)
    %scan3A_219 = arith.constant 0 : i32
    %scan3A_220 = arith.constant 0 : i32
    %scan3A_221 = arith.constant 64 : i32
    %scan3A_222 = arith.addi %scan3A_220, %scan3A_221 : i32
    %scan3A_223 = arith.constant 1 : i32
    scf.for %scan3A_291 = %scan3A_220 to %scan3A_222 step %scan3A_223  : i32 {
      %broadcast_in_dim3A_292 = arith.constant 0 : i32
      %broadcast_in_dim3A_293 = vector.broadcast %broadcast_in_dim3A_292 : i32 to vector<16xi32>
      %add3A_294 = vector.broadcast %scan3A_291 : i32 to vector<16xi32>
      %add3A_295 = arith.addi %broadcast_in_dim3A_293, %add3A_294 : vector<16xi32>
      %add3A_296 = arith.constant 0 : i32
      %add3A_297 = vector.broadcast %add3A_296 : i32 to vector<16xi32>
      %add3A_298 = arith.addi %add3A_297, %iota3A : vector<16xi32>
      %gather3A = tpu.vector_load_idx %arg5[%add3A_295, %add3A_298] : memref<64x200xi32, #tpu.memory_space<vmem>>[vector<16xi32>, vector<16xi32>], vector<16xi32>,
      %mul3A_299 = arith.constant 200 : i32
      %mul3A_300 = arith.muli %scan3A_291, %mul3A_299 : i32
      %add3A_301 = arith.constant 0 : i32
      %add3A_302 = arith.addi %mul3A_300, %add3A_301 : i32
      %swap3A = arith.index_cast %add3A_302 : i32 to index
      %swap3A_303 = tpu.vector_load %arg6[%swap3A] {strides = array<i32>} : memref<12800xi32, #tpu.memory_space<vmem>>, vector<16xi32>,
      tpu.vector_store %arg6[%swap3A], %gather3A {strides = array<i32>} : memref<12800xi32, #tpu.memory_space<vmem>>, vector<16xi32>,
      %add3A_304 = arith.constant 16 : i32
      %add3A_305 = vector.broadcast %add3A_304 : i32 to vector<16xi32>
      %add3A_306 = arith.addi %add3A_305, %iota3A : vector<16xi32>
      %gather3A_307 = tpu.vector_load_idx %arg5[%add3A_295, %add3A_306] : memref<64x200xi32, #tpu.memory_space<vmem>>[vector<16xi32>, vector<16xi32>], vector<16xi32>,
      %mul3A_308 = arith.constant 200 : i32
      %mul3A_309 = arith.muli %scan3A_291, %mul3A_308 : i32
      %add3A_310 = arith.constant 16 : i32
      %add3A_311 = arith.addi %mul3A_309, %add3A_310 : i32
      %swap3A_312 = arith.index_cast %add3A_311 : i32 to index
      %swap3A_313 = tpu.vector_load %arg6[%swap3A_312] {strides = array<i32>} : memref<12800xi32, #tpu.memory_space<vmem>>, vector<16xi32>,
      tpu.vector_store %arg6[%swap3A_312], %gather3A_307 {strides = array<i32>} : memref<12800xi32, #tpu.memory_space<vmem>>, vector<16xi32>,
      %add3A_314 = arith.constant 32 : i32
      %add3A_315 = vector.broadcast %add3A_314 : i32 to vector<16xi32>
      %add3A_316 = arith.addi %add3A_315, %iota3A : vector<16xi32>
      %gather3A_317 = tpu.vector_load_idx %arg5[%add3A_295, %add3A_316] : memref<64x200xi32, #tpu.memory_space<vmem>>[vector<16xi32>, vector<16xi32>], vector<16xi32>,
      %mul3A_318 = arith.constant 200 : i32
      %mul3A_319 = arith.muli %scan3A_291, %mul3A_318 : i32
      %add3A_320 = arith.constant 32 : i32
      %add3A_321 = arith.addi %mul3A_319, %add3A_320 : i32
      %swap3A_322 = arith.index_cast %add3A_321 : i32 to index
      %swap3A_323 = tpu.vector_load %arg6[%swap3A_322] {strides = array<i32>} : memref<12800xi32, #tpu.memory_space<vmem>>, vector<16xi32>,
      tpu.vector_store %arg6[%swap3A_322], %gather3A_317 {strides = array<i32>} : memref<12800xi32, #tpu.memory_space<vmem>>, vector<16xi32>,
      %add3A_324 = arith.constant 48 : i32
      %add3A_325 = vector.broadcast %add3A_324 : i32 to vector<16xi32>
      %add3A_326 = arith.addi %add3A_325, %iota3A : vector<16xi32>
      %gather3A_327 = tpu.vector_load_idx %arg5[%add3A_295, %add3A_326] : memref<64x200xi32, #tpu.memory_space<vmem>>[vector<16xi32>, vector<16xi32>], vector<16xi32>,
      %mul3A_328 = arith.constant 200 : i32
      %mul3A_329 = arith.muli %scan3A_291, %mul3A_328 : i32
      %add3A_330 = arith.constant 48 : i32
      %add3A_331 = arith.addi %mul3A_329, %add3A_330 : i32
      %swap3A_332 = arith.index_cast %add3A_331 : i32 to index
      %swap3A_333 = tpu.vector_load %arg6[%swap3A_332] {strides = array<i32>} : memref<12800xi32, #tpu.memory_space<vmem>>, vector<16xi32>,
      tpu.vector_store %arg6[%swap3A_332], %gather3A_327 {strides = array<i32>} : memref<12800xi32, #tpu.memory_space<vmem>>, vector<16xi32>,
      %add3A_334 = arith.constant 64 : i32
      %add3A_335 = vector.broadcast %add3A_334 : i32 to vector<16xi32>
      %add3A_336 = arith.addi %add3A_335, %iota3A : vector<16xi32>
      %gather3A_337 = tpu.vector_load_idx %arg5[%add3A_295, %add3A_336] : memref<64x200xi32, #tpu.memory_space<vmem>>[vector<16xi32>, vector<16xi32>], vector<16xi32>,
      %mul3A_338 = arith.constant 200 : i32
      %mul3A_339 = arith.muli %scan3A_291, %mul3A_338 : i32
      %add3A_340 = arith.constant 64 : i32
      %add3A_341 = arith.addi %mul3A_339, %add3A_340 : i32
      %swap3A_342 = arith.index_cast %add3A_341 : i32 to index
      %swap3A_343 = tpu.vector_load %arg6[%swap3A_342] {strides = array<i32>} : memref<12800xi32, #tpu.memory_space<vmem>>, vector<16xi32>,
      tpu.vector_store %arg6[%swap3A_342], %gather3A_337 {strides = array<i32>} : memref<12800xi32, #tpu.memory_space<vmem>>, vector<16xi32>,
      %add3A_344 = arith.constant 80 : i32
      %add3A_345 = vector.broadcast %add3A_344 : i32 to vector<16xi32>
      %add3A_346 = arith.addi %add3A_345, %iota3A : vector<16xi32>
      %gather3A_347 = tpu.vector_load_idx %arg5[%add3A_295, %add3A_346] : memref<64x200xi32, #tpu.memory_space<vmem>>[vector<16xi32>, vector<16xi32>], vector<16xi32>,
      %mul3A_348 = arith.constant 200 : i32
      %mul3A_349 = arith.muli %scan3A_291, %mul3A_348 : i32
      %add3A_350 = arith.constant 80 : i32
      %add3A_351 = arith.addi %mul3A_349, %add3A_350 : i32
      %swap3A_352 = arith.index_cast %add3A_351 : i32 to index
      %swap3A_353 = tpu.vector_load %arg6[%swap3A_352] {strides = array<i32>} : memref<12800xi32, #tpu.memory_space<vmem>>, vector<16xi32>,
      tpu.vector_store %arg6[%swap3A_352], %gather3A_347 {strides = array<i32>} : memref<12800xi32, #tpu.memory_space<vmem>>, vector<16xi32>,
      %add3A_354 = arith.constant 96 : i32
      %add3A_355 = vector.broadcast %add3A_354 : i32 to vector<16xi32>
      %add3A_356 = arith.addi %add3A_355, %iota3A : vector<16xi32>
      %gather3A_357 = tpu.vector_load_idx %arg5[%add3A_295, %add3A_356] : memref<64x200xi32, #tpu.memory_space<vmem>>[vector<16xi32>, vector<16xi32>], vector<16xi32>,
      %mul3A_358 = arith.constant 200 : i32
      %mul3A_359 = arith.muli %scan3A_291, %mul3A_358 : i32
      %add3A_360 = arith.constant 96 : i32
      %add3A_361 = arith.addi %mul3A_359, %add3A_360 : i32
      %swap3A_362 = arith.index_cast %add3A_361 : i32 to index
      %swap3A_363 = tpu.vector_load %arg6[%swap3A_362] {strides = array<i32>} : memref<12800xi32, #tpu.memory_space<vmem>>, vector<16xi32>,
      tpu.vector_store %arg6[%swap3A_362], %gather3A_357 {strides = array<i32>} : memref<12800xi32, #tpu.memory_space<vmem>>, vector<16xi32>,
      %add3A_364 = arith.constant 112 : i32
      %add3A_365 = vector.broadcast %add3A_364 : i32 to vector<16xi32>
      %add3A_366 = arith.addi %add3A_365, %iota3A : vector<16xi32>
      %gather3A_367 = tpu.vector_load_idx %arg5[%add3A_295, %add3A_366] : memref<64x200xi32, #tpu.memory_space<vmem>>[vector<16xi32>, vector<16xi32>], vector<16xi32>,
      %mul3A_368 = arith.constant 200 : i32
      %mul3A_369 = arith.muli %scan3A_291, %mul3A_368 : i32
      %add3A_370 = arith.constant 112 : i32
      %add3A_371 = arith.addi %mul3A_369, %add3A_370 : i32
      %swap3A_372 = arith.index_cast %add3A_371 : i32 to index
      %swap3A_373 = tpu.vector_load %arg6[%swap3A_372] {strides = array<i32>} : memref<12800xi32, #tpu.memory_space<vmem>>, vector<16xi32>,
      tpu.vector_store %arg6[%swap3A_372], %gather3A_367 {strides = array<i32>} : memref<12800xi32, #tpu.memory_space<vmem>>, vector<16xi32>,
      %add3A_374 = arith.constant 128 : i32
      %add3A_375 = vector.broadcast %add3A_374 : i32 to vector<16xi32>
      %add3A_376 = arith.addi %add3A_375, %iota3A : vector<16xi32>
      %gather3A_377 = tpu.vector_load_idx %arg5[%add3A_295, %add3A_376] : memref<64x200xi32, #tpu.memory_space<vmem>>[vector<16xi32>, vector<16xi32>], vector<16xi32>,
      %mul3A_378 = arith.constant 200 : i32
      %mul3A_379 = arith.muli %scan3A_291, %mul3A_378 : i32
      %add3A_380 = arith.constant 128 : i32
      %add3A_381 = arith.addi %mul3A_379, %add3A_380 : i32
      %swap3A_382 = arith.index_cast %add3A_381 : i32 to index
      %swap3A_383 = tpu.vector_load %arg6[%swap3A_382] {strides = array<i32>} : memref<12800xi32, #tpu.memory_space<vmem>>, vector<16xi32>,
      tpu.vector_store %arg6[%swap3A_382], %gather3A_377 {strides = array<i32>} : memref<12800xi32, #tpu.memory_space<vmem>>, vector<16xi32>,
      %add3A_384 = arith.constant 144 : i32
      %add3A_385 = vector.broadcast %add3A_384 : i32 to vector<16xi32>
      %add3A_386 = arith.addi %add3A_385, %iota3A : vector<16xi32>
      %gather3A_387 = tpu.vector_load_idx %arg5[%add3A_295, %add3A_386] : memref<64x200xi32, #tpu.memory_space<vmem>>[vector<16xi32>, vector<16xi32>], vector<16xi32>,
      %mul3A_388 = arith.constant 200 : i32
      %mul3A_389 = arith.muli %scan3A_291, %mul3A_388 : i32
      %add3A_390 = arith.constant 144 : i32
      %add3A_391 = arith.addi %mul3A_389, %add3A_390 : i32
      %swap3A_392 = arith.index_cast %add3A_391 : i32 to index
      %swap3A_393 = tpu.vector_load %arg6[%swap3A_392] {strides = array<i32>} : memref<12800xi32, #tpu.memory_space<vmem>>, vector<16xi32>,
      tpu.vector_store %arg6[%swap3A_392], %gather3A_387 {strides = array<i32>} : memref<12800xi32, #tpu.memory_space<vmem>>, vector<16xi32>,
      %add3A_394 = arith.constant 160 : i32
      %add3A_395 = vector.broadcast %add3A_394 : i32 to vector<16xi32>
      %add3A_396 = arith.addi %add3A_395, %iota3A : vector<16xi32>
      %gather3A_397 = tpu.vector_load_idx %arg5[%add3A_295, %add3A_396] : memref<64x200xi32, #tpu.memory_space<vmem>>[vector<16xi32>, vector<16xi32>], vector<16xi32>,
      %mul3A_398 = arith.constant 200 : i32
      %mul3A_399 = arith.muli %scan3A_291, %mul3A_398 : i32
      %add3A_400 = arith.constant 160 : i32
      %add3A_401 = arith.addi %mul3A_399, %add3A_400 : i32
      %swap3A_402 = arith.index_cast %add3A_401 : i32 to index
      %swap3A_403 = tpu.vector_load %arg6[%swap3A_402] {strides = array<i32>} : memref<12800xi32, #tpu.memory_space<vmem>>, vector<16xi32>,
      tpu.vector_store %arg6[%swap3A_402], %gather3A_397 {strides = array<i32>} : memref<12800xi32, #tpu.memory_space<vmem>>, vector<16xi32>,
      %add3A_404 = arith.constant 176 : i32
      %add3A_405 = vector.broadcast %add3A_404 : i32 to vector<16xi32>
      %add3A_406 = arith.addi %add3A_405, %iota3A : vector<16xi32>
      %gather3A_407 = tpu.vector_load_idx %arg5[%add3A_295, %add3A_406] : memref<64x200xi32, #tpu.memory_space<vmem>>[vector<16xi32>, vector<16xi32>], vector<16xi32>,
      %mul3A_408 = arith.constant 200 : i32
      %mul3A_409 = arith.muli %scan3A_291, %mul3A_408 : i32
      %add3A_410 = arith.constant 176 : i32
      %add3A_411 = arith.addi %mul3A_409, %add3A_410 : i32
      %swap3A_412 = arith.index_cast %add3A_411 : i32 to index
      %swap3A_413 = tpu.vector_load %arg6[%swap3A_412] {strides = array<i32>} : memref<12800xi32, #tpu.memory_space<vmem>>, vector<16xi32>,
      tpu.vector_store %arg6[%swap3A_412], %gather3A_407 {strides = array<i32>} : memref<12800xi32, #tpu.memory_space<vmem>>, vector<16xi32>,
      %add3A_414 = arith.constant 184 : i32
      %add3A_415 = vector.broadcast %add3A_414 : i32 to vector<16xi32>
      %add3A_416 = arith.addi %add3A_415, %iota3A : vector<16xi32>
      %gather3A_417 = tpu.vector_load_idx %arg5[%add3A_295, %add3A_416] : memref<64x200xi32, #tpu.memory_space<vmem>>[vector<16xi32>, vector<16xi32>], vector<16xi32>,
      %mul3A_418 = arith.constant 200 : i32
      %mul3A_419 = arith.muli %scan3A_291, %mul3A_418 : i32
      %add3A_420 = arith.constant 200 : i32
      %add3A_421 = arith.addi %mul3A_419, %add3A_420 : i32
      %sub3A = arith.constant 16 : i32
      %sub3A_422 = arith.subi %add3A_421, %sub3A : i32
      %swap3A_423 = arith.index_cast %sub3A_422 : i32 to index
      %swap3A_424 = tpu.vector_load %arg6[%swap3A_423] {strides = array<i32>} : memref<12800xi32, #tpu.memory_space<vmem>>, vector<16xi32>,
      tpu.vector_store %arg6[%swap3A_423], %gather3A_417 {strides = array<i32>} : memref<12800xi32, #tpu.memory_space<vmem>>, vector<16xi32>,
    }
    %scan3A_224 = arith.constant 64 : i32
    %dma_start3A_225 = arith.constant 0 : i32
    %dma_start3A_226 = tpu.memref_slice %arg11[%dma_start3A_225] : memref<1000000xf32, #tpu.memory_space<vmem_shared>> -> memref<1000000xf32, #tpu.memory_space<vmem_shared>>
    tpu.enqueue_indirect_dma source(%dma_start3A_226 : memref<1000000xf32, #tpu.memory_space<vmem_shared>>) target(%arg8 : memref<12800xf32, #tpu.memory_space<vmem>>) offsets(%arg6 : memref<12800xi32, #tpu.memory_space<vmem>>) semaphore(%arg14 : memref<!tpu.dma_semaphore, #tpu.memory_space<semaphore_mem>>)
    %mul3A_227 = arith.constant 8 : i32
    %mul3A_228 = arith.muli %add3A, %mul3A_227 : i32
    %add3A_229 = arith.constant 7 : i32
    %add3A_230 = arith.addi %mul3A_228, %add3A_229 : i32
    %mul3A_231 = arith.constant 64 : i32
    %mul3A_232 = arith.muli %add3A_230, %mul3A_231 : i32
    %dma_start3A_233 = arith.constant 0 : i32
    %dma_start3A_234 = tpu.memref_slice %arg3[%mul3A_232, %dma_start3A_233] : memref<16384x200xi32, #tpu.memory_space<hbm>> -> memref<64x200xi32, #tpu.memory_space<hbm>>
    %dma_start3A_235 = arith.constant 0 : i32
    %dma_start3A_236 = tpu.memref_slice %arg3[%mul3A_232, %dma_start3A_235] : memref<16384x200xi32, #tpu.memory_space<hbm>> -> memref<64x200xi32, #tpu.memory_space<hbm>>
    tpu.enqueue_dma source(%dma_start3A_236 : memref<64x200xi32, #tpu.memory_space<hbm>>) target(%arg5 : memref<64x200xi32, #tpu.memory_space<vmem>>) target_semaphore(%arg12 : memref<!tpu.dma_semaphore, #tpu.memory_space<semaphore_mem>>)
    %dma_wait3A_237 = arith.constant 0 : i32
    %dma_wait3A_238 = tpu.memref_slice %arg11[%dma_wait3A_237] : memref<1000000xf32, #tpu.memory_space<vmem_shared>> -> memref<1000000xf32, #tpu.memory_space<vmem_shared>>
    tpu.wait_indirect_dma semaphore(%arg15 : memref<!tpu.dma_semaphore, #tpu.memory_space<semaphore_mem>>) src(%dma_wait3A_238 : memref<1000000xf32, #tpu.memory_space<vmem_shared>>) dst(%arg9 : memref<12800xf32, #tpu.memory_space<vmem>>)
    %scan3A_239 = arith.constant 0 : i32
    %scan3A_240 = arith.constant 0 : i32
    %scan3A_241 = arith.constant 4 : i32
    %scan3A_242 = arith.addi %scan3A_240, %scan3A_241 : i32
    %scan3A_243 = arith.constant 1 : i32
    scf.for %scan3A_291 = %scan3A_240 to %scan3A_242 step %scan3A_243  : i32 {
      %mul3A_292 = arith.constant 16 : i32
      %mul3A_293 = arith.muli %scan3A_291, %mul3A_292 : i32
      %add3A_294 = vector.broadcast %mul3A_293 : i32 to vector<16xi32>
      %add3A_295 = arith.addi %add3A_294, %iota3A : vector<16xi32>
      %mul3A_296 = arith.constant 200 : i32
      %mul3A_297 = vector.broadcast %mul3A_296 : i32 to vector<16xi32>
      %mul3A_298 = arith.muli %add3A_295, %mul3A_297 : vector<16xi32>
      %broadcast_in_dim3A_299 = arith.constant 0.000000e+00 : f32
      %broadcast_in_dim3A_300 = vector.broadcast %broadcast_in_dim3A_299 : f32 to vector<16xf32>
      %broadcast_in_dim3A_301 = arith.constant 0.000000e+00 : f32
      %broadcast_in_dim3A_302 = vector.broadcast %broadcast_in_dim3A_301 : f32 to vector<16xf32>
      %broadcast_in_dim3A_303 = arith.constant 0.000000e+00 : f32
      %broadcast_in_dim3A_304 = vector.broadcast %broadcast_in_dim3A_303 : f32 to vector<16xf32>
      %broadcast_in_dim3A_305 = arith.constant 0.000000e+00 : f32
      %broadcast_in_dim3A_306 = vector.broadcast %broadcast_in_dim3A_305 : f32 to vector<16xf32>
      %broadcast_in_dim3A_307 = arith.constant 0.000000e+00 : f32
      %broadcast_in_dim3A_308 = vector.broadcast %broadcast_in_dim3A_307 : f32 to vector<16xf32>
      %broadcast_in_dim3A_309 = arith.constant 0.000000e+00 : f32
      %broadcast_in_dim3A_310 = vector.broadcast %broadcast_in_dim3A_309 : f32 to vector<16xf32>
      %broadcast_in_dim3A_311 = arith.constant 0.000000e+00 : f32
      %broadcast_in_dim3A_312 = vector.broadcast %broadcast_in_dim3A_311 : f32 to vector<16xf32>
      %broadcast_in_dim3A_313 = arith.constant 0.000000e+00 : f32
      %broadcast_in_dim3A_314 = vector.broadcast %broadcast_in_dim3A_313 : f32 to vector<16xf32>
      %scan3A_315 = arith.constant 0 : i32
      %scan3A_316 = arith.constant 25 : i32
      %scan3A_317 = arith.addi %scan3A_315, %scan3A_316 : i32
      %scan3A_318 = arith.constant 1 : i32
      %scan3A_319:8 = scf.for %scan3A_338 = %scan3A_315 to %scan3A_317 step %scan3A_318 iter_args(%scan3A_339 = %broadcast_in_dim3A_300, %scan3A_340 = %broadcast_in_dim3A_302, %scan3A_341 = %broadcast_in_dim3A_304, %scan3A_342 = %broadcast_in_dim3A_306, %scan3A_343 = %broadcast_in_dim3A_308, %scan3A_344 = %broadcast_in_dim3A_310, %scan3A_345 = %broadcast_in_dim3A_312, %scan3A_346 = %broadcast_in_dim3A_314) -> (vector<16xf32>, vector<16xf32>, vector<16xf32>, vector<16xf32>, vector<16xf32>, vector<16xf32>, vector<16xf32>, vector<16xf32>)  : i32 {
        %mul3A_347 = arith.constant 8 : i32
        %mul3A_348 = arith.muli %scan3A_338, %mul3A_347 : i32
        %add3A_349 = arith.constant 0 : i32
        %add3A_350 = arith.addi %mul3A_348, %add3A_349 : i32
        %add3A_351 = vector.broadcast %add3A_350 : i32 to vector<16xi32>
        %add3A_352 = arith.addi %mul3A_298, %add3A_351 : vector<16xi32>
        %gather3A = tpu.vector_load_idx %arg9[%add3A_352] : memref<12800xf32, #tpu.memory_space<vmem>>[vector<16xi32>], vector<16xf32>,
        %add3A_353 = arith.addf %scan3A_339, %gather3A : vector<16xf32>
        %add3A_354 = arith.constant 1 : i32
        %add3A_355 = arith.addi %mul3A_348, %add3A_354 : i32
        %add3A_356 = vector.broadcast %add3A_355 : i32 to vector<16xi32>
        %add3A_357 = arith.addi %mul3A_298, %add3A_356 : vector<16xi32>
        %gather3A_358 = tpu.vector_load_idx %arg9[%add3A_357] : memref<12800xf32, #tpu.memory_space<vmem>>[vector<16xi32>], vector<16xf32>,
        %add3A_359 = arith.addf %scan3A_340, %gather3A_358 : vector<16xf32>
        %add3A_360 = arith.constant 2 : i32
        %add3A_361 = arith.addi %mul3A_348, %add3A_360 : i32
        %add3A_362 = vector.broadcast %add3A_361 : i32 to vector<16xi32>
        %add3A_363 = arith.addi %mul3A_298, %add3A_362 : vector<16xi32>
        %gather3A_364 = tpu.vector_load_idx %arg9[%add3A_363] : memref<12800xf32, #tpu.memory_space<vmem>>[vector<16xi32>], vector<16xf32>,
        %add3A_365 = arith.addf %scan3A_341, %gather3A_364 : vector<16xf32>
        %add3A_366 = arith.constant 3 : i32
        %add3A_367 = arith.addi %mul3A_348, %add3A_366 : i32
        %add3A_368 = vector.broadcast %add3A_367 : i32 to vector<16xi32>
        %add3A_369 = arith.addi %mul3A_298, %add3A_368 : vector<16xi32>
        %gather3A_370 = tpu.vector_load_idx %arg9[%add3A_369] : memref<12800xf32, #tpu.memory_space<vmem>>[vector<16xi32>], vector<16xf32>,
        %add3A_371 = arith.addf %scan3A_342, %gather3A_370 : vector<16xf32>
        %add3A_372 = arith.constant 4 : i32
        %add3A_373 = arith.addi %mul3A_348, %add3A_372 : i32
        %add3A_374 = vector.broadcast %add3A_373 : i32 to vector<16xi32>
        %add3A_375 = arith.addi %mul3A_298, %add3A_374 : vector<16xi32>
        %gather3A_376 = tpu.vector_load_idx %arg9[%add3A_375] : memref<12800xf32, #tpu.memory_space<vmem>>[vector<16xi32>], vector<16xf32>,
        %add3A_377 = arith.addf %scan3A_343, %gather3A_376 : vector<16xf32>
        %add3A_378 = arith.constant 5 : i32
        %add3A_379 = arith.addi %mul3A_348, %add3A_378 : i32
        %add3A_380 = vector.broadcast %add3A_379 : i32 to vector<16xi32>
        %add3A_381 = arith.addi %mul3A_298, %add3A_380 : vector<16xi32>
        %gather3A_382 = tpu.vector_load_idx %arg9[%add3A_381] : memref<12800xf32, #tpu.memory_space<vmem>>[vector<16xi32>], vector<16xf32>,
        %add3A_383 = arith.addf %scan3A_344, %gather3A_382 : vector<16xf32>
        %add3A_384 = arith.constant 6 : i32
        %add3A_385 = arith.addi %mul3A_348, %add3A_384 : i32
        %add3A_386 = vector.broadcast %add3A_385 : i32 to vector<16xi32>
        %add3A_387 = arith.addi %mul3A_298, %add3A_386 : vector<16xi32>
        %gather3A_388 = tpu.vector_load_idx %arg9[%add3A_387] : memref<12800xf32, #tpu.memory_space<vmem>>[vector<16xi32>], vector<16xf32>,
        %add3A_389 = arith.addf %scan3A_345, %gather3A_388 : vector<16xf32>
        %add3A_390 = arith.constant 7 : i32
        %add3A_391 = arith.addi %mul3A_348, %add3A_390 : i32
        %add3A_392 = vector.broadcast %add3A_391 : i32 to vector<16xi32>
        %add3A_393 = arith.addi %mul3A_298, %add3A_392 : vector<16xi32>
        %gather3A_394 = tpu.vector_load_idx %arg9[%add3A_393] : memref<12800xf32, #tpu.memory_space<vmem>>[vector<16xi32>], vector<16xf32>,
        %add3A_395 = arith.addf %scan3A_346, %gather3A_394 : vector<16xf32>
        scf.yield %add3A_353, %add3A_359, %add3A_365, %add3A_371, %add3A_377, %add3A_383, %add3A_389, %add3A_395 : vector<16xf32>, vector<16xf32>, vector<16xf32>, vector<16xf32>, vector<16xf32>, vector<16xf32>, vector<16xf32>, vector<16xf32>
      }
      %scan3A_320 = arith.constant 25 : i32
      %add3A_321 = arith.addf %scan3A_319#0, %scan3A_319#1 : vector<16xf32>
      %add3A_322 = arith.addf %scan3A_319#2, %scan3A_319#3 : vector<16xf32>
      %add3A_323 = arith.addf %add3A_321, %add3A_322 : vector<16xf32>
      %add3A_324 = arith.addf %scan3A_319#4, %scan3A_319#5 : vector<16xf32>
      %add3A_325 = arith.addf %scan3A_319#6, %scan3A_319#7 : vector<16xf32>
      %add3A_326 = arith.addf %add3A_324, %add3A_325 : vector<16xf32>
      %add3A_327 = arith.addf %add3A_323, %add3A_326 : vector<16xf32>
      %neg3A = arith.constant 0.000000e+00 : f32
      %neg3A_328 = vector.broadcast %neg3A : f32 to vector<16xf32>
      %neg3A_329 = arith.subf %neg3A_328, %add3A_327 : vector<16xf32>
      %exp3A = math.exp %neg3A_329 : vector<16xf32>
      %add3A_330 = arith.constant 1.000000e+00 : f32
      %add3A_331 = vector.broadcast %add3A_330 : f32 to vector<16xf32>
      %add3A_332 = arith.addf %add3A_331, %exp3A : vector<16xf32>
      %div3A = arith.constant 1.000000e+00 : f32
      %div3A_333 = vector.broadcast %div3A : f32 to vector<16xf32>
      %div3A_334 = arith.divf %div3A_333, %add3A_332 : vector<16xf32>
      %mul3A_335 = arith.constant 16 : i32
      %mul3A_336 = arith.muli %scan3A_291, %mul3A_335 : i32
      %swap3A = arith.index_cast %mul3A_336 : i32 to index
      %swap3A_337 = tpu.vector_load %arg10[%swap3A] {strides = array<i32>} : memref<64xf32, #tpu.memory_space<vmem>>, vector<16xf32>,
      tpu.vector_store %arg10[%swap3A], %div3A_334 {strides = array<i32>} : memref<64xf32, #tpu.memory_space<vmem>>, vector<16xf32>,
    }
    %scan3A_244 = arith.constant 4 : i32
    %mul3A_245 = arith.constant 8 : i32
    %mul3A_246 = arith.muli %add3A, %mul3A_245 : i32
    %add3A_247 = arith.constant 5 : i32
    %add3A_248 = arith.addi %mul3A_246, %add3A_247 : i32
    %mul3A_249 = arith.constant 64 : i32
    %mul3A_250 = arith.muli %add3A_248, %mul3A_249 : i32
    "tpu.region"() ({
      %run_scoped3A = tpu.sem_alloc : memref<!tpu.dma_semaphore, #tpu.memory_space<semaphore_mem>>
      %dma_start3A_291 = tpu.memref_slice %arg4[%mul3A_250] : memref<16384xf32, #tpu.memory_space<hbm>> -> memref<64xf32, #tpu.memory_space<hbm>>
      %dma_start3A_292 = tpu.memref_slice %arg4[%mul3A_250] : memref<16384xf32, #tpu.memory_space<hbm>> -> memref<64xf32, #tpu.memory_space<hbm>>
      tpu.enqueue_dma source(%arg10 : memref<64xf32, #tpu.memory_space<vmem>>) target(%dma_start3A_292 : memref<64xf32, #tpu.memory_space<hbm>>) target_semaphore(%run_scoped3A : memref<!tpu.dma_semaphore, #tpu.memory_space<semaphore_mem>>)
      %dma_wait3A_293 = tpu.memref_slice %arg4[%mul3A_250] : memref<16384xf32, #tpu.memory_space<hbm>> -> memref<64xf32, #tpu.memory_space<hbm>>
      %dma_wait3A_294 = tpu.memref_slice %arg4[%mul3A_250] : memref<16384xf32, #tpu.memory_space<hbm>> -> memref<64xf32, #tpu.memory_space<hbm>>
      tpu.wait_dma2 semaphore(%run_scoped3A : memref<!tpu.dma_semaphore, #tpu.memory_space<semaphore_mem>>) src(%arg10 : memref<64xf32, #tpu.memory_space<vmem>>) dst(%dma_wait3A_294 : memref<64xf32, #tpu.memory_space<hbm>>)
      tpu.yield
    }) : () -> ()
    %dma_wait3A_251 = arith.constant 0 : i32
    %dma_wait3A_252 = tpu.memref_slice %arg3[%mul3A_232, %dma_wait3A_251] : memref<16384x200xi32, #tpu.memory_space<hbm>> -> memref<64x200xi32, #tpu.memory_space<hbm>>
    %dma_wait3A_253 = arith.constant 0 : i32
    %dma_wait3A_254 = tpu.memref_slice %arg3[%mul3A_232, %dma_wait3A_253] : memref<16384x200xi32, #tpu.memory_space<hbm>> -> memref<64x200xi32, #tpu.memory_space<hbm>>
    tpu.wait_dma2 semaphore(%arg12 : memref<!tpu.dma_semaphore, #tpu.memory_space<semaphore_mem>>) src(%dma_wait3A_254 : memref<64x200xi32, #tpu.memory_space<hbm>>) dst(%arg5 : memref<64x200xi32, #tpu.memory_space<vmem>>)
    %scan3A_255 = arith.constant 0 : i32
    %scan3A_256 = arith.constant 0 : i32
    %scan3A_257 = arith.constant 64 : i32
    %scan3A_258 = arith.addi %scan3A_256, %scan3A_257 : i32
    %scan3A_259 = arith.constant 1 : i32
    scf.for %scan3A_291 = %scan3A_256 to %scan3A_258 step %scan3A_259  : i32 {
      %broadcast_in_dim3A_292 = arith.constant 0 : i32
      %broadcast_in_dim3A_293 = vector.broadcast %broadcast_in_dim3A_292 : i32 to vector<16xi32>
      %add3A_294 = vector.broadcast %scan3A_291 : i32 to vector<16xi32>
      %add3A_295 = arith.addi %broadcast_in_dim3A_293, %add3A_294 : vector<16xi32>
      %add3A_296 = arith.constant 0 : i32
      %add3A_297 = vector.broadcast %add3A_296 : i32 to vector<16xi32>
      %add3A_298 = arith.addi %add3A_297, %iota3A : vector<16xi32>
      %gather3A = tpu.vector_load_idx %arg5[%add3A_295, %add3A_298] : memref<64x200xi32, #tpu.memory_space<vmem>>[vector<16xi32>, vector<16xi32>], vector<16xi32>,
      %mul3A_299 = arith.constant 200 : i32
      %mul3A_300 = arith.muli %scan3A_291, %mul3A_299 : i32
      %add3A_301 = arith.constant 0 : i32
      %add3A_302 = arith.addi %mul3A_300, %add3A_301 : i32
      %swap3A = arith.index_cast %add3A_302 : i32 to index
      %swap3A_303 = tpu.vector_load %arg7[%swap3A] {strides = array<i32>} : memref<12800xi32, #tpu.memory_space<vmem>>, vector<16xi32>,
      tpu.vector_store %arg7[%swap3A], %gather3A {strides = array<i32>} : memref<12800xi32, #tpu.memory_space<vmem>>, vector<16xi32>,
      %add3A_304 = arith.constant 16 : i32
      %add3A_305 = vector.broadcast %add3A_304 : i32 to vector<16xi32>
      %add3A_306 = arith.addi %add3A_305, %iota3A : vector<16xi32>
      %gather3A_307 = tpu.vector_load_idx %arg5[%add3A_295, %add3A_306] : memref<64x200xi32, #tpu.memory_space<vmem>>[vector<16xi32>, vector<16xi32>], vector<16xi32>,
      %mul3A_308 = arith.constant 200 : i32
      %mul3A_309 = arith.muli %scan3A_291, %mul3A_308 : i32
      %add3A_310 = arith.constant 16 : i32
      %add3A_311 = arith.addi %mul3A_309, %add3A_310 : i32
      %swap3A_312 = arith.index_cast %add3A_311 : i32 to index
      %swap3A_313 = tpu.vector_load %arg7[%swap3A_312] {strides = array<i32>} : memref<12800xi32, #tpu.memory_space<vmem>>, vector<16xi32>,
      tpu.vector_store %arg7[%swap3A_312], %gather3A_307 {strides = array<i32>} : memref<12800xi32, #tpu.memory_space<vmem>>, vector<16xi32>,
      %add3A_314 = arith.constant 32 : i32
      %add3A_315 = vector.broadcast %add3A_314 : i32 to vector<16xi32>
      %add3A_316 = arith.addi %add3A_315, %iota3A : vector<16xi32>
      %gather3A_317 = tpu.vector_load_idx %arg5[%add3A_295, %add3A_316] : memref<64x200xi32, #tpu.memory_space<vmem>>[vector<16xi32>, vector<16xi32>], vector<16xi32>,
      %mul3A_318 = arith.constant 200 : i32
      %mul3A_319 = arith.muli %scan3A_291, %mul3A_318 : i32
      %add3A_320 = arith.constant 32 : i32
      %add3A_321 = arith.addi %mul3A_319, %add3A_320 : i32
      %swap3A_322 = arith.index_cast %add3A_321 : i32 to index
      %swap3A_323 = tpu.vector_load %arg7[%swap3A_322] {strides = array<i32>} : memref<12800xi32, #tpu.memory_space<vmem>>, vector<16xi32>,
      tpu.vector_store %arg7[%swap3A_322], %gather3A_317 {strides = array<i32>} : memref<12800xi32, #tpu.memory_space<vmem>>, vector<16xi32>,
      %add3A_324 = arith.constant 48 : i32
      %add3A_325 = vector.broadcast %add3A_324 : i32 to vector<16xi32>
      %add3A_326 = arith.addi %add3A_325, %iota3A : vector<16xi32>
      %gather3A_327 = tpu.vector_load_idx %arg5[%add3A_295, %add3A_326] : memref<64x200xi32, #tpu.memory_space<vmem>>[vector<16xi32>, vector<16xi32>], vector<16xi32>,
      %mul3A_328 = arith.constant 200 : i32
      %mul3A_329 = arith.muli %scan3A_291, %mul3A_328 : i32
      %add3A_330 = arith.constant 48 : i32
      %add3A_331 = arith.addi %mul3A_329, %add3A_330 : i32
      %swap3A_332 = arith.index_cast %add3A_331 : i32 to index
      %swap3A_333 = tpu.vector_load %arg7[%swap3A_332] {strides = array<i32>} : memref<12800xi32, #tpu.memory_space<vmem>>, vector<16xi32>,
      tpu.vector_store %arg7[%swap3A_332], %gather3A_327 {strides = array<i32>} : memref<12800xi32, #tpu.memory_space<vmem>>, vector<16xi32>,
      %add3A_334 = arith.constant 64 : i32
      %add3A_335 = vector.broadcast %add3A_334 : i32 to vector<16xi32>
      %add3A_336 = arith.addi %add3A_335, %iota3A : vector<16xi32>
      %gather3A_337 = tpu.vector_load_idx %arg5[%add3A_295, %add3A_336] : memref<64x200xi32, #tpu.memory_space<vmem>>[vector<16xi32>, vector<16xi32>], vector<16xi32>,
      %mul3A_338 = arith.constant 200 : i32
      %mul3A_339 = arith.muli %scan3A_291, %mul3A_338 : i32
      %add3A_340 = arith.constant 64 : i32
      %add3A_341 = arith.addi %mul3A_339, %add3A_340 : i32
      %swap3A_342 = arith.index_cast %add3A_341 : i32 to index
      %swap3A_343 = tpu.vector_load %arg7[%swap3A_342] {strides = array<i32>} : memref<12800xi32, #tpu.memory_space<vmem>>, vector<16xi32>,
      tpu.vector_store %arg7[%swap3A_342], %gather3A_337 {strides = array<i32>} : memref<12800xi32, #tpu.memory_space<vmem>>, vector<16xi32>,
      %add3A_344 = arith.constant 80 : i32
      %add3A_345 = vector.broadcast %add3A_344 : i32 to vector<16xi32>
      %add3A_346 = arith.addi %add3A_345, %iota3A : vector<16xi32>
      %gather3A_347 = tpu.vector_load_idx %arg5[%add3A_295, %add3A_346] : memref<64x200xi32, #tpu.memory_space<vmem>>[vector<16xi32>, vector<16xi32>], vector<16xi32>,
      %mul3A_348 = arith.constant 200 : i32
      %mul3A_349 = arith.muli %scan3A_291, %mul3A_348 : i32
      %add3A_350 = arith.constant 80 : i32
      %add3A_351 = arith.addi %mul3A_349, %add3A_350 : i32
      %swap3A_352 = arith.index_cast %add3A_351 : i32 to index
      %swap3A_353 = tpu.vector_load %arg7[%swap3A_352] {strides = array<i32>} : memref<12800xi32, #tpu.memory_space<vmem>>, vector<16xi32>,
      tpu.vector_store %arg7[%swap3A_352], %gather3A_347 {strides = array<i32>} : memref<12800xi32, #tpu.memory_space<vmem>>, vector<16xi32>,
      %add3A_354 = arith.constant 96 : i32
      %add3A_355 = vector.broadcast %add3A_354 : i32 to vector<16xi32>
      %add3A_356 = arith.addi %add3A_355, %iota3A : vector<16xi32>
      %gather3A_357 = tpu.vector_load_idx %arg5[%add3A_295, %add3A_356] : memref<64x200xi32, #tpu.memory_space<vmem>>[vector<16xi32>, vector<16xi32>], vector<16xi32>,
      %mul3A_358 = arith.constant 200 : i32
      %mul3A_359 = arith.muli %scan3A_291, %mul3A_358 : i32
      %add3A_360 = arith.constant 96 : i32
      %add3A_361 = arith.addi %mul3A_359, %add3A_360 : i32
      %swap3A_362 = arith.index_cast %add3A_361 : i32 to index
      %swap3A_363 = tpu.vector_load %arg7[%swap3A_362] {strides = array<i32>} : memref<12800xi32, #tpu.memory_space<vmem>>, vector<16xi32>,
      tpu.vector_store %arg7[%swap3A_362], %gather3A_357 {strides = array<i32>} : memref<12800xi32, #tpu.memory_space<vmem>>, vector<16xi32>,
      %add3A_364 = arith.constant 112 : i32
      %add3A_365 = vector.broadcast %add3A_364 : i32 to vector<16xi32>
      %add3A_366 = arith.addi %add3A_365, %iota3A : vector<16xi32>
      %gather3A_367 = tpu.vector_load_idx %arg5[%add3A_295, %add3A_366] : memref<64x200xi32, #tpu.memory_space<vmem>>[vector<16xi32>, vector<16xi32>], vector<16xi32>,
      %mul3A_368 = arith.constant 200 : i32
      %mul3A_369 = arith.muli %scan3A_291, %mul3A_368 : i32
      %add3A_370 = arith.constant 112 : i32
      %add3A_371 = arith.addi %mul3A_369, %add3A_370 : i32
      %swap3A_372 = arith.index_cast %add3A_371 : i32 to index
      %swap3A_373 = tpu.vector_load %arg7[%swap3A_372] {strides = array<i32>} : memref<12800xi32, #tpu.memory_space<vmem>>, vector<16xi32>,
      tpu.vector_store %arg7[%swap3A_372], %gather3A_367 {strides = array<i32>} : memref<12800xi32, #tpu.memory_space<vmem>>, vector<16xi32>,
      %add3A_374 = arith.constant 128 : i32
      %add3A_375 = vector.broadcast %add3A_374 : i32 to vector<16xi32>
      %add3A_376 = arith.addi %add3A_375, %iota3A : vector<16xi32>
      %gather3A_377 = tpu.vector_load_idx %arg5[%add3A_295, %add3A_376] : memref<64x200xi32, #tpu.memory_space<vmem>>[vector<16xi32>, vector<16xi32>], vector<16xi32>,
      %mul3A_378 = arith.constant 200 : i32
      %mul3A_379 = arith.muli %scan3A_291, %mul3A_378 : i32
      %add3A_380 = arith.constant 128 : i32
      %add3A_381 = arith.addi %mul3A_379, %add3A_380 : i32
      %swap3A_382 = arith.index_cast %add3A_381 : i32 to index
      %swap3A_383 = tpu.vector_load %arg7[%swap3A_382] {strides = array<i32>} : memref<12800xi32, #tpu.memory_space<vmem>>, vector<16xi32>,
      tpu.vector_store %arg7[%swap3A_382], %gather3A_377 {strides = array<i32>} : memref<12800xi32, #tpu.memory_space<vmem>>, vector<16xi32>,
      %add3A_384 = arith.constant 144 : i32
      %add3A_385 = vector.broadcast %add3A_384 : i32 to vector<16xi32>
      %add3A_386 = arith.addi %add3A_385, %iota3A : vector<16xi32>
      %gather3A_387 = tpu.vector_load_idx %arg5[%add3A_295, %add3A_386] : memref<64x200xi32, #tpu.memory_space<vmem>>[vector<16xi32>, vector<16xi32>], vector<16xi32>,
      %mul3A_388 = arith.constant 200 : i32
      %mul3A_389 = arith.muli %scan3A_291, %mul3A_388 : i32
      %add3A_390 = arith.constant 144 : i32
      %add3A_391 = arith.addi %mul3A_389, %add3A_390 : i32
      %swap3A_392 = arith.index_cast %add3A_391 : i32 to index
      %swap3A_393 = tpu.vector_load %arg7[%swap3A_392] {strides = array<i32>} : memref<12800xi32, #tpu.memory_space<vmem>>, vector<16xi32>,
      tpu.vector_store %arg7[%swap3A_392], %gather3A_387 {strides = array<i32>} : memref<12800xi32, #tpu.memory_space<vmem>>, vector<16xi32>,
      %add3A_394 = arith.constant 160 : i32
      %add3A_395 = vector.broadcast %add3A_394 : i32 to vector<16xi32>
      %add3A_396 = arith.addi %add3A_395, %iota3A : vector<16xi32>
      %gather3A_397 = tpu.vector_load_idx %arg5[%add3A_295, %add3A_396] : memref<64x200xi32, #tpu.memory_space<vmem>>[vector<16xi32>, vector<16xi32>], vector<16xi32>,
      %mul3A_398 = arith.constant 200 : i32
      %mul3A_399 = arith.muli %scan3A_291, %mul3A_398 : i32
      %add3A_400 = arith.constant 160 : i32
      %add3A_401 = arith.addi %mul3A_399, %add3A_400 : i32
      %swap3A_402 = arith.index_cast %add3A_401 : i32 to index
      %swap3A_403 = tpu.vector_load %arg7[%swap3A_402] {strides = array<i32>} : memref<12800xi32, #tpu.memory_space<vmem>>, vector<16xi32>,
      tpu.vector_store %arg7[%swap3A_402], %gather3A_397 {strides = array<i32>} : memref<12800xi32, #tpu.memory_space<vmem>>, vector<16xi32>,
      %add3A_404 = arith.constant 176 : i32
      %add3A_405 = vector.broadcast %add3A_404 : i32 to vector<16xi32>
      %add3A_406 = arith.addi %add3A_405, %iota3A : vector<16xi32>
      %gather3A_407 = tpu.vector_load_idx %arg5[%add3A_295, %add3A_406] : memref<64x200xi32, #tpu.memory_space<vmem>>[vector<16xi32>, vector<16xi32>], vector<16xi32>,
      %mul3A_408 = arith.constant 200 : i32
      %mul3A_409 = arith.muli %scan3A_291, %mul3A_408 : i32
      %add3A_410 = arith.constant 176 : i32
      %add3A_411 = arith.addi %mul3A_409, %add3A_410 : i32
      %swap3A_412 = arith.index_cast %add3A_411 : i32 to index
      %swap3A_413 = tpu.vector_load %arg7[%swap3A_412] {strides = array<i32>} : memref<12800xi32, #tpu.memory_space<vmem>>, vector<16xi32>,
      tpu.vector_store %arg7[%swap3A_412], %gather3A_407 {strides = array<i32>} : memref<12800xi32, #tpu.memory_space<vmem>>, vector<16xi32>,
      %add3A_414 = arith.constant 184 : i32
      %add3A_415 = vector.broadcast %add3A_414 : i32 to vector<16xi32>
      %add3A_416 = arith.addi %add3A_415, %iota3A : vector<16xi32>
      %gather3A_417 = tpu.vector_load_idx %arg5[%add3A_295, %add3A_416] : memref<64x200xi32, #tpu.memory_space<vmem>>[vector<16xi32>, vector<16xi32>], vector<16xi32>,
      %mul3A_418 = arith.constant 200 : i32
      %mul3A_419 = arith.muli %scan3A_291, %mul3A_418 : i32
      %add3A_420 = arith.constant 200 : i32
      %add3A_421 = arith.addi %mul3A_419, %add3A_420 : i32
      %sub3A = arith.constant 16 : i32
      %sub3A_422 = arith.subi %add3A_421, %sub3A : i32
      %swap3A_423 = arith.index_cast %sub3A_422 : i32 to index
      %swap3A_424 = tpu.vector_load %arg7[%swap3A_423] {strides = array<i32>} : memref<12800xi32, #tpu.memory_space<vmem>>, vector<16xi32>,
      tpu.vector_store %arg7[%swap3A_423], %gather3A_417 {strides = array<i32>} : memref<12800xi32, #tpu.memory_space<vmem>>, vector<16xi32>,
    }
    %scan3A_260 = arith.constant 64 : i32
    %dma_start3A_261 = arith.constant 0 : i32
    %dma_start3A_262 = tpu.memref_slice %arg11[%dma_start3A_261] : memref<1000000xf32, #tpu.memory_space<vmem_shared>> -> memref<1000000xf32, #tpu.memory_space<vmem_shared>>
    tpu.enqueue_indirect_dma source(%dma_start3A_262 : memref<1000000xf32, #tpu.memory_space<vmem_shared>>) target(%arg9 : memref<12800xf32, #tpu.memory_space<vmem>>) offsets(%arg7 : memref<12800xi32, #tpu.memory_space<vmem>>) semaphore(%arg15 : memref<!tpu.dma_semaphore, #tpu.memory_space<semaphore_mem>>)
    %dma_wait3A_263 = arith.constant 0 : i32
    %dma_wait3A_264 = tpu.memref_slice %arg11[%dma_wait3A_263] : memref<1000000xf32, #tpu.memory_space<vmem_shared>> -> memref<1000000xf32, #tpu.memory_space<vmem_shared>>
    tpu.wait_indirect_dma semaphore(%arg14 : memref<!tpu.dma_semaphore, #tpu.memory_space<semaphore_mem>>) src(%dma_wait3A_264 : memref<1000000xf32, #tpu.memory_space<vmem_shared>>) dst(%arg8 : memref<12800xf32, #tpu.memory_space<vmem>>)
    %scan3A_265 = arith.constant 0 : i32
    %scan3A_266 = arith.constant 0 : i32
    %scan3A_267 = arith.constant 4 : i32
    %scan3A_268 = arith.addi %scan3A_266, %scan3A_267 : i32
    %scan3A_269 = arith.constant 1 : i32
    scf.for %scan3A_291 = %scan3A_266 to %scan3A_268 step %scan3A_269  : i32 {
      %mul3A_292 = arith.constant 16 : i32
      %mul3A_293 = arith.muli %scan3A_291, %mul3A_292 : i32
      %add3A_294 = vector.broadcast %mul3A_293 : i32 to vector<16xi32>
      %add3A_295 = arith.addi %add3A_294, %iota3A : vector<16xi32>
      %mul3A_296 = arith.constant 200 : i32
      %mul3A_297 = vector.broadcast %mul3A_296 : i32 to vector<16xi32>
      %mul3A_298 = arith.muli %add3A_295, %mul3A_297 : vector<16xi32>
      %broadcast_in_dim3A_299 = arith.constant 0.000000e+00 : f32
      %broadcast_in_dim3A_300 = vector.broadcast %broadcast_in_dim3A_299 : f32 to vector<16xf32>
      %broadcast_in_dim3A_301 = arith.constant 0.000000e+00 : f32
      %broadcast_in_dim3A_302 = vector.broadcast %broadcast_in_dim3A_301 : f32 to vector<16xf32>
      %broadcast_in_dim3A_303 = arith.constant 0.000000e+00 : f32
      %broadcast_in_dim3A_304 = vector.broadcast %broadcast_in_dim3A_303 : f32 to vector<16xf32>
      %broadcast_in_dim3A_305 = arith.constant 0.000000e+00 : f32
      %broadcast_in_dim3A_306 = vector.broadcast %broadcast_in_dim3A_305 : f32 to vector<16xf32>
      %broadcast_in_dim3A_307 = arith.constant 0.000000e+00 : f32
      %broadcast_in_dim3A_308 = vector.broadcast %broadcast_in_dim3A_307 : f32 to vector<16xf32>
      %broadcast_in_dim3A_309 = arith.constant 0.000000e+00 : f32
      %broadcast_in_dim3A_310 = vector.broadcast %broadcast_in_dim3A_309 : f32 to vector<16xf32>
      %broadcast_in_dim3A_311 = arith.constant 0.000000e+00 : f32
      %broadcast_in_dim3A_312 = vector.broadcast %broadcast_in_dim3A_311 : f32 to vector<16xf32>
      %broadcast_in_dim3A_313 = arith.constant 0.000000e+00 : f32
      %broadcast_in_dim3A_314 = vector.broadcast %broadcast_in_dim3A_313 : f32 to vector<16xf32>
      %scan3A_315 = arith.constant 0 : i32
      %scan3A_316 = arith.constant 25 : i32
      %scan3A_317 = arith.addi %scan3A_315, %scan3A_316 : i32
      %scan3A_318 = arith.constant 1 : i32
      %scan3A_319:8 = scf.for %scan3A_338 = %scan3A_315 to %scan3A_317 step %scan3A_318 iter_args(%scan3A_339 = %broadcast_in_dim3A_300, %scan3A_340 = %broadcast_in_dim3A_302, %scan3A_341 = %broadcast_in_dim3A_304, %scan3A_342 = %broadcast_in_dim3A_306, %scan3A_343 = %broadcast_in_dim3A_308, %scan3A_344 = %broadcast_in_dim3A_310, %scan3A_345 = %broadcast_in_dim3A_312, %scan3A_346 = %broadcast_in_dim3A_314) -> (vector<16xf32>, vector<16xf32>, vector<16xf32>, vector<16xf32>, vector<16xf32>, vector<16xf32>, vector<16xf32>, vector<16xf32>)  : i32 {
        %mul3A_347 = arith.constant 8 : i32
        %mul3A_348 = arith.muli %scan3A_338, %mul3A_347 : i32
        %add3A_349 = arith.constant 0 : i32
        %add3A_350 = arith.addi %mul3A_348, %add3A_349 : i32
        %add3A_351 = vector.broadcast %add3A_350 : i32 to vector<16xi32>
        %add3A_352 = arith.addi %mul3A_298, %add3A_351 : vector<16xi32>
        %gather3A = tpu.vector_load_idx %arg8[%add3A_352] : memref<12800xf32, #tpu.memory_space<vmem>>[vector<16xi32>], vector<16xf32>,
        %add3A_353 = arith.addf %scan3A_339, %gather3A : vector<16xf32>
        %add3A_354 = arith.constant 1 : i32
        %add3A_355 = arith.addi %mul3A_348, %add3A_354 : i32
        %add3A_356 = vector.broadcast %add3A_355 : i32 to vector<16xi32>
        %add3A_357 = arith.addi %mul3A_298, %add3A_356 : vector<16xi32>
        %gather3A_358 = tpu.vector_load_idx %arg8[%add3A_357] : memref<12800xf32, #tpu.memory_space<vmem>>[vector<16xi32>], vector<16xf32>,
        %add3A_359 = arith.addf %scan3A_340, %gather3A_358 : vector<16xf32>
        %add3A_360 = arith.constant 2 : i32
        %add3A_361 = arith.addi %mul3A_348, %add3A_360 : i32
        %add3A_362 = vector.broadcast %add3A_361 : i32 to vector<16xi32>
        %add3A_363 = arith.addi %mul3A_298, %add3A_362 : vector<16xi32>
        %gather3A_364 = tpu.vector_load_idx %arg8[%add3A_363] : memref<12800xf32, #tpu.memory_space<vmem>>[vector<16xi32>], vector<16xf32>,
        %add3A_365 = arith.addf %scan3A_341, %gather3A_364 : vector<16xf32>
        %add3A_366 = arith.constant 3 : i32
        %add3A_367 = arith.addi %mul3A_348, %add3A_366 : i32
        %add3A_368 = vector.broadcast %add3A_367 : i32 to vector<16xi32>
        %add3A_369 = arith.addi %mul3A_298, %add3A_368 : vector<16xi32>
        %gather3A_370 = tpu.vector_load_idx %arg8[%add3A_369] : memref<12800xf32, #tpu.memory_space<vmem>>[vector<16xi32>], vector<16xf32>,
        %add3A_371 = arith.addf %scan3A_342, %gather3A_370 : vector<16xf32>
        %add3A_372 = arith.constant 4 : i32
        %add3A_373 = arith.addi %mul3A_348, %add3A_372 : i32
        %add3A_374 = vector.broadcast %add3A_373 : i32 to vector<16xi32>
        %add3A_375 = arith.addi %mul3A_298, %add3A_374 : vector<16xi32>
        %gather3A_376 = tpu.vector_load_idx %arg8[%add3A_375] : memref<12800xf32, #tpu.memory_space<vmem>>[vector<16xi32>], vector<16xf32>,
        %add3A_377 = arith.addf %scan3A_343, %gather3A_376 : vector<16xf32>
        %add3A_378 = arith.constant 5 : i32
        %add3A_379 = arith.addi %mul3A_348, %add3A_378 : i32
        %add3A_380 = vector.broadcast %add3A_379 : i32 to vector<16xi32>
        %add3A_381 = arith.addi %mul3A_298, %add3A_380 : vector<16xi32>
        %gather3A_382 = tpu.vector_load_idx %arg8[%add3A_381] : memref<12800xf32, #tpu.memory_space<vmem>>[vector<16xi32>], vector<16xf32>,
        %add3A_383 = arith.addf %scan3A_344, %gather3A_382 : vector<16xf32>
        %add3A_384 = arith.constant 6 : i32
        %add3A_385 = arith.addi %mul3A_348, %add3A_384 : i32
        %add3A_386 = vector.broadcast %add3A_385 : i32 to vector<16xi32>
        %add3A_387 = arith.addi %mul3A_298, %add3A_386 : vector<16xi32>
        %gather3A_388 = tpu.vector_load_idx %arg8[%add3A_387] : memref<12800xf32, #tpu.memory_space<vmem>>[vector<16xi32>], vector<16xf32>,
        %add3A_389 = arith.addf %scan3A_345, %gather3A_388 : vector<16xf32>
        %add3A_390 = arith.constant 7 : i32
        %add3A_391 = arith.addi %mul3A_348, %add3A_390 : i32
        %add3A_392 = vector.broadcast %add3A_391 : i32 to vector<16xi32>
        %add3A_393 = arith.addi %mul3A_298, %add3A_392 : vector<16xi32>
        %gather3A_394 = tpu.vector_load_idx %arg8[%add3A_393] : memref<12800xf32, #tpu.memory_space<vmem>>[vector<16xi32>], vector<16xf32>,
        %add3A_395 = arith.addf %scan3A_346, %gather3A_394 : vector<16xf32>
        scf.yield %add3A_353, %add3A_359, %add3A_365, %add3A_371, %add3A_377, %add3A_383, %add3A_389, %add3A_395 : vector<16xf32>, vector<16xf32>, vector<16xf32>, vector<16xf32>, vector<16xf32>, vector<16xf32>, vector<16xf32>, vector<16xf32>
      }
      %scan3A_320 = arith.constant 25 : i32
      %add3A_321 = arith.addf %scan3A_319#0, %scan3A_319#1 : vector<16xf32>
      %add3A_322 = arith.addf %scan3A_319#2, %scan3A_319#3 : vector<16xf32>
      %add3A_323 = arith.addf %add3A_321, %add3A_322 : vector<16xf32>
      %add3A_324 = arith.addf %scan3A_319#4, %scan3A_319#5 : vector<16xf32>
      %add3A_325 = arith.addf %scan3A_319#6, %scan3A_319#7 : vector<16xf32>
      %add3A_326 = arith.addf %add3A_324, %add3A_325 : vector<16xf32>
      %add3A_327 = arith.addf %add3A_323, %add3A_326 : vector<16xf32>
      %neg3A = arith.constant 0.000000e+00 : f32
      %neg3A_328 = vector.broadcast %neg3A : f32 to vector<16xf32>
      %neg3A_329 = arith.subf %neg3A_328, %add3A_327 : vector<16xf32>
      %exp3A = math.exp %neg3A_329 : vector<16xf32>
      %add3A_330 = arith.constant 1.000000e+00 : f32
      %add3A_331 = vector.broadcast %add3A_330 : f32 to vector<16xf32>
      %add3A_332 = arith.addf %add3A_331, %exp3A : vector<16xf32>
      %div3A = arith.constant 1.000000e+00 : f32
      %div3A_333 = vector.broadcast %div3A : f32 to vector<16xf32>
      %div3A_334 = arith.divf %div3A_333, %add3A_332 : vector<16xf32>
      %mul3A_335 = arith.constant 16 : i32
      %mul3A_336 = arith.muli %scan3A_291, %mul3A_335 : i32
      %swap3A = arith.index_cast %mul3A_336 : i32 to index
      %swap3A_337 = tpu.vector_load %arg10[%swap3A] {strides = array<i32>} : memref<64xf32, #tpu.memory_space<vmem>>, vector<16xf32>,
      tpu.vector_store %arg10[%swap3A], %div3A_334 {strides = array<i32>} : memref<64xf32, #tpu.memory_space<vmem>>, vector<16xf32>,
    }
    %scan3A_270 = arith.constant 4 : i32
    %mul3A_271 = arith.constant 8 : i32
    %mul3A_272 = arith.muli %add3A, %mul3A_271 : i32
    %add3A_273 = arith.constant 6 : i32
    %add3A_274 = arith.addi %mul3A_272, %add3A_273 : i32
    %mul3A_275 = arith.constant 64 : i32
    %mul3A_276 = arith.muli %add3A_274, %mul3A_275 : i32
    "tpu.region"() ({
      %run_scoped3A = tpu.sem_alloc : memref<!tpu.dma_semaphore, #tpu.memory_space<semaphore_mem>>
      %dma_start3A_291 = tpu.memref_slice %arg4[%mul3A_276] : memref<16384xf32, #tpu.memory_space<hbm>> -> memref<64xf32, #tpu.memory_space<hbm>>
      %dma_start3A_292 = tpu.memref_slice %arg4[%mul3A_276] : memref<16384xf32, #tpu.memory_space<hbm>> -> memref<64xf32, #tpu.memory_space<hbm>>
      tpu.enqueue_dma source(%arg10 : memref<64xf32, #tpu.memory_space<vmem>>) target(%dma_start3A_292 : memref<64xf32, #tpu.memory_space<hbm>>) target_semaphore(%run_scoped3A : memref<!tpu.dma_semaphore, #tpu.memory_space<semaphore_mem>>)
      %dma_wait3A_293 = tpu.memref_slice %arg4[%mul3A_276] : memref<16384xf32, #tpu.memory_space<hbm>> -> memref<64xf32, #tpu.memory_space<hbm>>
      %dma_wait3A_294 = tpu.memref_slice %arg4[%mul3A_276] : memref<16384xf32, #tpu.memory_space<hbm>> -> memref<64xf32, #tpu.memory_space<hbm>>
      tpu.wait_dma2 semaphore(%run_scoped3A : memref<!tpu.dma_semaphore, #tpu.memory_space<semaphore_mem>>) src(%arg10 : memref<64xf32, #tpu.memory_space<vmem>>) dst(%dma_wait3A_294 : memref<64xf32, #tpu.memory_space<hbm>>)
      tpu.yield
    }) : () -> ()
    %dma_wait3A_277 = arith.constant 0 : i32
    %dma_wait3A_278 = tpu.memref_slice %arg11[%dma_wait3A_277] : memref<1000000xf32, #tpu.memory_space<vmem_shared>> -> memref<1000000xf32, #tpu.memory_space<vmem_shared>>
    tpu.wait_indirect_dma semaphore(%arg15 : memref<!tpu.dma_semaphore, #tpu.memory_space<semaphore_mem>>) src(%dma_wait3A_278 : memref<1000000xf32, #tpu.memory_space<vmem_shared>>) dst(%arg9 : memref<12800xf32, #tpu.memory_space<vmem>>)
    %scan3A_279 = arith.constant 0 : i32
    %scan3A_280 = arith.constant 0 : i32
    %scan3A_281 = arith.constant 4 : i32
    %scan3A_282 = arith.addi %scan3A_280, %scan3A_281 : i32
    %scan3A_283 = arith.constant 1 : i32
    scf.for %scan3A_291 = %scan3A_280 to %scan3A_282 step %scan3A_283  : i32 {
      %mul3A_292 = arith.constant 16 : i32
      %mul3A_293 = arith.muli %scan3A_291, %mul3A_292 : i32
      %add3A_294 = vector.broadcast %mul3A_293 : i32 to vector<16xi32>
      %add3A_295 = arith.addi %add3A_294, %iota3A : vector<16xi32>
      %mul3A_296 = arith.constant 200 : i32
      %mul3A_297 = vector.broadcast %mul3A_296 : i32 to vector<16xi32>
      %mul3A_298 = arith.muli %add3A_295, %mul3A_297 : vector<16xi32>
      %broadcast_in_dim3A_299 = arith.constant 0.000000e+00 : f32
      %broadcast_in_dim3A_300 = vector.broadcast %broadcast_in_dim3A_299 : f32 to vector<16xf32>
      %broadcast_in_dim3A_301 = arith.constant 0.000000e+00 : f32
      %broadcast_in_dim3A_302 = vector.broadcast %broadcast_in_dim3A_301 : f32 to vector<16xf32>
      %broadcast_in_dim3A_303 = arith.constant 0.000000e+00 : f32
      %broadcast_in_dim3A_304 = vector.broadcast %broadcast_in_dim3A_303 : f32 to vector<16xf32>
      %broadcast_in_dim3A_305 = arith.constant 0.000000e+00 : f32
      %broadcast_in_dim3A_306 = vector.broadcast %broadcast_in_dim3A_305 : f32 to vector<16xf32>
      %broadcast_in_dim3A_307 = arith.constant 0.000000e+00 : f32
      %broadcast_in_dim3A_308 = vector.broadcast %broadcast_in_dim3A_307 : f32 to vector<16xf32>
      %broadcast_in_dim3A_309 = arith.constant 0.000000e+00 : f32
      %broadcast_in_dim3A_310 = vector.broadcast %broadcast_in_dim3A_309 : f32 to vector<16xf32>
      %broadcast_in_dim3A_311 = arith.constant 0.000000e+00 : f32
      %broadcast_in_dim3A_312 = vector.broadcast %broadcast_in_dim3A_311 : f32 to vector<16xf32>
      %broadcast_in_dim3A_313 = arith.constant 0.000000e+00 : f32
      %broadcast_in_dim3A_314 = vector.broadcast %broadcast_in_dim3A_313 : f32 to vector<16xf32>
      %scan3A_315 = arith.constant 0 : i32
      %scan3A_316 = arith.constant 25 : i32
      %scan3A_317 = arith.addi %scan3A_315, %scan3A_316 : i32
      %scan3A_318 = arith.constant 1 : i32
      %scan3A_319:8 = scf.for %scan3A_338 = %scan3A_315 to %scan3A_317 step %scan3A_318 iter_args(%scan3A_339 = %broadcast_in_dim3A_300, %scan3A_340 = %broadcast_in_dim3A_302, %scan3A_341 = %broadcast_in_dim3A_304, %scan3A_342 = %broadcast_in_dim3A_306, %scan3A_343 = %broadcast_in_dim3A_308, %scan3A_344 = %broadcast_in_dim3A_310, %scan3A_345 = %broadcast_in_dim3A_312, %scan3A_346 = %broadcast_in_dim3A_314) -> (vector<16xf32>, vector<16xf32>, vector<16xf32>, vector<16xf32>, vector<16xf32>, vector<16xf32>, vector<16xf32>, vector<16xf32>)  : i32 {
        %mul3A_347 = arith.constant 8 : i32
        %mul3A_348 = arith.muli %scan3A_338, %mul3A_347 : i32
        %add3A_349 = arith.constant 0 : i32
        %add3A_350 = arith.addi %mul3A_348, %add3A_349 : i32
        %add3A_351 = vector.broadcast %add3A_350 : i32 to vector<16xi32>
        %add3A_352 = arith.addi %mul3A_298, %add3A_351 : vector<16xi32>
        %gather3A = tpu.vector_load_idx %arg9[%add3A_352] : memref<12800xf32, #tpu.memory_space<vmem>>[vector<16xi32>], vector<16xf32>,
        %add3A_353 = arith.addf %scan3A_339, %gather3A : vector<16xf32>
        %add3A_354 = arith.constant 1 : i32
        %add3A_355 = arith.addi %mul3A_348, %add3A_354 : i32
        %add3A_356 = vector.broadcast %add3A_355 : i32 to vector<16xi32>
        %add3A_357 = arith.addi %mul3A_298, %add3A_356 : vector<16xi32>
        %gather3A_358 = tpu.vector_load_idx %arg9[%add3A_357] : memref<12800xf32, #tpu.memory_space<vmem>>[vector<16xi32>], vector<16xf32>,
        %add3A_359 = arith.addf %scan3A_340, %gather3A_358 : vector<16xf32>
        %add3A_360 = arith.constant 2 : i32
        %add3A_361 = arith.addi %mul3A_348, %add3A_360 : i32
        %add3A_362 = vector.broadcast %add3A_361 : i32 to vector<16xi32>
        %add3A_363 = arith.addi %mul3A_298, %add3A_362 : vector<16xi32>
        %gather3A_364 = tpu.vector_load_idx %arg9[%add3A_363] : memref<12800xf32, #tpu.memory_space<vmem>>[vector<16xi32>], vector<16xf32>,
        %add3A_365 = arith.addf %scan3A_341, %gather3A_364 : vector<16xf32>
        %add3A_366 = arith.constant 3 : i32
        %add3A_367 = arith.addi %mul3A_348, %add3A_366 : i32
        %add3A_368 = vector.broadcast %add3A_367 : i32 to vector<16xi32>
        %add3A_369 = arith.addi %mul3A_298, %add3A_368 : vector<16xi32>
        %gather3A_370 = tpu.vector_load_idx %arg9[%add3A_369] : memref<12800xf32, #tpu.memory_space<vmem>>[vector<16xi32>], vector<16xf32>,
        %add3A_371 = arith.addf %scan3A_342, %gather3A_370 : vector<16xf32>
        %add3A_372 = arith.constant 4 : i32
        %add3A_373 = arith.addi %mul3A_348, %add3A_372 : i32
        %add3A_374 = vector.broadcast %add3A_373 : i32 to vector<16xi32>
        %add3A_375 = arith.addi %mul3A_298, %add3A_374 : vector<16xi32>
        %gather3A_376 = tpu.vector_load_idx %arg9[%add3A_375] : memref<12800xf32, #tpu.memory_space<vmem>>[vector<16xi32>], vector<16xf32>,
        %add3A_377 = arith.addf %scan3A_343, %gather3A_376 : vector<16xf32>
        %add3A_378 = arith.constant 5 : i32
        %add3A_379 = arith.addi %mul3A_348, %add3A_378 : i32
        %add3A_380 = vector.broadcast %add3A_379 : i32 to vector<16xi32>
        %add3A_381 = arith.addi %mul3A_298, %add3A_380 : vector<16xi32>
        %gather3A_382 = tpu.vector_load_idx %arg9[%add3A_381] : memref<12800xf32, #tpu.memory_space<vmem>>[vector<16xi32>], vector<16xf32>,
        %add3A_383 = arith.addf %scan3A_344, %gather3A_382 : vector<16xf32>
        %add3A_384 = arith.constant 6 : i32
        %add3A_385 = arith.addi %mul3A_348, %add3A_384 : i32
        %add3A_386 = vector.broadcast %add3A_385 : i32 to vector<16xi32>
        %add3A_387 = arith.addi %mul3A_298, %add3A_386 : vector<16xi32>
        %gather3A_388 = tpu.vector_load_idx %arg9[%add3A_387] : memref<12800xf32, #tpu.memory_space<vmem>>[vector<16xi32>], vector<16xf32>,
        %add3A_389 = arith.addf %scan3A_345, %gather3A_388 : vector<16xf32>
        %add3A_390 = arith.constant 7 : i32
        %add3A_391 = arith.addi %mul3A_348, %add3A_390 : i32
        %add3A_392 = vector.broadcast %add3A_391 : i32 to vector<16xi32>
        %add3A_393 = arith.addi %mul3A_298, %add3A_392 : vector<16xi32>
        %gather3A_394 = tpu.vector_load_idx %arg9[%add3A_393] : memref<12800xf32, #tpu.memory_space<vmem>>[vector<16xi32>], vector<16xf32>,
        %add3A_395 = arith.addf %scan3A_346, %gather3A_394 : vector<16xf32>
        scf.yield %add3A_353, %add3A_359, %add3A_365, %add3A_371, %add3A_377, %add3A_383, %add3A_389, %add3A_395 : vector<16xf32>, vector<16xf32>, vector<16xf32>, vector<16xf32>, vector<16xf32>, vector<16xf32>, vector<16xf32>, vector<16xf32>
      }
      %scan3A_320 = arith.constant 25 : i32
      %add3A_321 = arith.addf %scan3A_319#0, %scan3A_319#1 : vector<16xf32>
      %add3A_322 = arith.addf %scan3A_319#2, %scan3A_319#3 : vector<16xf32>
      %add3A_323 = arith.addf %add3A_321, %add3A_322 : vector<16xf32>
      %add3A_324 = arith.addf %scan3A_319#4, %scan3A_319#5 : vector<16xf32>
      %add3A_325 = arith.addf %scan3A_319#6, %scan3A_319#7 : vector<16xf32>
      %add3A_326 = arith.addf %add3A_324, %add3A_325 : vector<16xf32>
      %add3A_327 = arith.addf %add3A_323, %add3A_326 : vector<16xf32>
      %neg3A = arith.constant 0.000000e+00 : f32
      %neg3A_328 = vector.broadcast %neg3A : f32 to vector<16xf32>
      %neg3A_329 = arith.subf %neg3A_328, %add3A_327 : vector<16xf32>
      %exp3A = math.exp %neg3A_329 : vector<16xf32>
      %add3A_330 = arith.constant 1.000000e+00 : f32
      %add3A_331 = vector.broadcast %add3A_330 : f32 to vector<16xf32>
      %add3A_332 = arith.addf %add3A_331, %exp3A : vector<16xf32>
      %div3A = arith.constant 1.000000e+00 : f32
      %div3A_333 = vector.broadcast %div3A : f32 to vector<16xf32>
      %div3A_334 = arith.divf %div3A_333, %add3A_332 : vector<16xf32>
      %mul3A_335 = arith.constant 16 : i32
      %mul3A_336 = arith.muli %scan3A_291, %mul3A_335 : i32
      %swap3A = arith.index_cast %mul3A_336 : i32 to index
      %swap3A_337 = tpu.vector_load %arg10[%swap3A] {strides = array<i32>} : memref<64xf32, #tpu.memory_space<vmem>>, vector<16xf32>,
      tpu.vector_store %arg10[%swap3A], %div3A_334 {strides = array<i32>} : memref<64xf32, #tpu.memory_space<vmem>>, vector<16xf32>,
    }
    %scan3A_284 = arith.constant 4 : i32
    %mul3A_285 = arith.constant 8 : i32
    %mul3A_286 = arith.muli %add3A, %mul3A_285 : i32
    %add3A_287 = arith.constant 7 : i32
    %add3A_288 = arith.addi %mul3A_286, %add3A_287 : i32
    %mul3A_289 = arith.constant 64 : i32
    %mul3A_290 = arith.muli %add3A_288, %mul3A_289 : i32
    "tpu.region"() ({
      %run_scoped3A = tpu.sem_alloc : memref<!tpu.dma_semaphore, #tpu.memory_space<semaphore_mem>>
      %dma_start3A_291 = tpu.memref_slice %arg4[%mul3A_290] : memref<16384xf32, #tpu.memory_space<hbm>> -> memref<64xf32, #tpu.memory_space<hbm>>
      %dma_start3A_292 = tpu.memref_slice %arg4[%mul3A_290] : memref<16384xf32, #tpu.memory_space<hbm>> -> memref<64xf32, #tpu.memory_space<hbm>>
      tpu.enqueue_dma source(%arg10 : memref<64xf32, #tpu.memory_space<vmem>>) target(%dma_start3A_292 : memref<64xf32, #tpu.memory_space<hbm>>) target_semaphore(%run_scoped3A : memref<!tpu.dma_semaphore, #tpu.memory_space<semaphore_mem>>)
      %dma_wait3A_293 = tpu.memref_slice %arg4[%mul3A_290] : memref<16384xf32, #tpu.memory_space<hbm>> -> memref<64xf32, #tpu.memory_space<hbm>>
      %dma_wait3A_294 = tpu.memref_slice %arg4[%mul3A_290] : memref<16384xf32, #tpu.memory_space<hbm>> -> memref<64xf32, #tpu.memory_space<hbm>>
      tpu.wait_dma2 semaphore(%run_scoped3A : memref<!tpu.dma_semaphore, #tpu.memory_space<semaphore_mem>>) src(%arg10 : memref<64xf32, #tpu.memory_space<vmem>>) dst(%dma_wait3A_294 : memref<64xf32, #tpu.memory_space<hbm>>)
      tpu.yield
    }) : () -> ()
    return
  }
}

module attributes {stable_mosaic.version = 14 : i64} {
  func.func @_proj_body(%arg0: i32, %arg1: memref<32x65536xf32, #tpu.memory_space<vmem>>, %arg2: memref<1x32xf32, #tpu.memory_space<vmem>>, %arg3: memref<1x1xf32, #tpu.memory_space<smem>>, %arg4: memref<65536xf32, #tpu.memory_space<vmem>>) attributes {dimension_semantics = [#tpu.dimension_semantics<arbitrary>], iteration_bounds = array<i64: 16>, scalar_prefetch = 0 : i64, scratch_operands = 0 : i64, tpu.core_type = #tpu.core_type<tc>, window_params = [{transform_indices = @transform_0, window_bounds = array<i64: 32, 65536>}, {pipeline_mode = #tpu.pipeline_mode<synchronous>, transform_indices = @transform_1, window_bounds = array<i64: 1, 32>}, {transform_indices = @transform_2, window_bounds = array<i64: 1, 1>}, {transform_indices = @transform_3, window_bounds = array<i64: 65536>}]} {
    %get3A = arith.constant 0 : index
    %get3A_0 = arith.constant 0 : index
    %get3A_1 = vector.load %arg2[%get3A, %get3A_0] : memref<1x32xf32, #tpu.memory_space<vmem>>, vector<1x32xf32>
    %get3A_2 = arith.constant 0 : index
    %get3A_3 = arith.constant 0 : index
    %get3A_4 = vector.load %arg1[%get3A_2, %get3A_3] : memref<32x65536xf32, #tpu.memory_space<vmem>>, vector<32x65536xf32>
    %dot_general3A = arith.constant dense<0.000000e+00> : vector<1x65536xf32>
    %dot_general3A_5 = tpu.matmul %get3A_1, %get3A_4, %dot_general3A {dimension_numbers = #tpu.dot_dimension_numbers<[1], [0], [0], [1], [0, 0, 1, 1], [], []>, transpose_lhs_hint = false} : vector<1x32xf32>, vector<32x65536xf32>, vector<1x65536xf32> -> vector<1x65536xf32>
    %squeeze3A = vector.shape_cast %dot_general3A_5 : vector<1x65536xf32> to vector<65536xf32>
    %get3A_6 = arith.constant 0 : index
    %get3A_7 = arith.constant 0 : index
    %get3A_8 = memref.load %arg3[%get3A_6, %get3A_7] : memref<1x1xf32, #tpu.memory_space<smem>>
    %add3A = vector.broadcast %get3A_8 : f32 to vector<65536xf32>
    %add3A_9 = arith.addf %squeeze3A, %add3A : vector<65536xf32>
    %swap3A = arith.constant 0 : index
    %swap3A_10 = vector.load %arg4[%swap3A] : memref<65536xf32, #tpu.memory_space<vmem>>, vector<65536xf32>
    tpu.vector_store %arg4[%swap3A], %add3A_9 {strides = array<i32>} : memref<65536xf32, #tpu.memory_space<vmem>>, vector<65536xf32>,
    return
  }
  func.func @transform_0(%arg0: i32) -> (i32, i32) {
    %c0_i32 = arith.constant 0 : i32
    %c0_i32_0 = arith.constant 0 : i32
    return %c0_i32, %arg0 : i32, i32
  }
  func.func @transform_1(%arg0: i32) -> (i32, i32) {
    %c0_i32 = arith.constant 0 : i32
    %c0_i32_0 = arith.constant 0 : i32
    %c0_i32_1 = arith.constant 0 : i32
    return %c0_i32, %c0_i32_0 : i32, i32
  }
  func.func @transform_2(%arg0: i32) -> (i32, i32) {
    %c0_i32 = arith.constant 0 : i32
    %c0_i32_0 = arith.constant 0 : i32
    %c0_i32_1 = arith.constant 0 : i32
    return %c0_i32, %c0_i32_0 : i32, i32
  }
  func.func @transform_3(%arg0: i32) -> i32 {
    %c0_i32 = arith.constant 0 : i32
    return %arg0 : i32
  }
}

</mosaic_0001>

<sc_bundles>
// kernel: kernel.4.cloned.1.call-start
scs
__scs_entry_jumppad:
0x0: {  	(pc) =	sbr.rel $0x88, $3  }
0x1: {  	(tag) =	ssettag $0x0;
	lr =	simm.s32 $0x1  }
0x2: {  	[smem:$0x3F9D] =	sst lr;
	_ =	strace $0xD0000000  }
0x3: {  	_ = 	snop  }
0x4: {  	_ = 	snop  }
0x5: {  	_ = 	snop  }
0x6: {  	_ = 	snop  }
0x7: {  	_ = 	snop  }
__scs_overlays_trampoline_lowered:
0x8: {  	[smem:$0x3FAC] =	sst s0  }
0x9: {  	[smem:$0x3FAD] =	sst s1  }
0xa: {  	[smem:$0x3FAE] =	sst s2  }
0xb: {  	[smem:$0x3FAF] =	sst s3  }
0xc: {  	[smem:$0x3FB0] =	sst s4  }
0xd: {  	[smem:$0x3FB1] =	sst s5  }
0xe: {  	[smem:$0x3FB2] =	sst s6  }
0xf: {  	[smem:$0x3FB3] =	sst s7  }
0x10: {  	[smem:$0x3FB4] =	sst s8  }
0x11: {  	[smem:$0x3FB5] =	sst s9;
	s0 =	simm.s32 @!p0 $0x0  }
0x12: {  	s1 =	sld [smem:$0x3F9B];
	s0 =	simm.s32 @p0 $0x1  }
0x13: {  	[smem:$0x3FB6] =	sst s0;
	s0 =	simm.s32 @!p1 $0x0  }
0x14: {  	s2 =	sld [smem:$0x3F9A];
	s0 =	simm.s32 @p1 $0x1  }
0x15: {  	[smem:$0x3FB7] =	sst s0;
	s0 =	simm.s32 @!p2 $0x0  }
0x16: {  	s3 =	sld [smem:$0x3FDB];
	s0 =	simm.s32 @p2 $0x1  }
0x17: {  	s4 =	simm.s32 $0x1BF5;
	[smem:$0x3FB9] =	sst s0  }
0x18: {  	s0 =	sld [smem:$0x3F9C];
	_ =	swait.ge [sflag:s4], $0x0  }
0x19: {  	s7 =	sld [smem:$0x3F9D]  }
0x1a: {  	s8 =	sadd.s32 $0xFFFFE003, lr  }
0x1b: {  	s9 =	sadd.s32 $0xFFFFFEF7, lr;
	s5 =	simm.s32 $0xFFFFFFFF;
	p2 =	slt.u32 s8, $0xFFFFF086  }
0x1c: {  	p1 =	slt.u32 s9, $0xF7A;
	s5 =	simm.s32 @!p2 $0x0  }
0x1d: {  	s5 =	simm.s32 @p1 $0x1;
	p0 =	seq.s32 s7, s2  }
0x1e: {  	s7 =	smul.u32 @!p0 $0xF7A, s2;
	p2 =	seq.s32 @!p0 s5, $0x0  }
0x1f: {  	s9 =	smul.u32 $0xF7A, s1;
	s8 =	simm.s32 @!p0 $0x1BF5;
	p2 =	por !p2, p0  }
0x20: {  	[sflag:s8] =	ssyncset.s32 @!p0 $0xFFFFF086;
	s6 =	sadd.s32 @!p0 s3, s7;
	s7 =	simm.s32 @!p0 $0x108  }
0x21: {  	s3 =	sadd.s32 s3, s9;
	s6 =	sadd.s32 @!p0 $0x88, s6;
	s7 =	simm.s32 @p2 $0x1082  }
0x22: {  	[simem:s7], [sflag:s8] =	dma.local @!p0 [hbm:s6], $0xF7A  }
0x23: {  	s9 =	sor.u32 $0xD0000000, s2;
	s6 =	simm.s32 $0x108;
	_ =	swait.ge @!p0 [sflag:s8], $0x0  }
0x24: {  	s3 =	sadd.s32 $0x88, s3;
	s6 =	simm.s32 @!p1 $0x1082;
	[sflag:s4] =	ssyncset.s32 $0xFFFFF086  }
0x25: {  	[simem:s6], [sflag:s4] =	dma.local [hbm:s3], $0xF7A  }
0x26: {  	[smem:$0x3F9D] =	sst s1;
	(tag) =	ssettag s2;
	_ =	strace s9  }
0x27: {  	s1 =	sld [smem:$0x3FAD]  }
0x28: {  	s2 =	sld [smem:$0x3FAE]  }
0x29: {  	s4 =	sld [smem:$0x3FB0]  }
0x2a: {  	p0 =	seq.s32 s5, $0x0;
	s5 =	sld [smem:$0x3FB1]  }
0x2b: {  	s6 =	sld [smem:$0x3FB2]  }
0x2c: {  	s7 =	sld [smem:$0x3FB3]  }
0x2d: {  	s3 =	simm.s32 $0x108;
	s8 =	sld [smem:$0x3FB4]  }
0x2e: {  	s3 =	simm.s32 @!p0 $0x1082;
	s9 =	sld [smem:$0x3FB5]  }
0x2f: {  	lr =	sadd.s32 s0, s3;
	s0 =	sld [smem:$0x3FAC]  }
0x30: {  	s3 =	sld [smem:$0x3FAF]  }
0x31: {  	[smem:$0x3FB8] =	sst s10  }
0x32: {  	s10 =	sld [smem:$0x3FB6];
	_ =	sdelay $0x3  }
0x33: {  	p0 =	seq.s32 s10, $0x1;
	s10 =	sld [smem:$0x3FB8];
	_ =	sdelay $0x3  }
0x34: {  	[smem:$0x3FB8] =	sst s10  }
0x35: {  	s10 =	sld [smem:$0x3FB7];
	_ =	sdelay $0x3  }
0x36: {  	p1 =	seq.s32 s10, $0x1;
	s10 =	sld [smem:$0x3FB8];
	_ =	sdelay $0x3  }
0x37: {  	[smem:$0x3FB8] =	sst s10  }
0x38: {  	s10 =	sld [smem:$0x3FB9]  }
0x39: {  	_ = 	snop;
	(pc) =	sbr.ind lr, $3  }
0x3a: {  	_ = 	snop  }
0x3b: {  	_ = 	snop  }
0x3c: {  	p2 =	seq.s32 s10, $0x1;
	s10 =	sld [smem:$0x3FB8]  }
0x3d: {  	_ =	shalt  }
0x3e: {  	_ =	shalt  }
0x3f: {  	_ =	shalt  }
0x40: {  	_ =	shalt  }
0x41: {  	_ =	shalt  }
0x42: {  	_ =	shalt  }
0x43: {  	_ =	shalt  }
0x44: {  	_ =	shalt  }
0x45: {  	_ =	shalt  }
0x46: {  	_ =	shalt  }
0x47: {  	_ =	shalt  }
0x48: {  	_ =	shalt  }
0x49: {  	_ =	shalt  }
0x4a: {  	_ =	shalt  }
0x4b: {  	_ =	shalt  }
0x4c: {  	_ =	shalt  }
0x4d: {  	_ =	shalt  }
0x4e: {  	_ =	shalt  }
0x4f: {  	_ =	shalt  }
0x50: {  	_ =	shalt  }
0x51: {  	_ =	shalt  }
0x52: {  	_ =	shalt  }
0x53: {  	_ =	shalt  }
0x54: {  	_ =	shalt  }
0x55: {  	_ =	shalt  }
0x56: {  	_ =	shalt  }
0x57: {  	_ =	shalt  }
0x58: {  	_ =	shalt  }
0x59: {  	_ =	shalt  }
0x5a: {  	_ =	shalt  }
0x5b: {  	_ =	shalt  }
0x5c: {  	_ =	shalt  }
0x5d: {  	_ =	shalt  }
0x5e: {  	_ =	shalt  }
0x5f: {  	_ =	shalt  }
0x60: {  	_ =	shalt  }
0x61: {  	_ =	shalt  }
0x62: {  	_ =	shalt  }
0x63: {  	_ =	shalt  }
0x64: {  	_ =	shalt  }
0x65: {  	_ =	shalt  }
0x66: {  	_ =	shalt  }
0x67: {  	_ =	shalt  }
0x68: {  	_ =	shalt  }
0x69: {  	_ =	shalt  }
0x6a: {  	_ =	shalt  }
0x6b: {  	_ =	shalt  }
0x6c: {  	_ =	shalt  }
0x6d: {  	_ =	shalt  }
0x6e: {  	_ =	shalt  }
0x6f: {  	_ =	shalt  }
0x70: {  	_ =	shalt  }
0x71: {  	_ =	shalt  }
0x72: {  	_ =	shalt  }
0x73: {  	_ =	shalt  }
0x74: {  	_ =	shalt  }
0x75: {  	_ =	shalt  }
0x76: {  	_ =	shalt  }
0x77: {  	_ =	shalt  }
0x78: {  	_ =	shalt  }
0x79: {  	_ =	shalt  }
0x7a: {  	_ =	shalt  }
0x7b: {  	_ =	shalt  }
0x7c: {  	_ =	shalt  }
0x7d: {  	_ =	shalt  }
0x7e: {  	_ =	shalt  }
0x7f: {  	_ =	shalt  }
0x80: {  	_ =	shalt  }
0x81: {  	_ =	shalt  }
0x82: {  	_ =	shalt  }
0x83: {  	_ =	shalt  }
0x84: {  	_ =	shalt  }
0x85: {  	_ =	shalt  }
0x86: {  	_ =	shalt  }
0x87: {  	_ =	shalt  }
.Lfunc_end0:
.L_simem_size_0:
called_computation_lowered:
.L_overlay_start_0:
0x88: {  	s2 =	sld [smem:$0x3FD9]  }
0x89: {  	s3 =	sld [smem:$0x3FFE];
	_ =	sdelay $0x1  }
0x8a: {  	s1 =	srdreg.scid  }
0x8b: {  	s0 =	sand.u32 $0x1, s1  }
0x8c: {  	s17 =	sshll.u32 s0, $0xA;
	s2 =	sadd.s32 s3, s2  }
0x8d: {  	s2 =	sadd.s32 s2, s17  }
0x8e: {  	[smem:$0x3FC4] =	sst s2  }
0x8f: {  	_ = 	snop  }
0x90: {  	s2 =	sld [smem:$0x3FD0];
	(tm) =	ssettm $0x1  }
0x91: {  	s18 =	sld [smem:$0x3FFB];
	_ =	sdelay $0x3  }
0x92: {  	_ =	strace s18  }
0x93: {  	s3 =	sld [smem:$0x3FFC];
	_ =	sdelay $0x3  }
0x94: {  	_ =	strace s3  }
0x95: {  	s3 =	sld [smem:$0x3FFD];
	_ =	sdelay $0x3  }
0x96: {  	_ =	strace s3  }
0x97: {  	_ =	strace $0x8FFFFFFF  }
0x98: {  	s19 =	sld [smem:$0x3FDB];
	_ =	sdelay $0x1  }
0x99: {  	s4 =	simm.s32 $_scs_section_size  }
0x9a: {  	s5 =	simm.s32 $_size__tile_overlayer_lowered;
	s6 =	simm.s32 $_tile_overlayer_lowered  }
0x9b: {  	s22 =	simm.s32 $0x1BFF;
	s21 =	sshll.u32 s6, $0x1;
	s3 =	sadd.s32 s4, s19  }
0x9c: {  	s7 =	simm.s32 $0x0;
	s20 =	sshll.u32 s5, $0x1;
	s5 =	sadd.s32 s21, s3  }
0x9d: {  	[timem:s7], [sflag:s22] =	dma.local [hbm:s5], s20  }
0x9e: {  	_ =	swait.ge [sflag:s22], s20  }
0x9f: {  	s4 =	ssub.s32 $0x0, s20;
	[sflag:s22] =	ssyncset.done $0x0  }
0xa0: {  	[sflag:s22] =	ssyncadd.s32 s4;
	_ =	sdelay $0x1  }
0xa1: {  	s23 =	simm.s32 $0x1B8B  }
0xa2: {  	_ =	swait.ge [sflag:s23], $0x1  }
0xa3: {  	[sflag:s23] =	ssyncset.done $0x0  }
0xa4: {  	s25 =	simm.s32 $0x1B8E;
	s24 =	sld [smem:$0x3FFE];
	[sflag:s23] =	ssyncadd.s32 $0xFFFFFFFF  }
0xa5: {  	s26 =	simm.s32 $execute0_lowered;
	[smem:$0x3FD2] =	sst s25  }
0xa6: {  	s5 =	sshll.u32 s26, $0x1;
	_ =	strace $0x80000046;
	[dreg:$0x1] =	wrdreg $0xFFFFFFFF  }
0xa7: {  	s28 =	simm.s32 $_size_execute0_lowered;
	s3 =	sadd.s32 s3, s5;
	[dreg:$0x0] =	wrdreg $0x0  }
0xa8: {  	s5 =	sshll.u32 s28, $0x1;
	[dreg:$0x2] =	wrdreg s3  }
0xa9: {  	[dreg:$0x3] =	wrdreg s5  }
0xaa: {  	[dreg:$0x4] =	wrdreg $0xC0  }
0xab: {  	_ =	task [dreg:s7], $0x5FFFF  }
0xac: {  	[dreg:$0x1] =	wrdreg $0xFFFFFFFF  }
0xad: {  	[dreg:$0x0] =	wrdreg $0x60  }
0xae: {  	[dreg:$0x2] =	wrdreg s24  }
0xaf: {  	[dreg:$0x3] =	wrdreg s2  }
0xb0: {  	[dreg:$0x4] =	wrdreg $0x108800  }
0xb1: {  	[dreg:$0x5] =	wrdreg $0x9  }
0xb2: {  	_ =	task.clear_ibuf [dreg:s7], $0x6FFFF;
	_ =	strace $0x90000046  }
0xb3: {  	s29 =	simm.s32 $0x9;
	_ =	strace $0x80000048  }
0xb4: {  	_ =	swait.ge [sflag:s29], $0x1  }
0xb5: {  	[sflag:s29] =	ssyncadd.s32 $0xFFFFFFFF  }
0xb6: {  	_ =	strace $0x90000048  }
0xb7: {  	_ =	sfence  }
0xb8: {  	s30 =	sld [smem:$0x0];
	_ =	sdelay $0x2  }
0xb9: {  	s31 =	sshll.u32 s1, $0xD;
	s1 =	sshrl.u32 s1, $0x2  }
0xba: {  	s3 =	sand.u32 $0x4000, s31;
	s1 =	sadd.s32 s1, s30  }
0xbb: {  	s0 =	sor.u32 s3, s0;
	s1 =	sshll.u32 s1, $0x11  }
0xbc: {  	s0 =	sor.u32 s1, s0  }
0xbd: {  	s0 =	sadd.s32 $0x8F2B, s0  }
0xbe: {  	[sflag:s0] =	ssyncadd.remote.s32 $0x1  }
0xbf: {  	_ =	sfence.sel $0xFFFF  }
0xc0: {  	[dreg:$0x0] =	wrdreg $0xFFFFFFFF;
	(pc) =	sbr.abs _section_cstart, $3  }
0xc1: {  	[dreg:$0x1] =	wrdreg $0xFFFFFFFF  }
0xc2: {  	_ =	task.clear_ibuf [dreg:s7], $0x2FFFF;
	_ =	strace $0x9FFFFFFF  }
0xc3: {  	(tm) =	ssettm $0x7FFFFFFF  }
tec
execute0_lowered:
.L_overlay_start_1:
0x0: {  	(tag) =	ssettag $0x1  }
0x1: {  	s0 =	rddreg [dreg:$0x0]  }
0x2: {  	s3 =	rddreg [dreg:$0x1]  }
0x3: {  	s1 =	rddreg [dreg:$0x2];
	s2 =	simm.s32 $0x0  }
0x4: {  	s4 =	srdreg.scid;
	s5 =	stileid.u32;
	s28 =	simm.s32 $0xD600  }
0x5: {  	s29 =	simm.s32 $0x3;
	s30 =	simm.s32 $0x10800;
	s31 =	simm.s32 $0x5  }
0x6: {  	[smem:$0x7FF] =	sst s2;
	s4 =	sand.u32 $0x1, s4;
	s6 =	sshll.u32 s5, $0x1  }
0x7: {  	s7 =	sadd.s32 $0x80600, s0;
	s0 =	sadd.s32 $0x600, s0;
	p0 =	sne.s32 s5, $0x0  }
0x8: {  	_ =	strace $0x80000047;
	s10 =	ssub.s32 $0x2, s4;
	s4 =	sor.u32 s4, s6  }
0x9: {  	[dreg:$0x4] =	wrdreg s7;
	s11 =	sshrl.u32 s10, $0x1;
	s14 =	sshll.u32 s4, $0x9  }
0xa: {  	s12 =	sshll.u32 s4, $0xE;
	s4 =	sshll.u32 s4, $0x6;
	s6 =	ssub.s32 s10, s11  }
0xb: {  	s8 =	sor.u32 $0x40, s14;
	s7 =	sadd.s32 s0, s12;
	s11 =	sor.u32 $0x80, s14  }
0xc: {  	s4 =	sadd.s32 s3, s4;
	s16 =	sor.u32 $0xC0, s14;
	s17 =	sor.u32 $0x140, s14  }
0xd: {  	s22 =	sor.u32 $0x180, s14;
	[dreg:$0x5] =	wrdreg s7;
	s13 =	sshll.u32 s8, $0x5  }
0xe: {  	s15 =	sshll.u32 s11, $0x5;
	[dreg:$0x8] =	wrdreg s4;
	s18 =	sshll.u32 s16, $0x5  }
0xf: {  	s9 =	sshrl.u32 s8, $0x3;
	s20 =	sshrl.u32 s11, $0x3;
	s21 =	sshll.u32 s17, $0x5  }
0x10: {  	s4 =	sshrl.u32 s16, $0x3;
	s23 =	sshll.u32 s22, $0x5;
	s25 =	sshrl.u32 s17, $0x3  }
0x11: {  	s7 =	sadd.s32 s0, s13;
	s9 =	sadd.s32 s3, s9;
	s11 =	sadd.s32 s3, s20  }
0x12: {  	s12 =	sadd.s32 s0, s21;
	s13 =	sadd.s32 s3, s4;
	s4 =	sshrl.u32 s22, $0x3  }
0x13: {  	s17 =	sadd.s32 s3, s25;
	s20 =	smax.u32 s6, $0x1;
	s21 =	simm.s32 $0x1  }
0x14: {  	s22 =	simm.s32 $0x3200;
	[dreg:$0x6] =	wrdreg s7;
	s7 =	sadd.s32 s0, s15  }
0x15: {  	s25 =	simm.s32 $0x2;
	s15 =	sor.u32 $0x100, s14;
	[dreg:$0x7] =	wrdreg s7  }
0x16: {  	v0 =	vlaneseq.u32;
	s7 =	sadd.s32 s0, s18;
	s19 =	sshll.u32 s15, $0x5;
	s15 =	sshrl.u32 s15, $0x3  }
0x17: {  	v1 =	vor.u32 $0x10, v0;
	s18 =	sadd.s32 s3, s4;
	[dreg:$0x9] =	wrdreg s7;
	s10 =	sadd.s32 s0, s19  }
0x18: {  	v2 =	vor.u32 $0x20, v0;
	v3 =	vor.u32 $0x30, v0;
	v4 =	vor.u32 $0x40, v0;
	s19 =	sor.u32 $0x1C0, s14;
	s14 =	sadd.s32 s0, s23;
	s15 =	sadd.s32 s3, s15  }
0x19: {  	v5 =	vor.u32 $0x50, v0;
	v6 =	vor.u32 $0x60, v0;
	v7 =	vor.u32 $0x70, v0;
	s23 =	simm.s32 $0x4000;
	s24 =	sshll.u32 s19, $0x5;
	s26 =	sshrl.u32 s19, $0x3  }
0x1a: {  	v8 =	vor.u32 $0x400, v0;
	v9 =	vor.u32 $0x410, v0;
	v10 =	vor.u32 $0x420, v0;
	s16 =	sadd.s32 s0, s24;
	s19 =	sadd.s32 s3, s26;
	s24 =	simm.s32 $0xA400  }
0x1b: {  	v11 =	vor.u32 $0x430, v0;
	v12 =	vadd.s32 $0x438, v0;
	v13 =	vmul.u32 $0xC8, v0;
	s26 =	simm.s32 $0x7200;
	s0 =	simm.s32 $0x4;
	s3 =	simm.s32 $0x0  }
.LBB2_1:
0x1c: {  	s4 =	rddreg [dreg:$0x5]  }
0x1d: {  	[tilespmem:s2], [sflag:$0x1] =	stream.linear.gather [hbm4b:s4+s2], $0x4000, $0x38;
	[tilespmem:$0x1FCA8] =	vst v63  }
0x1e: {  	s5 =	simm.s32 @!p0 $0x1C05;
	v14 =	vmov s2;
	s6 =	rddreg [dreg:$0x4];
	s4 =	sshrl.u32 @!p0 s1, $0x3  }
0x1f: {  	v15 =	vshll.u32 v14, $0x8;
	v14 =	vshll.u32 v14, $0x7;
	[spmem:s4], [sflag:s5] =	dma.local @!p0 [hbm:s6], $0x1E850  }
0x20: {  	s4 =	simm.s32 @!p0 $0x5;
	v15 =	vand.u32 $0x3800, v15;
	v14 =	vand.u32 $0x380, v14  }
0x21: {  	_ =	swait.ge @!p0 [sflag:s4], $0x1E850;
	v14 =	vor.u32 v14, v15  }
0x22: {  	[sflag:s4] =	ssyncset.done @!p0 $0x0;
	v15 =	vor.u32 v0, v14  }
0x23: {  	[sflag:s4] =	ssyncadd.s32 @!p0 $0xFFFE17B0  }
0x24: {  	_ =	swait.ge [sflag:s21], $0x4000  }
0x25: {  	[sflag:s21] =	ssyncset.done $0x0  }
0x26: {  	[sflag:s21] =	ssyncadd.s32 $0xFFFFC000  }
0x27: {  	v15 =	vld.idx.msk [tilespmem:v15+s2+$0x0], $0xffff  }
0x28: {  	v16 =	vor.u32 v1, v14;
	_ =	sdelay $0x2  }
0x29: {  	s4 =	simm.s32 $0x4060  }
0x2a: {  	[tilespmem:s4+$0xFFFFFFA0] =	vst v15  }
0x2b: {  	v15 =	vld.idx.msk [tilespmem:v16+s2+$0x0], $0xffff  }
0x2c: {  	v16 =	vor.u32 v2, v14;
	_ =	sdelay $0x3  }
0x2d: {  	[tilespmem:s4+$0xFFFFFFB0] =	vst v15  }
0x2e: {  	v15 =	vld.idx.msk [tilespmem:v16+s2+$0x0], $0xffff  }
0x2f: {  	v16 =	vor.u32 v3, v14;
	_ =	sdelay $0x3  }
0x30: {  	[tilespmem:s4+$0xFFFFFFC0] =	vst v15  }
0x31: {  	v15 =	vld.idx.msk [tilespmem:v16+s2+$0x0], $0xffff  }
0x32: {  	v16 =	vor.u32 v4, v14;
	_ =	sdelay $0x3  }
0x33: {  	[tilespmem:s4+$0xFFFFFFD0] =	vst v15  }
0x34: {  	v15 =	vld.idx.msk [tilespmem:v16+s2+$0x0], $0xffff  }
0x35: {  	v16 =	vor.u32 v5, v14;
	_ =	sdelay $0x3  }
0x36: {  	[tilespmem:s4+$0xFFFFFFE0] =	vst v15  }
0x37: {  	v15 =	vld.idx.msk [tilespmem:v16+s2+$0x0], $0xffff  }
0x38: {  	v16 =	vor.u32 v6, v14;
	_ =	sdelay $0x3  }
0x39: {  	[tilespmem:s4+$0xFFFFFFF0] =	vst v15  }
0x3a: {  	v15 =	vld.idx.msk [tilespmem:v16+s2+$0x0], $0xffff  }
0x3b: {  	v16 =	vor.u32 v7, v14;
	_ =	sdelay $0x3  }
0x3c: {  	[tilespmem:s4+$0x0] =	vst v15  }
0x3d: {  	v15 =	vld.idx.msk [tilespmem:v16+s2+$0x0], $0xffff  }
0x3e: {  	v16 =	vor.u32 v8, v14;
	_ =	sdelay $0x3  }
0x3f: {  	[tilespmem:s4+$0x10] =	vst v15  }
0x40: {  	v15 =	vld.idx.msk [tilespmem:v16+s2+$0x0], $0xffff  }
0x41: {  	v16 =	vor.u32 v9, v14;
	_ =	sdelay $0x2  }
0x42: {  	s7 =	sand.u32 $0x3FF8, s2  }
0x43: {  	[tilespmem:s7+$0x4080] =	vst v15  }
0x44: {  	v15 =	vld.idx.msk [tilespmem:v16+s2+$0x0], $0xffff  }
0x45: {  	v16 =	vor.u32 v10, v14;
	_ =	sdelay $0x3  }
0x46: {  	[tilespmem:s4+$0x30] =	vst v15  }
0x47: {  	v15 =	vld.idx.msk [tilespmem:v16+s2+$0x0], $0xffff  }
0x48: {  	v16 =	vor.u32 v11, v14;
	_ =	sdelay $0x3  }
0x49: {  	[tilespmem:s4+$0x40] =	vst v15  }
0x4a: {  	v15 =	vld.idx.msk [tilespmem:v16+s2+$0x0], $0xffff  }
0x4b: {  	v14 =	vor.u32 v12, v14;
	_ =	sdelay $0x1  }
0x4c: {  	s8 =	simm.s32 $0x1  }
0x4d: {  	s6 =	simm.s32 $0x2;
	s5 =	simm.s32 $0x0;
	v16 =	vmov s8  }
.LBB2_2:
0x4e: {  	p1 =	sne.s32 s6, $0x3F;
	v17 =	vshll.u32 v16, $0x8;
	v16 =	vshll.u32 v16, $0x7;
	[tilespmem:s4+$0x50] =	vst v15  }
0x4f: {  	v15 =	vand.u32 $0x3800, v17;
	v16 =	vand.u32 $0x380, v16;
	v14 =	vld.idx.msk [tilespmem:v14+s2+$0x0], $0xffff  }
0x50: {  	v16 =	vor.u32 v16, v15  }
0x51: {  	v15 =	vor.u32 v0, v16;
	_ =	sdelay $0x3  }
0x52: {  	[tilespmem:s4+$0x58] =	vst v14  }
0x53: {  	v14 =	vld.idx.msk [tilespmem:v15+s2+$0x0], $0xffff;
	_ =	sdelay $0x1  }
0x54: {  	v15 =	vor.u32 v1, v16;
	_ =	sdelay $0x2  }
0x55: {  	s4 =	sadd.s32 $0xC8, s4  }
0x56: {  	[tilespmem:s4+$0xFFFFFFA0] =	vst v14  }
0x57: {  	v14 =	vld.idx.msk [tilespmem:v15+s2+$0x0], $0xffff;
	_ =	sdelay $0x1  }
0x58: {  	v15 =	vor.u32 v2, v16;
	_ =	sdelay $0x3  }
0x59: {  	[tilespmem:s4+$0xFFFFFFB0] =	vst v14  }
0x5a: {  	v14 =	vld.idx.msk [tilespmem:v15+s2+$0x0], $0xffff;
	_ =	sdelay $0x1  }
0x5b: {  	v15 =	vor.u32 v3, v16;
	_ =	sdelay $0x3  }
0x5c: {  	[tilespmem:s4+$0xFFFFFFC0] =	vst v14  }
0x5d: {  	v14 =	vld.idx.msk [tilespmem:v15+s2+$0x0], $0xffff;
	_ =	sdelay $0x1  }
0x5e: {  	v15 =	vor.u32 v4, v16;
	_ =	sdelay $0x3  }
0x5f: {  	[tilespmem:s4+$0xFFFFFFD0] =	vst v14  }
0x60: {  	v14 =	vld.idx.msk [tilespmem:v15+s2+$0x0], $0xffff;
	_ =	sdelay $0x1  }
0x61: {  	v15 =	vor.u32 v5, v16;
	_ =	sdelay $0x3  }
0x62: {  	[tilespmem:s4+$0xFFFFFFE0] =	vst v14  }
0x63: {  	v14 =	vld.idx.msk [tilespmem:v15+s2+$0x0], $0xffff;
	_ =	sdelay $0x1  }
0x64: {  	v15 =	vor.u32 v6, v16;
	_ =	sdelay $0x3  }
0x65: {  	[tilespmem:s4+$0xFFFFFFF0] =	vst v14  }
0x66: {  	v14 =	vld.idx.msk [tilespmem:v15+s2+$0x0], $0xffff;
	_ =	sdelay $0x1  }
0x67: {  	v15 =	vor.u32 v7, v16;
	_ =	sdelay $0x3  }
0x68: {  	[tilespmem:s4+$0x0] =	vst v14  }
0x69: {  	v14 =	vld.idx.msk [tilespmem:v15+s2+$0x0], $0xffff;
	_ =	sdelay $0x1  }
0x6a: {  	v15 =	vor.u32 v8, v16;
	_ =	sdelay $0x3  }
0x6b: {  	[tilespmem:s4+$0x10] =	vst v14  }
0x6c: {  	v14 =	vld.idx.msk [tilespmem:v15+s2+$0x0], $0xffff;
	_ =	sdelay $0x1  }
0x6d: {  	v15 =	vor.u32 v9, v16;
	_ =	sdelay $0x1  }
0x6e: {  	s5 =	sadd.s32 $0xC8, s5  }
0x6f: {  	s7 =	sand.u32 $0x3FF8, s5  }
0x70: {  	[tilespmem:s7+$0x4080] =	vst v14  }
0x71: {  	v14 =	vld.idx.msk [tilespmem:v15+s2+$0x0], $0xffff;
	_ =	sdelay $0x1  }
0x72: {  	v15 =	vor.u32 v10, v16;
	_ =	sdelay $0x3  }
0x73: {  	[tilespmem:s4+$0x30] =	vst v14  }
0x74: {  	v14 =	vld.idx.msk [tilespmem:v15+s2+$0x0], $0xffff;
	_ =	sdelay $0x1  }
0x75: {  	v15 =	vor.u32 v11, v16;
	_ =	sdelay $0x3  }
0x76: {  	[tilespmem:s4+$0x40] =	vst v14  }
0x77: {  	v15 =	vld.idx.msk [tilespmem:v15+s2+$0x0], $0xffff  }
.Ltmp0:
0x78: {  	(pc) =	sbr.rel @p1 .LBB2_2-.Ltmp0, $2  }
0x79: {  	v14 =	vor.u32 v12, v16;
	_ =	sdelay $0x2  }
0x7a: {  	v16 =	vmov s6;
	s6 =	sadd.s32 $0x1, s6  }
0x7b: {  	_ =	sdelay $0x1  }
0x7c: {  	v17 =	vshll.u32 v16, $0x8;
	v16 =	vshll.u32 v16, $0x7  }
0x7d: {  	[tilespmem:s4+$0x50] =	vst v15;
	v15 =	vand.u32 $0x3800, v17;
	v16 =	vand.u32 $0x380, v16  }
0x7e: {  	v14 =	vld.idx.msk [tilespmem:v14+s2+$0x0], $0xffff;
	v15 =	vor.u32 v16, v15  }
0x7f: {  	v16 =	vor.u32 v0, v15;
	_ =	sdelay $0x3  }
0x80: {  	[tilespmem:s4+$0x58] =	vst v14  }
0x81: {  	v14 =	vld.idx.msk [tilespmem:v16+s2+$0x0], $0xffff  }
0x82: {  	v16 =	vor.u32 v1, v15;
	_ =	sdelay $0x2  }
0x83: {  	s6 =	sadd.s32 $0xC8, s4  }
0x84: {  	[tilespmem:s6+$0xFFFFFFA0] =	vst v14  }
0x85: {  	v14 =	vld.idx.msk [tilespmem:v16+s2+$0x0], $0xffff  }
0x86: {  	v16 =	vor.u32 v2, v15;
	_ =	sdelay $0x3  }
0x87: {  	[tilespmem:s6+$0xFFFFFFB0] =	vst v14  }
0x88: {  	v14 =	vld.idx.msk [tilespmem:v16+s2+$0x0], $0xffff  }
0x89: {  	v16 =	vor.u32 v3, v15;
	_ =	sdelay $0x3  }
0x8a: {  	[tilespmem:s6+$0xFFFFFFC0] =	vst v14  }
0x8b: {  	v14 =	vld.idx.msk [tilespmem:v16+s2+$0x0], $0xffff  }
0x8c: {  	v16 =	vor.u32 v4, v15;
	_ =	sdelay $0x3  }
0x8d: {  	[tilespmem:s6+$0xFFFFFFD0] =	vst v14  }
0x8e: {  	v14 =	vld.idx.msk [tilespmem:v16+s2+$0x0], $0xffff  }
0x8f: {  	v16 =	vor.u32 v5, v15;
	_ =	sdelay $0x3  }
0x90: {  	[tilespmem:s6+$0xFFFFFFE0] =	vst v14  }
0x91: {  	v14 =	vld.idx.msk [tilespmem:v16+s2+$0x0], $0xffff  }
0x92: {  	v16 =	vor.u32 v6, v15;
	_ =	sdelay $0x3  }
0x93: {  	[tilespmem:s6+$0xFFFFFFF0] =	vst v14  }
0x94: {  	v14 =	vld.idx.msk [tilespmem:v16+s2+$0x0], $0xffff  }
0x95: {  	v16 =	vor.u32 v7, v15;
	_ =	sdelay $0x3  }
0x96: {  	[tilespmem:s6+$0x0] =	vst v14  }
0x97: {  	v14 =	vld.idx.msk [tilespmem:v16+s2+$0x0], $0xffff  }
0x98: {  	v16 =	vor.u32 v8, v15;
	_ =	sdelay $0x3  }
0x99: {  	[tilespmem:s6+$0x10] =	vst v14  }
0x9a: {  	v14 =	vld.idx.msk [tilespmem:v16+s2+$0x0], $0xffff  }
0x9b: {  	v16 =	vor.u32 v9, v15;
	_ =	sdelay $0x1  }
0x9c: {  	s5 =	sadd.s32 $0xC8, s5  }
0x9d: {  	s4 =	sand.u32 $0x3FF8, s5  }
0x9e: {  	[tilespmem:s4+$0x4080] =	vst v14  }
0x9f: {  	v14 =	vld.idx.msk [tilespmem:v16+s2+$0x0], $0xffff  }
0xa0: {  	v16 =	vor.u32 v10, v15;
	_ =	sdelay $0x3  }
0xa1: {  	[tilespmem:s6+$0x30] =	vst v14  }
0xa2: {  	v14 =	vld.idx.msk [tilespmem:v16+s2+$0x0], $0xffff  }
0xa3: {  	v16 =	vor.u32 v11, v15;
	_ =	sdelay $0x3  }
0xa4: {  	[tilespmem:s6+$0x40] =	vst v14  }
0xa5: {  	v14 =	vld.idx.msk [tilespmem:v16+s2+$0x0], $0xffff  }
0xa6: {  	v15 =	vor.u32 v12, v15;
	_ =	sdelay $0x3  }
0xa7: {  	[tilespmem:s6+$0x50] =	vst v14  }
0xa8: {  	v14 =	vld.idx.msk [tilespmem:v15+s2+$0x0], $0xffff;
	_ =	sdelay $0x2  }
0xa9: {  	s4 =	simm.s32 $0x0  }
0xaa: {  	v15 =	vmov s4  }
0xab: {  	[tilespmem:s6+$0x58] =	vst v14;
	v14 =	vshll.u32 v15, $0x8;
	v15 =	vshll.u32 v15, $0x7  }
0xac: {  	[bflag:$0x0] =	sbarrier.arrive $0xFFFF;
	v14 =	vand.u32 $0x3800, v14;
	v15 =	vand.u32 $0x380, v15  }
0xad: {  	[tilespmem:s24], [sflag:$0x3] =	stream.indirect.gather [spmem:s1], $0x1, s23, s22, $0xb8;
	v14 =	vor.u32 v15, v14;
	[tilespmem:$0x1FCA8] =	vst v63  }
0xae: {  	s6 =	rddreg [dreg:$0x6];
	v15 =	vor.u32 v0, v14  }
0xaf: {  	[tilespmem:s4], [sflag:$0x2] =	stream.linear.gather [hbm4b:s6+s4], $0x4000, $0x38;
	[tilespmem:$0x1FCA8] =	vst v63  }
0xb0: {  	_ =	swait.ge [sflag:s25], $0x4000  }
0xb1: {  	[sflag:s25] =	ssyncset.done $0x0  }
0xb2: {  	[sflag:s25] =	ssyncadd.s32 $0xFFFFC000  }
0xb3: {  	v15 =	vld.idx.msk [tilespmem:v15+s2+$0x0], $0xffff  }
0xb4: {  	v16 =	vor.u32 v1, v14;
	_ =	sdelay $0x2  }
0xb5: {  	s5 =	simm.s32 $0x7260  }
0xb6: {  	[tilespmem:s5+$0xFFFFFFA0] =	vst v15  }
0xb7: {  	v15 =	vld.idx.msk [tilespmem:v16+s2+$0x0], $0xffff  }
0xb8: {  	v16 =	vor.u32 v2, v14;
	_ =	sdelay $0x3  }
0xb9: {  	[tilespmem:s5+$0xFFFFFFB0] =	vst v15  }
0xba: {  	v15 =	vld.idx.msk [tilespmem:v16+s2+$0x0], $0xffff  }
0xbb: {  	v16 =	vor.u32 v3, v14;
	_ =	sdelay $0x3  }
0xbc: {  	[tilespmem:s5+$0xFFFFFFC0] =	vst v15  }
0xbd: {  	v15 =	vld.idx.msk [tilespmem:v16+s2+$0x0], $0xffff  }
0xbe: {  	v16 =	vor.u32 v4, v14;
	_ =	sdelay $0x3  }
0xbf: {  	[tilespmem:s5+$0xFFFFFFD0] =	vst v15  }
0xc0: {  	v15 =	vld.idx.msk [tilespmem:v16+s2+$0x0], $0xffff  }
0xc1: {  	v16 =	vor.u32 v5, v14;
	_ =	sdelay $0x3  }
0xc2: {  	[tilespmem:s5+$0xFFFFFFE0] =	vst v15  }
0xc3: {  	v15 =	vld.idx.msk [tilespmem:v16+s2+$0x0], $0xffff  }
0xc4: {  	v16 =	vor.u32 v6, v14;
	_ =	sdelay $0x3  }
0xc5: {  	[tilespmem:s5+$0xFFFFFFF0] =	vst v15  }
0xc6: {  	v15 =	vld.idx.msk [tilespmem:v16+s2+$0x0], $0xffff  }
0xc7: {  	v16 =	vor.u32 v7, v14;
	_ =	sdelay $0x3  }
0xc8: {  	[tilespmem:s5+$0x0] =	vst v15  }
0xc9: {  	v15 =	vld.idx.msk [tilespmem:v16+s2+$0x0], $0xffff  }
0xca: {  	v16 =	vor.u32 v8, v14;
	_ =	sdelay $0x3  }
0xcb: {  	[tilespmem:s5+$0x10] =	vst v15  }
0xcc: {  	v15 =	vld.idx.msk [tilespmem:v16+s2+$0x0], $0xffff  }
0xcd: {  	v16 =	vor.u32 v9, v14;
	_ =	sdelay $0x2  }
0xce: {  	s7 =	sand.u32 $0x3FF8, s4  }
0xcf: {  	[tilespmem:s7+$0x7280] =	vst v15  }
0xd0: {  	v15 =	vld.idx.msk [tilespmem:v16+s2+$0x0], $0xffff  }
0xd1: {  	v16 =	vor.u32 v10, v14;
	_ =	sdelay $0x3  }
0xd2: {  	[tilespmem:s5+$0x30] =	vst v15  }
0xd3: {  	v15 =	vld.idx.msk [tilespmem:v16+s2+$0x0], $0xffff  }
0xd4: {  	v16 =	vor.u32 v11, v14;
	_ =	sdelay $0x3  }
0xd5: {  	[tilespmem:s5+$0x40] =	vst v15  }
0xd6: {  	v15 =	vld.idx.msk [tilespmem:v16+s2+$0x0], $0xffff  }
0xd7: {  	v14 =	vor.u32 v12, v14;
	_ =	sdelay $0x1  }
0xd8: {  	s8 =	simm.s32 $0x1  }
0xd9: {  	s6 =	simm.s32 $0x2;
	v16 =	vmov s8  }
.LBB2_4:
0xda: {  	p1 =	sne.s32 s6, $0x3F;
	v17 =	vshll.u32 v16, $0x8;
	v16 =	vshll.u32 v16, $0x7;
	[tilespmem:s5+$0x50] =	vst v15  }
0xdb: {  	v15 =	vand.u32 $0x3800, v17;
	v16 =	vand.u32 $0x380, v16;
	v14 =	vld.idx.msk [tilespmem:v14+s2+$0x0], $0xffff  }
0xdc: {  	v16 =	vor.u32 v16, v15  }
0xdd: {  	v15 =	vor.u32 v0, v16;
	_ =	sdelay $0x3  }
0xde: {  	[tilespmem:s5+$0x58] =	vst v14  }
0xdf: {  	v14 =	vld.idx.msk [tilespmem:v15+s2+$0x0], $0xffff;
	_ =	sdelay $0x1  }
0xe0: {  	v15 =	vor.u32 v1, v16;
	_ =	sdelay $0x2  }
0xe1: {  	s5 =	sadd.s32 $0xC8, s5  }
0xe2: {  	[tilespmem:s5+$0xFFFFFFA0] =	vst v14  }
0xe3: {  	v14 =	vld.idx.msk [tilespmem:v15+s2+$0x0], $0xffff;
	_ =	sdelay $0x1  }
0xe4: {  	v15 =	vor.u32 v2, v16;
	_ =	sdelay $0x3  }
0xe5: {  	[tilespmem:s5+$0xFFFFFFB0] =	vst v14  }
0xe6: {  	v14 =	vld.idx.msk [tilespmem:v15+s2+$0x0], $0xffff;
	_ =	sdelay $0x1  }
0xe7: {  	v15 =	vor.u32 v3, v16;
	_ =	sdelay $0x3  }
0xe8: {  	[tilespmem:s5+$0xFFFFFFC0] =	vst v14  }
0xe9: {  	v14 =	vld.idx.msk [tilespmem:v15+s2+$0x0], $0xffff;
	_ =	sdelay $0x1  }
0xea: {  	v15 =	vor.u32 v4, v16;
	_ =	sdelay $0x3  }
0xeb: {  	[tilespmem:s5+$0xFFFFFFD0] =	vst v14  }
0xec: {  	v14 =	vld.idx.msk [tilespmem:v15+s2+$0x0], $0xffff;
	_ =	sdelay $0x1  }
0xed: {  	v15 =	vor.u32 v5, v16;
	_ =	sdelay $0x3  }
0xee: {  	[tilespmem:s5+$0xFFFFFFE0] =	vst v14  }
0xef: {  	v14 =	vld.idx.msk [tilespmem:v15+s2+$0x0], $0xffff;
	_ =	sdelay $0x1  }
0xf0: {  	v15 =	vor.u32 v6, v16;
	_ =	sdelay $0x3  }
0xf1: {  	[tilespmem:s5+$0xFFFFFFF0] =	vst v14  }
0xf2: {  	v14 =	vld.idx.msk [tilespmem:v15+s2+$0x0], $0xffff;
	_ =	sdelay $0x1  }
0xf3: {  	v15 =	vor.u32 v7, v16;
	_ =	sdelay $0x3  }
0xf4: {  	[tilespmem:s5+$0x0] =	vst v14  }
0xf5: {  	v14 =	vld.idx.msk [tilespmem:v15+s2+$0x0], $0xffff;
	_ =	sdelay $0x1  }
0xf6: {  	v15 =	vor.u32 v8, v16;
	_ =	sdelay $0x3  }
0xf7: {  	[tilespmem:s5+$0x10] =	vst v14  }
0xf8: {  	v14 =	vld.idx.msk [tilespmem:v15+s2+$0x0], $0xffff;
	_ =	sdelay $0x1  }
0xf9: {  	v15 =	vor.u32 v9, v16;
	_ =	sdelay $0x1  }
0xfa: {  	s4 =	sadd.s32 $0xC8, s4  }
0xfb: {  	s7 =	sand.u32 $0x3FF8, s4  }
0xfc: {  	[tilespmem:s7+$0x7280] =	vst v14  }
0xfd: {  	v14 =	vld.idx.msk [tilespmem:v15+s2+$0x0], $0xffff;
	_ =	sdelay $0x1  }
0xfe: {  	v15 =	vor.u32 v10, v16;
	_ =	sdelay $0x3  }
0xff: {  	[tilespmem:s5+$0x30] =	vst v14  }
0x100: {  	v14 =	vld.idx.msk [tilespmem:v15+s2+$0x0], $0xffff;
	_ =	sdelay $0x1  }
0x101: {  	v15 =	vor.u32 v11, v16;
	_ =	sdelay $0x3  }
0x102: {  	[tilespmem:s5+$0x40] =	vst v14  }
0x103: {  	v15 =	vld.idx.msk [tilespmem:v15+s2+$0x0], $0xffff  }
.Ltmp1:
0x104: {  	(pc) =	sbr.rel @p1 .LBB2_4-.Ltmp1, $2  }
0x105: {  	v14 =	vor.u32 v12, v16;
	_ =	sdelay $0x2  }
0x106: {  	v16 =	vmov s6;
	s6 =	sadd.s32 $0x1, s6  }
0x107: {  	_ =	sdelay $0x1  }
0x108: {  	v17 =	vshll.u32 v16, $0x8;
	v52 =	vshll.u32 v16, $0x7  }
0x109: {  	[tilespmem:s5+$0x50] =	vst v15;
	v15 =	vand.u32 $0x3800, v17;
	v16 =	vand.u32 $0x380, v52  }
0x10a: {  	v14 =	vld.idx.msk [tilespmem:v14+s2+$0x0], $0xffff;
	v15 =	vor.u32 v16, v15  }
0x10b: {  	v16 =	vor.u32 v0, v15;
	_ =	sdelay $0x3  }
0x10c: {  	[tilespmem:s5+$0x58] =	vst v14  }
0x10d: {  	v14 =	vld.idx.msk [tilespmem:v16+s2+$0x0], $0xffff  }
0x10e: {  	v53 =	vor.u32 v1, v15;
	_ =	sdelay $0x2  }
0x10f: {  	s7 =	sadd.s32 $0xC8, s5  }
0x110: {  	[tilespmem:s7+$0xFFFFFFA0] =	vst v14  }
0x111: {  	v14 =	vld.idx.msk [tilespmem:v53+s2+$0x0], $0xffff  }
0x112: {  	v54 =	vor.u32 v2, v15;
	_ =	sdelay $0x3  }
0x113: {  	[tilespmem:s7+$0xFFFFFFB0] =	vst v14  }
0x114: {  	v14 =	vld.idx.msk [tilespmem:v54+s2+$0x0], $0xffff  }
0x115: {  	v55 =	vor.u32 v3, v15;
	_ =	sdelay $0x3  }
0x116: {  	[tilespmem:s7+$0xFFFFFFC0] =	vst v14  }
0x117: {  	v14 =	vld.idx.msk [tilespmem:v55+s2+$0x0], $0xffff  }
0x118: {  	v56 =	vor.u32 v4, v15;
	_ =	sdelay $0x3  }
0x119: {  	[tilespmem:s7+$0xFFFFFFD0] =	vst v14  }
0x11a: {  	v14 =	vld.idx.msk [tilespmem:v56+s2+$0x0], $0xffff  }
0x11b: {  	v57 =	vor.u32 v5, v15;
	_ =	sdelay $0x3  }
0x11c: {  	[tilespmem:s7+$0xFFFFFFE0] =	vst v14  }
0x11d: {  	v14 =	vld.idx.msk [tilespmem:v57+s2+$0x0], $0xffff  }
0x11e: {  	v58 =	vor.u32 v6, v15;
	_ =	sdelay $0x3  }
0x11f: {  	[tilespmem:s7+$0xFFFFFFF0] =	vst v14  }
0x120: {  	v14 =	vld.idx.msk [tilespmem:v58+s2+$0x0], $0xffff  }
0x121: {  	v59 =	vor.u32 v7, v15;
	_ =	sdelay $0x3  }
0x122: {  	[tilespmem:s7+$0x0] =	vst v14  }
0x123: {  	v14 =	vld.idx.msk [tilespmem:v59+s2+$0x0], $0xffff  }
0x124: {  	v60 =	vor.u32 v8, v15;
	_ =	sdelay $0x3  }
0x125: {  	[tilespmem:s7+$0x10] =	vst v14  }
0x126: {  	v14 =	vld.idx.msk [tilespmem:v60+s2+$0x0], $0xffff  }
0x127: {  	v61 =	vor.u32 v9, v15;
	_ =	sdelay $0x1  }
0x128: {  	s4 =	sadd.s32 $0xC8, s4  }
0x129: {  	s4 =	sand.u32 $0x3FF8, s4  }
0x12a: {  	[tilespmem:s4+$0x7280] =	vst v14  }
0x12b: {  	v14 =	vld.idx.msk [tilespmem:v61+s2+$0x0], $0xffff  }
0x12c: {  	v62 =	vor.u32 v10, v15;
	_ =	sdelay $0x3  }
0x12d: {  	[tilespmem:s7+$0x30] =	vst v14  }
0x12e: {  	v14 =	vld.idx.msk [tilespmem:v62+s2+$0x0], $0xffff  }
0x12f: {  	v63 =	vor.u32 v11, v15;
	_ =	sdelay $0x3  }
0x130: {  	[tilespmem:s7+$0x40] =	vst v14  }
0x131: {  	v14 =	vld.idx.msk [tilespmem:v63+s2+$0x0], $0xffff  }
0x132: {  	v15 =	vor.u32 v12, v15;
	_ =	sdelay $0x3  }
0x133: {  	[tilespmem:s7+$0x50] =	vst v14  }
0x134: {  	v14 =	vld.idx.msk [tilespmem:v15+s2+$0x0], $0xffff;
	_ =	sdelay $0x4  }
0x135: {  	[tilespmem:s7+$0x58] =	vst v14  }
0x136: {  	[tilespmem:s28], [sflag:$0x4] =	stream.indirect.gather [spmem:s1], $0x1, s26, s22, $0xb8;
	[tilespmem:$0x1FCA8] =	vst v63  }
0x137: {  	s8 =	rddreg [dreg:$0x7];
	s4 =	simm.s32 $0x0  }
0x138: {  	[tilespmem:s4], [sflag:$0x2] =	stream.linear.gather [hbm4b:s8+s4], $0x4000, $0x38;
	[tilespmem:$0x1FCA8] =	vst v63  }
0x139: {  	_ =	swait.ge [sflag:s29], $0x3200  }
0x13a: {  	[sflag:s29] =	ssyncset.done $0x0  }
0x13b: {  	[sflag:s29] =	ssyncadd.s32 $0xFFFFCE00  }
.LBB2_6:
0x13c: {  	s5 =	sshll.u32 s4, $0x4  }
0x13d: {  	v14 =	vmov s5  }
0x13e: {  	v14 =	vmul.u32 $0xC8, v14;
	_ =	sdelay $0x1  }
0x13f: {  	v14 =	vbroadcast v14, $0x0;
	_ =	sdelay $0x1  }
0x140: {  	s6 =	simm.s32 $0x7;
	v14 =	vadd.s32 v13, v14  }
0x141: {  	s7 =	simm.s32 $0x6;
	v15 =	vadd.s32 s6, v14  }
0x142: {  	s8 =	simm.s32 $0x5;
	v16 =	vadd.s32 s7, v14  }
0x143: {  	s7 =	simm.s32 $0x4;
	v17 =	vadd.s32 s8, v14  }
0x144: {  	s8 =	simm.s32 $0x3;
	v18 =	vadd.s32 s7, v14  }
0x145: {  	s7 =	simm.s32 $0x2;
	v19 =	vadd.s32 s8, v14  }
0x146: {  	s8 =	simm.s32 $0x1;
	v21 =	vadd.s32 s7, v14;
	v20 =	vld.idx.msk [tilespmem:v15+s24+$0x0], $0xffff  }
0x147: {  	s7 =	simm.s32 $0x0;
	v22 =	vadd.s32 s8, v14;
	v33 =	vld.idx.msk [tilespmem:v16+s24+$0x0], $0xffff  }
0x148: {  	s8 =	simm.s32 $0xF;
	v23 =	vadd.s32 s7, v14;
	v31 =	vld.idx.msk [tilespmem:v17+s24+$0x0], $0xffff  }
0x149: {  	s7 =	simm.s32 $0xE;
	v25 =	vadd.s32 s8, v14;
	v16 =	vld.idx.msk [tilespmem:v18+s24+$0x0], $0xffff  }
0x14a: {  	s8 =	simm.s32 $0xD;
	v27 =	vadd.s32 s7, v14;
	v15 =	vld.idx.msk [tilespmem:v19+s24+$0x0], $0xffff  }
0x14b: {  	s7 =	simm.s32 $0xC;
	v34 =	vadd.s32 s8, v14;
	v18 =	vld.idx.msk [tilespmem:v21+s24+$0x0], $0xffff  }
0x14c: {  	v24 =	vimm.f32 $0.0e+00;
	v26 =	vimm.f32 $0.0e+00;
	s8 =	simm.s32 $0xB;
	v30 =	vadd.s32 s7, v14;
	v17 =	vld.idx.msk [tilespmem:v22+s24+$0x0], $0xffff  }
0x14d: {  	v28 =	vimm.f32 $0.0e+00;
	v29 =	vimm.f32 $0.0e+00;
	s7 =	simm.s32 $0xA;
	v35 =	vadd.s32 s8, v14;
	s8 =	simm.s32 $0x9;
	v22 =	vld.idx.msk [tilespmem:v23+s24+$0x0], $0xffff  }
0x14e: {  	v19 =	vimm.f32 $0.0e+00;
	v37 =	vadd.s32 s7, v14;
	v36 =	vadd.s32 s8, v14;
	v23 =	vld.idx.msk [tilespmem:v25+s24+$0x0], $0xffff  }
0x14f: {  	s6 =	simm.s32 $0x17;
	s7 =	simm.s32 $0x8;
	v21 =	vimm.f32 $0.0e+00;
	v25 =	vimm.f32 $0.0e+00;
	v32 =	vld.idx.msk [tilespmem:v27+s24+$0x0], $0xffff;
	v27 =	vimm.f32 $0.0e+00  }
.LBB2_7:
0x150: {  	p1 =	sne.s32 s6, $0xC7;
	v38 =	vadd.s32 s7, v14;
	v39 =	vld.idx.msk [tilespmem:v34+s24+$0x0], $0xffff;
	v19 =	vadd.f32 v33, v19;
	v24 =	vadd.f32 v20, v24  }
0x151: {  	s7 =	sadd.s32 $0xFFFFFFFF, s6;
	v40 =	vadd.s32 s6, v14;
	v25 =	vadd.f32 v16, v25;
	v26 =	vadd.f32 v31, v26;
	v16 =	vld.idx.msk [tilespmem:v30+s24+$0x0], $0xffff  }
0x152: {  	s8 =	sadd.s32 $0xFFFFFFFE, s6;
	v21 =	vadd.f32 v18, v21;
	v27 =	vadd.f32 v15, v27;
	v41 =	vadd.s32 s7, v14;
	v15 =	vld.idx.msk [tilespmem:v35+s24+$0x0], $0xffff  }
.Ltmp2:
0x153: {  	s7 =	sadd.s32 $0xFFFFFFFD, s6;
	v34 =	vadd.s32 s8, v14;
	v29 =	vadd.f32 v17, v29;
	v28 =	vadd.f32 v22, v28;
	v18 =	vld.idx.msk [tilespmem:v37+s24+$0x0], $0xffff;
	(pc) =	sbr.rel @p1 .LBB2_7-.Ltmp2, $4  }
0x154: {  	s8 =	sadd.s32 $0xFFFFFFFC, s6;
	v30 =	vadd.s32 s7, v14;
	v20 =	vmov v23;
	v17 =	vld.idx.msk [tilespmem:v36+s24+$0x0], $0xffff  }
0x155: {  	s7 =	sadd.s32 $0xFFFFFFFB, s6;
	v35 =	vadd.s32 s8, v14;
	v33 =	vmov v32;
	v22 =	vld.idx.msk [tilespmem:v38+s24+$0x0], $0xffff  }
0x156: {  	s8 =	sadd.s32 $0xFFFFFFFA, s6;
	v37 =	vadd.s32 s7, v14;
	v31 =	vmov v39;
	v23 =	vld.idx.msk [tilespmem:v40+s24+$0x0], $0xffff  }
0x157: {  	s7 =	sadd.s32 $0xFFFFFFF9, s6;
	s6 =	sadd.s32 $0x8, s6;
	v36 =	vadd.s32 s8, v14;
	v32 =	vld.idx.msk [tilespmem:v41+s24+$0x0], $0xffff  }
0x158: {  	_ =	sdelay $0x3  }
0x159: {  	v14 =	vadd.s32 s7, v14;
	v34 =	vld.idx.msk [tilespmem:v34+s24+$0x0], $0xffff  }
0x15a: {  	v35 =	vld.idx.msk [tilespmem:v35+s24+$0x0], $0xffff  }
0x15b: {  	v37 =	vld.idx.msk [tilespmem:v37+s24+$0x0], $0xffff  }
0x15c: {  	v19 =	vadd.f32 v33, v19;
	v20 =	vadd.f32 v20, v24;
	v58 =	vld.idx.msk [tilespmem:v36+s24+$0x0], $0xffff  }
0x15d: {  	v16 =	vadd.f32 v16, v25;
	v59 =	vadd.f32 v31, v26;
	v60 =	vld.idx.msk [tilespmem:v30+s24+$0x0], $0xffff  }
0x15e: {  	v18 =	vadd.f32 v18, v21;
	v15 =	vadd.f32 v15, v27;
	v14 =	vld.idx.msk [tilespmem:v14+s24+$0x0], $0xffff  }
0x15f: {  	v17 =	vadd.f32 v17, v29;
	v61 =	vadd.f32 v22, v28  }
0x160: {  	v20 =	vadd.f32 v23, v20;
	v19 =	vadd.f32 v32, v19  }
0x161: {  	v18 =	vadd.f32 v37, v18;
	v15 =	vadd.f32 v35, v15  }
0x162: {  	v17 =	vadd.f32 v58, v17;
	v16 =	vadd.f32 v60, v16  }
0x163: {  	v62 =	vadd.f32 v34, v59;
	v14 =	vadd.f32 v14, v61  }
0x164: {  	v63 =	vadd.f32 v20, v19;
	v15 =	vadd.f32 v15, v18  }
0x165: {  	v16 =	vadd.f32 v62, v16;
	v14 =	vadd.f32 v17, v14;
	_ =	sdelay $0x1  }
0x166: {  	v14 =	vadd.f32 v15, v14;
	v15 =	vadd.f32 v63, v16;
	_ =	sdelay $0x1  }
0x167: {  	v14 =	vadd.f32 v15, v14;
	_ =	sdelay $0x1  }
0x168: {  	v14 =	vsub.f32 $0.0e+00, v14;
	_ =	sdelay $0x1  }
0x169: {  	v14 =	vmul.f32 $1.442695020e+00, v14;
	_ =	sdelay $0x1  }
0x16a: {  	(erf) = vpow2.f32 v14;
	_ =	sdelay $0x8  }
0x16b: {  	v14 =	vpop (erf)  }
0x16c: {  	v14 =	vadd.f32 $1.000000000e+00, v14;
	_ =	sdelay $0x1  }
0x16d: {  	(erf) = vrcp.f32 v14;
	_ =	sdelay $0x3  }
0x16e: {  	s4 =	sadd.s32 $0x1, s4  }
0x16f: {  	p1 =	sne.s32 s4, $0x4  }
.Ltmp3:
0x170: {  	_ = 	snop;
	(pc) =	sbr.rel @p1 .LBB2_6-.Ltmp3, $3  }
0x171: {  	_ =	sdelay $0x1  }
0x172: {  	v14 =	vpop (erf)  }
0x173: {  	[tilespmem:s5+$0x10800] =	vst v14  }
0x174: {  	s4 =	simm.s32 $0x0  }
0x175: {  	v14 =	vmov s4  }
0x176: {  	s5 =	rddreg [dreg:$0x8];
	v15 =	vshll.u32 v14, $0x8;
	v14 =	vshll.u32 v14, $0x7  }
0x177: {  	[hbm4b:s5+s4] =	stream.linear.scatter [tilespmem:s30], [sflag:$0x5], $0x40, $0x38;
	v15 =	vand.u32 $0x3800, v15;
	v14 =	vand.u32 $0x380, v14;
	[tilespmem:$0x1FCA8] =	vst v63  }
0x178: {  	_ =	swait.ge [sflag:s31], $0x40;
	v14 =	vor.u32 v14, v15  }
0x179: {  	[sflag:s31] =	ssyncset.done $0x0;
	v15 =	vor.u32 v0, v14  }
0x17a: {  	[sflag:s31] =	ssyncadd.s32 $0xFFFFFFC0  }
0x17b: {  	_ =	swait.ge [sflag:s25], $0x4000  }
0x17c: {  	[sflag:s25] =	ssyncset.done $0x0  }
0x17d: {  	[sflag:s25] =	ssyncadd.s32 $0xFFFFC000  }
0x17e: {  	v15 =	vld.idx.msk [tilespmem:v15+s2+$0x0], $0xffff  }
0x17f: {  	v16 =	vor.u32 v1, v14;
	_ =	sdelay $0x2  }
0x180: {  	s5 =	simm.s32 $0x4060  }
0x181: {  	[tilespmem:s5+$0xFFFFFFA0] =	vst v15  }
0x182: {  	v15 =	vld.idx.msk [tilespmem:v16+s2+$0x0], $0xffff  }
0x183: {  	v16 =	vor.u32 v2, v14;
	_ =	sdelay $0x3  }
0x184: {  	[tilespmem:s5+$0xFFFFFFB0] =	vst v15  }
0x185: {  	v15 =	vld.idx.msk [tilespmem:v16+s2+$0x0], $0xffff  }
0x186: {  	v16 =	vor.u32 v3, v14;
	_ =	sdelay $0x3  }
0x187: {  	[tilespmem:s5+$0xFFFFFFC0] =	vst v15  }
0x188: {  	v15 =	vld.idx.msk [tilespmem:v16+s2+$0x0], $0xffff  }
0x189: {  	v16 =	vor.u32 v4, v14;
	_ =	sdelay $0x3  }
0x18a: {  	[tilespmem:s5+$0xFFFFFFD0] =	vst v15  }
0x18b: {  	v15 =	vld.idx.msk [tilespmem:v16+s2+$0x0], $0xffff  }
0x18c: {  	v16 =	vor.u32 v5, v14;
	_ =	sdelay $0x3  }
0x18d: {  	[tilespmem:s5+$0xFFFFFFE0] =	vst v15  }
0x18e: {  	v15 =	vld.idx.msk [tilespmem:v16+s2+$0x0], $0xffff  }
0x18f: {  	v16 =	vor.u32 v6, v14;
	_ =	sdelay $0x3  }
0x190: {  	[tilespmem:s5+$0xFFFFFFF0] =	vst v15  }
0x191: {  	v15 =	vld.idx.msk [tilespmem:v16+s2+$0x0], $0xffff  }
0x192: {  	v16 =	vor.u32 v7, v14;
	_ =	sdelay $0x3  }
0x193: {  	[tilespmem:s5+$0x0] =	vst v15  }
0x194: {  	v15 =	vld.idx.msk [tilespmem:v16+s2+$0x0], $0xffff  }
0x195: {  	v16 =	vor.u32 v8, v14;
	_ =	sdelay $0x3  }
0x196: {  	[tilespmem:s5+$0x10] =	vst v15  }
0x197: {  	v15 =	vld.idx.msk [tilespmem:v16+s2+$0x0], $0xffff  }
0x198: {  	v16 =	vor.u32 v9, v14;
	_ =	sdelay $0x2  }
0x199: {  	s6 =	sand.u32 $0x3FF8, s4  }
0x19a: {  	[tilespmem:s6+$0x4080] =	vst v15  }
0x19b: {  	v15 =	vld.idx.msk [tilespmem:v16+s2+$0x0], $0xffff  }
0x19c: {  	v16 =	vor.u32 v10, v14;
	_ =	sdelay $0x3  }
0x19d: {  	[tilespmem:s5+$0x30] =	vst v15  }
0x19e: {  	v15 =	vld.idx.msk [tilespmem:v16+s2+$0x0], $0xffff  }
0x19f: {  	v16 =	vor.u32 v11, v14;
	_ =	sdelay $0x3  }
0x1a0: {  	[tilespmem:s5+$0x40] =	vst v15  }
0x1a1: {  	v15 =	vld.idx.msk [tilespmem:v16+s2+$0x0], $0xffff  }
0x1a2: {  	v14 =	vor.u32 v12, v14;
	_ =	sdelay $0x1  }
0x1a3: {  	s8 =	simm.s32 $0x1  }
0x1a4: {  	s6 =	simm.s32 $0x2;
	v16 =	vmov s8  }
.LBB2_10:
0x1a5: {  	p1 =	sne.s32 s6, $0x3F;
	v17 =	vshll.u32 v16, $0x8;
	v16 =	vshll.u32 v16, $0x7;
	[tilespmem:s5+$0x50] =	vst v15  }
0x1a6: {  	v15 =	vand.u32 $0x3800, v17;
	v16 =	vand.u32 $0x380, v16;
	v14 =	vld.idx.msk [tilespmem:v14+s2+$0x0], $0xffff  }
0x1a7: {  	v16 =	vor.u32 v16, v15  }
0x1a8: {  	v15 =	vor.u32 v0, v16;
	_ =	sdelay $0x3  }
0x1a9: {  	[tilespmem:s5+$0x58] =	vst v14  }
0x1aa: {  	v14 =	vld.idx.msk [tilespmem:v15+s2+$0x0], $0xffff;
	_ =	sdelay $0x1  }
0x1ab: {  	v15 =	vor.u32 v1, v16;
	_ =	sdelay $0x2  }
0x1ac: {  	s5 =	sadd.s32 $0xC8, s5  }
0x1ad: {  	[tilespmem:s5+$0xFFFFFFA0] =	vst v14  }
0x1ae: {  	v14 =	vld.idx.msk [tilespmem:v15+s2+$0x0], $0xffff;
	_ =	sdelay $0x1  }
0x1af: {  	v15 =	vor.u32 v2, v16;
	_ =	sdelay $0x3  }
0x1b0: {  	[tilespmem:s5+$0xFFFFFFB0] =	vst v14  }
0x1b1: {  	v14 =	vld.idx.msk [tilespmem:v15+s2+$0x0], $0xffff;
	_ =	sdelay $0x1  }
0x1b2: {  	v15 =	vor.u32 v3, v16;
	_ =	sdelay $0x3  }
0x1b3: {  	[tilespmem:s5+$0xFFFFFFC0] =	vst v14  }
0x1b4: {  	v14 =	vld.idx.msk [tilespmem:v15+s2+$0x0], $0xffff;
	_ =	sdelay $0x1  }
0x1b5: {  	v15 =	vor.u32 v4, v16;
	_ =	sdelay $0x3  }
0x1b6: {  	[tilespmem:s5+$0xFFFFFFD0] =	vst v14  }
0x1b7: {  	v14 =	vld.idx.msk [tilespmem:v15+s2+$0x0], $0xffff;
	_ =	sdelay $0x1  }
0x1b8: {  	v15 =	vor.u32 v5, v16;
	_ =	sdelay $0x3  }
0x1b9: {  	[tilespmem:s5+$0xFFFFFFE0] =	vst v14  }
0x1ba: {  	v14 =	vld.idx.msk [tilespmem:v15+s2+$0x0], $0xffff;
	_ =	sdelay $0x1  }
0x1bb: {  	v15 =	vor.u32 v6, v16;
	_ =	sdelay $0x3  }
0x1bc: {  	[tilespmem:s5+$0xFFFFFFF0] =	vst v14  }
0x1bd: {  	v14 =	vld.idx.msk [tilespmem:v15+s2+$0x0], $0xffff;
	_ =	sdelay $0x1  }
0x1be: {  	v15 =	vor.u32 v7, v16;
	_ =	sdelay $0x3  }
0x1bf: {  	[tilespmem:s5+$0x0] =	vst v14  }
0x1c0: {  	v14 =	vld.idx.msk [tilespmem:v15+s2+$0x0], $0xffff;
	_ =	sdelay $0x1  }
0x1c1: {  	v15 =	vor.u32 v8, v16;
	_ =	sdelay $0x3  }
0x1c2: {  	[tilespmem:s5+$0x10] =	vst v14  }
0x1c3: {  	v14 =	vld.idx.msk [tilespmem:v15+s2+$0x0], $0xffff;
	_ =	sdelay $0x1  }
0x1c4: {  	v15 =	vor.u32 v9, v16;
	_ =	sdelay $0x1  }
0x1c5: {  	s4 =	sadd.s32 $0xC8, s4  }
0x1c6: {  	s7 =	sand.u32 $0x3FF8, s4  }
0x1c7: {  	[tilespmem:s7+$0x4080] =	vst v14  }
0x1c8: {  	v14 =	vld.idx.msk [tilespmem:v15+s2+$0x0], $0xffff;
	_ =	sdelay $0x1  }
0x1c9: {  	v15 =	vor.u32 v10, v16;
	_ =	sdelay $0x3  }
0x1ca: {  	[tilespmem:s5+$0x30] =	vst v14  }
0x1cb: {  	v14 =	vld.idx.msk [tilespmem:v15+s2+$0x0], $0xffff;
	_ =	sdelay $0x1  }
0x1cc: {  	v15 =	vor.u32 v11, v16;
	_ =	sdelay $0x3  }
0x1cd: {  	[tilespmem:s5+$0x40] =	vst v14  }
0x1ce: {  	v15 =	vld.idx.msk [tilespmem:v15+s2+$0x0], $0xffff  }
.Ltmp4:
0x1cf: {  	(pc) =	sbr.rel @p1 .LBB2_10-.Ltmp4, $2  }
0x1d0: {  	v14 =	vor.u32 v12, v16;
	_ =	sdelay $0x2  }
0x1d1: {  	v16 =	vmov s6;
	s6 =	sadd.s32 $0x1, s6  }
0x1d2: {  	_ =	sdelay $0x1  }
0x1d3: {  	v17 =	vshll.u32 v16, $0x8;
	v52 =	vshll.u32 v16, $0x7  }
0x1d4: {  	[tilespmem:s5+$0x50] =	vst v15;
	v15 =	vand.u32 $0x3800, v17;
	v16 =	vand.u32 $0x380, v52  }
0x1d5: {  	v14 =	vld.idx.msk [tilespmem:v14+s2+$0x0], $0xffff;
	v15 =	vor.u32 v16, v15  }
0x1d6: {  	v16 =	vor.u32 v0, v15;
	_ =	sdelay $0x3  }
0x1d7: {  	[tilespmem:s5+$0x58] =	vst v14  }
0x1d8: {  	v14 =	vld.idx.msk [tilespmem:v16+s2+$0x0], $0xffff  }
0x1d9: {  	v53 =	vor.u32 v1, v15;
	_ =	sdelay $0x2  }
0x1da: {  	s7 =	sadd.s32 $0xC8, s5  }
0x1db: {  	[tilespmem:s7+$0xFFFFFFA0] =	vst v14  }
0x1dc: {  	v14 =	vld.idx.msk [tilespmem:v53+s2+$0x0], $0xffff  }
0x1dd: {  	v54 =	vor.u32 v2, v15;
	_ =	sdelay $0x3  }
0x1de: {  	[tilespmem:s7+$0xFFFFFFB0] =	vst v14  }
0x1df: {  	v14 =	vld.idx.msk [tilespmem:v54+s2+$0x0], $0xffff  }
0x1e0: {  	v55 =	vor.u32 v3, v15;
	_ =	sdelay $0x3  }
0x1e1: {  	[tilespmem:s7+$0xFFFFFFC0] =	vst v14  }
0x1e2: {  	v14 =	vld.idx.msk [tilespmem:v55+s2+$0x0], $0xffff  }
0x1e3: {  	v56 =	vor.u32 v4, v15;
	_ =	sdelay $0x3  }
0x1e4: {  	[tilespmem:s7+$0xFFFFFFD0] =	vst v14  }
0x1e5: {  	v14 =	vld.idx.msk [tilespmem:v56+s2+$0x0], $0xffff  }
0x1e6: {  	v57 =	vor.u32 v5, v15;
	_ =	sdelay $0x3  }
0x1e7: {  	[tilespmem:s7+$0xFFFFFFE0] =	vst v14  }
0x1e8: {  	v14 =	vld.idx.msk [tilespmem:v57+s2+$0x0], $0xffff  }
0x1e9: {  	v58 =	vor.u32 v6, v15;
	_ =	sdelay $0x3  }
0x1ea: {  	[tilespmem:s7+$0xFFFFFFF0] =	vst v14  }
0x1eb: {  	v14 =	vld.idx.msk [tilespmem:v58+s2+$0x0], $0xffff  }
0x1ec: {  	v59 =	vor.u32 v7, v15;
	_ =	sdelay $0x3  }
0x1ed: {  	[tilespmem:s7+$0x0] =	vst v14  }
0x1ee: {  	v14 =	vld.idx.msk [tilespmem:v59+s2+$0x0], $0xffff  }
0x1ef: {  	v60 =	vor.u32 v8, v15;
	_ =	sdelay $0x3  }
0x1f0: {  	[tilespmem:s7+$0x10] =	vst v14  }
0x1f1: {  	v14 =	vld.idx.msk [tilespmem:v60+s2+$0x0], $0xffff  }
0x1f2: {  	v61 =	vor.u32 v9, v15;
	_ =	sdelay $0x1  }
0x1f3: {  	s4 =	sadd.s32 $0xC8, s4  }
0x1f4: {  	s4 =	sand.u32 $0x3FF8, s4  }
0x1f5: {  	[tilespmem:s4+$0x4080] =	vst v14  }
0x1f6: {  	v14 =	vld.idx.msk [tilespmem:v61+s2+$0x0], $0xffff  }
0x1f7: {  	v62 =	vor.u32 v10, v15;
	_ =	sdelay $0x3  }
0x1f8: {  	[tilespmem:s7+$0x30] =	vst v14  }
0x1f9: {  	v14 =	vld.idx.msk [tilespmem:v62+s2+$0x0], $0xffff  }
0x1fa: {  	v63 =	vor.u32 v11, v15;
	_ =	sdelay $0x3  }
0x1fb: {  	[tilespmem:s7+$0x40] =	vst v14  }
0x1fc: {  	v14 =	vld.idx.msk [tilespmem:v63+s2+$0x0], $0xffff  }
0x1fd: {  	v15 =	vor.u32 v12, v15;
	_ =	sdelay $0x3  }
0x1fe: {  	[tilespmem:s7+$0x50] =	vst v14  }
0x1ff: {  	v14 =	vld.idx.msk [tilespmem:v15+s2+$0x0], $0xffff;
	_ =	sdelay $0x4  }
0x200: {  	[tilespmem:s7+$0x58] =	vst v14  }
0x201: {  	[tilespmem:s24], [sflag:$0x3] =	stream.indirect.gather [spmem:s1], $0x1, s23, s22, $0xb8;
	[tilespmem:$0x1FCA8] =	vst v63  }
0x202: {  	s8 =	rddreg [dreg:$0x9];
	s4 =	simm.s32 $0x0  }
0x203: {  	[tilespmem:s4], [sflag:$0x1] =	stream.linear.gather [hbm4b:s8+s4], $0x4000, $0x38;
	[tilespmem:$0x1FCA8] =	vst v63  }
0x204: {  	_ =	swait.ge [sflag:s0], $0x3200  }
0x205: {  	[sflag:s0] =	ssyncset.done $0x0  }
0x206: {  	[sflag:s0] =	ssyncadd.s32 $0xFFFFCE00  }
.LBB2_12:
0x207: {  	s5 =	sshll.u32 s4, $0x4  }
0x208: {  	v14 =	vmov s5  }
0x209: {  	v14 =	vmul.u32 $0xC8, v14;
	_ =	sdelay $0x1  }
0x20a: {  	v14 =	vbroadcast v14, $0x0;
	_ =	sdelay $0x1  }
0x20b: {  	s6 =	simm.s32 $0x7;
	v14 =	vadd.s32 v13, v14  }
0x20c: {  	s7 =	simm.s32 $0x6;
	v15 =	vadd.s32 s6, v14  }
0x20d: {  	s8 =	simm.s32 $0x5;
	v16 =	vadd.s32 s7, v14  }
0x20e: {  	s7 =	simm.s32 $0x4;
	v17 =	vadd.s32 s8, v14  }
0x20f: {  	s8 =	simm.s32 $0x3;
	v18 =	vadd.s32 s7, v14  }
0x210: {  	s7 =	simm.s32 $0x2;
	v19 =	vadd.s32 s8, v14  }
0x211: {  	s8 =	simm.s32 $0x1;
	v21 =	vadd.s32 s7, v14;
	v20 =	vld.idx.msk [tilespmem:v15+s28+$0x0], $0xffff  }
0x212: {  	s7 =	simm.s32 $0x0;
	v22 =	vadd.s32 s8, v14;
	v33 =	vld.idx.msk [tilespmem:v16+s28+$0x0], $0xffff  }
0x213: {  	s8 =	simm.s32 $0xF;
	v23 =	vadd.s32 s7, v14;
	v31 =	vld.idx.msk [tilespmem:v17+s28+$0x0], $0xffff  }
0x214: {  	s7 =	simm.s32 $0xE;
	v25 =	vadd.s32 s8, v14;
	v16 =	vld.idx.msk [tilespmem:v18+s28+$0x0], $0xffff  }
0x215: {  	s8 =	simm.s32 $0xD;
	v27 =	vadd.s32 s7, v14;
	v15 =	vld.idx.msk [tilespmem:v19+s28+$0x0], $0xffff  }
0x216: {  	s7 =	simm.s32 $0xC;
	v34 =	vadd.s32 s8, v14;
	v18 =	vld.idx.msk [tilespmem:v21+s28+$0x0], $0xffff  }
0x217: {  	v24 =	vimm.f32 $0.0e+00;
	v26 =	vimm.f32 $0.0e+00;
	s8 =	simm.s32 $0xB;
	v30 =	vadd.s32 s7, v14;
	v17 =	vld.idx.msk [tilespmem:v22+s28+$0x0], $0xffff  }
0x218: {  	v28 =	vimm.f32 $0.0e+00;
	v29 =	vimm.f32 $0.0e+00;
	s7 =	simm.s32 $0xA;
	v35 =	vadd.s32 s8, v14;
	s8 =	simm.s32 $0x9;
	v22 =	vld.idx.msk [tilespmem:v23+s28+$0x0], $0xffff  }
0x219: {  	v19 =	vimm.f32 $0.0e+00;
	v37 =	vadd.s32 s7, v14;
	v36 =	vadd.s32 s8, v14;
	v23 =	vld.idx.msk [tilespmem:v25+s28+$0x0], $0xffff  }
0x21a: {  	s6 =	simm.s32 $0x17;
	s7 =	simm.s32 $0x8;
	v21 =	vimm.f32 $0.0e+00;
	v25 =	vimm.f32 $0.0e+00;
	v32 =	vld.idx.msk [tilespmem:v27+s28+$0x0], $0xffff;
	v27 =	vimm.f32 $0.0e+00  }
.LBB2_13:
0x21b: {  	p1 =	sne.s32 s6, $0xC7;
	v38 =	vadd.s32 s7, v14;
	v39 =	vld.idx.msk [tilespmem:v34+s28+$0x0], $0xffff;
	v19 =	vadd.f32 v33, v19;
	v24 =	vadd.f32 v20, v24  }
0x21c: {  	s7 =	sadd.s32 $0xFFFFFFFF, s6;
	v40 =	vadd.s32 s6, v14;
	v25 =	vadd.f32 v16, v25;
	v26 =	vadd.f32 v31, v26;
	v16 =	vld.idx.msk [tilespmem:v30+s28+$0x0], $0xffff  }
0x21d: {  	s8 =	sadd.s32 $0xFFFFFFFE, s6;
	v21 =	vadd.f32 v18, v21;
	v27 =	vadd.f32 v15, v27;
	v41 =	vadd.s32 s7, v14;
	v15 =	vld.idx.msk [tilespmem:v35+s28+$0x0], $0xffff  }
.Ltmp5:
0x21e: {  	s7 =	sadd.s32 $0xFFFFFFFD, s6;
	v34 =	vadd.s32 s8, v14;
	v29 =	vadd.f32 v17, v29;
	v28 =	vadd.f32 v22, v28;
	v18 =	vld.idx.msk [tilespmem:v37+s28+$0x0], $0xffff;
	(pc) =	sbr.rel @p1 .LBB2_13-.Ltmp5, $4  }
0x21f: {  	s8 =	sadd.s32 $0xFFFFFFFC, s6;
	v30 =	vadd.s32 s7, v14;
	v20 =	vmov v23;
	v17 =	vld.idx.msk [tilespmem:v36+s28+$0x0], $0xffff  }
0x220: {  	s7 =	sadd.s32 $0xFFFFFFFB, s6;
	v35 =	vadd.s32 s8, v14;
	v33 =	vmov v32;
	v22 =	vld.idx.msk [tilespmem:v38+s28+$0x0], $0xffff  }
0x221: {  	s8 =	sadd.s32 $0xFFFFFFFA, s6;
	v37 =	vadd.s32 s7, v14;
	v31 =	vmov v39;
	v23 =	vld.idx.msk [tilespmem:v40+s28+$0x0], $0xffff  }
0x222: {  	s7 =	sadd.s32 $0xFFFFFFF9, s6;
	s6 =	sadd.s32 $0x8, s6;
	v36 =	vadd.s32 s8, v14;
	v32 =	vld.idx.msk [tilespmem:v41+s28+$0x0], $0xffff  }
0x223: {  	_ =	sdelay $0x3  }
0x224: {  	v14 =	vadd.s32 s7, v14;
	v34 =	vld.idx.msk [tilespmem:v34+s28+$0x0], $0xffff  }
0x225: {  	v35 =	vld.idx.msk [tilespmem:v35+s28+$0x0], $0xffff  }
0x226: {  	v37 =	vld.idx.msk [tilespmem:v37+s28+$0x0], $0xffff  }
0x227: {  	v19 =	vadd.f32 v33, v19;
	v20 =	vadd.f32 v20, v24;
	v58 =	vld.idx.msk [tilespmem:v36+s28+$0x0], $0xffff  }
0x228: {  	v16 =	vadd.f32 v16, v25;
	v59 =	vadd.f32 v31, v26;
	v60 =	vld.idx.msk [tilespmem:v30+s28+$0x0], $0xffff  }
0x229: {  	v18 =	vadd.f32 v18, v21;
	v15 =	vadd.f32 v15, v27;
	v14 =	vld.idx.msk [tilespmem:v14+s28+$0x0], $0xffff  }
0x22a: {  	v17 =	vadd.f32 v17, v29;
	v61 =	vadd.f32 v22, v28  }
0x22b: {  	v20 =	vadd.f32 v23, v20;
	v19 =	vadd.f32 v32, v19  }
0x22c: {  	v18 =	vadd.f32 v37, v18;
	v15 =	vadd.f32 v35, v15  }
0x22d: {  	v17 =	vadd.f32 v58, v17;
	v16 =	vadd.f32 v60, v16  }
0x22e: {  	v62 =	vadd.f32 v34, v59;
	v14 =	vadd.f32 v14, v61  }
0x22f: {  	v63 =	vadd.f32 v20, v19;
	v15 =	vadd.f32 v15, v18  }
0x230: {  	v16 =	vadd.f32 v62, v16;
	v14 =	vadd.f32 v17, v14;
	_ =	sdelay $0x1  }
0x231: {  	v14 =	vadd.f32 v15, v14;
	v15 =	vadd.f32 v63, v16;
	_ =	sdelay $0x1  }
0x232: {  	v14 =	vadd.f32 v15, v14;
	_ =	sdelay $0x1  }
0x233: {  	v14 =	vsub.f32 $0.0e+00, v14;
	_ =	sdelay $0x1  }
0x234: {  	v14 =	vmul.f32 $1.442695020e+00, v14;
	_ =	sdelay $0x1  }
0x235: {  	(erf) = vpow2.f32 v14;
	_ =	sdelay $0x8  }
0x236: {  	v14 =	vpop (erf)  }
0x237: {  	v14 =	vadd.f32 $1.000000000e+00, v14;
	_ =	sdelay $0x1  }
0x238: {  	(erf) = vrcp.f32 v14;
	_ =	sdelay $0x3  }
0x239: {  	s4 =	sadd.s32 $0x1, s4  }
0x23a: {  	p1 =	sne.s32 s4, $0x4  }
.Ltmp6:
0x23b: {  	_ = 	snop;
	(pc) =	sbr.rel @p1 .LBB2_12-.Ltmp6, $3  }
0x23c: {  	_ =	sdelay $0x1  }
0x23d: {  	v14 =	vpop (erf)  }
0x23e: {  	[tilespmem:s5+$0x10800] =	vst v14  }
0x23f: {  	s4 =	simm.s32 $0x0  }
0x240: {  	v14 =	vmov s4  }
0x241: {  	v15 =	vshll.u32 v14, $0x8;
	v14 =	vshll.u32 v14, $0x7  }
0x242: {  	[hbm4b:s9+s4] =	stream.linear.scatter [tilespmem:s30], [sflag:$0x5], $0x40, $0x38;
	v15 =	vand.u32 $0x3800, v15;
	v14 =	vand.u32 $0x380, v14;
	[tilespmem:$0x1FCA8] =	vst v63  }
0x243: {  	_ =	swait.ge [sflag:s31], $0x40;
	v14 =	vor.u32 v14, v15  }
0x244: {  	[sflag:s31] =	ssyncset.done $0x0;
	v15 =	vor.u32 v0, v14  }
0x245: {  	[sflag:s31] =	ssyncadd.s32 $0xFFFFFFC0  }
0x246: {  	_ =	swait.ge [sflag:s21], $0x4000  }
0x247: {  	[sflag:s21] =	ssyncset.done $0x0  }
0x248: {  	[sflag:s21] =	ssyncadd.s32 $0xFFFFC000  }
0x249: {  	v15 =	vld.idx.msk [tilespmem:v15+s2+$0x0], $0xffff  }
0x24a: {  	v16 =	vor.u32 v1, v14;
	_ =	sdelay $0x2  }
0x24b: {  	s5 =	simm.s32 $0x7260  }
0x24c: {  	[tilespmem:s5+$0xFFFFFFA0] =	vst v15  }
0x24d: {  	v15 =	vld.idx.msk [tilespmem:v16+s2+$0x0], $0xffff  }
0x24e: {  	v16 =	vor.u32 v2, v14;
	_ =	sdelay $0x3  }
0x24f: {  	[tilespmem:s5+$0xFFFFFFB0] =	vst v15  }
0x250: {  	v15 =	vld.idx.msk [tilespmem:v16+s2+$0x0], $0xffff  }
0x251: {  	v16 =	vor.u32 v3, v14;
	_ =	sdelay $0x3  }
0x252: {  	[tilespmem:s5+$0xFFFFFFC0] =	vst v15  }
0x253: {  	v15 =	vld.idx.msk [tilespmem:v16+s2+$0x0], $0xffff  }
0x254: {  	v16 =	vor.u32 v4, v14;
	_ =	sdelay $0x3  }
0x255: {  	[tilespmem:s5+$0xFFFFFFD0] =	vst v15  }
0x256: {  	v15 =	vld.idx.msk [tilespmem:v16+s2+$0x0], $0xffff  }
0x257: {  	v16 =	vor.u32 v5, v14;
	_ =	sdelay $0x3  }
0x258: {  	[tilespmem:s5+$0xFFFFFFE0] =	vst v15  }
0x259: {  	v15 =	vld.idx.msk [tilespmem:v16+s2+$0x0], $0xffff  }
0x25a: {  	v16 =	vor.u32 v6, v14;
	_ =	sdelay $0x3  }
0x25b: {  	[tilespmem:s5+$0xFFFFFFF0] =	vst v15  }
0x25c: {  	v15 =	vld.idx.msk [tilespmem:v16+s2+$0x0], $0xffff  }
0x25d: {  	v16 =	vor.u32 v7, v14;
	_ =	sdelay $0x3  }
0x25e: {  	[tilespmem:s5+$0x0] =	vst v15  }
0x25f: {  	v15 =	vld.idx.msk [tilespmem:v16+s2+$0x0], $0xffff  }
0x260: {  	v16 =	vor.u32 v8, v14;
	_ =	sdelay $0x3  }
0x261: {  	[tilespmem:s5+$0x10] =	vst v15  }
0x262: {  	v15 =	vld.idx.msk [tilespmem:v16+s2+$0x0], $0xffff  }
0x263: {  	v16 =	vor.u32 v9, v14;
	_ =	sdelay $0x2  }
0x264: {  	s6 =	sand.u32 $0x3FF8, s4  }
0x265: {  	[tilespmem:s6+$0x7280] =	vst v15  }
0x266: {  	v15 =	vld.idx.msk [tilespmem:v16+s2+$0x0], $0xffff  }
0x267: {  	v16 =	vor.u32 v10, v14;
	_ =	sdelay $0x3  }
0x268: {  	[tilespmem:s5+$0x30] =	vst v15  }
0x269: {  	v15 =	vld.idx.msk [tilespmem:v16+s2+$0x0], $0xffff  }
0x26a: {  	v16 =	vor.u32 v11, v14;
	_ =	sdelay $0x3  }
0x26b: {  	[tilespmem:s5+$0x40] =	vst v15  }
0x26c: {  	v15 =	vld.idx.msk [tilespmem:v16+s2+$0x0], $0xffff  }
0x26d: {  	v14 =	vor.u32 v12, v14;
	_ =	sdelay $0x1  }
0x26e: {  	s8 =	simm.s32 $0x1  }
0x26f: {  	s6 =	simm.s32 $0x2;
	v16 =	vmov s8  }
.LBB2_16:
0x270: {  	p1 =	sne.s32 s6, $0x3F;
	v17 =	vshll.u32 v16, $0x8;
	v16 =	vshll.u32 v16, $0x7;
	[tilespmem:s5+$0x50] =	vst v15  }
0x271: {  	v15 =	vand.u32 $0x3800, v17;
	v16 =	vand.u32 $0x380, v16;
	v14 =	vld.idx.msk [tilespmem:v14+s2+$0x0], $0xffff  }
0x272: {  	v16 =	vor.u32 v16, v15  }
0x273: {  	v15 =	vor.u32 v0, v16;
	_ =	sdelay $0x3  }
0x274: {  	[tilespmem:s5+$0x58] =	vst v14  }
0x275: {  	v14 =	vld.idx.msk [tilespmem:v15+s2+$0x0], $0xffff;
	_ =	sdelay $0x1  }
0x276: {  	v15 =	vor.u32 v1, v16;
	_ =	sdelay $0x2  }
0x277: {  	s5 =	sadd.s32 $0xC8, s5  }
0x278: {  	[tilespmem:s5+$0xFFFFFFA0] =	vst v14  }
0x279: {  	v14 =	vld.idx.msk [tilespmem:v15+s2+$0x0], $0xffff;
	_ =	sdelay $0x1  }
0x27a: {  	v15 =	vor.u32 v2, v16;
	_ =	sdelay $0x3  }
0x27b: {  	[tilespmem:s5+$0xFFFFFFB0] =	vst v14  }
0x27c: {  	v14 =	vld.idx.msk [tilespmem:v15+s2+$0x0], $0xffff;
	_ =	sdelay $0x1  }
0x27d: {  	v15 =	vor.u32 v3, v16;
	_ =	sdelay $0x3  }
0x27e: {  	[tilespmem:s5+$0xFFFFFFC0] =	vst v14  }
0x27f: {  	v14 =	vld.idx.msk [tilespmem:v15+s2+$0x0], $0xffff;
	_ =	sdelay $0x1  }
0x280: {  	v15 =	vor.u32 v4, v16;
	_ =	sdelay $0x3  }
0x281: {  	[tilespmem:s5+$0xFFFFFFD0] =	vst v14  }
0x282: {  	v14 =	vld.idx.msk [tilespmem:v15+s2+$0x0], $0xffff;
	_ =	sdelay $0x1  }
0x283: {  	v15 =	vor.u32 v5, v16;
	_ =	sdelay $0x3  }
0x284: {  	[tilespmem:s5+$0xFFFFFFE0] =	vst v14  }
0x285: {  	v14 =	vld.idx.msk [tilespmem:v15+s2+$0x0], $0xffff;
	_ =	sdelay $0x1  }
0x286: {  	v15 =	vor.u32 v6, v16;
	_ =	sdelay $0x3  }
0x287: {  	[tilespmem:s5+$0xFFFFFFF0] =	vst v14  }
0x288: {  	v14 =	vld.idx.msk [tilespmem:v15+s2+$0x0], $0xffff;
	_ =	sdelay $0x1  }
0x289: {  	v15 =	vor.u32 v7, v16;
	_ =	sdelay $0x3  }
0x28a: {  	[tilespmem:s5+$0x0] =	vst v14  }
0x28b: {  	v14 =	vld.idx.msk [tilespmem:v15+s2+$0x0], $0xffff;
	_ =	sdelay $0x1  }
0x28c: {  	v15 =	vor.u32 v8, v16;
	_ =	sdelay $0x3  }
0x28d: {  	[tilespmem:s5+$0x10] =	vst v14  }
0x28e: {  	v14 =	vld.idx.msk [tilespmem:v15+s2+$0x0], $0xffff;
	_ =	sdelay $0x1  }
0x28f: {  	v15 =	vor.u32 v9, v16;
	_ =	sdelay $0x1  }
0x290: {  	s4 =	sadd.s32 $0xC8, s4  }
0x291: {  	s7 =	sand.u32 $0x3FF8, s4  }
0x292: {  	[tilespmem:s7+$0x7280] =	vst v14  }
0x293: {  	v14 =	vld.idx.msk [tilespmem:v15+s2+$0x0], $0xffff;
	_ =	sdelay $0x1  }
0x294: {  	v15 =	vor.u32 v10, v16;
	_ =	sdelay $0x3  }
0x295: {  	[tilespmem:s5+$0x30] =	vst v14  }
0x296: {  	v14 =	vld.idx.msk [tilespmem:v15+s2+$0x0], $0xffff;
	_ =	sdelay $0x1  }
0x297: {  	v15 =	vor.u32 v11, v16;
	_ =	sdelay $0x3  }
0x298: {  	[tilespmem:s5+$0x40] =	vst v14  }
0x299: {  	v15 =	vld.idx.msk [tilespmem:v15+s2+$0x0], $0xffff  }
.Ltmp7:
0x29a: {  	(pc) =	sbr.rel @p1 .LBB2_16-.Ltmp7, $2  }
0x29b: {  	v14 =	vor.u32 v12, v16;
	_ =	sdelay $0x2  }
0x29c: {  	v16 =	vmov s6;
	s6 =	sadd.s32 $0x1, s6  }
0x29d: {  	_ =	sdelay $0x1  }
0x29e: {  	v17 =	vshll.u32 v16, $0x8;
	v52 =	vshll.u32 v16, $0x7  }
0x29f: {  	[tilespmem:s5+$0x50] =	vst v15;
	v15 =	vand.u32 $0x3800, v17;
	v16 =	vand.u32 $0x380, v52  }
0x2a0: {  	v14 =	vld.idx.msk [tilespmem:v14+s2+$0x0], $0xffff;
	v15 =	vor.u32 v16, v15  }
0x2a1: {  	v16 =	vor.u32 v0, v15;
	_ =	sdelay $0x3  }
0x2a2: {  	[tilespmem:s5+$0x58] =	vst v14  }
0x2a3: {  	v14 =	vld.idx.msk [tilespmem:v16+s2+$0x0], $0xffff  }
0x2a4: {  	v53 =	vor.u32 v1, v15;
	_ =	sdelay $0x2  }
0x2a5: {  	s8 =	sadd.s32 $0xC8, s5  }
0x2a6: {  	[tilespmem:s8+$0xFFFFFFA0] =	vst v14  }
0x2a7: {  	v14 =	vld.idx.msk [tilespmem:v53+s2+$0x0], $0xffff  }
0x2a8: {  	v54 =	vor.u32 v2, v15;
	_ =	sdelay $0x3  }
0x2a9: {  	[tilespmem:s8+$0xFFFFFFB0] =	vst v14  }
0x2aa: {  	v14 =	vld.idx.msk [tilespmem:v54+s2+$0x0], $0xffff  }
0x2ab: {  	v55 =	vor.u32 v3, v15;
	_ =	sdelay $0x3  }
0x2ac: {  	[tilespmem:s8+$0xFFFFFFC0] =	vst v14  }
0x2ad: {  	v14 =	vld.idx.msk [tilespmem:v55+s2+$0x0], $0xffff  }
0x2ae: {  	v56 =	vor.u32 v4, v15;
	_ =	sdelay $0x3  }
0x2af: {  	[tilespmem:s8+$0xFFFFFFD0] =	vst v14  }
0x2b0: {  	v14 =	vld.idx.msk [tilespmem:v56+s2+$0x0], $0xffff  }
0x2b1: {  	v57 =	vor.u32 v5, v15;
	_ =	sdelay $0x3  }
0x2b2: {  	[tilespmem:s8+$0xFFFFFFE0] =	vst v14  }
0x2b3: {  	v14 =	vld.idx.msk [tilespmem:v57+s2+$0x0], $0xffff  }
0x2b4: {  	v58 =	vor.u32 v6, v15;
	_ =	sdelay $0x3  }
0x2b5: {  	[tilespmem:s8+$0xFFFFFFF0] =	vst v14  }
0x2b6: {  	v14 =	vld.idx.msk [tilespmem:v58+s2+$0x0], $0xffff  }
0x2b7: {  	v59 =	vor.u32 v7, v15;
	_ =	sdelay $0x3  }
0x2b8: {  	[tilespmem:s8+$0x0] =	vst v14  }
0x2b9: {  	v14 =	vld.idx.msk [tilespmem:v59+s2+$0x0], $0xffff  }
0x2ba: {  	v60 =	vor.u32 v8, v15;
	_ =	sdelay $0x3  }
0x2bb: {  	[tilespmem:s8+$0x10] =	vst v14  }
0x2bc: {  	v14 =	vld.idx.msk [tilespmem:v60+s2+$0x0], $0xffff  }
0x2bd: {  	v61 =	vor.u32 v9, v15;
	_ =	sdelay $0x1  }
0x2be: {  	s4 =	sadd.s32 $0xC8, s4  }
0x2bf: {  	s4 =	sand.u32 $0x3FF8, s4  }
0x2c0: {  	[tilespmem:s4+$0x7280] =	vst v14  }
0x2c1: {  	v14 =	vld.idx.msk [tilespmem:v61+s2+$0x0], $0xffff  }
0x2c2: {  	v62 =	vor.u32 v10, v15;
	_ =	sdelay $0x3  }
0x2c3: {  	[tilespmem:s8+$0x30] =	vst v14  }
0x2c4: {  	v14 =	vld.idx.msk [tilespmem:v62+s2+$0x0], $0xffff  }
0x2c5: {  	v63 =	vor.u32 v11, v15;
	_ =	sdelay $0x3  }
0x2c6: {  	[tilespmem:s8+$0x40] =	vst v14  }
0x2c7: {  	v14 =	vld.idx.msk [tilespmem:v63+s2+$0x0], $0xffff  }
0x2c8: {  	v15 =	vor.u32 v12, v15;
	_ =	sdelay $0x3  }
0x2c9: {  	[tilespmem:s8+$0x50] =	vst v14  }
0x2ca: {  	v14 =	vld.idx.msk [tilespmem:v15+s2+$0x0], $0xffff;
	_ =	sdelay $0x4  }
0x2cb: {  	[tilespmem:s8+$0x58] =	vst v14  }
0x2cc: {  	[tilespmem:s28], [sflag:$0x4] =	stream.indirect.gather [spmem:s1], $0x1, s26, s22, $0xb8;
	[tilespmem:$0x1FCA8] =	vst v63  }
0x2cd: {  	s4 =	simm.s32 $0x0  }
0x2ce: {  	[tilespmem:s4], [sflag:$0x2] =	stream.linear.gather [hbm4b:s10+s4], $0x4000, $0x38;
	[tilespmem:$0x1FCA8] =	vst v63  }
0x2cf: {  	_ =	swait.ge [sflag:s29], $0x3200  }
0x2d0: {  	[sflag:s29] =	ssyncset.done $0x0  }
0x2d1: {  	[sflag:s29] =	ssyncadd.s32 $0xFFFFCE00  }
.LBB2_18:
0x2d2: {  	s5 =	sshll.u32 s4, $0x4  }
0x2d3: {  	v14 =	vmov s5  }
0x2d4: {  	v14 =	vmul.u32 $0xC8, v14;
	_ =	sdelay $0x1  }
0x2d5: {  	v14 =	vbroadcast v14, $0x0;
	_ =	sdelay $0x1  }
0x2d6: {  	s6 =	simm.s32 $0x7;
	v14 =	vadd.s32 v13, v14  }
0x2d7: {  	s7 =	simm.s32 $0x6;
	v15 =	vadd.s32 s6, v14  }
0x2d8: {  	s8 =	simm.s32 $0x5;
	v16 =	vadd.s32 s7, v14  }
0x2d9: {  	s7 =	simm.s32 $0x4;
	v17 =	vadd.s32 s8, v14  }
0x2da: {  	s8 =	simm.s32 $0x3;
	v18 =	vadd.s32 s7, v14  }
0x2db: {  	s7 =	simm.s32 $0x2;
	v19 =	vadd.s32 s8, v14  }
0x2dc: {  	s8 =	simm.s32 $0x1;
	v21 =	vadd.s32 s7, v14;
	v20 =	vld.idx.msk [tilespmem:v15+s24+$0x0], $0xffff  }
0x2dd: {  	s7 =	simm.s32 $0x0;
	v22 =	vadd.s32 s8, v14;
	v33 =	vld.idx.msk [tilespmem:v16+s24+$0x0], $0xffff  }
0x2de: {  	s8 =	simm.s32 $0xF;
	v23 =	vadd.s32 s7, v14;
	v31 =	vld.idx.msk [tilespmem:v17+s24+$0x0], $0xffff  }
0x2df: {  	s7 =	simm.s32 $0xE;
	v25 =	vadd.s32 s8, v14;
	v16 =	vld.idx.msk [tilespmem:v18+s24+$0x0], $0xffff  }
0x2e0: {  	s8 =	simm.s32 $0xD;
	v27 =	vadd.s32 s7, v14;
	v15 =	vld.idx.msk [tilespmem:v19+s24+$0x0], $0xffff  }
0x2e1: {  	s7 =	simm.s32 $0xC;
	v34 =	vadd.s32 s8, v14;
	v18 =	vld.idx.msk [tilespmem:v21+s24+$0x0], $0xffff  }
0x2e2: {  	v24 =	vimm.f32 $0.0e+00;
	v26 =	vimm.f32 $0.0e+00;
	s8 =	simm.s32 $0xB;
	v30 =	vadd.s32 s7, v14;
	v17 =	vld.idx.msk [tilespmem:v22+s24+$0x0], $0xffff  }
0x2e3: {  	v28 =	vimm.f32 $0.0e+00;
	v29 =	vimm.f32 $0.0e+00;
	s7 =	simm.s32 $0xA;
	v35 =	vadd.s32 s8, v14;
	s8 =	simm.s32 $0x9;
	v22 =	vld.idx.msk [tilespmem:v23+s24+$0x0], $0xffff  }
0x2e4: {  	v19 =	vimm.f32 $0.0e+00;
	v37 =	vadd.s32 s7, v14;
	v36 =	vadd.s32 s8, v14;
	v23 =	vld.idx.msk [tilespmem:v25+s24+$0x0], $0xffff  }
0x2e5: {  	s6 =	simm.s32 $0x17;
	s7 =	simm.s32 $0x8;
	v21 =	vimm.f32 $0.0e+00;
	v25 =	vimm.f32 $0.0e+00;
	v32 =	vld.idx.msk [tilespmem:v27+s24+$0x0], $0xffff;
	v27 =	vimm.f32 $0.0e+00  }
.LBB2_19:
0x2e6: {  	p1 =	sne.s32 s6, $0xC7;
	v38 =	vadd.s32 s7, v14;
	v39 =	vld.idx.msk [tilespmem:v34+s24+$0x0], $0xffff;
	v19 =	vadd.f32 v33, v19;
	v24 =	vadd.f32 v20, v24  }
0x2e7: {  	s7 =	sadd.s32 $0xFFFFFFFF, s6;
	v40 =	vadd.s32 s6, v14;
	v25 =	vadd.f32 v16, v25;
	v26 =	vadd.f32 v31, v26;
	v16 =	vld.idx.msk [tilespmem:v30+s24+$0x0], $0xffff  }
0x2e8: {  	s8 =	sadd.s32 $0xFFFFFFFE, s6;
	v21 =	vadd.f32 v18, v21;
	v27 =	vadd.f32 v15, v27;
	v41 =	vadd.s32 s7, v14;
	v15 =	vld.idx.msk [tilespmem:v35+s24+$0x0], $0xffff  }
.Ltmp8:
0x2e9: {  	s7 =	sadd.s32 $0xFFFFFFFD, s6;
	v34 =	vadd.s32 s8, v14;
	v29 =	vadd.f32 v17, v29;
	v28 =	vadd.f32 v22, v28;
	v18 =	vld.idx.msk [tilespmem:v37+s24+$0x0], $0xffff;
	(pc) =	sbr.rel @p1 .LBB2_19-.Ltmp8, $4  }
0x2ea: {  	s8 =	sadd.s32 $0xFFFFFFFC, s6;
	v30 =	vadd.s32 s7, v14;
	v20 =	vmov v23;
	v17 =	vld.idx.msk [tilespmem:v36+s24+$0x0], $0xffff  }
0x2eb: {  	s7 =	sadd.s32 $0xFFFFFFFB, s6;
	v35 =	vadd.s32 s8, v14;
	v33 =	vmov v32;
	v22 =	vld.idx.msk [tilespmem:v38+s24+$0x0], $0xffff  }
0x2ec: {  	s8 =	sadd.s32 $0xFFFFFFFA, s6;
	v37 =	vadd.s32 s7, v14;
	v31 =	vmov v39;
	v23 =	vld.idx.msk [tilespmem:v40+s24+$0x0], $0xffff  }
0x2ed: {  	s7 =	sadd.s32 $0xFFFFFFF9, s6;
	s6 =	sadd.s32 $0x8, s6;
	v36 =	vadd.s32 s8, v14;
	v32 =	vld.idx.msk [tilespmem:v41+s24+$0x0], $0xffff  }
0x2ee: {  	_ =	sdelay $0x3  }
0x2ef: {  	v14 =	vadd.s32 s7, v14;
	v34 =	vld.idx.msk [tilespmem:v34+s24+$0x0], $0xffff  }
0x2f0: {  	v35 =	vld.idx.msk [tilespmem:v35+s24+$0x0], $0xffff  }
0x2f1: {  	v37 =	vld.idx.msk [tilespmem:v37+s24+$0x0], $0xffff  }
0x2f2: {  	v19 =	vadd.f32 v33, v19;
	v20 =	vadd.f32 v20, v24;
	v58 =	vld.idx.msk [tilespmem:v36+s24+$0x0], $0xffff  }
0x2f3: {  	v16 =	vadd.f32 v16, v25;
	v59 =	vadd.f32 v31, v26;
	v60 =	vld.idx.msk [tilespmem:v30+s24+$0x0], $0xffff  }
0x2f4: {  	v18 =	vadd.f32 v18, v21;
	v15 =	vadd.f32 v15, v27;
	v14 =	vld.idx.msk [tilespmem:v14+s24+$0x0], $0xffff  }
0x2f5: {  	v17 =	vadd.f32 v17, v29;
	v61 =	vadd.f32 v22, v28  }
0x2f6: {  	v20 =	vadd.f32 v23, v20;
	v19 =	vadd.f32 v32, v19  }
0x2f7: {  	v18 =	vadd.f32 v37, v18;
	v15 =	vadd.f32 v35, v15  }
0x2f8: {  	v17 =	vadd.f32 v58, v17;
	v16 =	vadd.f32 v60, v16  }
0x2f9: {  	v62 =	vadd.f32 v34, v59;
	v14 =	vadd.f32 v14, v61  }
0x2fa: {  	v63 =	vadd.f32 v20, v19;
	v15 =	vadd.f32 v15, v18  }
0x2fb: {  	v16 =	vadd.f32 v62, v16;
	v14 =	vadd.f32 v17, v14;
	_ =	sdelay $0x1  }
0x2fc: {  	v14 =	vadd.f32 v15, v14;
	v15 =	vadd.f32 v63, v16;
	_ =	sdelay $0x1  }
0x2fd: {  	v14 =	vadd.f32 v15, v14;
	_ =	sdelay $0x1  }
0x2fe: {  	v14 =	vsub.f32 $0.0e+00, v14;
	_ =	sdelay $0x1  }
0x2ff: {  	v14 =	vmul.f32 $1.442695020e+00, v14;
	_ =	sdelay $0x1  }
0x300: {  	(erf) = vpow2.f32 v14;
	_ =	sdelay $0x8  }
0x301: {  	v14 =	vpop (erf)  }
0x302: {  	v14 =	vadd.f32 $1.000000000e+00, v14;
	_ =	sdelay $0x1  }
0x303: {  	(erf) = vrcp.f32 v14;
	_ =	sdelay $0x3  }
0x304: {  	s4 =	sadd.s32 $0x1, s4  }
0x305: {  	p1 =	sne.s32 s4, $0x4  }
.Ltmp9:
0x306: {  	_ = 	snop;
	(pc) =	sbr.rel @p1 .LBB2_18-.Ltmp9, $3  }
0x307: {  	_ =	sdelay $0x1  }
0x308: {  	v14 =	vpop (erf)  }
0x309: {  	[tilespmem:s5+$0x10800] =	vst v14  }
0x30a: {  	s4 =	simm.s32 $0x0  }
0x30b: {  	v14 =	vmov s4  }
0x30c: {  	v15 =	vshll.u32 v14, $0x8;
	v14 =	vshll.u32 v14, $0x7  }
0x30d: {  	[hbm4b:s11+s4] =	stream.linear.scatter [tilespmem:s30], [sflag:$0x5], $0x40, $0x38;
	v15 =	vand.u32 $0x3800, v15;
	v14 =	vand.u32 $0x380, v14;
	[tilespmem:$0x1FCA8] =	vst v63  }
0x30e: {  	_ =	swait.ge [sflag:s31], $0x40;
	v14 =	vor.u32 v14, v15  }
0x30f: {  	[sflag:s31] =	ssyncset.done $0x0;
	v15 =	vor.u32 v0, v14  }
0x310: {  	[sflag:s31] =	ssyncadd.s32 $0xFFFFFFC0  }
0x311: {  	_ =	swait.ge [sflag:s25], $0x4000  }
0x312: {  	[sflag:s25] =	ssyncset.done $0x0  }
0x313: {  	[sflag:s25] =	ssyncadd.s32 $0xFFFFC000  }
0x314: {  	v15 =	vld.idx.msk [tilespmem:v15+s2+$0x0], $0xffff  }
0x315: {  	v16 =	vor.u32 v1, v14;
	_ =	sdelay $0x2  }
0x316: {  	s5 =	simm.s32 $0x4060  }
0x317: {  	[tilespmem:s5+$0xFFFFFFA0] =	vst v15  }
0x318: {  	v15 =	vld.idx.msk [tilespmem:v16+s2+$0x0], $0xffff  }
0x319: {  	v16 =	vor.u32 v2, v14;
	_ =	sdelay $0x3  }
0x31a: {  	[tilespmem:s5+$0xFFFFFFB0] =	vst v15  }
0x31b: {  	v15 =	vld.idx.msk [tilespmem:v16+s2+$0x0], $0xffff  }
0x31c: {  	v16 =	vor.u32 v3, v14;
	_ =	sdelay $0x3  }
0x31d: {  	[tilespmem:s5+$0xFFFFFFC0] =	vst v15  }
0x31e: {  	v15 =	vld.idx.msk [tilespmem:v16+s2+$0x0], $0xffff  }
0x31f: {  	v16 =	vor.u32 v4, v14;
	_ =	sdelay $0x3  }
0x320: {  	[tilespmem:s5+$0xFFFFFFD0] =	vst v15  }
0x321: {  	v15 =	vld.idx.msk [tilespmem:v16+s2+$0x0], $0xffff  }
0x322: {  	v16 =	vor.u32 v5, v14;
	_ =	sdelay $0x3  }
0x323: {  	[tilespmem:s5+$0xFFFFFFE0] =	vst v15  }
0x324: {  	v15 =	vld.idx.msk [tilespmem:v16+s2+$0x0], $0xffff  }
0x325: {  	v16 =	vor.u32 v6, v14;
	_ =	sdelay $0x3  }
0x326: {  	[tilespmem:s5+$0xFFFFFFF0] =	vst v15  }
0x327: {  	v15 =	vld.idx.msk [tilespmem:v16+s2+$0x0], $0xffff  }
0x328: {  	v16 =	vor.u32 v7, v14;
	_ =	sdelay $0x3  }
0x329: {  	[tilespmem:s5+$0x0] =	vst v15  }
0x32a: {  	v15 =	vld.idx.msk [tilespmem:v16+s2+$0x0], $0xffff  }
0x32b: {  	v16 =	vor.u32 v8, v14;
	_ =	sdelay $0x3  }
0x32c: {  	[tilespmem:s5+$0x10] =	vst v15  }
0x32d: {  	v15 =	vld.idx.msk [tilespmem:v16+s2+$0x0], $0xffff  }
0x32e: {  	v16 =	vor.u32 v9, v14;
	_ =	sdelay $0x2  }
0x32f: {  	s6 =	sand.u32 $0x3FF8, s4  }
0x330: {  	[tilespmem:s6+$0x4080] =	vst v15  }
0x331: {  	v15 =	vld.idx.msk [tilespmem:v16+s2+$0x0], $0xffff  }
0x332: {  	v16 =	vor.u32 v10, v14;
	_ =	sdelay $0x3  }
0x333: {  	[tilespmem:s5+$0x30] =	vst v15  }
0x334: {  	v15 =	vld.idx.msk [tilespmem:v16+s2+$0x0], $0xffff  }
0x335: {  	v16 =	vor.u32 v11, v14;
	_ =	sdelay $0x3  }
0x336: {  	[tilespmem:s5+$0x40] =	vst v15  }
0x337: {  	v15 =	vld.idx.msk [tilespmem:v16+s2+$0x0], $0xffff  }
0x338: {  	v14 =	vor.u32 v12, v14;
	_ =	sdelay $0x1  }
0x339: {  	s8 =	simm.s32 $0x1  }
0x33a: {  	s6 =	simm.s32 $0x2;
	v16 =	vmov s8  }
.LBB2_22:
0x33b: {  	p1 =	sne.s32 s6, $0x3F;
	v17 =	vshll.u32 v16, $0x8;
	v16 =	vshll.u32 v16, $0x7;
	[tilespmem:s5+$0x50] =	vst v15  }
0x33c: {  	v15 =	vand.u32 $0x3800, v17;
	v16 =	vand.u32 $0x380, v16;
	v14 =	vld.idx.msk [tilespmem:v14+s2+$0x0], $0xffff  }
0x33d: {  	v16 =	vor.u32 v16, v15  }
0x33e: {  	v15 =	vor.u32 v0, v16;
	_ =	sdelay $0x3  }
0x33f: {  	[tilespmem:s5+$0x58] =	vst v14  }
0x340: {  	v14 =	vld.idx.msk [tilespmem:v15+s2+$0x0], $0xffff;
	_ =	sdelay $0x1  }
0x341: {  	v15 =	vor.u32 v1, v16;
	_ =	sdelay $0x2  }
0x342: {  	s5 =	sadd.s32 $0xC8, s5  }
0x343: {  	[tilespmem:s5+$0xFFFFFFA0] =	vst v14  }
0x344: {  	v14 =	vld.idx.msk [tilespmem:v15+s2+$0x0], $0xffff;
	_ =	sdelay $0x1  }
0x345: {  	v15 =	vor.u32 v2, v16;
	_ =	sdelay $0x3  }
0x346: {  	[tilespmem:s5+$0xFFFFFFB0] =	vst v14  }
0x347: {  	v14 =	vld.idx.msk [tilespmem:v15+s2+$0x0], $0xffff;
	_ =	sdelay $0x1  }
0x348: {  	v15 =	vor.u32 v3, v16;
	_ =	sdelay $0x3  }
0x349: {  	[tilespmem:s5+$0xFFFFFFC0] =	vst v14  }
0x34a: {  	v14 =	vld.idx.msk [tilespmem:v15+s2+$0x0], $0xffff;
	_ =	sdelay $0x1  }
0x34b: {  	v15 =	vor.u32 v4, v16;
	_ =	sdelay $0x3  }
0x34c: {  	[tilespmem:s5+$0xFFFFFFD0] =	vst v14  }
0x34d: {  	v14 =	vld.idx.msk [tilespmem:v15+s2+$0x0], $0xffff;
	_ =	sdelay $0x1  }
0x34e: {  	v15 =	vor.u32 v5, v16;
	_ =	sdelay $0x3  }
0x34f: {  	[tilespmem:s5+$0xFFFFFFE0] =	vst v14  }
0x350: {  	v14 =	vld.idx.msk [tilespmem:v15+s2+$0x0], $0xffff;
	_ =	sdelay $0x1  }
0x351: {  	v15 =	vor.u32 v6, v16;
	_ =	sdelay $0x3  }
0x352: {  	[tilespmem:s5+$0xFFFFFFF0] =	vst v14  }
0x353: {  	v14 =	vld.idx.msk [tilespmem:v15+s2+$0x0], $0xffff;
	_ =	sdelay $0x1  }
0x354: {  	v15 =	vor.u32 v7, v16;
	_ =	sdelay $0x3  }
0x355: {  	[tilespmem:s5+$0x0] =	vst v14  }
0x356: {  	v14 =	vld.idx.msk [tilespmem:v15+s2+$0x0], $0xffff;
	_ =	sdelay $0x1  }
0x357: {  	v15 =	vor.u32 v8, v16;
	_ =	sdelay $0x3  }
0x358: {  	[tilespmem:s5+$0x10] =	vst v14  }
0x359: {  	v14 =	vld.idx.msk [tilespmem:v15+s2+$0x0], $0xffff;
	_ =	sdelay $0x1  }
0x35a: {  	v15 =	vor.u32 v9, v16;
	_ =	sdelay $0x1  }
0x35b: {  	s4 =	sadd.s32 $0xC8, s4  }
0x35c: {  	s7 =	sand.u32 $0x3FF8, s4  }
0x35d: {  	[tilespmem:s7+$0x4080] =	vst v14  }
0x35e: {  	v14 =	vld.idx.msk [tilespmem:v15+s2+$0x0], $0xffff;
	_ =	sdelay $0x1  }
0x35f: {  	v15 =	vor.u32 v10, v16;
	_ =	sdelay $0x3  }
0x360: {  	[tilespmem:s5+$0x30] =	vst v14  }
0x361: {  	v14 =	vld.idx.msk [tilespmem:v15+s2+$0x0], $0xffff;
	_ =	sdelay $0x1  }
0x362: {  	v15 =	vor.u32 v11, v16;
	_ =	sdelay $0x3  }
0x363: {  	[tilespmem:s5+$0x40] =	vst v14  }
0x364: {  	v15 =	vld.idx.msk [tilespmem:v15+s2+$0x0], $0xffff  }
.Ltmp10:
0x365: {  	(pc) =	sbr.rel @p1 .LBB2_22-.Ltmp10, $2  }
0x366: {  	v14 =	vor.u32 v12, v16;
	_ =	sdelay $0x2  }
0x367: {  	v16 =	vmov s6;
	s6 =	sadd.s32 $0x1, s6  }
0x368: {  	_ =	sdelay $0x1  }
0x369: {  	v17 =	vshll.u32 v16, $0x8;
	v52 =	vshll.u32 v16, $0x7  }
0x36a: {  	[tilespmem:s5+$0x50] =	vst v15;
	v15 =	vand.u32 $0x3800, v17;
	v16 =	vand.u32 $0x380, v52  }
0x36b: {  	v14 =	vld.idx.msk [tilespmem:v14+s2+$0x0], $0xffff;
	v15 =	vor.u32 v16, v15  }
0x36c: {  	v16 =	vor.u32 v0, v15;
	_ =	sdelay $0x3  }
0x36d: {  	[tilespmem:s5+$0x58] =	vst v14  }
0x36e: {  	v14 =	vld.idx.msk [tilespmem:v16+s2+$0x0], $0xffff  }
0x36f: {  	v53 =	vor.u32 v1, v15;
	_ =	sdelay $0x2  }
0x370: {  	s8 =	sadd.s32 $0xC8, s5  }
0x371: {  	[tilespmem:s8+$0xFFFFFFA0] =	vst v14  }
0x372: {  	v14 =	vld.idx.msk [tilespmem:v53+s2+$0x0], $0xffff  }
0x373: {  	v54 =	vor.u32 v2, v15;
	_ =	sdelay $0x3  }
0x374: {  	[tilespmem:s8+$0xFFFFFFB0] =	vst v14  }
0x375: {  	v14 =	vld.idx.msk [tilespmem:v54+s2+$0x0], $0xffff  }
0x376: {  	v55 =	vor.u32 v3, v15;
	_ =	sdelay $0x3  }
0x377: {  	[tilespmem:s8+$0xFFFFFFC0] =	vst v14  }
0x378: {  	v14 =	vld.idx.msk [tilespmem:v55+s2+$0x0], $0xffff  }
0x379: {  	v56 =	vor.u32 v4, v15;
	_ =	sdelay $0x3  }
0x37a: {  	[tilespmem:s8+$0xFFFFFFD0] =	vst v14  }
0x37b: {  	v14 =	vld.idx.msk [tilespmem:v56+s2+$0x0], $0xffff  }
0x37c: {  	v57 =	vor.u32 v5, v15;
	_ =	sdelay $0x3  }
0x37d: {  	[tilespmem:s8+$0xFFFFFFE0] =	vst v14  }
0x37e: {  	v14 =	vld.idx.msk [tilespmem:v57+s2+$0x0], $0xffff  }
0x37f: {  	v58 =	vor.u32 v6, v15;
	_ =	sdelay $0x3  }
0x380: {  	[tilespmem:s8+$0xFFFFFFF0] =	vst v14  }
0x381: {  	v14 =	vld.idx.msk [tilespmem:v58+s2+$0x0], $0xffff  }
0x382: {  	v59 =	vor.u32 v7, v15;
	_ =	sdelay $0x3  }
0x383: {  	[tilespmem:s8+$0x0] =	vst v14  }
0x384: {  	v14 =	vld.idx.msk [tilespmem:v59+s2+$0x0], $0xffff  }
0x385: {  	v60 =	vor.u32 v8, v15;
	_ =	sdelay $0x3  }
0x386: {  	[tilespmem:s8+$0x10] =	vst v14  }
0x387: {  	v14 =	vld.idx.msk [tilespmem:v60+s2+$0x0], $0xffff  }
0x388: {  	v61 =	vor.u32 v9, v15;
	_ =	sdelay $0x1  }
0x389: {  	s4 =	sadd.s32 $0xC8, s4  }
0x38a: {  	s4 =	sand.u32 $0x3FF8, s4  }
0x38b: {  	[tilespmem:s4+$0x4080] =	vst v14  }
0x38c: {  	v14 =	vld.idx.msk [tilespmem:v61+s2+$0x0], $0xffff  }
0x38d: {  	v62 =	vor.u32 v10, v15;
	_ =	sdelay $0x3  }
0x38e: {  	[tilespmem:s8+$0x30] =	vst v14  }
0x38f: {  	v14 =	vld.idx.msk [tilespmem:v62+s2+$0x0], $0xffff  }
0x390: {  	v63 =	vor.u32 v11, v15;
	_ =	sdelay $0x3  }
0x391: {  	[tilespmem:s8+$0x40] =	vst v14  }
0x392: {  	v14 =	vld.idx.msk [tilespmem:v63+s2+$0x0], $0xffff  }
0x393: {  	v15 =	vor.u32 v12, v15;
	_ =	sdelay $0x3  }
0x394: {  	[tilespmem:s8+$0x50] =	vst v14  }
0x395: {  	v14 =	vld.idx.msk [tilespmem:v15+s2+$0x0], $0xffff;
	_ =	sdelay $0x4  }
0x396: {  	[tilespmem:s8+$0x58] =	vst v14  }
0x397: {  	[tilespmem:s24], [sflag:$0x3] =	stream.indirect.gather [spmem:s1], $0x1, s23, s22, $0xb8;
	[tilespmem:$0x1FCA8] =	vst v63  }
0x398: {  	s4 =	simm.s32 $0x0  }
0x399: {  	[tilespmem:s4], [sflag:$0x1] =	stream.linear.gather [hbm4b:s12+s4], $0x4000, $0x38;
	[tilespmem:$0x1FCA8] =	vst v63  }
0x39a: {  	_ =	swait.ge [sflag:s0], $0x3200  }
0x39b: {  	[sflag:s0] =	ssyncset.done $0x0  }
0x39c: {  	[sflag:s0] =	ssyncadd.s32 $0xFFFFCE00  }
.LBB2_24:
0x39d: {  	s5 =	sshll.u32 s4, $0x4  }
0x39e: {  	v14 =	vmov s5  }
0x39f: {  	v14 =	vmul.u32 $0xC8, v14;
	_ =	sdelay $0x1  }
0x3a0: {  	v14 =	vbroadcast v14, $0x0;
	_ =	sdelay $0x1  }
0x3a1: {  	s6 =	simm.s32 $0x7;
	v14 =	vadd.s32 v13, v14  }
0x3a2: {  	s7 =	simm.s32 $0x6;
	v15 =	vadd.s32 s6, v14  }
0x3a3: {  	s8 =	simm.s32 $0x5;
	v16 =	vadd.s32 s7, v14  }
0x3a4: {  	s7 =	simm.s32 $0x4;
	v17 =	vadd.s32 s8, v14  }
0x3a5: {  	s8 =	simm.s32 $0x3;
	v18 =	vadd.s32 s7, v14  }
0x3a6: {  	s7 =	simm.s32 $0x2;
	v19 =	vadd.s32 s8, v14  }
0x3a7: {  	s8 =	simm.s32 $0x1;
	v21 =	vadd.s32 s7, v14;
	v20 =	vld.idx.msk [tilespmem:v15+s28+$0x0], $0xffff  }
0x3a8: {  	s7 =	simm.s32 $0x0;
	v22 =	vadd.s32 s8, v14;
	v33 =	vld.idx.msk [tilespmem:v16+s28+$0x0], $0xffff  }
0x3a9: {  	s8 =	simm.s32 $0xF;
	v23 =	vadd.s32 s7, v14;
	v31 =	vld.idx.msk [tilespmem:v17+s28+$0x0], $0xffff  }
0x3aa: {  	s7 =	simm.s32 $0xE;
	v25 =	vadd.s32 s8, v14;
	v16 =	vld.idx.msk [tilespmem:v18+s28+$0x0], $0xffff  }
0x3ab: {  	s8 =	simm.s32 $0xD;
	v27 =	vadd.s32 s7, v14;
	v15 =	vld.idx.msk [tilespmem:v19+s28+$0x0], $0xffff  }
0x3ac: {  	s7 =	simm.s32 $0xC;
	v34 =	vadd.s32 s8, v14;
	v18 =	vld.idx.msk [tilespmem:v21+s28+$0x0], $0xffff  }
0x3ad: {  	v24 =	vimm.f32 $0.0e+00;
	v26 =	vimm.f32 $0.0e+00;
	s8 =	simm.s32 $0xB;
	v30 =	vadd.s32 s7, v14;
	v17 =	vld.idx.msk [tilespmem:v22+s28+$0x0], $0xffff  }
0x3ae: {  	v28 =	vimm.f32 $0.0e+00;
	v29 =	vimm.f32 $0.0e+00;
	s7 =	simm.s32 $0xA;
	v35 =	vadd.s32 s8, v14;
	s8 =	simm.s32 $0x9;
	v22 =	vld.idx.msk [tilespmem:v23+s28+$0x0], $0xffff  }
0x3af: {  	v19 =	vimm.f32 $0.0e+00;
	v37 =	vadd.s32 s7, v14;
	v36 =	vadd.s32 s8, v14;
	v23 =	vld.idx.msk [tilespmem:v25+s28+$0x0], $0xffff  }
0x3b0: {  	s6 =	simm.s32 $0x17;
	s7 =	simm.s32 $0x8;
	v21 =	vimm.f32 $0.0e+00;
	v25 =	vimm.f32 $0.0e+00;
	v32 =	vld.idx.msk [tilespmem:v27+s28+$0x0], $0xffff;
	v27 =	vimm.f32 $0.0e+00  }
.LBB2_25:
0x3b1: {  	p1 =	sne.s32 s6, $0xC7;
	v38 =	vadd.s32 s7, v14;
	v39 =	vld.idx.msk [tilespmem:v34+s28+$0x0], $0xffff;
	v19 =	vadd.f32 v33, v19;
	v24 =	vadd.f32 v20, v24  }
0x3b2: {  	s7 =	sadd.s32 $0xFFFFFFFF, s6;
	v40 =	vadd.s32 s6, v14;
	v25 =	vadd.f32 v16, v25;
	v26 =	vadd.f32 v31, v26;
	v16 =	vld.idx.msk [tilespmem:v30+s28+$0x0], $0xffff  }
0x3b3: {  	s8 =	sadd.s32 $0xFFFFFFFE, s6;
	v21 =	vadd.f32 v18, v21;
	v27 =	vadd.f32 v15, v27;
	v41 =	vadd.s32 s7, v14;
	v15 =	vld.idx.msk [tilespmem:v35+s28+$0x0], $0xffff  }
.Ltmp11:
0x3b4: {  	s7 =	sadd.s32 $0xFFFFFFFD, s6;
	v34 =	vadd.s32 s8, v14;
	v29 =	vadd.f32 v17, v29;
	v28 =	vadd.f32 v22, v28;
	v18 =	vld.idx.msk [tilespmem:v37+s28+$0x0], $0xffff;
	(pc) =	sbr.rel @p1 .LBB2_25-.Ltmp11, $4  }
0x3b5: {  	s8 =	sadd.s32 $0xFFFFFFFC, s6;
	v30 =	vadd.s32 s7, v14;
	v20 =	vmov v23;
	v17 =	vld.idx.msk [tilespmem:v36+s28+$0x0], $0xffff  }
0x3b6: {  	s7 =	sadd.s32 $0xFFFFFFFB, s6;
	v35 =	vadd.s32 s8, v14;
	v33 =	vmov v32;
	v22 =	vld.idx.msk [tilespmem:v38+s28+$0x0], $0xffff  }
0x3b7: {  	s8 =	sadd.s32 $0xFFFFFFFA, s6;
	v37 =	vadd.s32 s7, v14;
	v31 =	vmov v39;
	v23 =	vld.idx.msk [tilespmem:v40+s28+$0x0], $0xffff  }
0x3b8: {  	s7 =	sadd.s32 $0xFFFFFFF9, s6;
	s6 =	sadd.s32 $0x8, s6;
	v36 =	vadd.s32 s8, v14;
	v32 =	vld.idx.msk [tilespmem:v41+s28+$0x0], $0xffff  }
0x3b9: {  	_ =	sdelay $0x3  }
0x3ba: {  	v14 =	vadd.s32 s7, v14;
	v34 =	vld.idx.msk [tilespmem:v34+s28+$0x0], $0xffff  }
0x3bb: {  	v35 =	vld.idx.msk [tilespmem:v35+s28+$0x0], $0xffff  }
0x3bc: {  	v37 =	vld.idx.msk [tilespmem:v37+s28+$0x0], $0xffff  }
0x3bd: {  	v19 =	vadd.f32 v33, v19;
	v20 =	vadd.f32 v20, v24;
	v58 =	vld.idx.msk [tilespmem:v36+s28+$0x0], $0xffff  }
0x3be: {  	v16 =	vadd.f32 v16, v25;
	v59 =	vadd.f32 v31, v26;
	v60 =	vld.idx.msk [tilespmem:v30+s28+$0x0], $0xffff  }
0x3bf: {  	v18 =	vadd.f32 v18, v21;
	v15 =	vadd.f32 v15, v27;
	v14 =	vld.idx.msk [tilespmem:v14+s28+$0x0], $0xffff  }
0x3c0: {  	v17 =	vadd.f32 v17, v29;
	v61 =	vadd.f32 v22, v28  }
0x3c1: {  	v20 =	vadd.f32 v23, v20;
	v19 =	vadd.f32 v32, v19  }
0x3c2: {  	v18 =	vadd.f32 v37, v18;
	v15 =	vadd.f32 v35, v15  }
0x3c3: {  	v17 =	vadd.f32 v58, v17;
	v16 =	vadd.f32 v60, v16  }
0x3c4: {  	v62 =	vadd.f32 v34, v59;
	v14 =	vadd.f32 v14, v61  }
0x3c5: {  	v63 =	vadd.f32 v20, v19;
	v15 =	vadd.f32 v15, v18  }
0x3c6: {  	v16 =	vadd.f32 v62, v16;
	v14 =	vadd.f32 v17, v14;
	_ =	sdelay $0x1  }
0x3c7: {  	v14 =	vadd.f32 v15, v14;
	v15 =	vadd.f32 v63, v16;
	_ =	sdelay $0x1  }
0x3c8: {  	v14 =	vadd.f32 v15, v14;
	_ =	sdelay $0x1  }
0x3c9: {  	v14 =	vsub.f32 $0.0e+00, v14;
	_ =	sdelay $0x1  }
0x3ca: {  	v14 =	vmul.f32 $1.442695020e+00, v14;
	_ =	sdelay $0x1  }
0x3cb: {  	(erf) = vpow2.f32 v14;
	_ =	sdelay $0x8  }
0x3cc: {  	v14 =	vpop (erf)  }
0x3cd: {  	v14 =	vadd.f32 $1.000000000e+00, v14;
	_ =	sdelay $0x1  }
0x3ce: {  	(erf) = vrcp.f32 v14;
	_ =	sdelay $0x3  }
0x3cf: {  	s4 =	sadd.s32 $0x1, s4  }
0x3d0: {  	p1 =	sne.s32 s4, $0x4  }
.Ltmp12:
0x3d1: {  	_ = 	snop;
	(pc) =	sbr.rel @p1 .LBB2_24-.Ltmp12, $3  }
0x3d2: {  	_ =	sdelay $0x1  }
0x3d3: {  	v14 =	vpop (erf)  }
0x3d4: {  	[tilespmem:s5+$0x10800] =	vst v14  }
0x3d5: {  	s4 =	simm.s32 $0x0  }
0x3d6: {  	v14 =	vmov s4  }
0x3d7: {  	v15 =	vshll.u32 v14, $0x8;
	v14 =	vshll.u32 v14, $0x7  }
0x3d8: {  	[hbm4b:s13+s4] =	stream.linear.scatter [tilespmem:s30], [sflag:$0x5], $0x40, $0x38;
	v15 =	vand.u32 $0x3800, v15;
	v14 =	vand.u32 $0x380, v14;
	[tilespmem:$0x1FCA8] =	vst v63  }
0x3d9: {  	_ =	swait.ge [sflag:s31], $0x40;
	v14 =	vor.u32 v14, v15  }
0x3da: {  	[sflag:s31] =	ssyncset.done $0x0;
	v15 =	vor.u32 v0, v14  }
0x3db: {  	[sflag:s31] =	ssyncadd.s32 $0xFFFFFFC0  }
0x3dc: {  	_ =	swait.ge [sflag:s21], $0x4000  }
0x3dd: {  	[sflag:s21] =	ssyncset.done $0x0  }
0x3de: {  	[sflag:s21] =	ssyncadd.s32 $0xFFFFC000  }
0x3df: {  	v15 =	vld.idx.msk [tilespmem:v15+s2+$0x0], $0xffff  }
0x3e0: {  	v16 =	vor.u32 v1, v14;
	_ =	sdelay $0x2  }
0x3e1: {  	s5 =	simm.s32 $0x7260  }
0x3e2: {  	[tilespmem:s5+$0xFFFFFFA0] =	vst v15  }
0x3e3: {  	v15 =	vld.idx.msk [tilespmem:v16+s2+$0x0], $0xffff  }
0x3e4: {  	v16 =	vor.u32 v2, v14;
	_ =	sdelay $0x3  }
0x3e5: {  	[tilespmem:s5+$0xFFFFFFB0] =	vst v15  }
0x3e6: {  	v15 =	vld.idx.msk [tilespmem:v16+s2+$0x0], $0xffff  }
0x3e7: {  	v16 =	vor.u32 v3, v14;
	_ =	sdelay $0x3  }
0x3e8: {  	[tilespmem:s5+$0xFFFFFFC0] =	vst v15  }
0x3e9: {  	v15 =	vld.idx.msk [tilespmem:v16+s2+$0x0], $0xffff  }
0x3ea: {  	v16 =	vor.u32 v4, v14;
	_ =	sdelay $0x3  }
0x3eb: {  	[tilespmem:s5+$0xFFFFFFD0] =	vst v15  }
0x3ec: {  	v15 =	vld.idx.msk [tilespmem:v16+s2+$0x0], $0xffff  }
0x3ed: {  	v16 =	vor.u32 v5, v14;
	_ =	sdelay $0x3  }
0x3ee: {  	[tilespmem:s5+$0xFFFFFFE0] =	vst v15  }
0x3ef: {  	v15 =	vld.idx.msk [tilespmem:v16+s2+$0x0], $0xffff  }
0x3f0: {  	v16 =	vor.u32 v6, v14;
	_ =	sdelay $0x3  }
0x3f1: {  	[tilespmem:s5+$0xFFFFFFF0] =	vst v15  }
0x3f2: {  	v15 =	vld.idx.msk [tilespmem:v16+s2+$0x0], $0xffff  }
0x3f3: {  	v16 =	vor.u32 v7, v14;
	_ =	sdelay $0x3  }
0x3f4: {  	[tilespmem:s5+$0x0] =	vst v15  }
0x3f5: {  	v15 =	vld.idx.msk [tilespmem:v16+s2+$0x0], $0xffff  }
0x3f6: {  	v16 =	vor.u32 v8, v14;
	_ =	sdelay $0x3  }
0x3f7: {  	[tilespmem:s5+$0x10] =	vst v15  }
0x3f8: {  	v15 =	vld.idx.msk [tilespmem:v16+s2+$0x0], $0xffff  }
0x3f9: {  	v16 =	vor.u32 v9, v14;
	_ =	sdelay $0x2  }
0x3fa: {  	s6 =	sand.u32 $0x3FF8, s4  }
0x3fb: {  	[tilespmem:s6+$0x7280] =	vst v15  }
0x3fc: {  	v15 =	vld.idx.msk [tilespmem:v16+s2+$0x0], $0xffff  }
0x3fd: {  	v16 =	vor.u32 v10, v14;
	_ =	sdelay $0x3  }
0x3fe: {  	[tilespmem:s5+$0x30] =	vst v15  }
0x3ff: {  	v15 =	vld.idx.msk [tilespmem:v16+s2+$0x0], $0xffff  }
0x400: {  	v16 =	vor.u32 v11, v14;
	_ =	sdelay $0x3  }
0x401: {  	[tilespmem:s5+$0x40] =	vst v15  }
0x402: {  	v15 =	vld.idx.msk [tilespmem:v16+s2+$0x0], $0xffff  }
0x403: {  	v14 =	vor.u32 v12, v14;
	_ =	sdelay $0x1  }
0x404: {  	s8 =	simm.s32 $0x1  }
0x405: {  	s6 =	simm.s32 $0x2;
	v16 =	vmov s8  }
.LBB2_28:
0x406: {  	p1 =	sne.s32 s6, $0x3F;
	v17 =	vshll.u32 v16, $0x8;
	v16 =	vshll.u32 v16, $0x7;
	[tilespmem:s5+$0x50] =	vst v15  }
0x407: {  	v15 =	vand.u32 $0x3800, v17;
	v16 =	vand.u32 $0x380, v16;
	v14 =	vld.idx.msk [tilespmem:v14+s2+$0x0], $0xffff  }
0x408: {  	v16 =	vor.u32 v16, v15  }
0x409: {  	v15 =	vor.u32 v0, v16;
	_ =	sdelay $0x3  }
0x40a: {  	[tilespmem:s5+$0x58] =	vst v14  }
0x40b: {  	v14 =	vld.idx.msk [tilespmem:v15+s2+$0x0], $0xffff;
	_ =	sdelay $0x1  }
0x40c: {  	v15 =	vor.u32 v1, v16;
	_ =	sdelay $0x2  }
0x40d: {  	s5 =	sadd.s32 $0xC8, s5  }
0x40e: {  	[tilespmem:s5+$0xFFFFFFA0] =	vst v14  }
0x40f: {  	v14 =	vld.idx.msk [tilespmem:v15+s2+$0x0], $0xffff;
	_ =	sdelay $0x1  }
0x410: {  	v15 =	vor.u32 v2, v16;
	_ =	sdelay $0x3  }
0x411: {  	[tilespmem:s5+$0xFFFFFFB0] =	vst v14  }
0x412: {  	v14 =	vld.idx.msk [tilespmem:v15+s2+$0x0], $0xffff;
	_ =	sdelay $0x1  }
0x413: {  	v15 =	vor.u32 v3, v16;
	_ =	sdelay $0x3  }
0x414: {  	[tilespmem:s5+$0xFFFFFFC0] =	vst v14  }
0x415: {  	v14 =	vld.idx.msk [tilespmem:v15+s2+$0x0], $0xffff;
	_ =	sdelay $0x1  }
0x416: {  	v15 =	vor.u32 v4, v16;
	_ =	sdelay $0x3  }
0x417: {  	[tilespmem:s5+$0xFFFFFFD0] =	vst v14  }
0x418: {  	v14 =	vld.idx.msk [tilespmem:v15+s2+$0x0], $0xffff;
	_ =	sdelay $0x1  }
0x419: {  	v15 =	vor.u32 v5, v16;
	_ =	sdelay $0x3  }
0x41a: {  	[tilespmem:s5+$0xFFFFFFE0] =	vst v14  }
0x41b: {  	v14 =	vld.idx.msk [tilespmem:v15+s2+$0x0], $0xffff;
	_ =	sdelay $0x1  }
0x41c: {  	v15 =	vor.u32 v6, v16;
	_ =	sdelay $0x3  }
0x41d: {  	[tilespmem:s5+$0xFFFFFFF0] =	vst v14  }
0x41e: {  	v14 =	vld.idx.msk [tilespmem:v15+s2+$0x0], $0xffff;
	_ =	sdelay $0x1  }
0x41f: {  	v15 =	vor.u32 v7, v16;
	_ =	sdelay $0x3  }
0x420: {  	[tilespmem:s5+$0x0] =	vst v14  }
0x421: {  	v14 =	vld.idx.msk [tilespmem:v15+s2+$0x0], $0xffff;
	_ =	sdelay $0x1  }
0x422: {  	v15 =	vor.u32 v8, v16;
	_ =	sdelay $0x3  }
0x423: {  	[tilespmem:s5+$0x10] =	vst v14  }
0x424: {  	v14 =	vld.idx.msk [tilespmem:v15+s2+$0x0], $0xffff;
	_ =	sdelay $0x1  }
0x425: {  	v15 =	vor.u32 v9, v16;
	_ =	sdelay $0x1  }
0x426: {  	s4 =	sadd.s32 $0xC8, s4  }
0x427: {  	s7 =	sand.u32 $0x3FF8, s4  }
0x428: {  	[tilespmem:s7+$0x7280] =	vst v14  }
0x429: {  	v14 =	vld.idx.msk [tilespmem:v15+s2+$0x0], $0xffff;
	_ =	sdelay $0x1  }
0x42a: {  	v15 =	vor.u32 v10, v16;
	_ =	sdelay $0x3  }
0x42b: {  	[tilespmem:s5+$0x30] =	vst v14  }
0x42c: {  	v14 =	vld.idx.msk [tilespmem:v15+s2+$0x0], $0xffff;
	_ =	sdelay $0x1  }
0x42d: {  	v15 =	vor.u32 v11, v16;
	_ =	sdelay $0x3  }
0x42e: {  	[tilespmem:s5+$0x40] =	vst v14  }
0x42f: {  	v15 =	vld.idx.msk [tilespmem:v15+s2+$0x0], $0xffff  }
.Ltmp13:
0x430: {  	(pc) =	sbr.rel @p1 .LBB2_28-.Ltmp13, $2  }
0x431: {  	v14 =	vor.u32 v12, v16;
	_ =	sdelay $0x2  }
0x432: {  	v16 =	vmov s6;
	s6 =	sadd.s32 $0x1, s6  }
0x433: {  	_ =	sdelay $0x1  }
0x434: {  	v17 =	vshll.u32 v16, $0x8;
	v52 =	vshll.u32 v16, $0x7  }
0x435: {  	[tilespmem:s5+$0x50] =	vst v15;
	v15 =	vand.u32 $0x3800, v17;
	v16 =	vand.u32 $0x380, v52  }
0x436: {  	v14 =	vld.idx.msk [tilespmem:v14+s2+$0x0], $0xffff;
	v15 =	vor.u32 v16, v15  }
0x437: {  	v16 =	vor.u32 v0, v15;
	_ =	sdelay $0x3  }
0x438: {  	[tilespmem:s5+$0x58] =	vst v14  }
0x439: {  	v14 =	vld.idx.msk [tilespmem:v16+s2+$0x0], $0xffff  }
0x43a: {  	v53 =	vor.u32 v1, v15;
	_ =	sdelay $0x2  }
0x43b: {  	s8 =	sadd.s32 $0xC8, s5  }
0x43c: {  	[tilespmem:s8+$0xFFFFFFA0] =	vst v14  }
0x43d: {  	v14 =	vld.idx.msk [tilespmem:v53+s2+$0x0], $0xffff  }
0x43e: {  	v54 =	vor.u32 v2, v15;
	_ =	sdelay $0x3  }
0x43f: {  	[tilespmem:s8+$0xFFFFFFB0] =	vst v14  }
0x440: {  	v14 =	vld.idx.msk [tilespmem:v54+s2+$0x0], $0xffff  }
0x441: {  	v55 =	vor.u32 v3, v15;
	_ =	sdelay $0x3  }
0x442: {  	[tilespmem:s8+$0xFFFFFFC0] =	vst v14  }
0x443: {  	v14 =	vld.idx.msk [tilespmem:v55+s2+$0x0], $0xffff  }
0x444: {  	v56 =	vor.u32 v4, v15;
	_ =	sdelay $0x3  }
0x445: {  	[tilespmem:s8+$0xFFFFFFD0] =	vst v14  }
0x446: {  	v14 =	vld.idx.msk [tilespmem:v56+s2+$0x0], $0xffff  }
0x447: {  	v57 =	vor.u32 v5, v15;
	_ =	sdelay $0x3  }
0x448: {  	[tilespmem:s8+$0xFFFFFFE0] =	vst v14  }
0x449: {  	v14 =	vld.idx.msk [tilespmem:v57+s2+$0x0], $0xffff  }
0x44a: {  	v58 =	vor.u32 v6, v15;
	_ =	sdelay $0x3  }
0x44b: {  	[tilespmem:s8+$0xFFFFFFF0] =	vst v14  }
0x44c: {  	v14 =	vld.idx.msk [tilespmem:v58+s2+$0x0], $0xffff  }
0x44d: {  	v59 =	vor.u32 v7, v15;
	_ =	sdelay $0x3  }
0x44e: {  	[tilespmem:s8+$0x0] =	vst v14  }
0x44f: {  	v14 =	vld.idx.msk [tilespmem:v59+s2+$0x0], $0xffff  }
0x450: {  	v60 =	vor.u32 v8, v15;
	_ =	sdelay $0x3  }
0x451: {  	[tilespmem:s8+$0x10] =	vst v14  }
0x452: {  	v14 =	vld.idx.msk [tilespmem:v60+s2+$0x0], $0xffff  }
0x453: {  	v61 =	vor.u32 v9, v15;
	_ =	sdelay $0x1  }
0x454: {  	s4 =	sadd.s32 $0xC8, s4  }
0x455: {  	s4 =	sand.u32 $0x3FF8, s4  }
0x456: {  	[tilespmem:s4+$0x7280] =	vst v14  }
0x457: {  	v14 =	vld.idx.msk [tilespmem:v61+s2+$0x0], $0xffff  }
0x458: {  	v62 =	vor.u32 v10, v15;
	_ =	sdelay $0x3  }
0x459: {  	[tilespmem:s8+$0x30] =	vst v14  }
0x45a: {  	v14 =	vld.idx.msk [tilespmem:v62+s2+$0x0], $0xffff  }
0x45b: {  	v63 =	vor.u32 v11, v15;
	_ =	sdelay $0x3  }
0x45c: {  	[tilespmem:s8+$0x40] =	vst v14  }
0x45d: {  	v14 =	vld.idx.msk [tilespmem:v63+s2+$0x0], $0xffff  }
0x45e: {  	v15 =	vor.u32 v12, v15;
	_ =	sdelay $0x3  }
0x45f: {  	[tilespmem:s8+$0x50] =	vst v14  }
0x460: {  	v14 =	vld.idx.msk [tilespmem:v15+s2+$0x0], $0xffff;
	_ =	sdelay $0x4  }
0x461: {  	[tilespmem:s8+$0x58] =	vst v14  }
0x462: {  	[tilespmem:s28], [sflag:$0x4] =	stream.indirect.gather [spmem:s1], $0x1, s26, s22, $0xb8;
	[tilespmem:$0x1FCA8] =	vst v63  }
0x463: {  	s4 =	simm.s32 $0x0  }
0x464: {  	[tilespmem:s4], [sflag:$0x2] =	stream.linear.gather [hbm4b:s14+s4], $0x4000, $0x38;
	[tilespmem:$0x1FCA8] =	vst v63  }
0x465: {  	_ =	swait.ge [sflag:s29], $0x3200  }
0x466: {  	[sflag:s29] =	ssyncset.done $0x0  }
0x467: {  	[sflag:s29] =	ssyncadd.s32 $0xFFFFCE00  }
.LBB2_30:
0x468: {  	s5 =	sshll.u32 s4, $0x4  }
0x469: {  	v14 =	vmov s5  }
0x46a: {  	v14 =	vmul.u32 $0xC8, v14;
	_ =	sdelay $0x1  }
0x46b: {  	v14 =	vbroadcast v14, $0x0;
	_ =	sdelay $0x1  }
0x46c: {  	s6 =	simm.s32 $0x7;
	v14 =	vadd.s32 v13, v14  }
0x46d: {  	s7 =	simm.s32 $0x6;
	v15 =	vadd.s32 s6, v14  }
0x46e: {  	s8 =	simm.s32 $0x5;
	v16 =	vadd.s32 s7, v14  }
0x46f: {  	s7 =	simm.s32 $0x4;
	v17 =	vadd.s32 s8, v14  }
0x470: {  	s8 =	simm.s32 $0x3;
	v18 =	vadd.s32 s7, v14  }
0x471: {  	s7 =	simm.s32 $0x2;
	v19 =	vadd.s32 s8, v14  }
0x472: {  	s8 =	simm.s32 $0x1;
	v21 =	vadd.s32 s7, v14;
	v20 =	vld.idx.msk [tilespmem:v15+s24+$0x0], $0xffff  }
0x473: {  	s7 =	simm.s32 $0x0;
	v22 =	vadd.s32 s8, v14;
	v33 =	vld.idx.msk [tilespmem:v16+s24+$0x0], $0xffff  }
0x474: {  	s8 =	simm.s32 $0xF;
	v23 =	vadd.s32 s7, v14;
	v31 =	vld.idx.msk [tilespmem:v17+s24+$0x0], $0xffff  }
0x475: {  	s7 =	simm.s32 $0xE;
	v25 =	vadd.s32 s8, v14;
	v16 =	vld.idx.msk [tilespmem:v18+s24+$0x0], $0xffff  }
0x476: {  	s8 =	simm.s32 $0xD;
	v27 =	vadd.s32 s7, v14;
	v15 =	vld.idx.msk [tilespmem:v19+s24+$0x0], $0xffff  }
0x477: {  	s7 =	simm.s32 $0xC;
	v34 =	vadd.s32 s8, v14;
	v18 =	vld.idx.msk [tilespmem:v21+s24+$0x0], $0xffff  }
0x478: {  	v24 =	vimm.f32 $0.0e+00;
	v26 =	vimm.f32 $0.0e+00;
	s8 =	simm.s32 $0xB;
	v30 =	vadd.s32 s7, v14;
	v17 =	vld.idx.msk [tilespmem:v22+s24+$0x0], $0xffff  }
0x479: {  	v28 =	vimm.f32 $0.0e+00;
	v29 =	vimm.f32 $0.0e+00;
	s7 =	simm.s32 $0xA;
	v35 =	vadd.s32 s8, v14;
	s8 =	simm.s32 $0x9;
	v22 =	vld.idx.msk [tilespmem:v23+s24+$0x0], $0xffff  }
0x47a: {  	v19 =	vimm.f32 $0.0e+00;
	v37 =	vadd.s32 s7, v14;
	v36 =	vadd.s32 s8, v14;
	v23 =	vld.idx.msk [tilespmem:v25+s24+$0x0], $0xffff  }
0x47b: {  	s6 =	simm.s32 $0x17;
	s7 =	simm.s32 $0x8;
	v21 =	vimm.f32 $0.0e+00;
	v25 =	vimm.f32 $0.0e+00;
	v32 =	vld.idx.msk [tilespmem:v27+s24+$0x0], $0xffff;
	v27 =	vimm.f32 $0.0e+00  }
.LBB2_31:
0x47c: {  	p1 =	sne.s32 s6, $0xC7;
	v38 =	vadd.s32 s7, v14;
	v39 =	vld.idx.msk [tilespmem:v34+s24+$0x0], $0xffff;
	v19 =	vadd.f32 v33, v19;
	v24 =	vadd.f32 v20, v24  }
0x47d: {  	s7 =	sadd.s32 $0xFFFFFFFF, s6;
	v40 =	vadd.s32 s6, v14;
	v25 =	vadd.f32 v16, v25;
	v26 =	vadd.f32 v31, v26;
	v16 =	vld.idx.msk [tilespmem:v30+s24+$0x0], $0xffff  }
0x47e: {  	s8 =	sadd.s32 $0xFFFFFFFE, s6;
	v21 =	vadd.f32 v18, v21;
	v27 =	vadd.f32 v15, v27;
	v41 =	vadd.s32 s7, v14;
	v15 =	vld.idx.msk [tilespmem:v35+s24+$0x0], $0xffff  }
.Ltmp14:
0x47f: {  	s7 =	sadd.s32 $0xFFFFFFFD, s6;
	v34 =	vadd.s32 s8, v14;
	v29 =	vadd.f32 v17, v29;
	v28 =	vadd.f32 v22, v28;
	v18 =	vld.idx.msk [tilespmem:v37+s24+$0x0], $0xffff;
	(pc) =	sbr.rel @p1 .LBB2_31-.Ltmp14, $4  }
0x480: {  	s8 =	sadd.s32 $0xFFFFFFFC, s6;
	v30 =	vadd.s32 s7, v14;
	v20 =	vmov v23;
	v17 =	vld.idx.msk [tilespmem:v36+s24+$0x0], $0xffff  }
0x481: {  	s7 =	sadd.s32 $0xFFFFFFFB, s6;
	v35 =	vadd.s32 s8, v14;
	v33 =	vmov v32;
	v22 =	vld.idx.msk [tilespmem:v38+s24+$0x0], $0xffff  }
0x482: {  	s8 =	sadd.s32 $0xFFFFFFFA, s6;
	v37 =	vadd.s32 s7, v14;
	v31 =	vmov v39;
	v23 =	vld.idx.msk [tilespmem:v40+s24+$0x0], $0xffff  }
0x483: {  	s7 =	sadd.s32 $0xFFFFFFF9, s6;
	s6 =	sadd.s32 $0x8, s6;
	v36 =	vadd.s32 s8, v14;
	v32 =	vld.idx.msk [tilespmem:v41+s24+$0x0], $0xffff  }
0x484: {  	_ =	sdelay $0x3  }
0x485: {  	v14 =	vadd.s32 s7, v14;
	v34 =	vld.idx.msk [tilespmem:v34+s24+$0x0], $0xffff  }
0x486: {  	v35 =	vld.idx.msk [tilespmem:v35+s24+$0x0], $0xffff  }
0x487: {  	v37 =	vld.idx.msk [tilespmem:v37+s24+$0x0], $0xffff  }
0x488: {  	v19 =	vadd.f32 v33, v19;
	v20 =	vadd.f32 v20, v24;
	v58 =	vld.idx.msk [tilespmem:v36+s24+$0x0], $0xffff  }
0x489: {  	v16 =	vadd.f32 v16, v25;
	v59 =	vadd.f32 v31, v26;
	v60 =	vld.idx.msk [tilespmem:v30+s24+$0x0], $0xffff  }
0x48a: {  	v18 =	vadd.f32 v18, v21;
	v15 =	vadd.f32 v15, v27;
	v14 =	vld.idx.msk [tilespmem:v14+s24+$0x0], $0xffff  }
0x48b: {  	v17 =	vadd.f32 v17, v29;
	v61 =	vadd.f32 v22, v28  }
0x48c: {  	v20 =	vadd.f32 v23, v20;
	v19 =	vadd.f32 v32, v19  }
0x48d: {  	v18 =	vadd.f32 v37, v18;
	v15 =	vadd.f32 v35, v15  }
0x48e: {  	v17 =	vadd.f32 v58, v17;
	v16 =	vadd.f32 v60, v16  }
0x48f: {  	v62 =	vadd.f32 v34, v59;
	v14 =	vadd.f32 v14, v61  }
0x490: {  	v63 =	vadd.f32 v20, v19;
	v15 =	vadd.f32 v15, v18  }
0x491: {  	v16 =	vadd.f32 v62, v16;
	v14 =	vadd.f32 v17, v14;
	_ =	sdelay $0x1  }
0x492: {  	v14 =	vadd.f32 v15, v14;
	v15 =	vadd.f32 v63, v16;
	_ =	sdelay $0x1  }
0x493: {  	v14 =	vadd.f32 v15, v14;
	_ =	sdelay $0x1  }
0x494: {  	v14 =	vsub.f32 $0.0e+00, v14;
	_ =	sdelay $0x1  }
0x495: {  	v14 =	vmul.f32 $1.442695020e+00, v14;
	_ =	sdelay $0x1  }
0x496: {  	(erf) = vpow2.f32 v14;
	_ =	sdelay $0x8  }
0x497: {  	v14 =	vpop (erf)  }
0x498: {  	v14 =	vadd.f32 $1.000000000e+00, v14;
	_ =	sdelay $0x1  }
0x499: {  	(erf) = vrcp.f32 v14;
	_ =	sdelay $0x3  }
0x49a: {  	s4 =	sadd.s32 $0x1, s4  }
0x49b: {  	p1 =	sne.s32 s4, $0x4  }
.Ltmp15:
0x49c: {  	_ = 	snop;
	(pc) =	sbr.rel @p1 .LBB2_30-.Ltmp15, $3  }
0x49d: {  	_ =	sdelay $0x1  }
0x49e: {  	v14 =	vpop (erf)  }
0x49f: {  	[tilespmem:s5+$0x10800] =	vst v14  }
0x4a0: {  	s4 =	simm.s32 $0x0  }
0x4a1: {  	v14 =	vmov s4  }
0x4a2: {  	v15 =	vshll.u32 v14, $0x8;
	v14 =	vshll.u32 v14, $0x7  }
0x4a3: {  	[hbm4b:s15+s4] =	stream.linear.scatter [tilespmem:s30], [sflag:$0x5], $0x40, $0x38;
	v15 =	vand.u32 $0x3800, v15;
	v14 =	vand.u32 $0x380, v14;
	[tilespmem:$0x1FCA8] =	vst v63  }
0x4a4: {  	_ =	swait.ge [sflag:s31], $0x40;
	v14 =	vor.u32 v14, v15  }
0x4a5: {  	[sflag:s31] =	ssyncset.done $0x0;
	v15 =	vor.u32 v0, v14  }
0x4a6: {  	[sflag:s31] =	ssyncadd.s32 $0xFFFFFFC0  }
0x4a7: {  	_ =	swait.ge [sflag:s25], $0x4000  }
0x4a8: {  	[sflag:s25] =	ssyncset.done $0x0  }
0x4a9: {  	[sflag:s25] =	ssyncadd.s32 $0xFFFFC000  }
0x4aa: {  	v15 =	vld.idx.msk [tilespmem:v15+s2+$0x0], $0xffff  }
0x4ab: {  	v16 =	vor.u32 v1, v14;
	_ =	sdelay $0x2  }
0x4ac: {  	s5 =	simm.s32 $0x4060  }
0x4ad: {  	[tilespmem:s5+$0xFFFFFFA0] =	vst v15  }
0x4ae: {  	v15 =	vld.idx.msk [tilespmem:v16+s2+$0x0], $0xffff  }
0x4af: {  	v16 =	vor.u32 v2, v14;
	_ =	sdelay $0x3  }
0x4b0: {  	[tilespmem:s5+$0xFFFFFFB0] =	vst v15  }
0x4b1: {  	v15 =	vld.idx.msk [tilespmem:v16+s2+$0x0], $0xffff  }
0x4b2: {  	v16 =	vor.u32 v3, v14;
	_ =	sdelay $0x3  }
0x4b3: {  	[tilespmem:s5+$0xFFFFFFC0] =	vst v15  }
0x4b4: {  	v15 =	vld.idx.msk [tilespmem:v16+s2+$0x0], $0xffff  }
0x4b5: {  	v16 =	vor.u32 v4, v14;
	_ =	sdelay $0x3  }
0x4b6: {  	[tilespmem:s5+$0xFFFFFFD0] =	vst v15  }
0x4b7: {  	v15 =	vld.idx.msk [tilespmem:v16+s2+$0x0], $0xffff  }
0x4b8: {  	v16 =	vor.u32 v5, v14;
	_ =	sdelay $0x3  }
0x4b9: {  	[tilespmem:s5+$0xFFFFFFE0] =	vst v15  }
0x4ba: {  	v15 =	vld.idx.msk [tilespmem:v16+s2+$0x0], $0xffff  }
0x4bb: {  	v16 =	vor.u32 v6, v14;
	_ =	sdelay $0x3  }
0x4bc: {  	[tilespmem:s5+$0xFFFFFFF0] =	vst v15  }
0x4bd: {  	v15 =	vld.idx.msk [tilespmem:v16+s2+$0x0], $0xffff  }
0x4be: {  	v16 =	vor.u32 v7, v14;
	_ =	sdelay $0x3  }
0x4bf: {  	[tilespmem:s5+$0x0] =	vst v15  }
0x4c0: {  	v15 =	vld.idx.msk [tilespmem:v16+s2+$0x0], $0xffff  }
0x4c1: {  	v16 =	vor.u32 v8, v14;
	_ =	sdelay $0x3  }
0x4c2: {  	[tilespmem:s5+$0x10] =	vst v15  }
0x4c3: {  	v15 =	vld.idx.msk [tilespmem:v16+s2+$0x0], $0xffff  }
0x4c4: {  	v16 =	vor.u32 v9, v14;
	_ =	sdelay $0x2  }
0x4c5: {  	s6 =	sand.u32 $0x3FF8, s4  }
0x4c6: {  	[tilespmem:s6+$0x4080] =	vst v15  }
0x4c7: {  	v15 =	vld.idx.msk [tilespmem:v16+s2+$0x0], $0xffff  }
0x4c8: {  	v16 =	vor.u32 v10, v14;
	_ =	sdelay $0x3  }
0x4c9: {  	[tilespmem:s5+$0x30] =	vst v15  }
0x4ca: {  	v15 =	vld.idx.msk [tilespmem:v16+s2+$0x0], $0xffff  }
0x4cb: {  	v16 =	vor.u32 v11, v14;
	_ =	sdelay $0x3  }
0x4cc: {  	[tilespmem:s5+$0x40] =	vst v15  }
0x4cd: {  	v15 =	vld.idx.msk [tilespmem:v16+s2+$0x0], $0xffff  }
0x4ce: {  	v14 =	vor.u32 v12, v14;
	_ =	sdelay $0x1  }
0x4cf: {  	s8 =	simm.s32 $0x1  }
0x4d0: {  	s6 =	simm.s32 $0x2;
	v16 =	vmov s8  }
.LBB2_34:
0x4d1: {  	p1 =	sne.s32 s6, $0x3F;
	v17 =	vshll.u32 v16, $0x8;
	v16 =	vshll.u32 v16, $0x7;
	[tilespmem:s5+$0x50] =	vst v15  }
0x4d2: {  	v15 =	vand.u32 $0x3800, v17;
	v16 =	vand.u32 $0x380, v16;
	v14 =	vld.idx.msk [tilespmem:v14+s2+$0x0], $0xffff  }
0x4d3: {  	v16 =	vor.u32 v16, v15  }
0x4d4: {  	v15 =	vor.u32 v0, v16;
	_ =	sdelay $0x3  }
0x4d5: {  	[tilespmem:s5+$0x58] =	vst v14  }
0x4d6: {  	v14 =	vld.idx.msk [tilespmem:v15+s2+$0x0], $0xffff;
	_ =	sdelay $0x1  }
0x4d7: {  	v15 =	vor.u32 v1, v16;
	_ =	sdelay $0x2  }
0x4d8: {  	s5 =	sadd.s32 $0xC8, s5  }
0x4d9: {  	[tilespmem:s5+$0xFFFFFFA0] =	vst v14  }
0x4da: {  	v14 =	vld.idx.msk [tilespmem:v15+s2+$0x0], $0xffff;
	_ =	sdelay $0x1  }
0x4db: {  	v15 =	vor.u32 v2, v16;
	_ =	sdelay $0x3  }
0x4dc: {  	[tilespmem:s5+$0xFFFFFFB0] =	vst v14  }
0x4dd: {  	v14 =	vld.idx.msk [tilespmem:v15+s2+$0x0], $0xffff;
	_ =	sdelay $0x1  }
0x4de: {  	v15 =	vor.u32 v3, v16;
	_ =	sdelay $0x3  }
0x4df: {  	[tilespmem:s5+$0xFFFFFFC0] =	vst v14  }
0x4e0: {  	v14 =	vld.idx.msk [tilespmem:v15+s2+$0x0], $0xffff;
	_ =	sdelay $0x1  }
0x4e1: {  	v15 =	vor.u32 v4, v16;
	_ =	sdelay $0x3  }
0x4e2: {  	[tilespmem:s5+$0xFFFFFFD0] =	vst v14  }
0x4e3: {  	v14 =	vld.idx.msk [tilespmem:v15+s2+$0x0], $0xffff;
	_ =	sdelay $0x1  }
0x4e4: {  	v15 =	vor.u32 v5, v16;
	_ =	sdelay $0x3  }
0x4e5: {  	[tilespmem:s5+$0xFFFFFFE0] =	vst v14  }
0x4e6: {  	v14 =	vld.idx.msk [tilespmem:v15+s2+$0x0], $0xffff;
	_ =	sdelay $0x1  }
0x4e7: {  	v15 =	vor.u32 v6, v16;
	_ =	sdelay $0x3  }
0x4e8: {  	[tilespmem:s5+$0xFFFFFFF0] =	vst v14  }
0x4e9: {  	v14 =	vld.idx.msk [tilespmem:v15+s2+$0x0], $0xffff;
	_ =	sdelay $0x1  }
0x4ea: {  	v15 =	vor.u32 v7, v16;
	_ =	sdelay $0x3  }
0x4eb: {  	[tilespmem:s5+$0x0] =	vst v14  }
0x4ec: {  	v14 =	vld.idx.msk [tilespmem:v15+s2+$0x0], $0xffff;
	_ =	sdelay $0x1  }
0x4ed: {  	v15 =	vor.u32 v8, v16;
	_ =	sdelay $0x3  }
0x4ee: {  	[tilespmem:s5+$0x10] =	vst v14  }
0x4ef: {  	v14 =	vld.idx.msk [tilespmem:v15+s2+$0x0], $0xffff;
	_ =	sdelay $0x1  }
0x4f0: {  	v15 =	vor.u32 v9, v16;
	_ =	sdelay $0x1  }
0x4f1: {  	s4 =	sadd.s32 $0xC8, s4  }
0x4f2: {  	s7 =	sand.u32 $0x3FF8, s4  }
0x4f3: {  	[tilespmem:s7+$0x4080] =	vst v14  }
0x4f4: {  	v14 =	vld.idx.msk [tilespmem:v15+s2+$0x0], $0xffff;
	_ =	sdelay $0x1  }
0x4f5: {  	v15 =	vor.u32 v10, v16;
	_ =	sdelay $0x3  }
0x4f6: {  	[tilespmem:s5+$0x30] =	vst v14  }
0x4f7: {  	v14 =	vld.idx.msk [tilespmem:v15+s2+$0x0], $0xffff;
	_ =	sdelay $0x1  }
0x4f8: {  	v15 =	vor.u32 v11, v16;
	_ =	sdelay $0x3  }
0x4f9: {  	[tilespmem:s5+$0x40] =	vst v14  }
0x4fa: {  	v15 =	vld.idx.msk [tilespmem:v15+s2+$0x0], $0xffff  }
.Ltmp16:
0x4fb: {  	(pc) =	sbr.rel @p1 .LBB2_34-.Ltmp16, $2  }
0x4fc: {  	v14 =	vor.u32 v12, v16;
	_ =	sdelay $0x2  }
0x4fd: {  	v16 =	vmov s6;
	s6 =	sadd.s32 $0x1, s6  }
0x4fe: {  	_ =	sdelay $0x1  }
0x4ff: {  	v17 =	vshll.u32 v16, $0x8;
	v52 =	vshll.u32 v16, $0x7  }
0x500: {  	[tilespmem:s5+$0x50] =	vst v15;
	v15 =	vand.u32 $0x3800, v17;
	v16 =	vand.u32 $0x380, v52  }
0x501: {  	v14 =	vld.idx.msk [tilespmem:v14+s2+$0x0], $0xffff;
	v15 =	vor.u32 v16, v15  }
0x502: {  	v16 =	vor.u32 v0, v15;
	_ =	sdelay $0x3  }
0x503: {  	[tilespmem:s5+$0x58] =	vst v14  }
0x504: {  	v14 =	vld.idx.msk [tilespmem:v16+s2+$0x0], $0xffff  }
0x505: {  	v53 =	vor.u32 v1, v15;
	_ =	sdelay $0x2  }
0x506: {  	s8 =	sadd.s32 $0xC8, s5  }
0x507: {  	[tilespmem:s8+$0xFFFFFFA0] =	vst v14  }
0x508: {  	v14 =	vld.idx.msk [tilespmem:v53+s2+$0x0], $0xffff  }
0x509: {  	v54 =	vor.u32 v2, v15;
	_ =	sdelay $0x3  }
0x50a: {  	[tilespmem:s8+$0xFFFFFFB0] =	vst v14  }
0x50b: {  	v14 =	vld.idx.msk [tilespmem:v54+s2+$0x0], $0xffff  }
0x50c: {  	v55 =	vor.u32 v3, v15;
	_ =	sdelay $0x3  }
0x50d: {  	[tilespmem:s8+$0xFFFFFFC0] =	vst v14  }
0x50e: {  	v14 =	vld.idx.msk [tilespmem:v55+s2+$0x0], $0xffff  }
0x50f: {  	v56 =	vor.u32 v4, v15;
	_ =	sdelay $0x3  }
0x510: {  	[tilespmem:s8+$0xFFFFFFD0] =	vst v14  }
0x511: {  	v14 =	vld.idx.msk [tilespmem:v56+s2+$0x0], $0xffff  }
0x512: {  	v57 =	vor.u32 v5, v15;
	_ =	sdelay $0x3  }
0x513: {  	[tilespmem:s8+$0xFFFFFFE0] =	vst v14  }
0x514: {  	v14 =	vld.idx.msk [tilespmem:v57+s2+$0x0], $0xffff  }
0x515: {  	v58 =	vor.u32 v6, v15;
	_ =	sdelay $0x3  }
0x516: {  	[tilespmem:s8+$0xFFFFFFF0] =	vst v14  }
0x517: {  	v14 =	vld.idx.msk [tilespmem:v58+s2+$0x0], $0xffff  }
0x518: {  	v59 =	vor.u32 v7, v15;
	_ =	sdelay $0x3  }
0x519: {  	[tilespmem:s8+$0x0] =	vst v14  }
0x51a: {  	v14 =	vld.idx.msk [tilespmem:v59+s2+$0x0], $0xffff  }
0x51b: {  	v60 =	vor.u32 v8, v15;
	_ =	sdelay $0x3  }
0x51c: {  	[tilespmem:s8+$0x10] =	vst v14  }
0x51d: {  	v14 =	vld.idx.msk [tilespmem:v60+s2+$0x0], $0xffff  }
0x51e: {  	v61 =	vor.u32 v9, v15;
	_ =	sdelay $0x1  }
0x51f: {  	s4 =	sadd.s32 $0xC8, s4  }
0x520: {  	s4 =	sand.u32 $0x3FF8, s4  }
0x521: {  	[tilespmem:s4+$0x4080] =	vst v14  }
0x522: {  	v14 =	vld.idx.msk [tilespmem:v61+s2+$0x0], $0xffff  }
0x523: {  	v62 =	vor.u32 v10, v15;
	_ =	sdelay $0x3  }
0x524: {  	[tilespmem:s8+$0x30] =	vst v14  }
0x525: {  	v14 =	vld.idx.msk [tilespmem:v62+s2+$0x0], $0xffff  }
0x526: {  	v63 =	vor.u32 v11, v15;
	_ =	sdelay $0x3  }
0x527: {  	[tilespmem:s8+$0x40] =	vst v14  }
0x528: {  	v14 =	vld.idx.msk [tilespmem:v63+s2+$0x0], $0xffff  }
0x529: {  	v15 =	vor.u32 v12, v15;
	_ =	sdelay $0x3  }
0x52a: {  	[tilespmem:s8+$0x50] =	vst v14  }
0x52b: {  	v14 =	vld.idx.msk [tilespmem:v15+s2+$0x0], $0xffff;
	_ =	sdelay $0x4  }
0x52c: {  	[tilespmem:s8+$0x58] =	vst v14  }
0x52d: {  	[tilespmem:s24], [sflag:$0x3] =	stream.indirect.gather [spmem:s1], $0x1, s23, s22, $0xb8;
	[tilespmem:$0x1FCA8] =	vst v63  }
0x52e: {  	s4 =	simm.s32 $0x0  }
0x52f: {  	[tilespmem:s4], [sflag:$0x1] =	stream.linear.gather [hbm4b:s16+s4], $0x4000, $0x38;
	[tilespmem:$0x1FCA8] =	vst v63  }
0x530: {  	_ =	swait.ge [sflag:s0], $0x3200  }
0x531: {  	[sflag:s0] =	ssyncset.done $0x0  }
0x532: {  	[sflag:s0] =	ssyncadd.s32 $0xFFFFCE00  }
.LBB2_36:
0x533: {  	s5 =	sshll.u32 s4, $0x4  }
0x534: {  	v14 =	vmov s5  }
0x535: {  	v14 =	vmul.u32 $0xC8, v14;
	_ =	sdelay $0x1  }
0x536: {  	v14 =	vbroadcast v14, $0x0;
	_ =	sdelay $0x1  }
0x537: {  	s6 =	simm.s32 $0x7;
	v14 =	vadd.s32 v13, v14  }
0x538: {  	s7 =	simm.s32 $0x6;
	v15 =	vadd.s32 s6, v14  }
0x539: {  	s8 =	simm.s32 $0x5;
	v16 =	vadd.s32 s7, v14  }
0x53a: {  	s7 =	simm.s32 $0x4;
	v17 =	vadd.s32 s8, v14  }
0x53b: {  	s8 =	simm.s32 $0x3;
	v18 =	vadd.s32 s7, v14  }
0x53c: {  	s7 =	simm.s32 $0x2;
	v19 =	vadd.s32 s8, v14  }
0x53d: {  	s8 =	simm.s32 $0x1;
	v21 =	vadd.s32 s7, v14;
	v20 =	vld.idx.msk [tilespmem:v15+s28+$0x0], $0xffff  }
0x53e: {  	s7 =	simm.s32 $0x0;
	v22 =	vadd.s32 s8, v14;
	v33 =	vld.idx.msk [tilespmem:v16+s28+$0x0], $0xffff  }
0x53f: {  	s8 =	simm.s32 $0xF;
	v23 =	vadd.s32 s7, v14;
	v31 =	vld.idx.msk [tilespmem:v17+s28+$0x0], $0xffff  }
0x540: {  	s7 =	simm.s32 $0xE;
	v25 =	vadd.s32 s8, v14;
	v16 =	vld.idx.msk [tilespmem:v18+s28+$0x0], $0xffff  }
0x541: {  	s8 =	simm.s32 $0xD;
	v27 =	vadd.s32 s7, v14;
	v15 =	vld.idx.msk [tilespmem:v19+s28+$0x0], $0xffff  }
0x542: {  	s7 =	simm.s32 $0xC;
	v34 =	vadd.s32 s8, v14;
	v18 =	vld.idx.msk [tilespmem:v21+s28+$0x0], $0xffff  }
0x543: {  	v24 =	vimm.f32 $0.0e+00;
	v26 =	vimm.f32 $0.0e+00;
	s8 =	simm.s32 $0xB;
	v30 =	vadd.s32 s7, v14;
	v17 =	vld.idx.msk [tilespmem:v22+s28+$0x0], $0xffff  }
0x544: {  	v28 =	vimm.f32 $0.0e+00;
	v29 =	vimm.f32 $0.0e+00;
	s7 =	simm.s32 $0xA;
	v35 =	vadd.s32 s8, v14;
	s8 =	simm.s32 $0x9;
	v22 =	vld.idx.msk [tilespmem:v23+s28+$0x0], $0xffff  }
0x545: {  	v19 =	vimm.f32 $0.0e+00;
	v37 =	vadd.s32 s7, v14;
	v36 =	vadd.s32 s8, v14;
	v23 =	vld.idx.msk [tilespmem:v25+s28+$0x0], $0xffff  }
0x546: {  	s6 =	simm.s32 $0x17;
	s7 =	simm.s32 $0x8;
	v21 =	vimm.f32 $0.0e+00;
	v25 =	vimm.f32 $0.0e+00;
	v32 =	vld.idx.msk [tilespmem:v27+s28+$0x0], $0xffff;
	v27 =	vimm.f32 $0.0e+00  }
.LBB2_37:
0x547: {  	p1 =	sne.s32 s6, $0xC7;
	v38 =	vadd.s32 s7, v14;
	v39 =	vld.idx.msk [tilespmem:v34+s28+$0x0], $0xffff;
	v19 =	vadd.f32 v33, v19;
	v24 =	vadd.f32 v20, v24  }
0x548: {  	s7 =	sadd.s32 $0xFFFFFFFF, s6;
	v40 =	vadd.s32 s6, v14;
	v25 =	vadd.f32 v16, v25;
	v26 =	vadd.f32 v31, v26;
	v16 =	vld.idx.msk [tilespmem:v30+s28+$0x0], $0xffff  }
0x549: {  	s8 =	sadd.s32 $0xFFFFFFFE, s6;
	v21 =	vadd.f32 v18, v21;
	v27 =	vadd.f32 v15, v27;
	v41 =	vadd.s32 s7, v14;
	v15 =	vld.idx.msk [tilespmem:v35+s28+$0x0], $0xffff  }
.Ltmp17:
0x54a: {  	s7 =	sadd.s32 $0xFFFFFFFD, s6;
	v34 =	vadd.s32 s8, v14;
	v29 =	vadd.f32 v17, v29;
	v28 =	vadd.f32 v22, v28;
	v18 =	vld.idx.msk [tilespmem:v37+s28+$0x0], $0xffff;
	(pc) =	sbr.rel @p1 .LBB2_37-.Ltmp17, $4  }
0x54b: {  	s8 =	sadd.s32 $0xFFFFFFFC, s6;
	v30 =	vadd.s32 s7, v14;
	v20 =	vmov v23;
	v17 =	vld.idx.msk [tilespmem:v36+s28+$0x0], $0xffff  }
0x54c: {  	s7 =	sadd.s32 $0xFFFFFFFB, s6;
	v35 =	vadd.s32 s8, v14;
	v33 =	vmov v32;
	v22 =	vld.idx.msk [tilespmem:v38+s28+$0x0], $0xffff  }
0x54d: {  	s8 =	sadd.s32 $0xFFFFFFFA, s6;
	v37 =	vadd.s32 s7, v14;
	v31 =	vmov v39;
	v23 =	vld.idx.msk [tilespmem:v40+s28+$0x0], $0xffff  }
0x54e: {  	s7 =	sadd.s32 $0xFFFFFFF9, s6;
	s6 =	sadd.s32 $0x8, s6;
	v36 =	vadd.s32 s8, v14;
	v32 =	vld.idx.msk [tilespmem:v41+s28+$0x0], $0xffff  }
0x54f: {  	_ =	sdelay $0x3  }
0x550: {  	v14 =	vadd.s32 s7, v14;
	v34 =	vld.idx.msk [tilespmem:v34+s28+$0x0], $0xffff  }
0x551: {  	v35 =	vld.idx.msk [tilespmem:v35+s28+$0x0], $0xffff  }
0x552: {  	v37 =	vld.idx.msk [tilespmem:v37+s28+$0x0], $0xffff  }
0x553: {  	v19 =	vadd.f32 v33, v19;
	v20 =	vadd.f32 v20, v24;
	v58 =	vld.idx.msk [tilespmem:v36+s28+$0x0], $0xffff  }
0x554: {  	v16 =	vadd.f32 v16, v25;
	v59 =	vadd.f32 v31, v26;
	v60 =	vld.idx.msk [tilespmem:v30+s28+$0x0], $0xffff  }
0x555: {  	v18 =	vadd.f32 v18, v21;
	v15 =	vadd.f32 v15, v27;
	v14 =	vld.idx.msk [tilespmem:v14+s28+$0x0], $0xffff  }
0x556: {  	v17 =	vadd.f32 v17, v29;
	v61 =	vadd.f32 v22, v28  }
0x557: {  	v20 =	vadd.f32 v23, v20;
	v19 =	vadd.f32 v32, v19  }
0x558: {  	v18 =	vadd.f32 v37, v18;
	v15 =	vadd.f32 v35, v15  }
0x559: {  	v17 =	vadd.f32 v58, v17;
	v16 =	vadd.f32 v60, v16  }
0x55a: {  	v62 =	vadd.f32 v34, v59;
	v14 =	vadd.f32 v14, v61  }
0x55b: {  	v63 =	vadd.f32 v20, v19;
	v15 =	vadd.f32 v15, v18  }
0x55c: {  	v16 =	vadd.f32 v62, v16;
	v14 =	vadd.f32 v17, v14;
	_ =	sdelay $0x1  }
0x55d: {  	v14 =	vadd.f32 v15, v14;
	v15 =	vadd.f32 v63, v16;
	_ =	sdelay $0x1  }
0x55e: {  	v14 =	vadd.f32 v15, v14;
	_ =	sdelay $0x1  }
0x55f: {  	v14 =	vsub.f32 $0.0e+00, v14;
	_ =	sdelay $0x1  }
0x560: {  	v14 =	vmul.f32 $1.442695020e+00, v14;
	_ =	sdelay $0x1  }
0x561: {  	(erf) = vpow2.f32 v14;
	_ =	sdelay $0x8  }
0x562: {  	v14 =	vpop (erf)  }
0x563: {  	v14 =	vadd.f32 $1.000000000e+00, v14;
	_ =	sdelay $0x1  }
0x564: {  	(erf) = vrcp.f32 v14;
	_ =	sdelay $0x3  }
0x565: {  	s4 =	sadd.s32 $0x1, s4  }
0x566: {  	p1 =	sne.s32 s4, $0x4  }
.Ltmp18:
0x567: {  	_ = 	snop;
	(pc) =	sbr.rel @p1 .LBB2_36-.Ltmp18, $3  }
0x568: {  	_ =	sdelay $0x1  }
0x569: {  	v14 =	vpop (erf)  }
0x56a: {  	[tilespmem:s5+$0x10800] =	vst v14  }
0x56b: {  	s4 =	simm.s32 $0x0  }
0x56c: {  	v14 =	vmov s4  }
0x56d: {  	v15 =	vshll.u32 v14, $0x8;
	v14 =	vshll.u32 v14, $0x7  }
0x56e: {  	[hbm4b:s17+s4] =	stream.linear.scatter [tilespmem:s30], [sflag:$0x5], $0x40, $0x38;
	v15 =	vand.u32 $0x3800, v15;
	v14 =	vand.u32 $0x380, v14;
	[tilespmem:$0x1FCA8] =	vst v63  }
0x56f: {  	_ =	swait.ge [sflag:s31], $0x40;
	v14 =	vor.u32 v14, v15  }
0x570: {  	[sflag:s31] =	ssyncset.done $0x0;
	v15 =	vor.u32 v0, v14  }
0x571: {  	[sflag:s31] =	ssyncadd.s32 $0xFFFFFFC0  }
0x572: {  	_ =	swait.ge [sflag:s21], $0x4000  }
0x573: {  	[sflag:s21] =	ssyncset.done $0x0  }
0x574: {  	[sflag:s21] =	ssyncadd.s32 $0xFFFFC000  }
0x575: {  	v15 =	vld.idx.msk [tilespmem:v15+s2+$0x0], $0xffff  }
0x576: {  	v16 =	vor.u32 v1, v14;
	_ =	sdelay $0x2  }
0x577: {  	s5 =	simm.s32 $0x7260  }
0x578: {  	[tilespmem:s5+$0xFFFFFFA0] =	vst v15  }
0x579: {  	v15 =	vld.idx.msk [tilespmem:v16+s2+$0x0], $0xffff  }
0x57a: {  	v16 =	vor.u32 v2, v14;
	_ =	sdelay $0x3  }
0x57b: {  	[tilespmem:s5+$0xFFFFFFB0] =	vst v15  }
0x57c: {  	v15 =	vld.idx.msk [tilespmem:v16+s2+$0x0], $0xffff  }
0x57d: {  	v16 =	vor.u32 v3, v14;
	_ =	sdelay $0x3  }
0x57e: {  	[tilespmem:s5+$0xFFFFFFC0] =	vst v15  }
0x57f: {  	v15 =	vld.idx.msk [tilespmem:v16+s2+$0x0], $0xffff  }
0x580: {  	v16 =	vor.u32 v4, v14;
	_ =	sdelay $0x3  }
0x581: {  	[tilespmem:s5+$0xFFFFFFD0] =	vst v15  }
0x582: {  	v15 =	vld.idx.msk [tilespmem:v16+s2+$0x0], $0xffff  }
0x583: {  	v16 =	vor.u32 v5, v14;
	_ =	sdelay $0x3  }
0x584: {  	[tilespmem:s5+$0xFFFFFFE0] =	vst v15  }
0x585: {  	v15 =	vld.idx.msk [tilespmem:v16+s2+$0x0], $0xffff  }
0x586: {  	v16 =	vor.u32 v6, v14;
	_ =	sdelay $0x3  }
0x587: {  	[tilespmem:s5+$0xFFFFFFF0] =	vst v15  }
0x588: {  	v15 =	vld.idx.msk [tilespmem:v16+s2+$0x0], $0xffff  }
0x589: {  	v16 =	vor.u32 v7, v14;
	_ =	sdelay $0x3  }
0x58a: {  	[tilespmem:s5+$0x0] =	vst v15  }
0x58b: {  	v15 =	vld.idx.msk [tilespmem:v16+s2+$0x0], $0xffff  }
0x58c: {  	v16 =	vor.u32 v8, v14;
	_ =	sdelay $0x3  }
0x58d: {  	[tilespmem:s5+$0x10] =	vst v15  }
0x58e: {  	v15 =	vld.idx.msk [tilespmem:v16+s2+$0x0], $0xffff  }
0x58f: {  	v16 =	vor.u32 v9, v14;
	_ =	sdelay $0x2  }
0x590: {  	s6 =	sand.u32 $0x3FF8, s4  }
0x591: {  	[tilespmem:s6+$0x7280] =	vst v15  }
0x592: {  	v15 =	vld.idx.msk [tilespmem:v16+s2+$0x0], $0xffff  }
0x593: {  	v16 =	vor.u32 v10, v14;
	_ =	sdelay $0x3  }
0x594: {  	[tilespmem:s5+$0x30] =	vst v15  }
0x595: {  	v15 =	vld.idx.msk [tilespmem:v16+s2+$0x0], $0xffff  }
0x596: {  	v16 =	vor.u32 v11, v14;
	_ =	sdelay $0x3  }
0x597: {  	[tilespmem:s5+$0x40] =	vst v15  }
0x598: {  	v15 =	vld.idx.msk [tilespmem:v16+s2+$0x0], $0xffff  }
0x599: {  	v14 =	vor.u32 v12, v14;
	_ =	sdelay $0x1  }
0x59a: {  	s8 =	simm.s32 $0x1  }
0x59b: {  	s6 =	simm.s32 $0x2;
	v16 =	vmov s8  }
.LBB2_40:
0x59c: {  	p1 =	sne.s32 s6, $0x3F;
	v17 =	vshll.u32 v16, $0x8;
	v16 =	vshll.u32 v16, $0x7;
	[tilespmem:s5+$0x50] =	vst v15  }
0x59d: {  	v15 =	vand.u32 $0x3800, v17;
	v16 =	vand.u32 $0x380, v16;
	v14 =	vld.idx.msk [tilespmem:v14+s2+$0x0], $0xffff  }
0x59e: {  	v16 =	vor.u32 v16, v15  }
0x59f: {  	v15 =	vor.u32 v0, v16;
	_ =	sdelay $0x3  }
0x5a0: {  	[tilespmem:s5+$0x58] =	vst v14  }
0x5a1: {  	v14 =	vld.idx.msk [tilespmem:v15+s2+$0x0], $0xffff;
	_ =	sdelay $0x1  }
0x5a2: {  	v15 =	vor.u32 v1, v16;
	_ =	sdelay $0x2  }
0x5a3: {  	s5 =	sadd.s32 $0xC8, s5  }
0x5a4: {  	[tilespmem:s5+$0xFFFFFFA0] =	vst v14  }
0x5a5: {  	v14 =	vld.idx.msk [tilespmem:v15+s2+$0x0], $0xffff;
	_ =	sdelay $0x1  }
0x5a6: {  	v15 =	vor.u32 v2, v16;
	_ =	sdelay $0x3  }
0x5a7: {  	[tilespmem:s5+$0xFFFFFFB0] =	vst v14  }
0x5a8: {  	v14 =	vld.idx.msk [tilespmem:v15+s2+$0x0], $0xffff;
	_ =	sdelay $0x1  }
0x5a9: {  	v15 =	vor.u32 v3, v16;
	_ =	sdelay $0x3  }
0x5aa: {  	[tilespmem:s5+$0xFFFFFFC0] =	vst v14  }
0x5ab: {  	v14 =	vld.idx.msk [tilespmem:v15+s2+$0x0], $0xffff;
	_ =	sdelay $0x1  }
0x5ac: {  	v15 =	vor.u32 v4, v16;
	_ =	sdelay $0x3  }
0x5ad: {  	[tilespmem:s5+$0xFFFFFFD0] =	vst v14  }
0x5ae: {  	v14 =	vld.idx.msk [tilespmem:v15+s2+$0x0], $0xffff;
	_ =	sdelay $0x1  }
0x5af: {  	v15 =	vor.u32 v5, v16;
	_ =	sdelay $0x3  }
0x5b0: {  	[tilespmem:s5+$0xFFFFFFE0] =	vst v14  }
0x5b1: {  	v14 =	vld.idx.msk [tilespmem:v15+s2+$0x0], $0xffff;
	_ =	sdelay $0x1  }
0x5b2: {  	v15 =	vor.u32 v6, v16;
	_ =	sdelay $0x3  }
0x5b3: {  	[tilespmem:s5+$0xFFFFFFF0] =	vst v14  }
0x5b4: {  	v14 =	vld.idx.msk [tilespmem:v15+s2+$0x0], $0xffff;
	_ =	sdelay $0x1  }
0x5b5: {  	v15 =	vor.u32 v7, v16;
	_ =	sdelay $0x3  }
0x5b6: {  	[tilespmem:s5+$0x0] =	vst v14  }
0x5b7: {  	v14 =	vld.idx.msk [tilespmem:v15+s2+$0x0], $0xffff;
	_ =	sdelay $0x1  }
0x5b8: {  	v15 =	vor.u32 v8, v16;
	_ =	sdelay $0x3  }
0x5b9: {  	[tilespmem:s5+$0x10] =	vst v14  }
0x5ba: {  	v14 =	vld.idx.msk [tilespmem:v15+s2+$0x0], $0xffff;
	_ =	sdelay $0x1  }
0x5bb: {  	v15 =	vor.u32 v9, v16;
	_ =	sdelay $0x1  }
0x5bc: {  	s4 =	sadd.s32 $0xC8, s4  }
0x5bd: {  	s7 =	sand.u32 $0x3FF8, s4  }
0x5be: {  	[tilespmem:s7+$0x7280] =	vst v14  }
0x5bf: {  	v14 =	vld.idx.msk [tilespmem:v15+s2+$0x0], $0xffff;
	_ =	sdelay $0x1  }
0x5c0: {  	v15 =	vor.u32 v10, v16;
	_ =	sdelay $0x3  }
0x5c1: {  	[tilespmem:s5+$0x30] =	vst v14  }
0x5c2: {  	v14 =	vld.idx.msk [tilespmem:v15+s2+$0x0], $0xffff;
	_ =	sdelay $0x1  }
0x5c3: {  	v15 =	vor.u32 v11, v16;
	_ =	sdelay $0x3  }
0x5c4: {  	[tilespmem:s5+$0x40] =	vst v14  }
0x5c5: {  	v15 =	vld.idx.msk [tilespmem:v15+s2+$0x0], $0xffff  }
.Ltmp19:
0x5c6: {  	(pc) =	sbr.rel @p1 .LBB2_40-.Ltmp19, $2  }
0x5c7: {  	v14 =	vor.u32 v12, v16;
	_ =	sdelay $0x2  }
0x5c8: {  	v16 =	vmov s6;
	s6 =	sadd.s32 $0x1, s6  }
0x5c9: {  	_ =	sdelay $0x1  }
0x5ca: {  	v17 =	vshll.u32 v16, $0x8;
	v52 =	vshll.u32 v16, $0x7  }
0x5cb: {  	[tilespmem:s5+$0x50] =	vst v15;
	v15 =	vand.u32 $0x3800, v17;
	v16 =	vand.u32 $0x380, v52  }
0x5cc: {  	v14 =	vld.idx.msk [tilespmem:v14+s2+$0x0], $0xffff;
	v15 =	vor.u32 v16, v15  }
0x5cd: {  	v16 =	vor.u32 v0, v15;
	_ =	sdelay $0x3  }
0x5ce: {  	[tilespmem:s5+$0x58] =	vst v14  }
0x5cf: {  	v14 =	vld.idx.msk [tilespmem:v16+s2+$0x0], $0xffff  }
0x5d0: {  	v53 =	vor.u32 v1, v15;
	_ =	sdelay $0x2  }
0x5d1: {  	s8 =	sadd.s32 $0xC8, s5  }
0x5d2: {  	[tilespmem:s8+$0xFFFFFFA0] =	vst v14  }
0x5d3: {  	v14 =	vld.idx.msk [tilespmem:v53+s2+$0x0], $0xffff  }
0x5d4: {  	v54 =	vor.u32 v2, v15;
	_ =	sdelay $0x3  }
0x5d5: {  	[tilespmem:s8+$0xFFFFFFB0] =	vst v14  }
0x5d6: {  	v14 =	vld.idx.msk [tilespmem:v54+s2+$0x0], $0xffff  }
0x5d7: {  	v55 =	vor.u32 v3, v15;
	_ =	sdelay $0x3  }
0x5d8: {  	[tilespmem:s8+$0xFFFFFFC0] =	vst v14  }
0x5d9: {  	v14 =	vld.idx.msk [tilespmem:v55+s2+$0x0], $0xffff  }
0x5da: {  	v56 =	vor.u32 v4, v15;
	_ =	sdelay $0x3  }
0x5db: {  	[tilespmem:s8+$0xFFFFFFD0] =	vst v14  }
0x5dc: {  	v14 =	vld.idx.msk [tilespmem:v56+s2+$0x0], $0xffff  }
0x5dd: {  	v57 =	vor.u32 v5, v15;
	_ =	sdelay $0x3  }
0x5de: {  	[tilespmem:s8+$0xFFFFFFE0] =	vst v14  }
0x5df: {  	v14 =	vld.idx.msk [tilespmem:v57+s2+$0x0], $0xffff  }
0x5e0: {  	v58 =	vor.u32 v6, v15;
	_ =	sdelay $0x3  }
0x5e1: {  	[tilespmem:s8+$0xFFFFFFF0] =	vst v14  }
0x5e2: {  	v14 =	vld.idx.msk [tilespmem:v58+s2+$0x0], $0xffff  }
0x5e3: {  	v59 =	vor.u32 v7, v15;
	_ =	sdelay $0x3  }
0x5e4: {  	[tilespmem:s8+$0x0] =	vst v14  }
0x5e5: {  	v14 =	vld.idx.msk [tilespmem:v59+s2+$0x0], $0xffff  }
0x5e6: {  	v60 =	vor.u32 v8, v15;
	_ =	sdelay $0x3  }
0x5e7: {  	[tilespmem:s8+$0x10] =	vst v14  }
0x5e8: {  	v14 =	vld.idx.msk [tilespmem:v60+s2+$0x0], $0xffff  }
0x5e9: {  	v61 =	vor.u32 v9, v15;
	_ =	sdelay $0x1  }
0x5ea: {  	s4 =	sadd.s32 $0xC8, s4  }
0x5eb: {  	s4 =	sand.u32 $0x3FF8, s4  }
0x5ec: {  	[tilespmem:s4+$0x7280] =	vst v14  }
0x5ed: {  	v14 =	vld.idx.msk [tilespmem:v61+s2+$0x0], $0xffff  }
0x5ee: {  	v62 =	vor.u32 v10, v15;
	_ =	sdelay $0x3  }
0x5ef: {  	[tilespmem:s8+$0x30] =	vst v14  }
0x5f0: {  	v14 =	vld.idx.msk [tilespmem:v62+s2+$0x0], $0xffff  }
0x5f1: {  	v63 =	vor.u32 v11, v15;
	_ =	sdelay $0x3  }
0x5f2: {  	[tilespmem:s8+$0x40] =	vst v14  }
0x5f3: {  	v14 =	vld.idx.msk [tilespmem:v63+s2+$0x0], $0xffff  }
0x5f4: {  	v15 =	vor.u32 v12, v15;
	_ =	sdelay $0x3  }
0x5f5: {  	[tilespmem:s8+$0x50] =	vst v14  }
0x5f6: {  	v14 =	vld.idx.msk [tilespmem:v15+s2+$0x0], $0xffff;
	_ =	sdelay $0x4  }
0x5f7: {  	[tilespmem:s8+$0x58] =	vst v14  }
0x5f8: {  	[tilespmem:s28], [sflag:$0x4] =	stream.indirect.gather [spmem:s1], $0x1, s26, s22, $0xb8;
	[tilespmem:$0x1FCA8] =	vst v63  }
0x5f9: {  	_ =	swait.ge [sflag:s29], $0x3200  }
0x5fa: {  	[sflag:s29] =	ssyncset.done $0x0  }
0x5fb: {  	s4 =	simm.s32 $0x0;
	[sflag:s29] =	ssyncadd.s32 $0xFFFFCE00  }
.LBB2_42:
0x5fc: {  	s5 =	sshll.u32 s4, $0x4  }
0x5fd: {  	v14 =	vmov s5  }
0x5fe: {  	v14 =	vmul.u32 $0xC8, v14;
	_ =	sdelay $0x1  }
0x5ff: {  	v14 =	vbroadcast v14, $0x0;
	_ =	sdelay $0x1  }
0x600: {  	s6 =	simm.s32 $0x7;
	v14 =	vadd.s32 v13, v14  }
0x601: {  	s7 =	simm.s32 $0x6;
	v15 =	vadd.s32 s6, v14  }
0x602: {  	s8 =	simm.s32 $0x5;
	v16 =	vadd.s32 s7, v14  }
0x603: {  	s7 =	simm.s32 $0x4;
	v17 =	vadd.s32 s8, v14  }
0x604: {  	s8 =	simm.s32 $0x3;
	v18 =	vadd.s32 s7, v14  }
0x605: {  	s7 =	simm.s32 $0x2;
	v19 =	vadd.s32 s8, v14  }
0x606: {  	s8 =	simm.s32 $0x1;
	v21 =	vadd.s32 s7, v14;
	v20 =	vld.idx.msk [tilespmem:v15+s24+$0x0], $0xffff  }
0x607: {  	s7 =	simm.s32 $0x0;
	v22 =	vadd.s32 s8, v14;
	v33 =	vld.idx.msk [tilespmem:v16+s24+$0x0], $0xffff  }
0x608: {  	s8 =	simm.s32 $0xF;
	v23 =	vadd.s32 s7, v14;
	v31 =	vld.idx.msk [tilespmem:v17+s24+$0x0], $0xffff  }
0x609: {  	s7 =	simm.s32 $0xE;
	v25 =	vadd.s32 s8, v14;
	v16 =	vld.idx.msk [tilespmem:v18+s24+$0x0], $0xffff  }
0x60a: {  	s8 =	simm.s32 $0xD;
	v27 =	vadd.s32 s7, v14;
	v15 =	vld.idx.msk [tilespmem:v19+s24+$0x0], $0xffff  }
0x60b: {  	s7 =	simm.s32 $0xC;
	v34 =	vadd.s32 s8, v14;
	v18 =	vld.idx.msk [tilespmem:v21+s24+$0x0], $0xffff  }
0x60c: {  	v24 =	vimm.f32 $0.0e+00;
	v26 =	vimm.f32 $0.0e+00;
	s8 =	simm.s32 $0xB;
	v30 =	vadd.s32 s7, v14;
	v17 =	vld.idx.msk [tilespmem:v22+s24+$0x0], $0xffff  }
0x60d: {  	v28 =	vimm.f32 $0.0e+00;
	v29 =	vimm.f32 $0.0e+00;
	s7 =	simm.s32 $0xA;
	v35 =	vadd.s32 s8, v14;
	s8 =	simm.s32 $0x9;
	v22 =	vld.idx.msk [tilespmem:v23+s24+$0x0], $0xffff  }
0x60e: {  	v19 =	vimm.f32 $0.0e+00;
	v37 =	vadd.s32 s7, v14;
	v36 =	vadd.s32 s8, v14;
	v23 =	vld.idx.msk [tilespmem:v25+s24+$0x0], $0xffff  }
0x60f: {  	s6 =	simm.s32 $0x17;
	s7 =	simm.s32 $0x8;
	v21 =	vimm.f32 $0.0e+00;
	v25 =	vimm.f32 $0.0e+00;
	v32 =	vld.idx.msk [tilespmem:v27+s24+$0x0], $0xffff;
	v27 =	vimm.f32 $0.0e+00  }
.LBB2_43:
0x610: {  	p1 =	sne.s32 s6, $0xC7;
	v38 =	vadd.s32 s7, v14;
	v39 =	vld.idx.msk [tilespmem:v34+s24+$0x0], $0xffff;
	v19 =	vadd.f32 v33, v19;
	v24 =	vadd.f32 v20, v24  }
0x611: {  	s7 =	sadd.s32 $0xFFFFFFFF, s6;
	v40 =	vadd.s32 s6, v14;
	v25 =	vadd.f32 v16, v25;
	v26 =	vadd.f32 v31, v26;
	v16 =	vld.idx.msk [tilespmem:v30+s24+$0x0], $0xffff  }
0x612: {  	s8 =	sadd.s32 $0xFFFFFFFE, s6;
	v21 =	vadd.f32 v18, v21;
	v27 =	vadd.f32 v15, v27;
	v41 =	vadd.s32 s7, v14;
	v15 =	vld.idx.msk [tilespmem:v35+s24+$0x0], $0xffff  }
.Ltmp20:
0x613: {  	s7 =	sadd.s32 $0xFFFFFFFD, s6;
	v34 =	vadd.s32 s8, v14;
	v29 =	vadd.f32 v17, v29;
	v28 =	vadd.f32 v22, v28;
	v18 =	vld.idx.msk [tilespmem:v37+s24+$0x0], $0xffff;
	(pc) =	sbr.rel @p1 .LBB2_43-.Ltmp20, $4  }
0x614: {  	s8 =	sadd.s32 $0xFFFFFFFC, s6;
	v30 =	vadd.s32 s7, v14;
	v20 =	vmov v23;
	v17 =	vld.idx.msk [tilespmem:v36+s24+$0x0], $0xffff  }
0x615: {  	s7 =	sadd.s32 $0xFFFFFFFB, s6;
	v35 =	vadd.s32 s8, v14;
	v33 =	vmov v32;
	v22 =	vld.idx.msk [tilespmem:v38+s24+$0x0], $0xffff  }
0x616: {  	s8 =	sadd.s32 $0xFFFFFFFA, s6;
	v37 =	vadd.s32 s7, v14;
	v31 =	vmov v39;
	v23 =	vld.idx.msk [tilespmem:v40+s24+$0x0], $0xffff  }
0x617: {  	s7 =	sadd.s32 $0xFFFFFFF9, s6;
	s6 =	sadd.s32 $0x8, s6;
	v36 =	vadd.s32 s8, v14;
	v32 =	vld.idx.msk [tilespmem:v41+s24+$0x0], $0xffff  }
0x618: {  	_ =	sdelay $0x3  }
0x619: {  	v14 =	vadd.s32 s7, v14;
	v34 =	vld.idx.msk [tilespmem:v34+s24+$0x0], $0xffff  }
0x61a: {  	v35 =	vld.idx.msk [tilespmem:v35+s24+$0x0], $0xffff  }
0x61b: {  	v37 =	vld.idx.msk [tilespmem:v37+s24+$0x0], $0xffff  }
0x61c: {  	v19 =	vadd.f32 v33, v19;
	v20 =	vadd.f32 v20, v24;
	v58 =	vld.idx.msk [tilespmem:v36+s24+$0x0], $0xffff  }
0x61d: {  	v16 =	vadd.f32 v16, v25;
	v59 =	vadd.f32 v31, v26;
	v60 =	vld.idx.msk [tilespmem:v30+s24+$0x0], $0xffff  }
0x61e: {  	v18 =	vadd.f32 v18, v21;
	v15 =	vadd.f32 v15, v27;
	v14 =	vld.idx.msk [tilespmem:v14+s24+$0x0], $0xffff  }
0x61f: {  	v17 =	vadd.f32 v17, v29;
	v61 =	vadd.f32 v22, v28  }
0x620: {  	v20 =	vadd.f32 v23, v20;
	v19 =	vadd.f32 v32, v19  }
0x621: {  	v18 =	vadd.f32 v37, v18;
	v15 =	vadd.f32 v35, v15  }
0x622: {  	v17 =	vadd.f32 v58, v17;
	v16 =	vadd.f32 v60, v16  }
0x623: {  	v62 =	vadd.f32 v34, v59;
	v14 =	vadd.f32 v14, v61  }
0x624: {  	v63 =	vadd.f32 v20, v19;
	v15 =	vadd.f32 v15, v18  }
0x625: {  	v16 =	vadd.f32 v62, v16;
	v14 =	vadd.f32 v17, v14;
	_ =	sdelay $0x1  }
0x626: {  	v14 =	vadd.f32 v15, v14;
	v15 =	vadd.f32 v63, v16;
	_ =	sdelay $0x1  }
0x627: {  	v14 =	vadd.f32 v15, v14;
	_ =	sdelay $0x1  }
0x628: {  	v14 =	vsub.f32 $0.0e+00, v14;
	_ =	sdelay $0x1  }
0x629: {  	v14 =	vmul.f32 $1.442695020e+00, v14;
	_ =	sdelay $0x1  }
0x62a: {  	(erf) = vpow2.f32 v14;
	_ =	sdelay $0x8  }
0x62b: {  	v14 =	vpop (erf)  }
0x62c: {  	v14 =	vadd.f32 $1.000000000e+00, v14;
	_ =	sdelay $0x1  }
0x62d: {  	(erf) = vrcp.f32 v14;
	_ =	sdelay $0x3  }
0x62e: {  	s4 =	sadd.s32 $0x1, s4  }
0x62f: {  	p1 =	sne.s32 s4, $0x4  }
.Ltmp21:
0x630: {  	_ = 	snop;
	(pc) =	sbr.rel @p1 .LBB2_42-.Ltmp21, $3  }
0x631: {  	_ =	sdelay $0x1  }
0x632: {  	v14 =	vpop (erf)  }
0x633: {  	[tilespmem:s5+$0x10800] =	vst v14  }
0x634: {  	s4 =	simm.s32 $0x0  }
0x635: {  	[hbm4b:s18+s4] =	stream.linear.scatter [tilespmem:s30], [sflag:$0x5], $0x40, $0x38;
	[tilespmem:$0x1FCA8] =	vst v63  }
0x636: {  	_ =	swait.ge [sflag:s31], $0x40  }
0x637: {  	[sflag:s31] =	ssyncset.done $0x0  }
0x638: {  	[sflag:s31] =	ssyncadd.s32 $0xFFFFFFC0  }
0x639: {  	_ =	swait.ge [sflag:s0], $0x3200  }
0x63a: {  	[sflag:s0] =	ssyncset.done $0x0  }
0x63b: {  	[sflag:s0] =	ssyncadd.s32 $0xFFFFCE00  }
.LBB2_46:
0x63c: {  	s5 =	sshll.u32 s4, $0x4  }
0x63d: {  	v14 =	vmov s5  }
0x63e: {  	v14 =	vmul.u32 $0xC8, v14;
	_ =	sdelay $0x1  }
0x63f: {  	v14 =	vbroadcast v14, $0x0;
	_ =	sdelay $0x1  }
0x640: {  	s6 =	simm.s32 $0x7;
	v14 =	vadd.s32 v13, v14  }
0x641: {  	s7 =	simm.s32 $0x6;
	v15 =	vadd.s32 s6, v14  }
0x642: {  	s8 =	simm.s32 $0x5;
	v16 =	vadd.s32 s7, v14  }
0x643: {  	s7 =	simm.s32 $0x4;
	v17 =	vadd.s32 s8, v14  }
0x644: {  	s8 =	simm.s32 $0x3;
	v18 =	vadd.s32 s7, v14  }
0x645: {  	s7 =	simm.s32 $0x2;
	v19 =	vadd.s32 s8, v14  }
0x646: {  	s8 =	simm.s32 $0x1;
	v21 =	vadd.s32 s7, v14;
	v20 =	vld.idx.msk [tilespmem:v15+s28+$0x0], $0xffff  }
0x647: {  	s7 =	simm.s32 $0x0;
	v22 =	vadd.s32 s8, v14;
	v33 =	vld.idx.msk [tilespmem:v16+s28+$0x0], $0xffff  }
0x648: {  	s8 =	simm.s32 $0xF;
	v23 =	vadd.s32 s7, v14;
	v31 =	vld.idx.msk [tilespmem:v17+s28+$0x0], $0xffff  }
0x649: {  	s7 =	simm.s32 $0xE;
	v25 =	vadd.s32 s8, v14;
	v16 =	vld.idx.msk [tilespmem:v18+s28+$0x0], $0xffff  }
0x64a: {  	s8 =	simm.s32 $0xD;
	v27 =	vadd.s32 s7, v14;
	v15 =	vld.idx.msk [tilespmem:v19+s28+$0x0], $0xffff  }
0x64b: {  	s7 =	simm.s32 $0xC;
	v34 =	vadd.s32 s8, v14;
	v18 =	vld.idx.msk [tilespmem:v21+s28+$0x0], $0xffff  }
0x64c: {  	v24 =	vimm.f32 $0.0e+00;
	v26 =	vimm.f32 $0.0e+00;
	s8 =	simm.s32 $0xB;
	v30 =	vadd.s32 s7, v14;
	v17 =	vld.idx.msk [tilespmem:v22+s28+$0x0], $0xffff  }
0x64d: {  	v28 =	vimm.f32 $0.0e+00;
	v29 =	vimm.f32 $0.0e+00;
	s7 =	simm.s32 $0xA;
	v35 =	vadd.s32 s8, v14;
	s8 =	simm.s32 $0x9;
	v22 =	vld.idx.msk [tilespmem:v23+s28+$0x0], $0xffff  }
0x64e: {  	v19 =	vimm.f32 $0.0e+00;
	v37 =	vadd.s32 s7, v14;
	v36 =	vadd.s32 s8, v14;
	v23 =	vld.idx.msk [tilespmem:v25+s28+$0x0], $0xffff  }
0x64f: {  	s6 =	simm.s32 $0x17;
	s7 =	simm.s32 $0x8;
	v21 =	vimm.f32 $0.0e+00;
	v25 =	vimm.f32 $0.0e+00;
	v32 =	vld.idx.msk [tilespmem:v27+s28+$0x0], $0xffff;
	v27 =	vimm.f32 $0.0e+00  }
.LBB2_47:
0x650: {  	p1 =	sne.s32 s6, $0xC7;
	v38 =	vadd.s32 s7, v14;
	v39 =	vld.idx.msk [tilespmem:v34+s28+$0x0], $0xffff;
	v19 =	vadd.f32 v33, v19;
	v24 =	vadd.f32 v20, v24  }
0x651: {  	s7 =	sadd.s32 $0xFFFFFFFF, s6;
	v40 =	vadd.s32 s6, v14;
	v25 =	vadd.f32 v16, v25;
	v26 =	vadd.f32 v31, v26;
	v16 =	vld.idx.msk [tilespmem:v30+s28+$0x0], $0xffff  }
0x652: {  	s8 =	sadd.s32 $0xFFFFFFFE, s6;
	v21 =	vadd.f32 v18, v21;
	v27 =	vadd.f32 v15, v27;
	v41 =	vadd.s32 s7, v14;
	v15 =	vld.idx.msk [tilespmem:v35+s28+$0x0], $0xffff  }
.Ltmp22:
0x653: {  	s7 =	sadd.s32 $0xFFFFFFFD, s6;
	v34 =	vadd.s32 s8, v14;
	v29 =	vadd.f32 v17, v29;
	v28 =	vadd.f32 v22, v28;
	v18 =	vld.idx.msk [tilespmem:v37+s28+$0x0], $0xffff;
	(pc) =	sbr.rel @p1 .LBB2_47-.Ltmp22, $4  }
0x654: {  	s8 =	sadd.s32 $0xFFFFFFFC, s6;
	v30 =	vadd.s32 s7, v14;
	v20 =	vmov v23;
	v17 =	vld.idx.msk [tilespmem:v36+s28+$0x0], $0xffff  }
0x655: {  	s7 =	sadd.s32 $0xFFFFFFFB, s6;
	v35 =	vadd.s32 s8, v14;
	v33 =	vmov v32;
	v22 =	vld.idx.msk [tilespmem:v38+s28+$0x0], $0xffff  }
0x656: {  	s8 =	sadd.s32 $0xFFFFFFFA, s6;
	v37 =	vadd.s32 s7, v14;
	v31 =	vmov v39;
	v23 =	vld.idx.msk [tilespmem:v40+s28+$0x0], $0xffff  }
0x657: {  	s7 =	sadd.s32 $0xFFFFFFF9, s6;
	s6 =	sadd.s32 $0x8, s6;
	v36 =	vadd.s32 s8, v14;
	v32 =	vld.idx.msk [tilespmem:v41+s28+$0x0], $0xffff  }
0x658: {  	_ =	sdelay $0x3  }
0x659: {  	v14 =	vadd.s32 s7, v14;
	v34 =	vld.idx.msk [tilespmem:v34+s28+$0x0], $0xffff  }
0x65a: {  	v35 =	vld.idx.msk [tilespmem:v35+s28+$0x0], $0xffff  }
0x65b: {  	v37 =	vld.idx.msk [tilespmem:v37+s28+$0x0], $0xffff  }
0x65c: {  	v19 =	vadd.f32 v33, v19;
	v20 =	vadd.f32 v20, v24;
	v58 =	vld.idx.msk [tilespmem:v36+s28+$0x0], $0xffff  }
0x65d: {  	v16 =	vadd.f32 v16, v25;
	v59 =	vadd.f32 v31, v26;
	v60 =	vld.idx.msk [tilespmem:v30+s28+$0x0], $0xffff  }
0x65e: {  	v18 =	vadd.f32 v18, v21;
	v15 =	vadd.f32 v15, v27;
	v14 =	vld.idx.msk [tilespmem:v14+s28+$0x0], $0xffff  }
0x65f: {  	v17 =	vadd.f32 v17, v29;
	v61 =	vadd.f32 v22, v28  }
0x660: {  	v20 =	vadd.f32 v23, v20;
	v19 =	vadd.f32 v32, v19  }
0x661: {  	v18 =	vadd.f32 v37, v18;
	v15 =	vadd.f32 v35, v15  }
0x662: {  	v17 =	vadd.f32 v58, v17;
	v16 =	vadd.f32 v60, v16  }
0x663: {  	v62 =	vadd.f32 v34, v59;
	v14 =	vadd.f32 v14, v61  }
0x664: {  	v63 =	vadd.f32 v20, v19;
	v15 =	vadd.f32 v15, v18  }
0x665: {  	v16 =	vadd.f32 v62, v16;
	v14 =	vadd.f32 v17, v14;
	_ =	sdelay $0x1  }
0x666: {  	v14 =	vadd.f32 v15, v14;
	v15 =	vadd.f32 v63, v16;
	_ =	sdelay $0x1  }
0x667: {  	v14 =	vadd.f32 v15, v14;
	_ =	sdelay $0x1  }
0x668: {  	v14 =	vsub.f32 $0.0e+00, v14;
	_ =	sdelay $0x1  }
0x669: {  	v14 =	vmul.f32 $1.442695020e+00, v14;
	_ =	sdelay $0x1  }
0x66a: {  	(erf) = vpow2.f32 v14;
	_ =	sdelay $0x8  }
0x66b: {  	v14 =	vpop (erf)  }
0x66c: {  	v14 =	vadd.f32 $1.000000000e+00, v14;
	_ =	sdelay $0x1  }
0x66d: {  	(erf) = vrcp.f32 v14;
	_ =	sdelay $0x3  }
0x66e: {  	s4 =	sadd.s32 $0x1, s4  }
0x66f: {  	p1 =	sne.s32 s4, $0x4  }
.Ltmp23:
0x670: {  	_ = 	snop;
	(pc) =	sbr.rel @p1 .LBB2_46-.Ltmp23, $3  }
0x671: {  	_ =	sdelay $0x1  }
0x672: {  	v14 =	vpop (erf)  }
0x673: {  	[tilespmem:s5+$0x10800] =	vst v14  }
0x674: {  	s3 =	sadd.s32 $0x1, s3  }
0x675: {  	p1 =	sne.s32 s3, s20  }
.Ltmp24:
0x676: {  	_ = 	snop;
	(pc) =	sbr.rel @p1 .LBB2_1-.Ltmp24, $4  }
0x677: {  	[hbm4b:s19+s2] =	stream.linear.scatter [tilespmem:s30], [sflag:$0x5], $0x40, $0x38;
	[tilespmem:$0x1FCA8] =	vst v63  }
0x678: {  	_ =	swait.ge [sflag:s31], $0x40  }
0x679: {  	[sflag:s31] =	ssyncset.done $0x0  }
0x67a: {  	[sflag:s31] =	ssyncadd.s32 $0xFFFFFFC0  }
0x67b: {  	_ =	sfence.sel $0x180000  }
0x67c: {  	[bflag:$0x0] =	sbarrier.arrive $0xFFFF  }
0x67d: {  	_ =	strace $0x90000047  }
0x67e: {  	[bflag:$0x2] =	sbarrier.arrive $0xFFFF  }
0x67f: {  	s0 =	rddreg [dreg:$0x3]  }
0x680: {  	s0 =	sadd.s32 @!p0 $0x100000, s0  }
0x681: {  	[sflag:s0] =	ssyncadd.tile.s32 @!p0 $0x1;
	_ =	shalt  }
.Lfunc_end2:
_tile_overlayer_lowered:
.L_overlay_start_2:
0x682: {  	(tag) =	ssettag $0x2  }
0x683: {  	s0 =	rddreg [dreg:$0x0];
	s2 =	stileid.u32  }
0x684: {  	s1 =	rddreg [dreg:$0x1];
	p0 =	sne.s32 s2, $0x0  }
0x685: {  	s3 =	rddreg [dreg:$0x2];
	[bflag:$0x3] =	sbarrier.arrive $0xFFFF;
	s2 =	simm.s32 @!p0 $0x1C05  }
0x686: {  	[timem:s3], [sflag:s2] =	dma.local @!p0 [hbm:s0], s1  }
0x687: {  	s0 =	simm.s32 @!p0 $0x5  }
0x688: {  	_ =	swait.ge @!p0 [sflag:s0], s1  }
0x689: {  	s1 =	ssub.s32 @!p0 $0x0, s1;
	[sflag:s0] =	ssyncset.done @!p0 $0x0  }
0x68a: {  	[sflag:s0] =	ssyncadd.s32 @!p0 s1  }
0x68b: {  	[bflag:$0x3] =	sbarrier.arrive $0xFFFF  }
0x68c: {  	_ =	shalt  }

</sc_bundles>
